<compile_context>
chip_gen: v7x
topology: tpu7x:2x2x1
jax: 0.10.2.dev20260603
libtpu: 0.0.44.dev20260713+nightly
codegen_flags: <defaults>
</compile_context>

<pallas_src>
import functools

import jax
import jax.numpy as jnp
from jax import lax
from jax.experimental import pallas as pl
from jax.experimental.pallas import tpu as pltpu
from jax.experimental.pallas import tpu_sc as plsc

_D = 16
_G = 8
_MT = 512
_BIGC = 1e9
_BIGD = 1e30


def _make_sc_gather(n_rows, n_idx):
    info = plsc.get_sparse_core_info()
    nw = info.num_cores * info.num_subcores
    per_w = n_idx // nw
    assert per_w * nw == n_idx and per_w % 8 == 0
    mesh = plsc.VectorSubcoreMesh(core_axis_name="c", subcore_axis_name="s")

    @functools.partial(
        pl.kernel,
        out_type=jax.ShapeDtypeStruct((n_idx, _D), jnp.float32),
        mesh=mesh,
        scratch_types=[
            pltpu.VMEM((per_w,), jnp.int32),
            pltpu.VMEM((per_w, _D), jnp.float32),
            pltpu.SemaphoreType.DMA,
        ],
        compiler_params=pltpu.CompilerParams(use_tc_tiling_on_sc=False),
    )
    def gather(table_hbm, idx_hbm, out_hbm, idx_v, rows_v, sem):
        wid = lax.axis_index("s") * info.num_cores + lax.axis_index("c")
        base = wid * per_w
        pltpu.sync_copy(idx_hbm.at[pl.ds(base, per_w)], idx_v)
        pltpu.async_copy(table_hbm.at[idx_v], rows_v, sem).wait()
        pltpu.sync_copy(rows_v, out_hbm.at[pl.ds(base, per_w)])

    return gather


def _chamfer_body(pm_ref, bl_ref, el_ref, g_ref, em_ref, out_ref, *, K, Mp, P):
    b = pl.program_id(0)
    p = pl.program_id(1)
    xl = bl_ref[b, p]
    yl = el_ref[b, p]
    KH = K // 2
    xlf = jnp.maximum(xl, 1).astype(jnp.float32)
    ylf = jnp.maximum(yl, 1).astype(jnp.float32)

    g = g_ref[0]
    X = g[0:1, :]
    Y = g[1:2, :]
    Z = g[2:3, :]
    w = pm_ref[p, 8] * X + pm_ref[p, 9] * Y + pm_ref[p, 10] * Z + pm_ref[p, 11]
    u = (pm_ref[p, 0] * X + pm_ref[p, 1] * Y + pm_ref[p, 2] * Z + pm_ref[p, 3]) / w
    v = (pm_ref[p, 4] * X + pm_ref[p, 5] * Y + pm_ref[p, 6] * Z + pm_ref[p, 7]) / w

    kid = lax.broadcasted_iota(jnp.int32, (1, K), 1)
    u = jnp.where(kid < xl, u, _BIGC)
    v = jnp.where(kid < xl, v, _BIGC)
    ucol = jnp.reshape(u, (K, 1))
    vcol = jnp.reshape(v, (K, 1))

    nt = Mp // _MT
    ntiles = (yl + _MT - 1) // _MT
    npairs = ntiles // 2

    def run(W):
        uu = ucol[:W]
        vv = vcol[:W]

        def one_tile(i):
            chunk = em_ref[0, jnp.minimum(i, nt - 1)]
            vm = lax.broadcasted_iota(jnp.int32, (1, _MT), 1) + i * _MT < yl
            ex = jnp.where(vm, chunk[0:1, :], -_BIGC)
            ey = jnp.where(vm, chunk[1:2, :], -_BIGC)
            dx = uu - ex
            dy = vv - ey
            d2 = dx * dx + dy * dy
            mx = jnp.min(d2, axis=1, keepdims=True)
            my = jnp.where(vm, jnp.min(d2, axis=0, keepdims=True), 0.0)
            return mx, jnp.sum(my)

        def stepf(j, carry):
            minx, acc = carry
            mx0, s0 = one_tile(2 * j)
            mx1, s1 = one_tile(2 * j + 1)
            minx = jnp.minimum(minx, jnp.minimum(mx0, mx1))
            acc = acc + (s0 + s1)
            return minx, acc

        def step_one(i, carry):
            minx, acc = carry
            mx0, s0 = one_tile(i)
            return jnp.minimum(minx, mx0), acc + s0

        minx, acc = lax.fori_loop(
            0, npairs, stepf,
            (jnp.full((W, 1), _BIGD, dtype=jnp.float32), jnp.float32(0.0)))
        minx, acc = lax.fori_loop(2 * npairs, ntiles, step_one, (minx, acc))

        rid = lax.broadcasted_iota(jnp.int32, (W, 1), 0)
        cham_x = jnp.sum(jnp.where(rid < xl, minx, 0.0)) / xlf
        res = (cham_x + acc / ylf) * jnp.float32(1.0 / P)

        @pl.when(p == 0)
        def _():
            out_ref[b, 0] = res

        @pl.when(p > 0)
        def _():
            out_ref[b, 0] += res

    KQ = K // 16
    for wi in range(16):
        lo = wi * KQ
        hi = (wi + 1) * KQ

        @pl.when((lo < xl) & (xl <= hi))
        def _(hi=hi):
            run(hi)


def _make_tc_chamfer(B, P, K, Mp, interpret=False):
    nt = Mp // _MT
    body = functools.partial(_chamfer_body, K=K, Mp=Mp, P=P)
    return pl.pallas_call(
        body,
        grid=(B, P),
        in_specs=[
            pl.BlockSpec(memory_space=pltpu.SMEM),
            pl.BlockSpec(memory_space=pltpu.SMEM),
            pl.BlockSpec(memory_space=pltpu.SMEM),
            pl.BlockSpec((1, _G, K), lambda b, p: (b * P + p, 0, 0)),
            pl.BlockSpec((1, nt, 2, _MT), lambda b, p: (b * P + p, 0, 0, 0)),
        ],
        out_specs=pl.BlockSpec(memory_space=pltpu.SMEM),
        out_shape=jax.ShapeDtypeStruct((B, 1), jnp.float32),
        interpret=interpret,
    )


@jax.jit
def kernel(y, projmatrices, edgemaps, boundary_idx, boundary_lengths, edgemaps_len):
    B, V, _ = y.shape
    P = projmatrices.shape[0]
    M = edgemaps.shape[2]
    K = boundary_idx.shape[2]
    Mp = ((M + _MT - 1) // _MT) * _MT
    if Mp == M:
        Mp = M + _MT

    table = jnp.pad(y.reshape(B * V, 3).astype(jnp.float32), ((0, 0), (0, _D - 3)))
    idx_flat = (boundary_idx.astype(jnp.int32).reshape(B, P * K)
                + (jnp.arange(B, dtype=jnp.int32) * V)[:, None]).reshape(-1)

    gathered = _make_sc_gather(B * V, B * P * K)(table, idx_flat)
    gt = jnp.swapaxes(gathered.reshape(B * P, K, _D)[:, :, :_G], 1, 2)

    em_t = jnp.moveaxis(edgemaps.astype(jnp.float32), 3, 2)
    em_t = jnp.pad(em_t, ((0, 0), (0, 0), (0, 0), (0, Mp - M)))
    em4 = em_t.reshape(B * P, 2, Mp // _MT, _MT).transpose(0, 2, 1, 3)

    pm = projmatrices.astype(jnp.float32).reshape(P, 12)
    bl = boundary_lengths.astype(jnp.int32)
    el = edgemaps_len.astype(jnp.int32)

    out = _make_tc_chamfer(B, P, K, Mp)(pm, bl, el, gt, em4)
    return out.reshape(B)

# --- scband reference (transcript-rebuilt; emitter-appended) ---
"""Pipeline reference for scband-py-torch-chamfer-loss-22170621181985 (READ-ONLY COPY).

The authoritative reference and input builder live on the scoring server;
editing this copy changes nothing except your own understanding.
"""

import jax, jax.numpy as jnp
import numpy as np

B = 4   # meshes
P = 8   # views
V = 10000  # verts per mesh
M = 5000   # edgemap points per view
K = 1024   # max boundary points per view


def setup_inputs(seed: int = 0) -> dict:
    key = jax.random.key(seed)
    k1, k2, k3, k4, k5, k6 = jax.random.split(key, 6)
    y = jax.random.normal(k1, (B, V, 3), dtype=jnp.float32)
    # perspective-like projection matrices with safe (nonzero) depth row
    base = jnp.zeros((P, 3, 4), dtype=jnp.float32)
    base = base.at[:, 0, 0].set(500.0).at[:, 1, 1].set(500.0)
    base = base.at[:, 2, 2].set(1.0).at[:, 2, 3].set(10.0)
    noise = 0.01 * jax.random.normal(k2, (P, 3, 4), dtype=jnp.float32)
    noise = noise.at[:, 2, :].set(0.0)
    projmatrices = base + noise
    edgemaps = 100.0 * jax.random.normal(k3, (B, P, M, 2), dtype=jnp.float32)
    edgemaps_len = jnp.maximum(jax.random.randint(k4, (B, P), 0, M), 16)
    boundary_idx = jax.random.randint(k5, (B, P, K), 0, V)
    boundary_lengths = jnp.maximum(jax.random.randint(k6, (B, P), 0, K), 16)
    return {
        'y': y,
        'projmatrices': projmatrices,
        'edgemaps': edgemaps,
        'boundary_idx': boundary_idx,
        'boundary_lengths': boundary_lengths,
        'edgemaps_len': edgemaps_len,
    }


def _project(verts, Pm):
    # verts: (V,3), Pm: (P,3,4) -> (P,V,2)
    ones = jnp.ones((verts.shape[0], 1), dtype=verts.dtype)
    vh = jnp.concatenate([verts, ones], axis=1)
    proj = jnp.einsum('pij,vj->pvi', Pm, vh)
    return proj[:, :, :2] / proj[:, :, 2:3]


def _chamfer(x, y, xl, yl):
    # x: (P,K,2), y: (P,M,2), xl/yl: (P,) int lengths
    Kx = x.shape[1]
    My = y.shape[1]
    xm = jnp.arange(Kx)[None, :] < xl[:, None]   # (P,K)
    ym = jnp.arange(My)[None, :] < yl[:, None]   # (P,M)
    d2 = jnp.sum((x[:, :, None, :] - y[:, None, :, :]) ** 2, axis=-1)  # (P,K,M)
    BIG = jnp.asarray(1e10, dtype=x.dtype)
    min_x = jnp.min(jnp.where(ym[:, None, :], d2, BIG), axis=2)   # (P,K) nn dist x->y
    cham_x = jnp.sum(jnp.where(xm, min_x, 0.0), axis=1) / jnp.maximum(xl, 1).astype(x.dtype)
    min_y = jnp.min(jnp.where(xm[:, :, None], d2, BIG), axis=1)   # (P,M) nn dist y->x
    cham_y = jnp.sum(jnp.where(ym, min_y, 0.0), axis=1) / jnp.maximum(yl, 1).astype(x.dtype)
    # point_reduction='mean' then batch_reduction='mean' over the P views, then sum
    return jnp.mean(cham_x + cham_y)


def reference(y, projmatrices, edgemaps, boundary_idx, boundary_lengths, edgemaps_len):
    losses = []
    for b in range(B):
        projb = _project(y[b], projmatrices)                     # (P,V,2)
        bpts = jnp.take_along_axis(projb, boundary_idx[b][:, :, None], axis=1)  # (P,K,2)
        losses.append(_chamfer(bpts, edgemaps[b], boundary_lengths[b], edgemaps_len[b]))
    return jnp.stack(losses)

if __name__ == "__main__":
    import jax
    _d = setup_inputs()
    print(jax.jit(kernel)(*tuple(_d.values())))

</pallas_src>

<mosaic_0001>
#map = affine_map<(d0, d1) -> (0, 0)>
#map1 = affine_map<(d0, d1) -> (0)>
module attributes {stable_mosaic.version = 14 : i64} {
  func.func @gather(%arg0: i32, %arg1: i32, %arg2: memref<40000x16xf32, #tpu.memory_space<hbm>>, %arg3: memref<32768xi32, #tpu.memory_space<hbm>>, %arg4: memref<32768x16xf32, #tpu.memory_space<hbm>>, %arg5: memref<1024xi32, #tpu.memory_space<vmem>>, %arg6: memref<1024x16xf32, #tpu.memory_space<vmem>>, %arg7: memref<!tpu.dma_semaphore, #tpu.memory_space<semaphore_mem>>) attributes {dimension_semantics = [#tpu.dimension_semantics<core_parallel>, #tpu.dimension_semantics<subcore_parallel>], iteration_bounds = array<i64: 2, 16>, scalar_prefetch = 0 : i64, scratch_operands = 3 : i64, tpu.core_type = #tpu.core_type<sc_vector_subcore>, window_params = [{transform_indices = #map}, {transform_indices = #map1}, {transform_indices = #map}]} {
    %mul3A = arith.constant 2 : i32
    %mul3A_0 = arith.muli %arg1, %mul3A : i32
    %add3A = arith.addi %mul3A_0, %arg0 : i32
    %mul3A_1 = arith.constant 1024 : i32
    %mul3A_2 = arith.muli %add3A, %mul3A_1 : i32
    "tpu.region"() ({
      %run_scoped3A = tpu.sem_alloc : memref<!tpu.dma_semaphore, #tpu.memory_space<semaphore_mem>>
      %dma_start3A_7 = tpu.memref_slice %arg3[%mul3A_2] : memref<32768xi32, #tpu.memory_space<hbm>> -> memref<1024xi32, #tpu.memory_space<hbm>>
      %dma_start3A_8 = tpu.memref_slice %arg3[%mul3A_2] : memref<32768xi32, #tpu.memory_space<hbm>> -> memref<1024xi32, #tpu.memory_space<hbm>>
      tpu.enqueue_dma source(%dma_start3A_8 : memref<1024xi32, #tpu.memory_space<hbm>>) target(%arg5 : memref<1024xi32, #tpu.memory_space<vmem>>) target_semaphore(%run_scoped3A : memref<!tpu.dma_semaphore, #tpu.memory_space<semaphore_mem>>)
      %dma_wait3A_9 = tpu.memref_slice %arg3[%mul3A_2] : memref<32768xi32, #tpu.memory_space<hbm>> -> memref<1024xi32, #tpu.memory_space<hbm>>
      %dma_wait3A_10 = tpu.memref_slice %arg3[%mul3A_2] : memref<32768xi32, #tpu.memory_space<hbm>> -> memref<1024xi32, #tpu.memory_space<hbm>>
      tpu.wait_dma2 semaphore(%run_scoped3A : memref<!tpu.dma_semaphore, #tpu.memory_space<semaphore_mem>>) src(%dma_wait3A_10 : memref<1024xi32, #tpu.memory_space<hbm>>) dst(%arg5 : memref<1024xi32, #tpu.memory_space<vmem>>)
      tpu.yield
    }) : () -> ()
    %dma_start3A = arith.constant 0 : i32
    %dma_start3A_3 = arith.constant 0 : i32
    %dma_start3A_4 = tpu.memref_slice %arg2[%dma_start3A, %dma_start3A_3] : memref<40000x16xf32, #tpu.memory_space<hbm>> -> memref<40000x16xf32, #tpu.memory_space<hbm>>
    tpu.enqueue_indirect_dma source(%dma_start3A_4 : memref<40000x16xf32, #tpu.memory_space<hbm>>) target(%arg6 : memref<1024x16xf32, #tpu.memory_space<vmem>>) offsets(%arg5 : memref<1024xi32, #tpu.memory_space<vmem>>) semaphore(%arg7 : memref<!tpu.dma_semaphore, #tpu.memory_space<semaphore_mem>>)
    %dma_wait3A = arith.constant 0 : i32
    %dma_wait3A_5 = arith.constant 0 : i32
    %dma_wait3A_6 = tpu.memref_slice %arg2[%dma_wait3A, %dma_wait3A_5] : memref<40000x16xf32, #tpu.memory_space<hbm>> -> memref<40000x16xf32, #tpu.memory_space<hbm>>
    tpu.wait_indirect_dma semaphore(%arg7 : memref<!tpu.dma_semaphore, #tpu.memory_space<semaphore_mem>>) src(%dma_wait3A_6 : memref<40000x16xf32, #tpu.memory_space<hbm>>) dst(%arg6 : memref<1024x16xf32, #tpu.memory_space<vmem>>)
    "tpu.region"() ({
      %run_scoped3A = tpu.sem_alloc : memref<!tpu.dma_semaphore, #tpu.memory_space<semaphore_mem>>
      %dma_start3A_7 = arith.constant 0 : i32
      %dma_start3A_8 = tpu.memref_slice %arg4[%mul3A_2, %dma_start3A_7] : memref<32768x16xf32, #tpu.memory_space<hbm>> -> memref<1024x16xf32, #tpu.memory_space<hbm>>
      %dma_start3A_9 = arith.constant 0 : i32
      %dma_start3A_10 = tpu.memref_slice %arg4[%mul3A_2, %dma_start3A_9] : memref<32768x16xf32, #tpu.memory_space<hbm>> -> memref<1024x16xf32, #tpu.memory_space<hbm>>
      tpu.enqueue_dma source(%arg6 : memref<1024x16xf32, #tpu.memory_space<vmem>>) target(%dma_start3A_10 : memref<1024x16xf32, #tpu.memory_space<hbm>>) target_semaphore(%run_scoped3A : memref<!tpu.dma_semaphore, #tpu.memory_space<semaphore_mem>>)
      %dma_wait3A_11 = arith.constant 0 : i32
      %dma_wait3A_12 = tpu.memref_slice %arg4[%mul3A_2, %dma_wait3A_11] : memref<32768x16xf32, #tpu.memory_space<hbm>> -> memref<1024x16xf32, #tpu.memory_space<hbm>>
      %dma_wait3A_13 = arith.constant 0 : i32
      %dma_wait3A_14 = tpu.memref_slice %arg4[%mul3A_2, %dma_wait3A_13] : memref<32768x16xf32, #tpu.memory_space<hbm>> -> memref<1024x16xf32, #tpu.memory_space<hbm>>
      tpu.wait_dma2 semaphore(%run_scoped3A : memref<!tpu.dma_semaphore, #tpu.memory_space<semaphore_mem>>) src(%arg6 : memref<1024x16xf32, #tpu.memory_space<vmem>>) dst(%dma_wait3A_14 : memref<1024x16xf32, #tpu.memory_space<hbm>>)
      tpu.yield
    }) : () -> ()
    return
  }
}

module attributes {stable_mosaic.version = 14 : i64} {
  func.func @_chamfer_body(%arg0: i32, %arg1: i32, %arg2: memref<8x12xf32, #tpu.memory_space<smem>>, %arg3: memref<4x8xi32, #tpu.memory_space<smem>>, %arg4: memref<4x8xi32, #tpu.memory_space<smem>>, %arg5: memref<1x8x1024xf32, #tpu.memory_space<vmem>>, %arg6: memref<1x10x2x512xf32, #tpu.memory_space<vmem>>, %arg7: memref<4x1xf32, #tpu.memory_space<smem>>) attributes {dimension_semantics = [#tpu.dimension_semantics<arbitrary>, #tpu.dimension_semantics<arbitrary>], iteration_bounds = array<i64: 4, 8>, scalar_prefetch = 0 : i64, scratch_operands = 0 : i64, tpu.core_type = #tpu.core_type<tc>, window_params = [{transform_indices = @transform_0, window_bounds = array<i64: 8, 12>}, {transform_indices = @transform_1, window_bounds = array<i64: 4, 8>}, {transform_indices = @transform_2, window_bounds = array<i64: 4, 8>}, {transform_indices = @transform_3, window_bounds = array<i64: 1, 8, 1024>}, {transform_indices = @transform_4, window_bounds = array<i64: 1, 10, 2, 512>}, {transform_indices = @transform_5, window_bounds = array<i64: 4, 1>}]} {
    %get3A = arith.index_cast %arg0 : i32 to index
    %get3A_0 = arith.index_cast %arg1 : i32 to index
    %get3A_1 = memref.load %arg3[%get3A, %get3A_0] : memref<4x8xi32, #tpu.memory_space<smem>>
    %get3A_2 = arith.index_cast %arg0 : i32 to index
    %get3A_3 = arith.index_cast %arg1 : i32 to index
    %get3A_4 = memref.load %arg4[%get3A_2, %get3A_3] : memref<4x8xi32, #tpu.memory_space<smem>>
    %max3A = arith.constant 1 : i32
    %max3A_5 = arith.maxsi %get3A_1, %max3A : i32
    %convert_element_type3A = arith.sitofp %max3A_5 : i32 to f32
    %max3A_6 = arith.constant 1 : i32
    %max3A_7 = arith.maxsi %get3A_4, %max3A_6 : i32
    %convert_element_type3A_8 = arith.sitofp %max3A_7 : i32 to f32
    %get3A_9 = arith.constant 0 : index
    %get3A_10 = arith.constant 0 : index
    %get3A_11 = arith.constant 0 : index
    %get3A_12 = vector.load %arg5[%get3A_9, %get3A_10, %get3A_11] : memref<1x8x1024xf32, #tpu.memory_space<vmem>>, vector<1x8x1024xf32>
    %get3A_13 = vector.shape_cast %get3A_12 : vector<1x8x1024xf32> to vector<8x1024xf32>
    %slice3A = vector.extract_strided_slice %get3A_13 {offsets = [0, 0], sizes = [1, 1024], strides = [1, 1]} : vector<8x1024xf32> to vector<1x1024xf32>
    %slice3A_14 = vector.extract_strided_slice %get3A_13 {offsets = [1, 0], sizes = [1, 1024], strides = [1, 1]} : vector<8x1024xf32> to vector<1x1024xf32>
    %slice3A_15 = vector.extract_strided_slice %get3A_13 {offsets = [2, 0], sizes = [1, 1024], strides = [1, 1]} : vector<8x1024xf32> to vector<1x1024xf32>
    %get3A_16 = arith.index_cast %arg1 : i32 to index
    %get3A_17 = arith.constant 8 : index
    %get3A_18 = memref.load %arg2[%get3A_16, %get3A_17] : memref<8x12xf32, #tpu.memory_space<smem>>
    %mul3A = vector.broadcast %get3A_18 : f32 to vector<1x1024xf32>
    %mul3A_19 = arith.mulf %mul3A, %slice3A : vector<1x1024xf32>
    %get3A_20 = arith.index_cast %arg1 : i32 to index
    %get3A_21 = arith.constant 9 : index
    %get3A_22 = memref.load %arg2[%get3A_20, %get3A_21] : memref<8x12xf32, #tpu.memory_space<smem>>
    %mul3A_23 = vector.broadcast %get3A_22 : f32 to vector<1x1024xf32>
    %mul3A_24 = arith.mulf %mul3A_23, %slice3A_14 : vector<1x1024xf32>
    %add3A = arith.addf %mul3A_19, %mul3A_24 : vector<1x1024xf32>
    %get3A_25 = arith.index_cast %arg1 : i32 to index
    %get3A_26 = arith.constant 10 : index
    %get3A_27 = memref.load %arg2[%get3A_25, %get3A_26] : memref<8x12xf32, #tpu.memory_space<smem>>
    %mul3A_28 = vector.broadcast %get3A_27 : f32 to vector<1x1024xf32>
    %mul3A_29 = arith.mulf %mul3A_28, %slice3A_15 : vector<1x1024xf32>
    %add3A_30 = arith.addf %add3A, %mul3A_29 : vector<1x1024xf32>
    %get3A_31 = arith.index_cast %arg1 : i32 to index
    %get3A_32 = arith.constant 11 : index
    %get3A_33 = memref.load %arg2[%get3A_31, %get3A_32] : memref<8x12xf32, #tpu.memory_space<smem>>
    %add3A_34 = vector.broadcast %get3A_33 : f32 to vector<1x1024xf32>
    %add3A_35 = arith.addf %add3A_30, %add3A_34 : vector<1x1024xf32>
    %get3A_36 = arith.index_cast %arg1 : i32 to index
    %get3A_37 = arith.constant 0 : index
    %get3A_38 = memref.load %arg2[%get3A_36, %get3A_37] : memref<8x12xf32, #tpu.memory_space<smem>>
    %mul3A_39 = vector.broadcast %get3A_38 : f32 to vector<1x1024xf32>
    %mul3A_40 = arith.mulf %mul3A_39, %slice3A : vector<1x1024xf32>
    %get3A_41 = arith.index_cast %arg1 : i32 to index
    %get3A_42 = arith.constant 1 : index
    %get3A_43 = memref.load %arg2[%get3A_41, %get3A_42] : memref<8x12xf32, #tpu.memory_space<smem>>
    %mul3A_44 = vector.broadcast %get3A_43 : f32 to vector<1x1024xf32>
    %mul3A_45 = arith.mulf %mul3A_44, %slice3A_14 : vector<1x1024xf32>
    %add3A_46 = arith.addf %mul3A_40, %mul3A_45 : vector<1x1024xf32>
    %get3A_47 = arith.index_cast %arg1 : i32 to index
    %get3A_48 = arith.constant 2 : index
    %get3A_49 = memref.load %arg2[%get3A_47, %get3A_48] : memref<8x12xf32, #tpu.memory_space<smem>>
    %mul3A_50 = vector.broadcast %get3A_49 : f32 to vector<1x1024xf32>
    %mul3A_51 = arith.mulf %mul3A_50, %slice3A_15 : vector<1x1024xf32>
    %add3A_52 = arith.addf %add3A_46, %mul3A_51 : vector<1x1024xf32>
    %get3A_53 = arith.index_cast %arg1 : i32 to index
    %get3A_54 = arith.constant 3 : index
    %get3A_55 = memref.load %arg2[%get3A_53, %get3A_54] : memref<8x12xf32, #tpu.memory_space<smem>>
    %add3A_56 = vector.broadcast %get3A_55 : f32 to vector<1x1024xf32>
    %add3A_57 = arith.addf %add3A_52, %add3A_56 : vector<1x1024xf32>
    %div3A = arith.divf %add3A_57, %add3A_35 : vector<1x1024xf32>
    %get3A_58 = arith.index_cast %arg1 : i32 to index
    %get3A_59 = arith.constant 4 : index
    %get3A_60 = memref.load %arg2[%get3A_58, %get3A_59] : memref<8x12xf32, #tpu.memory_space<smem>>
    %mul3A_61 = vector.broadcast %get3A_60 : f32 to vector<1x1024xf32>
    %mul3A_62 = arith.mulf %mul3A_61, %slice3A : vector<1x1024xf32>
    %get3A_63 = arith.index_cast %arg1 : i32 to index
    %get3A_64 = arith.constant 5 : index
    %get3A_65 = memref.load %arg2[%get3A_63, %get3A_64] : memref<8x12xf32, #tpu.memory_space<smem>>
    %mul3A_66 = vector.broadcast %get3A_65 : f32 to vector<1x1024xf32>
    %mul3A_67 = arith.mulf %mul3A_66, %slice3A_14 : vector<1x1024xf32>
    %add3A_68 = arith.addf %mul3A_62, %mul3A_67 : vector<1x1024xf32>
    %get3A_69 = arith.index_cast %arg1 : i32 to index
    %get3A_70 = arith.constant 6 : index
    %get3A_71 = memref.load %arg2[%get3A_69, %get3A_70] : memref<8x12xf32, #tpu.memory_space<smem>>
    %mul3A_72 = vector.broadcast %get3A_71 : f32 to vector<1x1024xf32>
    %mul3A_73 = arith.mulf %mul3A_72, %slice3A_15 : vector<1x1024xf32>
    %add3A_74 = arith.addf %add3A_68, %mul3A_73 : vector<1x1024xf32>
    %get3A_75 = arith.index_cast %arg1 : i32 to index
    %get3A_76 = arith.constant 7 : index
    %get3A_77 = memref.load %arg2[%get3A_75, %get3A_76] : memref<8x12xf32, #tpu.memory_space<smem>>
    %add3A_78 = vector.broadcast %get3A_77 : f32 to vector<1x1024xf32>
    %add3A_79 = arith.addf %add3A_74, %add3A_78 : vector<1x1024xf32>
    %div3A_80 = arith.divf %add3A_79, %add3A_35 : vector<1x1024xf32>
    %iota3A = tpu.iota {dimensions = array<i32: 1>} : vector<1x1024xi32>
    %lt3A = vector.broadcast %get3A_1 : i32 to vector<1x1024xi32>
    %lt3A_81 = arith.cmpi slt, %iota3A, %lt3A : vector<1x1024xi32>
    %jit3A = arith.constant 1.000000e+09 : f32
    %broadcast_in_dim3A = vector.broadcast %jit3A : f32 to vector<1x1024xf32>
    %select_n3A = arith.select %lt3A_81, %div3A, %broadcast_in_dim3A : vector<1x1024xi1>, vector<1x1024xf32>
    %lt3A_82 = vector.broadcast %get3A_1 : i32 to vector<1x1024xi32>
    %lt3A_83 = arith.cmpi slt, %iota3A, %lt3A_82 : vector<1x1024xi32>
    %jit3A_84 = arith.constant 1.000000e+09 : f32
    %broadcast_in_dim3A_85 = vector.broadcast %jit3A_84 : f32 to vector<1x1024xf32>
    %select_n3A_86 = arith.select %lt3A_83, %div3A_80, %broadcast_in_dim3A_85 : vector<1x1024xi1>, vector<1x1024xf32>
    %reshape3A = vector.shape_cast %select_n3A : vector<1x1024xf32> to vector<1024x1xf32>
    %reshape3A_87 = vector.shape_cast %select_n3A_86 : vector<1x1024xf32> to vector<1024x1xf32>
    %add3A_88 = arith.constant 512 : i32
    %add3A_89 = arith.addi %get3A_4, %add3A_88 : i32
    %sub3A = arith.constant 1 : i32
    %sub3A_90 = arith.subi %add3A_89, %sub3A : i32
    %jit3A_91 = arith.constant 512 : i32
    %div3A_92 = arith.divsi %sub3A_90, %jit3A_91 : i32
    %sign3A = arith.constant 0 : i32
    %sign3A_93 = arith.cmpi sgt, %sub3A_90, %sign3A : i32
    %sign3A_94 = arith.extui %sign3A_93 : i1 to i32
    %sign3A_95 = arith.constant 0 : i32
    %sign3A_96 = arith.cmpi slt, %sub3A_90, %sign3A_95 : i32
    %sign3A_97 = arith.extui %sign3A_96 : i1 to i32
    %sign3A_98 = arith.subi %sign3A_94, %sign3A_97 : i32
    %sign3A_99 = arith.constant 0 : i32
    %sign3A_100 = arith.cmpi sgt, %jit3A_91, %sign3A_99 : i32
    %sign3A_101 = arith.extui %sign3A_100 : i1 to i32
    %sign3A_102 = arith.constant 0 : i32
    %sign3A_103 = arith.cmpi slt, %jit3A_91, %sign3A_102 : i32
    %sign3A_104 = arith.extui %sign3A_103 : i1 to i32
    %sign3A_105 = arith.subi %sign3A_101, %sign3A_104 : i32
    %ne3A = arith.cmpi ne, %sign3A_98, %sign3A_105 : i32
    %rem3A = arith.remsi %sub3A_90, %jit3A_91 : i32
    %ne3A_106 = arith.constant 0 : i32
    %ne3A_107 = arith.cmpi ne, %rem3A, %ne3A_106 : i32
    %and3A = arith.andi %ne3A, %ne3A_107 : i1
    %sub3A_108 = arith.constant 1 : i32
    %sub3A_109 = arith.subi %div3A_92, %sub3A_108 : i32
    %select_n3A_110 = arith.select %and3A, %sub3A_109, %div3A_92 : i32
    %jit3A_111 = arith.constant 2 : i32
    %div3A_112 = arith.divsi %select_n3A_110, %jit3A_111 : i32
    %sign3A_113 = arith.constant 0 : i32
    %sign3A_114 = arith.cmpi sgt, %select_n3A_110, %sign3A_113 : i32
    %sign3A_115 = arith.extui %sign3A_114 : i1 to i32
    %sign3A_116 = arith.constant 0 : i32
    %sign3A_117 = arith.cmpi slt, %select_n3A_110, %sign3A_116 : i32
    %sign3A_118 = arith.extui %sign3A_117 : i1 to i32
    %sign3A_119 = arith.subi %sign3A_115, %sign3A_118 : i32
    %sign3A_120 = arith.constant 0 : i32
    %sign3A_121 = arith.cmpi sgt, %jit3A_111, %sign3A_120 : i32
    %sign3A_122 = arith.extui %sign3A_121 : i1 to i32
    %sign3A_123 = arith.constant 0 : i32
    %sign3A_124 = arith.cmpi slt, %jit3A_111, %sign3A_123 : i32
    %sign3A_125 = arith.extui %sign3A_124 : i1 to i32
    %sign3A_126 = arith.subi %sign3A_122, %sign3A_125 : i32
    %ne3A_127 = arith.cmpi ne, %sign3A_119, %sign3A_126 : i32
    %rem3A_128 = arith.remsi %select_n3A_110, %jit3A_111 : i32
    %ne3A_129 = arith.constant 0 : i32
    %ne3A_130 = arith.cmpi ne, %rem3A_128, %ne3A_129 : i32
    %and3A_131 = arith.andi %ne3A_127, %ne3A_130 : i1
    %sub3A_132 = arith.constant 1 : i32
    %sub3A_133 = arith.subi %div3A_112, %sub3A_132 : i32
    %select_n3A_134 = arith.select %and3A_131, %sub3A_133, %div3A_112 : i32
    %gt3A = arith.constant 0 : i32
    %gt3A_135 = arith.cmpi sgt, %get3A_1, %gt3A : i32
    %le3A = arith.constant 64 : i32
    %le3A_136 = arith.cmpi sle, %get3A_1, %le3A : i32
    %and3A_137 = arith.andi %gt3A_135, %le3A_136 : i1
    %convert_element_type3A_138 = arith.extui %and3A_137 : i1 to i32
    %cond3A = arith.constant 0 : i32
    %cond3A_139 = arith.cmpi ne, %convert_element_type3A_138, %cond3A : i32
    scf.if %cond3A_139 {
      %slice3A_260 = vector.extract_strided_slice %reshape3A {offsets = [0, 0], sizes = [64, 1], strides = [1, 1]} : vector<1024x1xf32> to vector<64x1xf32>
      %slice3A_261 = vector.extract_strided_slice %reshape3A_87 {offsets = [0, 0], sizes = [64, 1], strides = [1, 1]} : vector<1024x1xf32> to vector<64x1xf32>
      %broadcast_in_dim3A_262 = arith.constant 1.000000e+30 : f32
      %broadcast_in_dim3A_263 = vector.broadcast %broadcast_in_dim3A_262 : f32 to vector<64x1xf32>
      %while3A = arith.constant 0 : i32
      %while3A_264 = arith.constant 0.000000e+00 : f32
      %while3A_265 = arith.subi %select_n3A_134, %while3A : i32
      %while3A_266 = arith.addi %while3A, %while3A_265 : i32
      %while3A_267 = arith.constant 1 : i32
      %while3A_268 = arith.divsi %while3A_265, %while3A_267 : i32
      %while3A_269 = arith.muli %while3A_268, %while3A_267 : i32
      %while3A_270 = arith.addi %while3A, %while3A_269 : i32
      %while3A_271 = arith.constant 1 : i32
      %while3A_272:2 = scf.for %while3A_311 = %while3A to %while3A_270 step %while3A_271 iter_args(%while3A_312 = %broadcast_in_dim3A_263, %while3A_313 = %while3A_264) -> (vector<64x1xf32>, f32)  : i32 {
        %mul3A_314 = arith.constant 2 : i32
        %mul3A_315 = arith.muli %mul3A_314, %while3A_311 : i32
        %min3A = arith.constant 9 : i32
        %min3A_316 = arith.minsi %mul3A_315, %min3A : i32
        %get3A_317 = arith.constant 0 : index
        %get3A_318 = arith.index_cast %min3A_316 : i32 to index
        %get3A_319 = arith.constant 0 : index
        %get3A_320 = arith.constant 0 : index
        %get3A_321 = vector.load %arg6[%get3A_317, %get3A_318, %get3A_319, %get3A_320] : memref<1x10x2x512xf32, #tpu.memory_space<vmem>>, vector<1x1x2x512xf32>
        %get3A_322 = vector.shape_cast %get3A_321 : vector<1x1x2x512xf32> to vector<2x512xf32>
        %iota3A_323 = tpu.iota {dimensions = array<i32: 1>} : vector<1x512xi32>
        %mul3A_324 = arith.constant 512 : i32
        %mul3A_325 = arith.muli %mul3A_315, %mul3A_324 : i32
        %add3A_326 = vector.broadcast %mul3A_325 : i32 to vector<1x512xi32>
        %add3A_327 = arith.addi %iota3A_323, %add3A_326 : vector<1x512xi32>
        %lt3A_328 = vector.broadcast %get3A_4 : i32 to vector<1x512xi32>
        %lt3A_329 = arith.cmpi slt, %add3A_327, %lt3A_328 : vector<1x512xi32>
        %slice3A_330 = vector.extract_strided_slice %get3A_322 {offsets = [0, 0], sizes = [1, 512], strides = [1, 1]} : vector<2x512xf32> to vector<1x512xf32>
        %jit3A_331 = arith.constant -1.000000e+09 : f32
        %broadcast_in_dim3A_332 = vector.broadcast %jit3A_331 : f32 to vector<1x512xf32>
        %select_n3A_333 = arith.select %lt3A_329, %slice3A_330, %broadcast_in_dim3A_332 : vector<1x512xi1>, vector<1x512xf32>
        %slice3A_334 = vector.extract_strided_slice %get3A_322 {offsets = [1, 0], sizes = [1, 512], strides = [1, 1]} : vector<2x512xf32> to vector<1x512xf32>
        %jit3A_335 = arith.constant -1.000000e+09 : f32
        %broadcast_in_dim3A_336 = vector.broadcast %jit3A_335 : f32 to vector<1x512xf32>
        %select_n3A_337 = arith.select %lt3A_329, %slice3A_334, %broadcast_in_dim3A_336 : vector<1x512xi1>, vector<1x512xf32>
        %sub3A_338 = vector.broadcast %slice3A_260 : vector<64x1xf32> to vector<64x512xf32>
        %sub3A_339 = vector.broadcast %select_n3A_333 : vector<1x512xf32> to vector<64x512xf32>
        %sub3A_340 = arith.subf %sub3A_338, %sub3A_339 : vector<64x512xf32>
        %sub3A_341 = vector.broadcast %slice3A_261 : vector<64x1xf32> to vector<64x512xf32>
        %sub3A_342 = vector.broadcast %select_n3A_337 : vector<1x512xf32> to vector<64x512xf32>
        %sub3A_343 = arith.subf %sub3A_341, %sub3A_342 : vector<64x512xf32>
        %mul3A_344 = arith.mulf %sub3A_340, %sub3A_340 : vector<64x512xf32>
        %mul3A_345 = arith.mulf %sub3A_343, %sub3A_343 : vector<64x512xf32>
        %add3A_346 = arith.addf %mul3A_344, %mul3A_345 : vector<64x512xf32>
        %reduce_min3A = arith.constant dense<0x7F800000> : vector<64xf32>
        %reduce_min3A_347 = vector.multi_reduction <minimumf>, %add3A_346, %reduce_min3A [1] : vector<64x512xf32> to vector<64xf32>
        %broadcast_in_dim3A_348 = vector.shape_cast %reduce_min3A_347 : vector<64xf32> to vector<64x1xf32>
        %reduce_min3A_349 = arith.constant dense<0x7F800000> : vector<512xf32>
        %reduce_min3A_350 = vector.multi_reduction <minimumf>, %add3A_346, %reduce_min3A_349 [0] : vector<64x512xf32> to vector<512xf32>
        %broadcast_in_dim3A_351 = vector.shape_cast %reduce_min3A_350 : vector<512xf32> to vector<1x512xf32>
        %jit3A_352 = arith.constant 0.000000e+00 : f32
        %broadcast_in_dim3A_353 = vector.broadcast %jit3A_352 : f32 to vector<1x512xf32>
        %select_n3A_354 = arith.select %lt3A_329, %broadcast_in_dim3A_351, %broadcast_in_dim3A_353 : vector<1x512xi1>, vector<1x512xf32>
        %reduce_sum3A_355 = vector.shape_cast %select_n3A_354 : vector<1x512xf32> to vector<1x1x512xf32>
        %reduce_sum3A_356 = arith.constant dense<0.000000e+00> : vector<1xf32>
        %reduce_sum3A_357 = vector.multi_reduction <add>, %reduce_sum3A_355, %reduce_sum3A_356 [1, 2] : vector<1x1x512xf32> to vector<1xf32>
        %reduce_sum3A_358 = vector.shape_cast %reduce_sum3A_357 : vector<1xf32> to vector<1x1x1xf32>
        %reduce_sum3A_359 = vector.extract %reduce_sum3A_358[0, 0, 0] : f32 from vector<1x1x1xf32>
        %mul3A_360 = arith.constant 2 : i32
        %mul3A_361 = arith.muli %mul3A_360, %while3A_311 : i32
        %add3A_362 = arith.constant 1 : i32
        %add3A_363 = arith.addi %mul3A_361, %add3A_362 : i32
        %min3A_364 = arith.constant 9 : i32
        %min3A_365 = arith.minsi %add3A_363, %min3A_364 : i32
        %get3A_366 = arith.constant 0 : index
        %get3A_367 = arith.index_cast %min3A_365 : i32 to index
        %get3A_368 = arith.constant 0 : index
        %get3A_369 = arith.constant 0 : index
        %get3A_370 = vector.load %arg6[%get3A_366, %get3A_367, %get3A_368, %get3A_369] : memref<1x10x2x512xf32, #tpu.memory_space<vmem>>, vector<1x1x2x512xf32>
        %get3A_371 = vector.shape_cast %get3A_370 : vector<1x1x2x512xf32> to vector<2x512xf32>
        %iota3A_372 = tpu.iota {dimensions = array<i32: 1>} : vector<1x512xi32>
        %mul3A_373 = arith.constant 512 : i32
        %mul3A_374 = arith.muli %add3A_363, %mul3A_373 : i32
        %add3A_375 = vector.broadcast %mul3A_374 : i32 to vector<1x512xi32>
        %add3A_376 = arith.addi %iota3A_372, %add3A_375 : vector<1x512xi32>
        %lt3A_377 = vector.broadcast %get3A_4 : i32 to vector<1x512xi32>
        %lt3A_378 = arith.cmpi slt, %add3A_376, %lt3A_377 : vector<1x512xi32>
        %slice3A_379 = vector.extract_strided_slice %get3A_371 {offsets = [0, 0], sizes = [1, 512], strides = [1, 1]} : vector<2x512xf32> to vector<1x512xf32>
        %jit3A_380 = arith.constant -1.000000e+09 : f32
        %broadcast_in_dim3A_381 = vector.broadcast %jit3A_380 : f32 to vector<1x512xf32>
        %select_n3A_382 = arith.select %lt3A_378, %slice3A_379, %broadcast_in_dim3A_381 : vector<1x512xi1>, vector<1x512xf32>
        %slice3A_383 = vector.extract_strided_slice %get3A_371 {offsets = [1, 0], sizes = [1, 512], strides = [1, 1]} : vector<2x512xf32> to vector<1x512xf32>
        %jit3A_384 = arith.constant -1.000000e+09 : f32
        %broadcast_in_dim3A_385 = vector.broadcast %jit3A_384 : f32 to vector<1x512xf32>
        %select_n3A_386 = arith.select %lt3A_378, %slice3A_383, %broadcast_in_dim3A_385 : vector<1x512xi1>, vector<1x512xf32>
        %sub3A_387 = vector.broadcast %slice3A_260 : vector<64x1xf32> to vector<64x512xf32>
        %sub3A_388 = vector.broadcast %select_n3A_382 : vector<1x512xf32> to vector<64x512xf32>
        %sub3A_389 = arith.subf %sub3A_387, %sub3A_388 : vector<64x512xf32>
        %sub3A_390 = vector.broadcast %slice3A_261 : vector<64x1xf32> to vector<64x512xf32>
        %sub3A_391 = vector.broadcast %select_n3A_386 : vector<1x512xf32> to vector<64x512xf32>
        %sub3A_392 = arith.subf %sub3A_390, %sub3A_391 : vector<64x512xf32>
        %mul3A_393 = arith.mulf %sub3A_389, %sub3A_389 : vector<64x512xf32>
        %mul3A_394 = arith.mulf %sub3A_392, %sub3A_392 : vector<64x512xf32>
        %add3A_395 = arith.addf %mul3A_393, %mul3A_394 : vector<64x512xf32>
        %reduce_min3A_396 = arith.constant dense<0x7F800000> : vector<64xf32>
        %reduce_min3A_397 = vector.multi_reduction <minimumf>, %add3A_395, %reduce_min3A_396 [1] : vector<64x512xf32> to vector<64xf32>
        %broadcast_in_dim3A_398 = vector.shape_cast %reduce_min3A_397 : vector<64xf32> to vector<64x1xf32>
        %reduce_min3A_399 = arith.constant dense<0x7F800000> : vector<512xf32>
        %reduce_min3A_400 = vector.multi_reduction <minimumf>, %add3A_395, %reduce_min3A_399 [0] : vector<64x512xf32> to vector<512xf32>
        %broadcast_in_dim3A_401 = vector.shape_cast %reduce_min3A_400 : vector<512xf32> to vector<1x512xf32>
        %jit3A_402 = arith.constant 0.000000e+00 : f32
        %broadcast_in_dim3A_403 = vector.broadcast %jit3A_402 : f32 to vector<1x512xf32>
        %select_n3A_404 = arith.select %lt3A_378, %broadcast_in_dim3A_401, %broadcast_in_dim3A_403 : vector<1x512xi1>, vector<1x512xf32>
        %reduce_sum3A_405 = vector.shape_cast %select_n3A_404 : vector<1x512xf32> to vector<1x1x512xf32>
        %reduce_sum3A_406 = arith.constant dense<0.000000e+00> : vector<1xf32>
        %reduce_sum3A_407 = vector.multi_reduction <add>, %reduce_sum3A_405, %reduce_sum3A_406 [1, 2] : vector<1x1x512xf32> to vector<1xf32>
        %reduce_sum3A_408 = vector.shape_cast %reduce_sum3A_407 : vector<1xf32> to vector<1x1x1xf32>
        %reduce_sum3A_409 = vector.extract %reduce_sum3A_408[0, 0, 0] : f32 from vector<1x1x1xf32>
        %min3A_410 = arith.minimumf %broadcast_in_dim3A_348, %broadcast_in_dim3A_398 : vector<64x1xf32>
        %min3A_411 = arith.minimumf %while3A_312, %min3A_410 : vector<64x1xf32>
        %add3A_412 = arith.addf %reduce_sum3A_359, %reduce_sum3A_409 : f32
        %add3A_413 = arith.addf %while3A_313, %add3A_412 : f32
        scf.yield %min3A_411, %add3A_413 : vector<64x1xf32>, f32
      }
      %while3A_273 = arith.constant 1 : i32
      %while3A_274:2 = scf.for %while3A_311 = %while3A_270 to %while3A_266 step %while3A_273 iter_args(%while3A_312 = %while3A_272#0, %while3A_313 = %while3A_272#1) -> (vector<64x1xf32>, f32)  : i32 {
        %mul3A_314 = arith.constant 2 : i32
        %mul3A_315 = arith.muli %mul3A_314, %while3A_311 : i32
        %min3A = arith.constant 9 : i32
        %min3A_316 = arith.minsi %mul3A_315, %min3A : i32
        %get3A_317 = arith.constant 0 : index
        %get3A_318 = arith.index_cast %min3A_316 : i32 to index
        %get3A_319 = arith.constant 0 : index
        %get3A_320 = arith.constant 0 : index
        %get3A_321 = vector.load %arg6[%get3A_317, %get3A_318, %get3A_319, %get3A_320] : memref<1x10x2x512xf32, #tpu.memory_space<vmem>>, vector<1x1x2x512xf32>
        %get3A_322 = vector.shape_cast %get3A_321 : vector<1x1x2x512xf32> to vector<2x512xf32>
        %iota3A_323 = tpu.iota {dimensions = array<i32: 1>} : vector<1x512xi32>
        %mul3A_324 = arith.constant 512 : i32
        %mul3A_325 = arith.muli %mul3A_315, %mul3A_324 : i32
        %add3A_326 = vector.broadcast %mul3A_325 : i32 to vector<1x512xi32>
        %add3A_327 = arith.addi %iota3A_323, %add3A_326 : vector<1x512xi32>
        %lt3A_328 = vector.broadcast %get3A_4 : i32 to vector<1x512xi32>
        %lt3A_329 = arith.cmpi slt, %add3A_327, %lt3A_328 : vector<1x512xi32>
        %slice3A_330 = vector.extract_strided_slice %get3A_322 {offsets = [0, 0], sizes = [1, 512], strides = [1, 1]} : vector<2x512xf32> to vector<1x512xf32>
        %jit3A_331 = arith.constant -1.000000e+09 : f32
        %broadcast_in_dim3A_332 = vector.broadcast %jit3A_331 : f32 to vector<1x512xf32>
        %select_n3A_333 = arith.select %lt3A_329, %slice3A_330, %broadcast_in_dim3A_332 : vector<1x512xi1>, vector<1x512xf32>
        %slice3A_334 = vector.extract_strided_slice %get3A_322 {offsets = [1, 0], sizes = [1, 512], strides = [1, 1]} : vector<2x512xf32> to vector<1x512xf32>
        %jit3A_335 = arith.constant -1.000000e+09 : f32
        %broadcast_in_dim3A_336 = vector.broadcast %jit3A_335 : f32 to vector<1x512xf32>
        %select_n3A_337 = arith.select %lt3A_329, %slice3A_334, %broadcast_in_dim3A_336 : vector<1x512xi1>, vector<1x512xf32>
        %sub3A_338 = vector.broadcast %slice3A_260 : vector<64x1xf32> to vector<64x512xf32>
        %sub3A_339 = vector.broadcast %select_n3A_333 : vector<1x512xf32> to vector<64x512xf32>
        %sub3A_340 = arith.subf %sub3A_338, %sub3A_339 : vector<64x512xf32>
        %sub3A_341 = vector.broadcast %slice3A_261 : vector<64x1xf32> to vector<64x512xf32>
        %sub3A_342 = vector.broadcast %select_n3A_337 : vector<1x512xf32> to vector<64x512xf32>
        %sub3A_343 = arith.subf %sub3A_341, %sub3A_342 : vector<64x512xf32>
        %mul3A_344 = arith.mulf %sub3A_340, %sub3A_340 : vector<64x512xf32>
        %mul3A_345 = arith.mulf %sub3A_343, %sub3A_343 : vector<64x512xf32>
        %add3A_346 = arith.addf %mul3A_344, %mul3A_345 : vector<64x512xf32>
        %reduce_min3A = arith.constant dense<0x7F800000> : vector<64xf32>
        %reduce_min3A_347 = vector.multi_reduction <minimumf>, %add3A_346, %reduce_min3A [1] : vector<64x512xf32> to vector<64xf32>
        %broadcast_in_dim3A_348 = vector.shape_cast %reduce_min3A_347 : vector<64xf32> to vector<64x1xf32>
        %reduce_min3A_349 = arith.constant dense<0x7F800000> : vector<512xf32>
        %reduce_min3A_350 = vector.multi_reduction <minimumf>, %add3A_346, %reduce_min3A_349 [0] : vector<64x512xf32> to vector<512xf32>
        %broadcast_in_dim3A_351 = vector.shape_cast %reduce_min3A_350 : vector<512xf32> to vector<1x512xf32>
        %jit3A_352 = arith.constant 0.000000e+00 : f32
        %broadcast_in_dim3A_353 = vector.broadcast %jit3A_352 : f32 to vector<1x512xf32>
        %select_n3A_354 = arith.select %lt3A_329, %broadcast_in_dim3A_351, %broadcast_in_dim3A_353 : vector<1x512xi1>, vector<1x512xf32>
        %reduce_sum3A_355 = vector.shape_cast %select_n3A_354 : vector<1x512xf32> to vector<1x1x512xf32>
        %reduce_sum3A_356 = arith.constant dense<0.000000e+00> : vector<1xf32>
        %reduce_sum3A_357 = vector.multi_reduction <add>, %reduce_sum3A_355, %reduce_sum3A_356 [1, 2] : vector<1x1x512xf32> to vector<1xf32>
        %reduce_sum3A_358 = vector.shape_cast %reduce_sum3A_357 : vector<1xf32> to vector<1x1x1xf32>
        %reduce_sum3A_359 = vector.extract %reduce_sum3A_358[0, 0, 0] : f32 from vector<1x1x1xf32>
        %mul3A_360 = arith.constant 2 : i32
        %mul3A_361 = arith.muli %mul3A_360, %while3A_311 : i32
        %add3A_362 = arith.constant 1 : i32
        %add3A_363 = arith.addi %mul3A_361, %add3A_362 : i32
        %min3A_364 = arith.constant 9 : i32
        %min3A_365 = arith.minsi %add3A_363, %min3A_364 : i32
        %get3A_366 = arith.constant 0 : index
        %get3A_367 = arith.index_cast %min3A_365 : i32 to index
        %get3A_368 = arith.constant 0 : index
        %get3A_369 = arith.constant 0 : index
        %get3A_370 = vector.load %arg6[%get3A_366, %get3A_367, %get3A_368, %get3A_369] : memref<1x10x2x512xf32, #tpu.memory_space<vmem>>, vector<1x1x2x512xf32>
        %get3A_371 = vector.shape_cast %get3A_370 : vector<1x1x2x512xf32> to vector<2x512xf32>
        %iota3A_372 = tpu.iota {dimensions = array<i32: 1>} : vector<1x512xi32>
        %mul3A_373 = arith.constant 512 : i32
        %mul3A_374 = arith.muli %add3A_363, %mul3A_373 : i32
        %add3A_375 = vector.broadcast %mul3A_374 : i32 to vector<1x512xi32>
        %add3A_376 = arith.addi %iota3A_372, %add3A_375 : vector<1x512xi32>
        %lt3A_377 = vector.broadcast %get3A_4 : i32 to vector<1x512xi32>
        %lt3A_378 = arith.cmpi slt, %add3A_376, %lt3A_377 : vector<1x512xi32>
        %slice3A_379 = vector.extract_strided_slice %get3A_371 {offsets = [0, 0], sizes = [1, 512], strides = [1, 1]} : vector<2x512xf32> to vector<1x512xf32>
        %jit3A_380 = arith.constant -1.000000e+09 : f32
        %broadcast_in_dim3A_381 = vector.broadcast %jit3A_380 : f32 to vector<1x512xf32>
        %select_n3A_382 = arith.select %lt3A_378, %slice3A_379, %broadcast_in_dim3A_381 : vector<1x512xi1>, vector<1x512xf32>
        %slice3A_383 = vector.extract_strided_slice %get3A_371 {offsets = [1, 0], sizes = [1, 512], strides = [1, 1]} : vector<2x512xf32> to vector<1x512xf32>
        %jit3A_384 = arith.constant -1.000000e+09 : f32
        %broadcast_in_dim3A_385 = vector.broadcast %jit3A_384 : f32 to vector<1x512xf32>
        %select_n3A_386 = arith.select %lt3A_378, %slice3A_383, %broadcast_in_dim3A_385 : vector<1x512xi1>, vector<1x512xf32>
        %sub3A_387 = vector.broadcast %slice3A_260 : vector<64x1xf32> to vector<64x512xf32>
        %sub3A_388 = vector.broadcast %select_n3A_382 : vector<1x512xf32> to vector<64x512xf32>
        %sub3A_389 = arith.subf %sub3A_387, %sub3A_388 : vector<64x512xf32>
        %sub3A_390 = vector.broadcast %slice3A_261 : vector<64x1xf32> to vector<64x512xf32>
        %sub3A_391 = vector.broadcast %select_n3A_386 : vector<1x512xf32> to vector<64x512xf32>
        %sub3A_392 = arith.subf %sub3A_390, %sub3A_391 : vector<64x512xf32>
        %mul3A_393 = arith.mulf %sub3A_389, %sub3A_389 : vector<64x512xf32>
        %mul3A_394 = arith.mulf %sub3A_392, %sub3A_392 : vector<64x512xf32>
        %add3A_395 = arith.addf %mul3A_393, %mul3A_394 : vector<64x512xf32>
        %reduce_min3A_396 = arith.constant dense<0x7F800000> : vector<64xf32>
        %reduce_min3A_397 = vector.multi_reduction <minimumf>, %add3A_395, %reduce_min3A_396 [1] : vector<64x512xf32> to vector<64xf32>
        %broadcast_in_dim3A_398 = vector.shape_cast %reduce_min3A_397 : vector<64xf32> to vector<64x1xf32>
        %reduce_min3A_399 = arith.constant dense<0x7F800000> : vector<512xf32>
        %reduce_min3A_400 = vector.multi_reduction <minimumf>, %add3A_395, %reduce_min3A_399 [0] : vector<64x512xf32> to vector<512xf32>
        %broadcast_in_dim3A_401 = vector.shape_cast %reduce_min3A_400 : vector<512xf32> to vector<1x512xf32>
        %jit3A_402 = arith.constant 0.000000e+00 : f32
        %broadcast_in_dim3A_403 = vector.broadcast %jit3A_402 : f32 to vector<1x512xf32>
        %select_n3A_404 = arith.select %lt3A_378, %broadcast_in_dim3A_401, %broadcast_in_dim3A_403 : vector<1x512xi1>, vector<1x512xf32>
        %reduce_sum3A_405 = vector.shape_cast %select_n3A_404 : vector<1x512xf32> to vector<1x1x512xf32>
        %reduce_sum3A_406 = arith.constant dense<0.000000e+00> : vector<1xf32>
        %reduce_sum3A_407 = vector.multi_reduction <add>, %reduce_sum3A_405, %reduce_sum3A_406 [1, 2] : vector<1x1x512xf32> to vector<1xf32>
        %reduce_sum3A_408 = vector.shape_cast %reduce_sum3A_407 : vector<1xf32> to vector<1x1x1xf32>
        %reduce_sum3A_409 = vector.extract %reduce_sum3A_408[0, 0, 0] : f32 from vector<1x1x1xf32>
        %min3A_410 = arith.minimumf %broadcast_in_dim3A_348, %broadcast_in_dim3A_398 : vector<64x1xf32>
        %min3A_411 = arith.minimumf %while3A_312, %min3A_410 : vector<64x1xf32>
        %add3A_412 = arith.addf %reduce_sum3A_359, %reduce_sum3A_409 : f32
        %add3A_413 = arith.addf %while3A_313, %add3A_412 : f32
        scf.yield %min3A_411, %add3A_413 : vector<64x1xf32>, f32
      }
      %mul3A_275 = arith.constant 2 : i32
      %mul3A_276 = arith.muli %mul3A_275, %select_n3A_134 : i32
      %while3A_277 = arith.subi %select_n3A_110, %mul3A_276 : i32
      %while3A_278 = arith.addi %mul3A_276, %while3A_277 : i32
      %while3A_279 = arith.constant 1 : i32
      %while3A_280 = arith.divsi %while3A_277, %while3A_279 : i32
      %while3A_281 = arith.muli %while3A_280, %while3A_279 : i32
      %while3A_282 = arith.addi %mul3A_276, %while3A_281 : i32
      %while3A_283 = arith.constant 1 : i32
      %while3A_284:2 = scf.for %while3A_311 = %mul3A_276 to %while3A_282 step %while3A_283 iter_args(%while3A_312 = %while3A_274#0, %while3A_313 = %while3A_274#1) -> (vector<64x1xf32>, f32)  : i32 {
        %min3A = arith.constant 9 : i32
        %min3A_314 = arith.minsi %while3A_311, %min3A : i32
        %get3A_315 = arith.constant 0 : index
        %get3A_316 = arith.index_cast %min3A_314 : i32 to index
        %get3A_317 = arith.constant 0 : index
        %get3A_318 = arith.constant 0 : index
        %get3A_319 = vector.load %arg6[%get3A_315, %get3A_316, %get3A_317, %get3A_318] : memref<1x10x2x512xf32, #tpu.memory_space<vmem>>, vector<1x1x2x512xf32>
        %get3A_320 = vector.shape_cast %get3A_319 : vector<1x1x2x512xf32> to vector<2x512xf32>
        %iota3A_321 = tpu.iota {dimensions = array<i32: 1>} : vector<1x512xi32>
        %mul3A_322 = arith.constant 512 : i32
        %mul3A_323 = arith.muli %while3A_311, %mul3A_322 : i32
        %add3A_324 = vector.broadcast %mul3A_323 : i32 to vector<1x512xi32>
        %add3A_325 = arith.addi %iota3A_321, %add3A_324 : vector<1x512xi32>
        %lt3A_326 = vector.broadcast %get3A_4 : i32 to vector<1x512xi32>
        %lt3A_327 = arith.cmpi slt, %add3A_325, %lt3A_326 : vector<1x512xi32>
        %slice3A_328 = vector.extract_strided_slice %get3A_320 {offsets = [0, 0], sizes = [1, 512], strides = [1, 1]} : vector<2x512xf32> to vector<1x512xf32>
        %jit3A_329 = arith.constant -1.000000e+09 : f32
        %broadcast_in_dim3A_330 = vector.broadcast %jit3A_329 : f32 to vector<1x512xf32>
        %select_n3A_331 = arith.select %lt3A_327, %slice3A_328, %broadcast_in_dim3A_330 : vector<1x512xi1>, vector<1x512xf32>
        %slice3A_332 = vector.extract_strided_slice %get3A_320 {offsets = [1, 0], sizes = [1, 512], strides = [1, 1]} : vector<2x512xf32> to vector<1x512xf32>
        %jit3A_333 = arith.constant -1.000000e+09 : f32
        %broadcast_in_dim3A_334 = vector.broadcast %jit3A_333 : f32 to vector<1x512xf32>
        %select_n3A_335 = arith.select %lt3A_327, %slice3A_332, %broadcast_in_dim3A_334 : vector<1x512xi1>, vector<1x512xf32>
        %sub3A_336 = vector.broadcast %slice3A_260 : vector<64x1xf32> to vector<64x512xf32>
        %sub3A_337 = vector.broadcast %select_n3A_331 : vector<1x512xf32> to vector<64x512xf32>
        %sub3A_338 = arith.subf %sub3A_336, %sub3A_337 : vector<64x512xf32>
        %sub3A_339 = vector.broadcast %slice3A_261 : vector<64x1xf32> to vector<64x512xf32>
        %sub3A_340 = vector.broadcast %select_n3A_335 : vector<1x512xf32> to vector<64x512xf32>
        %sub3A_341 = arith.subf %sub3A_339, %sub3A_340 : vector<64x512xf32>
        %mul3A_342 = arith.mulf %sub3A_338, %sub3A_338 : vector<64x512xf32>
        %mul3A_343 = arith.mulf %sub3A_341, %sub3A_341 : vector<64x512xf32>
        %add3A_344 = arith.addf %mul3A_342, %mul3A_343 : vector<64x512xf32>
        %reduce_min3A = arith.constant dense<0x7F800000> : vector<64xf32>
        %reduce_min3A_345 = vector.multi_reduction <minimumf>, %add3A_344, %reduce_min3A [1] : vector<64x512xf32> to vector<64xf32>
        %broadcast_in_dim3A_346 = vector.shape_cast %reduce_min3A_345 : vector<64xf32> to vector<64x1xf32>
        %reduce_min3A_347 = arith.constant dense<0x7F800000> : vector<512xf32>
        %reduce_min3A_348 = vector.multi_reduction <minimumf>, %add3A_344, %reduce_min3A_347 [0] : vector<64x512xf32> to vector<512xf32>
        %broadcast_in_dim3A_349 = vector.shape_cast %reduce_min3A_348 : vector<512xf32> to vector<1x512xf32>
        %jit3A_350 = arith.constant 0.000000e+00 : f32
        %broadcast_in_dim3A_351 = vector.broadcast %jit3A_350 : f32 to vector<1x512xf32>
        %select_n3A_352 = arith.select %lt3A_327, %broadcast_in_dim3A_349, %broadcast_in_dim3A_351 : vector<1x512xi1>, vector<1x512xf32>
        %reduce_sum3A_353 = vector.shape_cast %select_n3A_352 : vector<1x512xf32> to vector<1x1x512xf32>
        %reduce_sum3A_354 = arith.constant dense<0.000000e+00> : vector<1xf32>
        %reduce_sum3A_355 = vector.multi_reduction <add>, %reduce_sum3A_353, %reduce_sum3A_354 [1, 2] : vector<1x1x512xf32> to vector<1xf32>
        %reduce_sum3A_356 = vector.shape_cast %reduce_sum3A_355 : vector<1xf32> to vector<1x1x1xf32>
        %reduce_sum3A_357 = vector.extract %reduce_sum3A_356[0, 0, 0] : f32 from vector<1x1x1xf32>
        %min3A_358 = arith.minimumf %while3A_312, %broadcast_in_dim3A_346 : vector<64x1xf32>
        %add3A_359 = arith.addf %while3A_313, %reduce_sum3A_357 : f32
        scf.yield %min3A_358, %add3A_359 : vector<64x1xf32>, f32
      }
      %while3A_285 = arith.constant 1 : i32
      %while3A_286:2 = scf.for %while3A_311 = %while3A_282 to %while3A_278 step %while3A_285 iter_args(%while3A_312 = %while3A_284#0, %while3A_313 = %while3A_284#1) -> (vector<64x1xf32>, f32)  : i32 {
        %min3A = arith.constant 9 : i32
        %min3A_314 = arith.minsi %while3A_311, %min3A : i32
        %get3A_315 = arith.constant 0 : index
        %get3A_316 = arith.index_cast %min3A_314 : i32 to index
        %get3A_317 = arith.constant 0 : index
        %get3A_318 = arith.constant 0 : index
        %get3A_319 = vector.load %arg6[%get3A_315, %get3A_316, %get3A_317, %get3A_318] : memref<1x10x2x512xf32, #tpu.memory_space<vmem>>, vector<1x1x2x512xf32>
        %get3A_320 = vector.shape_cast %get3A_319 : vector<1x1x2x512xf32> to vector<2x512xf32>
        %iota3A_321 = tpu.iota {dimensions = array<i32: 1>} : vector<1x512xi32>
        %mul3A_322 = arith.constant 512 : i32
        %mul3A_323 = arith.muli %while3A_311, %mul3A_322 : i32
        %add3A_324 = vector.broadcast %mul3A_323 : i32 to vector<1x512xi32>
        %add3A_325 = arith.addi %iota3A_321, %add3A_324 : vector<1x512xi32>
        %lt3A_326 = vector.broadcast %get3A_4 : i32 to vector<1x512xi32>
        %lt3A_327 = arith.cmpi slt, %add3A_325, %lt3A_326 : vector<1x512xi32>
        %slice3A_328 = vector.extract_strided_slice %get3A_320 {offsets = [0, 0], sizes = [1, 512], strides = [1, 1]} : vector<2x512xf32> to vector<1x512xf32>
        %jit3A_329 = arith.constant -1.000000e+09 : f32
        %broadcast_in_dim3A_330 = vector.broadcast %jit3A_329 : f32 to vector<1x512xf32>
        %select_n3A_331 = arith.select %lt3A_327, %slice3A_328, %broadcast_in_dim3A_330 : vector<1x512xi1>, vector<1x512xf32>
        %slice3A_332 = vector.extract_strided_slice %get3A_320 {offsets = [1, 0], sizes = [1, 512], strides = [1, 1]} : vector<2x512xf32> to vector<1x512xf32>
        %jit3A_333 = arith.constant -1.000000e+09 : f32
        %broadcast_in_dim3A_334 = vector.broadcast %jit3A_333 : f32 to vector<1x512xf32>
        %select_n3A_335 = arith.select %lt3A_327, %slice3A_332, %broadcast_in_dim3A_334 : vector<1x512xi1>, vector<1x512xf32>
        %sub3A_336 = vector.broadcast %slice3A_260 : vector<64x1xf32> to vector<64x512xf32>
        %sub3A_337 = vector.broadcast %select_n3A_331 : vector<1x512xf32> to vector<64x512xf32>
        %sub3A_338 = arith.subf %sub3A_336, %sub3A_337 : vector<64x512xf32>
        %sub3A_339 = vector.broadcast %slice3A_261 : vector<64x1xf32> to vector<64x512xf32>
        %sub3A_340 = vector.broadcast %select_n3A_335 : vector<1x512xf32> to vector<64x512xf32>
        %sub3A_341 = arith.subf %sub3A_339, %sub3A_340 : vector<64x512xf32>
        %mul3A_342 = arith.mulf %sub3A_338, %sub3A_338 : vector<64x512xf32>
        %mul3A_343 = arith.mulf %sub3A_341, %sub3A_341 : vector<64x512xf32>
        %add3A_344 = arith.addf %mul3A_342, %mul3A_343 : vector<64x512xf32>
        %reduce_min3A = arith.constant dense<0x7F800000> : vector<64xf32>
        %reduce_min3A_345 = vector.multi_reduction <minimumf>, %add3A_344, %reduce_min3A [1] : vector<64x512xf32> to vector<64xf32>
        %broadcast_in_dim3A_346 = vector.shape_cast %reduce_min3A_345 : vector<64xf32> to vector<64x1xf32>
        %reduce_min3A_347 = arith.constant dense<0x7F800000> : vector<512xf32>
        %reduce_min3A_348 = vector.multi_reduction <minimumf>, %add3A_344, %reduce_min3A_347 [0] : vector<64x512xf32> to vector<512xf32>
        %broadcast_in_dim3A_349 = vector.shape_cast %reduce_min3A_348 : vector<512xf32> to vector<1x512xf32>
        %jit3A_350 = arith.constant 0.000000e+00 : f32
        %broadcast_in_dim3A_351 = vector.broadcast %jit3A_350 : f32 to vector<1x512xf32>
        %select_n3A_352 = arith.select %lt3A_327, %broadcast_in_dim3A_349, %broadcast_in_dim3A_351 : vector<1x512xi1>, vector<1x512xf32>
        %reduce_sum3A_353 = vector.shape_cast %select_n3A_352 : vector<1x512xf32> to vector<1x1x512xf32>
        %reduce_sum3A_354 = arith.constant dense<0.000000e+00> : vector<1xf32>
        %reduce_sum3A_355 = vector.multi_reduction <add>, %reduce_sum3A_353, %reduce_sum3A_354 [1, 2] : vector<1x1x512xf32> to vector<1xf32>
        %reduce_sum3A_356 = vector.shape_cast %reduce_sum3A_355 : vector<1xf32> to vector<1x1x1xf32>
        %reduce_sum3A_357 = vector.extract %reduce_sum3A_356[0, 0, 0] : f32 from vector<1x1x1xf32>
        %min3A_358 = arith.minimumf %while3A_312, %broadcast_in_dim3A_346 : vector<64x1xf32>
        %add3A_359 = arith.addf %while3A_313, %reduce_sum3A_357 : f32
        scf.yield %min3A_358, %add3A_359 : vector<64x1xf32>, f32
      }
      %iota3A_287 = tpu.iota {dimensions = array<i32: 0>} : vector<64x1xi32>
      %lt3A_288 = vector.broadcast %get3A_1 : i32 to vector<64x1xi32>
      %lt3A_289 = arith.cmpi slt, %iota3A_287, %lt3A_288 : vector<64x1xi32>
      %jit3A_290 = arith.constant 0.000000e+00 : f32
      %broadcast_in_dim3A_291 = vector.broadcast %jit3A_290 : f32 to vector<64x1xf32>
      %select_n3A_292 = arith.select %lt3A_289, %while3A_286#0, %broadcast_in_dim3A_291 : vector<64x1xi1>, vector<64x1xf32>
      %reduce_sum3A = vector.shape_cast %select_n3A_292 : vector<64x1xf32> to vector<1x64x1xf32>
      %reduce_sum3A_293 = arith.constant dense<0.000000e+00> : vector<1xf32>
      %reduce_sum3A_294 = vector.multi_reduction <add>, %reduce_sum3A, %reduce_sum3A_293 [1, 2] : vector<1x64x1xf32> to vector<1xf32>
      %reduce_sum3A_295 = vector.shape_cast %reduce_sum3A_294 : vector<1xf32> to vector<1x1x1xf32>
      %reduce_sum3A_296 = vector.extract %reduce_sum3A_295[0, 0, 0] : f32 from vector<1x1x1xf32>
      %div3A_297 = arith.divf %reduce_sum3A_296, %convert_element_type3A : f32
      %div3A_298 = arith.divf %while3A_286#1, %convert_element_type3A_8 : f32
      %add3A_299 = arith.addf %div3A_297, %div3A_298 : f32
      %mul3A_300 = arith.constant 1.250000e-01 : f32
      %mul3A_301 = arith.mulf %add3A_299, %mul3A_300 : f32
      %eq3A = arith.constant 0 : i32
      %eq3A_302 = arith.cmpi eq, %arg1, %eq3A : i32
      %convert_element_type3A_303 = arith.extui %eq3A_302 : i1 to i32
      %cond3A_304 = arith.constant 0 : i32
      %cond3A_305 = arith.cmpi ne, %convert_element_type3A_303, %cond3A_304 : i32
      scf.if %cond3A_305 {
        %swap3A = arith.index_cast %arg0 : i32 to index
        %swap3A_311 = arith.constant 0 : index
        %swap3A_312 = memref.load %arg7[%swap3A, %swap3A_311] : memref<4x1xf32, #tpu.memory_space<smem>>
        memref.store %mul3A_301, %arg7[%swap3A, %swap3A_311] : memref<4x1xf32, #tpu.memory_space<smem>>
      } else {
      }
      %gt3A_306 = arith.constant 0 : i32
      %gt3A_307 = arith.cmpi sgt, %arg1, %gt3A_306 : i32
      %convert_element_type3A_308 = arith.extui %gt3A_307 : i1 to i32
      %cond3A_309 = arith.constant 0 : i32
      %cond3A_310 = arith.cmpi ne, %convert_element_type3A_308, %cond3A_309 : i32
      scf.if %cond3A_310 {
        %get3A_311 = arith.index_cast %arg0 : i32 to index
        %get3A_312 = arith.constant 0 : index
        %get3A_313 = memref.load %arg7[%get3A_311, %get3A_312] : memref<4x1xf32, #tpu.memory_space<smem>>
        %add3A_314 = arith.addf %get3A_313, %mul3A_301 : f32
        %swap3A = arith.index_cast %arg0 : i32 to index
        %swap3A_315 = arith.constant 0 : index
        %swap3A_316 = memref.load %arg7[%swap3A, %swap3A_315] : memref<4x1xf32, #tpu.memory_space<smem>>
        memref.store %add3A_314, %arg7[%swap3A, %swap3A_315] : memref<4x1xf32, #tpu.memory_space<smem>>
      } else {
      }
    } else {
    }
    %gt3A_140 = arith.constant 64 : i32
    %gt3A_141 = arith.cmpi sgt, %get3A_1, %gt3A_140 : i32
    %le3A_142 = arith.constant 128 : i32
    %le3A_143 = arith.cmpi sle, %get3A_1, %le3A_142 : i32
    %and3A_144 = arith.andi %gt3A_141, %le3A_143 : i1
    %convert_element_type3A_145 = arith.extui %and3A_144 : i1 to i32
    %cond3A_146 = arith.constant 0 : i32
    %cond3A_147 = arith.cmpi ne, %convert_element_type3A_145, %cond3A_146 : i32
    scf.if %cond3A_147 {
      %slice3A_260 = vector.extract_strided_slice %reshape3A {offsets = [0, 0], sizes = [128, 1], strides = [1, 1]} : vector<1024x1xf32> to vector<128x1xf32>
      %slice3A_261 = vector.extract_strided_slice %reshape3A_87 {offsets = [0, 0], sizes = [128, 1], strides = [1, 1]} : vector<1024x1xf32> to vector<128x1xf32>
      %broadcast_in_dim3A_262 = arith.constant 1.000000e+30 : f32
      %broadcast_in_dim3A_263 = vector.broadcast %broadcast_in_dim3A_262 : f32 to vector<128x1xf32>
      %while3A = arith.constant 0 : i32
      %while3A_264 = arith.constant 0.000000e+00 : f32
      %while3A_265 = arith.subi %select_n3A_134, %while3A : i32
      %while3A_266 = arith.addi %while3A, %while3A_265 : i32
      %while3A_267 = arith.constant 1 : i32
      %while3A_268 = arith.divsi %while3A_265, %while3A_267 : i32
      %while3A_269 = arith.muli %while3A_268, %while3A_267 : i32
      %while3A_270 = arith.addi %while3A, %while3A_269 : i32
      %while3A_271 = arith.constant 1 : i32
      %while3A_272:2 = scf.for %while3A_311 = %while3A to %while3A_270 step %while3A_271 iter_args(%while3A_312 = %broadcast_in_dim3A_263, %while3A_313 = %while3A_264) -> (vector<128x1xf32>, f32)  : i32 {
        %mul3A_314 = arith.constant 2 : i32
        %mul3A_315 = arith.muli %mul3A_314, %while3A_311 : i32
        %min3A = arith.constant 9 : i32
        %min3A_316 = arith.minsi %mul3A_315, %min3A : i32
        %get3A_317 = arith.constant 0 : index
        %get3A_318 = arith.index_cast %min3A_316 : i32 to index
        %get3A_319 = arith.constant 0 : index
        %get3A_320 = arith.constant 0 : index
        %get3A_321 = vector.load %arg6[%get3A_317, %get3A_318, %get3A_319, %get3A_320] : memref<1x10x2x512xf32, #tpu.memory_space<vmem>>, vector<1x1x2x512xf32>
        %get3A_322 = vector.shape_cast %get3A_321 : vector<1x1x2x512xf32> to vector<2x512xf32>
        %iota3A_323 = tpu.iota {dimensions = array<i32: 1>} : vector<1x512xi32>
        %mul3A_324 = arith.constant 512 : i32
        %mul3A_325 = arith.muli %mul3A_315, %mul3A_324 : i32
        %add3A_326 = vector.broadcast %mul3A_325 : i32 to vector<1x512xi32>
        %add3A_327 = arith.addi %iota3A_323, %add3A_326 : vector<1x512xi32>
        %lt3A_328 = vector.broadcast %get3A_4 : i32 to vector<1x512xi32>
        %lt3A_329 = arith.cmpi slt, %add3A_327, %lt3A_328 : vector<1x512xi32>
        %slice3A_330 = vector.extract_strided_slice %get3A_322 {offsets = [0, 0], sizes = [1, 512], strides = [1, 1]} : vector<2x512xf32> to vector<1x512xf32>
        %jit3A_331 = arith.constant -1.000000e+09 : f32
        %broadcast_in_dim3A_332 = vector.broadcast %jit3A_331 : f32 to vector<1x512xf32>
        %select_n3A_333 = arith.select %lt3A_329, %slice3A_330, %broadcast_in_dim3A_332 : vector<1x512xi1>, vector<1x512xf32>
        %slice3A_334 = vector.extract_strided_slice %get3A_322 {offsets = [1, 0], sizes = [1, 512], strides = [1, 1]} : vector<2x512xf32> to vector<1x512xf32>
        %jit3A_335 = arith.constant -1.000000e+09 : f32
        %broadcast_in_dim3A_336 = vector.broadcast %jit3A_335 : f32 to vector<1x512xf32>
        %select_n3A_337 = arith.select %lt3A_329, %slice3A_334, %broadcast_in_dim3A_336 : vector<1x512xi1>, vector<1x512xf32>
        %sub3A_338 = vector.broadcast %slice3A_260 : vector<128x1xf32> to vector<128x512xf32>
        %sub3A_339 = vector.broadcast %select_n3A_333 : vector<1x512xf32> to vector<128x512xf32>
        %sub3A_340 = arith.subf %sub3A_338, %sub3A_339 : vector<128x512xf32>
        %sub3A_341 = vector.broadcast %slice3A_261 : vector<128x1xf32> to vector<128x512xf32>
        %sub3A_342 = vector.broadcast %select_n3A_337 : vector<1x512xf32> to vector<128x512xf32>
        %sub3A_343 = arith.subf %sub3A_341, %sub3A_342 : vector<128x512xf32>
        %mul3A_344 = arith.mulf %sub3A_340, %sub3A_340 : vector<128x512xf32>
        %mul3A_345 = arith.mulf %sub3A_343, %sub3A_343 : vector<128x512xf32>
        %add3A_346 = arith.addf %mul3A_344, %mul3A_345 : vector<128x512xf32>
        %reduce_min3A = arith.constant dense<0x7F800000> : vector<128xf32>
        %reduce_min3A_347 = vector.multi_reduction <minimumf>, %add3A_346, %reduce_min3A [1] : vector<128x512xf32> to vector<128xf32>
        %broadcast_in_dim3A_348 = vector.shape_cast %reduce_min3A_347 : vector<128xf32> to vector<128x1xf32>
        %reduce_min3A_349 = arith.constant dense<0x7F800000> : vector<512xf32>
        %reduce_min3A_350 = vector.multi_reduction <minimumf>, %add3A_346, %reduce_min3A_349 [0] : vector<128x512xf32> to vector<512xf32>
        %broadcast_in_dim3A_351 = vector.shape_cast %reduce_min3A_350 : vector<512xf32> to vector<1x512xf32>
        %jit3A_352 = arith.constant 0.000000e+00 : f32
        %broadcast_in_dim3A_353 = vector.broadcast %jit3A_352 : f32 to vector<1x512xf32>
        %select_n3A_354 = arith.select %lt3A_329, %broadcast_in_dim3A_351, %broadcast_in_dim3A_353 : vector<1x512xi1>, vector<1x512xf32>
        %reduce_sum3A_355 = vector.shape_cast %select_n3A_354 : vector<1x512xf32> to vector<1x1x512xf32>
        %reduce_sum3A_356 = arith.constant dense<0.000000e+00> : vector<1xf32>
        %reduce_sum3A_357 = vector.multi_reduction <add>, %reduce_sum3A_355, %reduce_sum3A_356 [1, 2] : vector<1x1x512xf32> to vector<1xf32>
        %reduce_sum3A_358 = vector.shape_cast %reduce_sum3A_357 : vector<1xf32> to vector<1x1x1xf32>
        %reduce_sum3A_359 = vector.extract %reduce_sum3A_358[0, 0, 0] : f32 from vector<1x1x1xf32>
        %mul3A_360 = arith.constant 2 : i32
        %mul3A_361 = arith.muli %mul3A_360, %while3A_311 : i32
        %add3A_362 = arith.constant 1 : i32
        %add3A_363 = arith.addi %mul3A_361, %add3A_362 : i32
        %min3A_364 = arith.constant 9 : i32
        %min3A_365 = arith.minsi %add3A_363, %min3A_364 : i32
        %get3A_366 = arith.constant 0 : index
        %get3A_367 = arith.index_cast %min3A_365 : i32 to index
        %get3A_368 = arith.constant 0 : index
        %get3A_369 = arith.constant 0 : index
        %get3A_370 = vector.load %arg6[%get3A_366, %get3A_367, %get3A_368, %get3A_369] : memref<1x10x2x512xf32, #tpu.memory_space<vmem>>, vector<1x1x2x512xf32>
        %get3A_371 = vector.shape_cast %get3A_370 : vector<1x1x2x512xf32> to vector<2x512xf32>
        %iota3A_372 = tpu.iota {dimensions = array<i32: 1>} : vector<1x512xi32>
        %mul3A_373 = arith.constant 512 : i32
        %mul3A_374 = arith.muli %add3A_363, %mul3A_373 : i32
        %add3A_375 = vector.broadcast %mul3A_374 : i32 to vector<1x512xi32>
        %add3A_376 = arith.addi %iota3A_372, %add3A_375 : vector<1x512xi32>
        %lt3A_377 = vector.broadcast %get3A_4 : i32 to vector<1x512xi32>
        %lt3A_378 = arith.cmpi slt, %add3A_376, %lt3A_377 : vector<1x512xi32>
        %slice3A_379 = vector.extract_strided_slice %get3A_371 {offsets = [0, 0], sizes = [1, 512], strides = [1, 1]} : vector<2x512xf32> to vector<1x512xf32>
        %jit3A_380 = arith.constant -1.000000e+09 : f32
        %broadcast_in_dim3A_381 = vector.broadcast %jit3A_380 : f32 to vector<1x512xf32>
        %select_n3A_382 = arith.select %lt3A_378, %slice3A_379, %broadcast_in_dim3A_381 : vector<1x512xi1>, vector<1x512xf32>
        %slice3A_383 = vector.extract_strided_slice %get3A_371 {offsets = [1, 0], sizes = [1, 512], strides = [1, 1]} : vector<2x512xf32> to vector<1x512xf32>
        %jit3A_384 = arith.constant -1.000000e+09 : f32
        %broadcast_in_dim3A_385 = vector.broadcast %jit3A_384 : f32 to vector<1x512xf32>
        %select_n3A_386 = arith.select %lt3A_378, %slice3A_383, %broadcast_in_dim3A_385 : vector<1x512xi1>, vector<1x512xf32>
        %sub3A_387 = vector.broadcast %slice3A_260 : vector<128x1xf32> to vector<128x512xf32>
        %sub3A_388 = vector.broadcast %select_n3A_382 : vector<1x512xf32> to vector<128x512xf32>
        %sub3A_389 = arith.subf %sub3A_387, %sub3A_388 : vector<128x512xf32>
        %sub3A_390 = vector.broadcast %slice3A_261 : vector<128x1xf32> to vector<128x512xf32>
        %sub3A_391 = vector.broadcast %select_n3A_386 : vector<1x512xf32> to vector<128x512xf32>
        %sub3A_392 = arith.subf %sub3A_390, %sub3A_391 : vector<128x512xf32>
        %mul3A_393 = arith.mulf %sub3A_389, %sub3A_389 : vector<128x512xf32>
        %mul3A_394 = arith.mulf %sub3A_392, %sub3A_392 : vector<128x512xf32>
        %add3A_395 = arith.addf %mul3A_393, %mul3A_394 : vector<128x512xf32>
        %reduce_min3A_396 = arith.constant dense<0x7F800000> : vector<128xf32>
        %reduce_min3A_397 = vector.multi_reduction <minimumf>, %add3A_395, %reduce_min3A_396 [1] : vector<128x512xf32> to vector<128xf32>
        %broadcast_in_dim3A_398 = vector.shape_cast %reduce_min3A_397 : vector<128xf32> to vector<128x1xf32>
        %reduce_min3A_399 = arith.constant dense<0x7F800000> : vector<512xf32>
        %reduce_min3A_400 = vector.multi_reduction <minimumf>, %add3A_395, %reduce_min3A_399 [0] : vector<128x512xf32> to vector<512xf32>
        %broadcast_in_dim3A_401 = vector.shape_cast %reduce_min3A_400 : vector<512xf32> to vector<1x512xf32>
        %jit3A_402 = arith.constant 0.000000e+00 : f32
        %broadcast_in_dim3A_403 = vector.broadcast %jit3A_402 : f32 to vector<1x512xf32>
        %select_n3A_404 = arith.select %lt3A_378, %broadcast_in_dim3A_401, %broadcast_in_dim3A_403 : vector<1x512xi1>, vector<1x512xf32>
        %reduce_sum3A_405 = vector.shape_cast %select_n3A_404 : vector<1x512xf32> to vector<1x1x512xf32>
        %reduce_sum3A_406 = arith.constant dense<0.000000e+00> : vector<1xf32>
        %reduce_sum3A_407 = vector.multi_reduction <add>, %reduce_sum3A_405, %reduce_sum3A_406 [1, 2] : vector<1x1x512xf32> to vector<1xf32>
        %reduce_sum3A_408 = vector.shape_cast %reduce_sum3A_407 : vector<1xf32> to vector<1x1x1xf32>
        %reduce_sum3A_409 = vector.extract %reduce_sum3A_408[0, 0, 0] : f32 from vector<1x1x1xf32>
        %min3A_410 = arith.minimumf %broadcast_in_dim3A_348, %broadcast_in_dim3A_398 : vector<128x1xf32>
        %min3A_411 = arith.minimumf %while3A_312, %min3A_410 : vector<128x1xf32>
        %add3A_412 = arith.addf %reduce_sum3A_359, %reduce_sum3A_409 : f32
        %add3A_413 = arith.addf %while3A_313, %add3A_412 : f32
        scf.yield %min3A_411, %add3A_413 : vector<128x1xf32>, f32
      }
      %while3A_273 = arith.constant 1 : i32
      %while3A_274:2 = scf.for %while3A_311 = %while3A_270 to %while3A_266 step %while3A_273 iter_args(%while3A_312 = %while3A_272#0, %while3A_313 = %while3A_272#1) -> (vector<128x1xf32>, f32)  : i32 {
        %mul3A_314 = arith.constant 2 : i32
        %mul3A_315 = arith.muli %mul3A_314, %while3A_311 : i32
        %min3A = arith.constant 9 : i32
        %min3A_316 = arith.minsi %mul3A_315, %min3A : i32
        %get3A_317 = arith.constant 0 : index
        %get3A_318 = arith.index_cast %min3A_316 : i32 to index
        %get3A_319 = arith.constant 0 : index
        %get3A_320 = arith.constant 0 : index
        %get3A_321 = vector.load %arg6[%get3A_317, %get3A_318, %get3A_319, %get3A_320] : memref<1x10x2x512xf32, #tpu.memory_space<vmem>>, vector<1x1x2x512xf32>
        %get3A_322 = vector.shape_cast %get3A_321 : vector<1x1x2x512xf32> to vector<2x512xf32>
        %iota3A_323 = tpu.iota {dimensions = array<i32: 1>} : vector<1x512xi32>
        %mul3A_324 = arith.constant 512 : i32
        %mul3A_325 = arith.muli %mul3A_315, %mul3A_324 : i32
        %add3A_326 = vector.broadcast %mul3A_325 : i32 to vector<1x512xi32>
        %add3A_327 = arith.addi %iota3A_323, %add3A_326 : vector<1x512xi32>
        %lt3A_328 = vector.broadcast %get3A_4 : i32 to vector<1x512xi32>
        %lt3A_329 = arith.cmpi slt, %add3A_327, %lt3A_328 : vector<1x512xi32>
        %slice3A_330 = vector.extract_strided_slice %get3A_322 {offsets = [0, 0], sizes = [1, 512], strides = [1, 1]} : vector<2x512xf32> to vector<1x512xf32>
        %jit3A_331 = arith.constant -1.000000e+09 : f32
        %broadcast_in_dim3A_332 = vector.broadcast %jit3A_331 : f32 to vector<1x512xf32>
        %select_n3A_333 = arith.select %lt3A_329, %slice3A_330, %broadcast_in_dim3A_332 : vector<1x512xi1>, vector<1x512xf32>
        %slice3A_334 = vector.extract_strided_slice %get3A_322 {offsets = [1, 0], sizes = [1, 512], strides = [1, 1]} : vector<2x512xf32> to vector<1x512xf32>
        %jit3A_335 = arith.constant -1.000000e+09 : f32
        %broadcast_in_dim3A_336 = vector.broadcast %jit3A_335 : f32 to vector<1x512xf32>
        %select_n3A_337 = arith.select %lt3A_329, %slice3A_334, %broadcast_in_dim3A_336 : vector<1x512xi1>, vector<1x512xf32>
        %sub3A_338 = vector.broadcast %slice3A_260 : vector<128x1xf32> to vector<128x512xf32>
        %sub3A_339 = vector.broadcast %select_n3A_333 : vector<1x512xf32> to vector<128x512xf32>
        %sub3A_340 = arith.subf %sub3A_338, %sub3A_339 : vector<128x512xf32>
        %sub3A_341 = vector.broadcast %slice3A_261 : vector<128x1xf32> to vector<128x512xf32>
        %sub3A_342 = vector.broadcast %select_n3A_337 : vector<1x512xf32> to vector<128x512xf32>
        %sub3A_343 = arith.subf %sub3A_341, %sub3A_342 : vector<128x512xf32>
        %mul3A_344 = arith.mulf %sub3A_340, %sub3A_340 : vector<128x512xf32>
        %mul3A_345 = arith.mulf %sub3A_343, %sub3A_343 : vector<128x512xf32>
        %add3A_346 = arith.addf %mul3A_344, %mul3A_345 : vector<128x512xf32>
        %reduce_min3A = arith.constant dense<0x7F800000> : vector<128xf32>
        %reduce_min3A_347 = vector.multi_reduction <minimumf>, %add3A_346, %reduce_min3A [1] : vector<128x512xf32> to vector<128xf32>
        %broadcast_in_dim3A_348 = vector.shape_cast %reduce_min3A_347 : vector<128xf32> to vector<128x1xf32>
        %reduce_min3A_349 = arith.constant dense<0x7F800000> : vector<512xf32>
        %reduce_min3A_350 = vector.multi_reduction <minimumf>, %add3A_346, %reduce_min3A_349 [0] : vector<128x512xf32> to vector<512xf32>
        %broadcast_in_dim3A_351 = vector.shape_cast %reduce_min3A_350 : vector<512xf32> to vector<1x512xf32>
        %jit3A_352 = arith.constant 0.000000e+00 : f32
        %broadcast_in_dim3A_353 = vector.broadcast %jit3A_352 : f32 to vector<1x512xf32>
        %select_n3A_354 = arith.select %lt3A_329, %broadcast_in_dim3A_351, %broadcast_in_dim3A_353 : vector<1x512xi1>, vector<1x512xf32>
        %reduce_sum3A_355 = vector.shape_cast %select_n3A_354 : vector<1x512xf32> to vector<1x1x512xf32>
        %reduce_sum3A_356 = arith.constant dense<0.000000e+00> : vector<1xf32>
        %reduce_sum3A_357 = vector.multi_reduction <add>, %reduce_sum3A_355, %reduce_sum3A_356 [1, 2] : vector<1x1x512xf32> to vector<1xf32>
        %reduce_sum3A_358 = vector.shape_cast %reduce_sum3A_357 : vector<1xf32> to vector<1x1x1xf32>
        %reduce_sum3A_359 = vector.extract %reduce_sum3A_358[0, 0, 0] : f32 from vector<1x1x1xf32>
        %mul3A_360 = arith.constant 2 : i32
        %mul3A_361 = arith.muli %mul3A_360, %while3A_311 : i32
        %add3A_362 = arith.constant 1 : i32
        %add3A_363 = arith.addi %mul3A_361, %add3A_362 : i32
        %min3A_364 = arith.constant 9 : i32
        %min3A_365 = arith.minsi %add3A_363, %min3A_364 : i32
        %get3A_366 = arith.constant 0 : index
        %get3A_367 = arith.index_cast %min3A_365 : i32 to index
        %get3A_368 = arith.constant 0 : index
        %get3A_369 = arith.constant 0 : index
        %get3A_370 = vector.load %arg6[%get3A_366, %get3A_367, %get3A_368, %get3A_369] : memref<1x10x2x512xf32, #tpu.memory_space<vmem>>, vector<1x1x2x512xf32>
        %get3A_371 = vector.shape_cast %get3A_370 : vector<1x1x2x512xf32> to vector<2x512xf32>
        %iota3A_372 = tpu.iota {dimensions = array<i32: 1>} : vector<1x512xi32>
        %mul3A_373 = arith.constant 512 : i32
        %mul3A_374 = arith.muli %add3A_363, %mul3A_373 : i32
        %add3A_375 = vector.broadcast %mul3A_374 : i32 to vector<1x512xi32>
        %add3A_376 = arith.addi %iota3A_372, %add3A_375 : vector<1x512xi32>
        %lt3A_377 = vector.broadcast %get3A_4 : i32 to vector<1x512xi32>
        %lt3A_378 = arith.cmpi slt, %add3A_376, %lt3A_377 : vector<1x512xi32>
        %slice3A_379 = vector.extract_strided_slice %get3A_371 {offsets = [0, 0], sizes = [1, 512], strides = [1, 1]} : vector<2x512xf32> to vector<1x512xf32>
        %jit3A_380 = arith.constant -1.000000e+09 : f32
        %broadcast_in_dim3A_381 = vector.broadcast %jit3A_380 : f32 to vector<1x512xf32>
        %select_n3A_382 = arith.select %lt3A_378, %slice3A_379, %broadcast_in_dim3A_381 : vector<1x512xi1>, vector<1x512xf32>
        %slice3A_383 = vector.extract_strided_slice %get3A_371 {offsets = [1, 0], sizes = [1, 512], strides = [1, 1]} : vector<2x512xf32> to vector<1x512xf32>
        %jit3A_384 = arith.constant -1.000000e+09 : f32
        %broadcast_in_dim3A_385 = vector.broadcast %jit3A_384 : f32 to vector<1x512xf32>
        %select_n3A_386 = arith.select %lt3A_378, %slice3A_383, %broadcast_in_dim3A_385 : vector<1x512xi1>, vector<1x512xf32>
        %sub3A_387 = vector.broadcast %slice3A_260 : vector<128x1xf32> to vector<128x512xf32>
        %sub3A_388 = vector.broadcast %select_n3A_382 : vector<1x512xf32> to vector<128x512xf32>
        %sub3A_389 = arith.subf %sub3A_387, %sub3A_388 : vector<128x512xf32>
        %sub3A_390 = vector.broadcast %slice3A_261 : vector<128x1xf32> to vector<128x512xf32>
        %sub3A_391 = vector.broadcast %select_n3A_386 : vector<1x512xf32> to vector<128x512xf32>
        %sub3A_392 = arith.subf %sub3A_390, %sub3A_391 : vector<128x512xf32>
        %mul3A_393 = arith.mulf %sub3A_389, %sub3A_389 : vector<128x512xf32>
        %mul3A_394 = arith.mulf %sub3A_392, %sub3A_392 : vector<128x512xf32>
        %add3A_395 = arith.addf %mul3A_393, %mul3A_394 : vector<128x512xf32>
        %reduce_min3A_396 = arith.constant dense<0x7F800000> : vector<128xf32>
        %reduce_min3A_397 = vector.multi_reduction <minimumf>, %add3A_395, %reduce_min3A_396 [1] : vector<128x512xf32> to vector<128xf32>
        %broadcast_in_dim3A_398 = vector.shape_cast %reduce_min3A_397 : vector<128xf32> to vector<128x1xf32>
        %reduce_min3A_399 = arith.constant dense<0x7F800000> : vector<512xf32>
        %reduce_min3A_400 = vector.multi_reduction <minimumf>, %add3A_395, %reduce_min3A_399 [0] : vector<128x512xf32> to vector<512xf32>
        %broadcast_in_dim3A_401 = vector.shape_cast %reduce_min3A_400 : vector<512xf32> to vector<1x512xf32>
        %jit3A_402 = arith.constant 0.000000e+00 : f32
        %broadcast_in_dim3A_403 = vector.broadcast %jit3A_402 : f32 to vector<1x512xf32>
        %select_n3A_404 = arith.select %lt3A_378, %broadcast_in_dim3A_401, %broadcast_in_dim3A_403 : vector<1x512xi1>, vector<1x512xf32>
        %reduce_sum3A_405 = vector.shape_cast %select_n3A_404 : vector<1x512xf32> to vector<1x1x512xf32>
        %reduce_sum3A_406 = arith.constant dense<0.000000e+00> : vector<1xf32>
        %reduce_sum3A_407 = vector.multi_reduction <add>, %reduce_sum3A_405, %reduce_sum3A_406 [1, 2] : vector<1x1x512xf32> to vector<1xf32>
        %reduce_sum3A_408 = vector.shape_cast %reduce_sum3A_407 : vector<1xf32> to vector<1x1x1xf32>
        %reduce_sum3A_409 = vector.extract %reduce_sum3A_408[0, 0, 0] : f32 from vector<1x1x1xf32>
        %min3A_410 = arith.minimumf %broadcast_in_dim3A_348, %broadcast_in_dim3A_398 : vector<128x1xf32>
        %min3A_411 = arith.minimumf %while3A_312, %min3A_410 : vector<128x1xf32>
        %add3A_412 = arith.addf %reduce_sum3A_359, %reduce_sum3A_409 : f32
        %add3A_413 = arith.addf %while3A_313, %add3A_412 : f32
        scf.yield %min3A_411, %add3A_413 : vector<128x1xf32>, f32
      }
      %mul3A_275 = arith.constant 2 : i32
      %mul3A_276 = arith.muli %mul3A_275, %select_n3A_134 : i32
      %while3A_277 = arith.subi %select_n3A_110, %mul3A_276 : i32
      %while3A_278 = arith.addi %mul3A_276, %while3A_277 : i32
      %while3A_279 = arith.constant 1 : i32
      %while3A_280 = arith.divsi %while3A_277, %while3A_279 : i32
      %while3A_281 = arith.muli %while3A_280, %while3A_279 : i32
      %while3A_282 = arith.addi %mul3A_276, %while3A_281 : i32
      %while3A_283 = arith.constant 1 : i32
      %while3A_284:2 = scf.for %while3A_311 = %mul3A_276 to %while3A_282 step %while3A_283 iter_args(%while3A_312 = %while3A_274#0, %while3A_313 = %while3A_274#1) -> (vector<128x1xf32>, f32)  : i32 {
        %min3A = arith.constant 9 : i32
        %min3A_314 = arith.minsi %while3A_311, %min3A : i32
        %get3A_315 = arith.constant 0 : index
        %get3A_316 = arith.index_cast %min3A_314 : i32 to index
        %get3A_317 = arith.constant 0 : index
        %get3A_318 = arith.constant 0 : index
        %get3A_319 = vector.load %arg6[%get3A_315, %get3A_316, %get3A_317, %get3A_318] : memref<1x10x2x512xf32, #tpu.memory_space<vmem>>, vector<1x1x2x512xf32>
        %get3A_320 = vector.shape_cast %get3A_319 : vector<1x1x2x512xf32> to vector<2x512xf32>
        %iota3A_321 = tpu.iota {dimensions = array<i32: 1>} : vector<1x512xi32>
        %mul3A_322 = arith.constant 512 : i32
        %mul3A_323 = arith.muli %while3A_311, %mul3A_322 : i32
        %add3A_324 = vector.broadcast %mul3A_323 : i32 to vector<1x512xi32>
        %add3A_325 = arith.addi %iota3A_321, %add3A_324 : vector<1x512xi32>
        %lt3A_326 = vector.broadcast %get3A_4 : i32 to vector<1x512xi32>
        %lt3A_327 = arith.cmpi slt, %add3A_325, %lt3A_326 : vector<1x512xi32>
        %slice3A_328 = vector.extract_strided_slice %get3A_320 {offsets = [0, 0], sizes = [1, 512], strides = [1, 1]} : vector<2x512xf32> to vector<1x512xf32>
        %jit3A_329 = arith.constant -1.000000e+09 : f32
        %broadcast_in_dim3A_330 = vector.broadcast %jit3A_329 : f32 to vector<1x512xf32>
        %select_n3A_331 = arith.select %lt3A_327, %slice3A_328, %broadcast_in_dim3A_330 : vector<1x512xi1>, vector<1x512xf32>
        %slice3A_332 = vector.extract_strided_slice %get3A_320 {offsets = [1, 0], sizes = [1, 512], strides = [1, 1]} : vector<2x512xf32> to vector<1x512xf32>
        %jit3A_333 = arith.constant -1.000000e+09 : f32
        %broadcast_in_dim3A_334 = vector.broadcast %jit3A_333 : f32 to vector<1x512xf32>
        %select_n3A_335 = arith.select %lt3A_327, %slice3A_332, %broadcast_in_dim3A_334 : vector<1x512xi1>, vector<1x512xf32>
        %sub3A_336 = vector.broadcast %slice3A_260 : vector<128x1xf32> to vector<128x512xf32>
        %sub3A_337 = vector.broadcast %select_n3A_331 : vector<1x512xf32> to vector<128x512xf32>
        %sub3A_338 = arith.subf %sub3A_336, %sub3A_337 : vector<128x512xf32>
        %sub3A_339 = vector.broadcast %slice3A_261 : vector<128x1xf32> to vector<128x512xf32>
        %sub3A_340 = vector.broadcast %select_n3A_335 : vector<1x512xf32> to vector<128x512xf32>
        %sub3A_341 = arith.subf %sub3A_339, %sub3A_340 : vector<128x512xf32>
        %mul3A_342 = arith.mulf %sub3A_338, %sub3A_338 : vector<128x512xf32>
        %mul3A_343 = arith.mulf %sub3A_341, %sub3A_341 : vector<128x512xf32>
        %add3A_344 = arith.addf %mul3A_342, %mul3A_343 : vector<128x512xf32>
        %reduce_min3A = arith.constant dense<0x7F800000> : vector<128xf32>
        %reduce_min3A_345 = vector.multi_reduction <minimumf>, %add3A_344, %reduce_min3A [1] : vector<128x512xf32> to vector<128xf32>
        %broadcast_in_dim3A_346 = vector.shape_cast %reduce_min3A_345 : vector<128xf32> to vector<128x1xf32>
        %reduce_min3A_347 = arith.constant dense<0x7F800000> : vector<512xf32>
        %reduce_min3A_348 = vector.multi_reduction <minimumf>, %add3A_344, %reduce_min3A_347 [0] : vector<128x512xf32> to vector<512xf32>
        %broadcast_in_dim3A_349 = vector.shape_cast %reduce_min3A_348 : vector<512xf32> to vector<1x512xf32>
        %jit3A_350 = arith.constant 0.000000e+00 : f32
        %broadcast_in_dim3A_351 = vector.broadcast %jit3A_350 : f32 to vector<1x512xf32>
        %select_n3A_352 = arith.select %lt3A_327, %broadcast_in_dim3A_349, %broadcast_in_dim3A_351 : vector<1x512xi1>, vector<1x512xf32>
        %reduce_sum3A_353 = vector.shape_cast %select_n3A_352 : vector<1x512xf32> to vector<1x1x512xf32>
        %reduce_sum3A_354 = arith.constant dense<0.000000e+00> : vector<1xf32>
        %reduce_sum3A_355 = vector.multi_reduction <add>, %reduce_sum3A_353, %reduce_sum3A_354 [1, 2] : vector<1x1x512xf32> to vector<1xf32>
        %reduce_sum3A_356 = vector.shape_cast %reduce_sum3A_355 : vector<1xf32> to vector<1x1x1xf32>
        %reduce_sum3A_357 = vector.extract %reduce_sum3A_356[0, 0, 0] : f32 from vector<1x1x1xf32>
        %min3A_358 = arith.minimumf %while3A_312, %broadcast_in_dim3A_346 : vector<128x1xf32>
        %add3A_359 = arith.addf %while3A_313, %reduce_sum3A_357 : f32
        scf.yield %min3A_358, %add3A_359 : vector<128x1xf32>, f32
      }
      %while3A_285 = arith.constant 1 : i32
      %while3A_286:2 = scf.for %while3A_311 = %while3A_282 to %while3A_278 step %while3A_285 iter_args(%while3A_312 = %while3A_284#0, %while3A_313 = %while3A_284#1) -> (vector<128x1xf32>, f32)  : i32 {
        %min3A = arith.constant 9 : i32
        %min3A_314 = arith.minsi %while3A_311, %min3A : i32
        %get3A_315 = arith.constant 0 : index
        %get3A_316 = arith.index_cast %min3A_314 : i32 to index
        %get3A_317 = arith.constant 0 : index
        %get3A_318 = arith.constant 0 : index
        %get3A_319 = vector.load %arg6[%get3A_315, %get3A_316, %get3A_317, %get3A_318] : memref<1x10x2x512xf32, #tpu.memory_space<vmem>>, vector<1x1x2x512xf32>
        %get3A_320 = vector.shape_cast %get3A_319 : vector<1x1x2x512xf32> to vector<2x512xf32>
        %iota3A_321 = tpu.iota {dimensions = array<i32: 1>} : vector<1x512xi32>
        %mul3A_322 = arith.constant 512 : i32
        %mul3A_323 = arith.muli %while3A_311, %mul3A_322 : i32
        %add3A_324 = vector.broadcast %mul3A_323 : i32 to vector<1x512xi32>
        %add3A_325 = arith.addi %iota3A_321, %add3A_324 : vector<1x512xi32>
        %lt3A_326 = vector.broadcast %get3A_4 : i32 to vector<1x512xi32>
        %lt3A_327 = arith.cmpi slt, %add3A_325, %lt3A_326 : vector<1x512xi32>
        %slice3A_328 = vector.extract_strided_slice %get3A_320 {offsets = [0, 0], sizes = [1, 512], strides = [1, 1]} : vector<2x512xf32> to vector<1x512xf32>
        %jit3A_329 = arith.constant -1.000000e+09 : f32
        %broadcast_in_dim3A_330 = vector.broadcast %jit3A_329 : f32 to vector<1x512xf32>
        %select_n3A_331 = arith.select %lt3A_327, %slice3A_328, %broadcast_in_dim3A_330 : vector<1x512xi1>, vector<1x512xf32>
        %slice3A_332 = vector.extract_strided_slice %get3A_320 {offsets = [1, 0], sizes = [1, 512], strides = [1, 1]} : vector<2x512xf32> to vector<1x512xf32>
        %jit3A_333 = arith.constant -1.000000e+09 : f32
        %broadcast_in_dim3A_334 = vector.broadcast %jit3A_333 : f32 to vector<1x512xf32>
        %select_n3A_335 = arith.select %lt3A_327, %slice3A_332, %broadcast_in_dim3A_334 : vector<1x512xi1>, vector<1x512xf32>
        %sub3A_336 = vector.broadcast %slice3A_260 : vector<128x1xf32> to vector<128x512xf32>
        %sub3A_337 = vector.broadcast %select_n3A_331 : vector<1x512xf32> to vector<128x512xf32>
        %sub3A_338 = arith.subf %sub3A_336, %sub3A_337 : vector<128x512xf32>
        %sub3A_339 = vector.broadcast %slice3A_261 : vector<128x1xf32> to vector<128x512xf32>
        %sub3A_340 = vector.broadcast %select_n3A_335 : vector<1x512xf32> to vector<128x512xf32>
        %sub3A_341 = arith.subf %sub3A_339, %sub3A_340 : vector<128x512xf32>
        %mul3A_342 = arith.mulf %sub3A_338, %sub3A_338 : vector<128x512xf32>
        %mul3A_343 = arith.mulf %sub3A_341, %sub3A_341 : vector<128x512xf32>
        %add3A_344 = arith.addf %mul3A_342, %mul3A_343 : vector<128x512xf32>
        %reduce_min3A = arith.constant dense<0x7F800000> : vector<128xf32>
        %reduce_min3A_345 = vector.multi_reduction <minimumf>, %add3A_344, %reduce_min3A [1] : vector<128x512xf32> to vector<128xf32>
        %broadcast_in_dim3A_346 = vector.shape_cast %reduce_min3A_345 : vector<128xf32> to vector<128x1xf32>
        %reduce_min3A_347 = arith.constant dense<0x7F800000> : vector<512xf32>
        %reduce_min3A_348 = vector.multi_reduction <minimumf>, %add3A_344, %reduce_min3A_347 [0] : vector<128x512xf32> to vector<512xf32>
        %broadcast_in_dim3A_349 = vector.shape_cast %reduce_min3A_348 : vector<512xf32> to vector<1x512xf32>
        %jit3A_350 = arith.constant 0.000000e+00 : f32
        %broadcast_in_dim3A_351 = vector.broadcast %jit3A_350 : f32 to vector<1x512xf32>
        %select_n3A_352 = arith.select %lt3A_327, %broadcast_in_dim3A_349, %broadcast_in_dim3A_351 : vector<1x512xi1>, vector<1x512xf32>
        %reduce_sum3A_353 = vector.shape_cast %select_n3A_352 : vector<1x512xf32> to vector<1x1x512xf32>
        %reduce_sum3A_354 = arith.constant dense<0.000000e+00> : vector<1xf32>
        %reduce_sum3A_355 = vector.multi_reduction <add>, %reduce_sum3A_353, %reduce_sum3A_354 [1, 2] : vector<1x1x512xf32> to vector<1xf32>
        %reduce_sum3A_356 = vector.shape_cast %reduce_sum3A_355 : vector<1xf32> to vector<1x1x1xf32>
        %reduce_sum3A_357 = vector.extract %reduce_sum3A_356[0, 0, 0] : f32 from vector<1x1x1xf32>
        %min3A_358 = arith.minimumf %while3A_312, %broadcast_in_dim3A_346 : vector<128x1xf32>
        %add3A_359 = arith.addf %while3A_313, %reduce_sum3A_357 : f32
        scf.yield %min3A_358, %add3A_359 : vector<128x1xf32>, f32
      }
      %iota3A_287 = tpu.iota {dimensions = array<i32: 0>} : vector<128x1xi32>
      %lt3A_288 = vector.broadcast %get3A_1 : i32 to vector<128x1xi32>
      %lt3A_289 = arith.cmpi slt, %iota3A_287, %lt3A_288 : vector<128x1xi32>
      %jit3A_290 = arith.constant 0.000000e+00 : f32
      %broadcast_in_dim3A_291 = vector.broadcast %jit3A_290 : f32 to vector<128x1xf32>
      %select_n3A_292 = arith.select %lt3A_289, %while3A_286#0, %broadcast_in_dim3A_291 : vector<128x1xi1>, vector<128x1xf32>
      %reduce_sum3A = vector.shape_cast %select_n3A_292 : vector<128x1xf32> to vector<1x128x1xf32>
      %reduce_sum3A_293 = arith.constant dense<0.000000e+00> : vector<1xf32>
      %reduce_sum3A_294 = vector.multi_reduction <add>, %reduce_sum3A, %reduce_sum3A_293 [1, 2] : vector<1x128x1xf32> to vector<1xf32>
      %reduce_sum3A_295 = vector.shape_cast %reduce_sum3A_294 : vector<1xf32> to vector<1x1x1xf32>
      %reduce_sum3A_296 = vector.extract %reduce_sum3A_295[0, 0, 0] : f32 from vector<1x1x1xf32>
      %div3A_297 = arith.divf %reduce_sum3A_296, %convert_element_type3A : f32
      %div3A_298 = arith.divf %while3A_286#1, %convert_element_type3A_8 : f32
      %add3A_299 = arith.addf %div3A_297, %div3A_298 : f32
      %mul3A_300 = arith.constant 1.250000e-01 : f32
      %mul3A_301 = arith.mulf %add3A_299, %mul3A_300 : f32
      %eq3A = arith.constant 0 : i32
      %eq3A_302 = arith.cmpi eq, %arg1, %eq3A : i32
      %convert_element_type3A_303 = arith.extui %eq3A_302 : i1 to i32
      %cond3A_304 = arith.constant 0 : i32
      %cond3A_305 = arith.cmpi ne, %convert_element_type3A_303, %cond3A_304 : i32
      scf.if %cond3A_305 {
        %swap3A = arith.index_cast %arg0 : i32 to index
        %swap3A_311 = arith.constant 0 : index
        %swap3A_312 = memref.load %arg7[%swap3A, %swap3A_311] : memref<4x1xf32, #tpu.memory_space<smem>>
        memref.store %mul3A_301, %arg7[%swap3A, %swap3A_311] : memref<4x1xf32, #tpu.memory_space<smem>>
      } else {
      }
      %gt3A_306 = arith.constant 0 : i32
      %gt3A_307 = arith.cmpi sgt, %arg1, %gt3A_306 : i32
      %convert_element_type3A_308 = arith.extui %gt3A_307 : i1 to i32
      %cond3A_309 = arith.constant 0 : i32
      %cond3A_310 = arith.cmpi ne, %convert_element_type3A_308, %cond3A_309 : i32
      scf.if %cond3A_310 {
        %get3A_311 = arith.index_cast %arg0 : i32 to index
        %get3A_312 = arith.constant 0 : index
        %get3A_313 = memref.load %arg7[%get3A_311, %get3A_312] : memref<4x1xf32, #tpu.memory_space<smem>>
        %add3A_314 = arith.addf %get3A_313, %mul3A_301 : f32
        %swap3A = arith.index_cast %arg0 : i32 to index
        %swap3A_315 = arith.constant 0 : index
        %swap3A_316 = memref.load %arg7[%swap3A, %swap3A_315] : memref<4x1xf32, #tpu.memory_space<smem>>
        memref.store %add3A_314, %arg7[%swap3A, %swap3A_315] : memref<4x1xf32, #tpu.memory_space<smem>>
      } else {
      }
    } else {
    }
    %gt3A_148 = arith.constant 128 : i32
    %gt3A_149 = arith.cmpi sgt, %get3A_1, %gt3A_148 : i32
    %le3A_150 = arith.constant 192 : i32
    %le3A_151 = arith.cmpi sle, %get3A_1, %le3A_150 : i32
    %and3A_152 = arith.andi %gt3A_149, %le3A_151 : i1
    %convert_element_type3A_153 = arith.extui %and3A_152 : i1 to i32
    %cond3A_154 = arith.constant 0 : i32
    %cond3A_155 = arith.cmpi ne, %convert_element_type3A_153, %cond3A_154 : i32
    scf.if %cond3A_155 {
      %slice3A_260 = vector.extract_strided_slice %reshape3A {offsets = [0, 0], sizes = [192, 1], strides = [1, 1]} : vector<1024x1xf32> to vector<192x1xf32>
      %slice3A_261 = vector.extract_strided_slice %reshape3A_87 {offsets = [0, 0], sizes = [192, 1], strides = [1, 1]} : vector<1024x1xf32> to vector<192x1xf32>
      %broadcast_in_dim3A_262 = arith.constant 1.000000e+30 : f32
      %broadcast_in_dim3A_263 = vector.broadcast %broadcast_in_dim3A_262 : f32 to vector<192x1xf32>
      %while3A = arith.constant 0 : i32
      %while3A_264 = arith.constant 0.000000e+00 : f32
      %while3A_265 = arith.subi %select_n3A_134, %while3A : i32
      %while3A_266 = arith.addi %while3A, %while3A_265 : i32
      %while3A_267 = arith.constant 1 : i32
      %while3A_268 = arith.divsi %while3A_265, %while3A_267 : i32
      %while3A_269 = arith.muli %while3A_268, %while3A_267 : i32
      %while3A_270 = arith.addi %while3A, %while3A_269 : i32
      %while3A_271 = arith.constant 1 : i32
      %while3A_272:2 = scf.for %while3A_311 = %while3A to %while3A_270 step %while3A_271 iter_args(%while3A_312 = %broadcast_in_dim3A_263, %while3A_313 = %while3A_264) -> (vector<192x1xf32>, f32)  : i32 {
        %mul3A_314 = arith.constant 2 : i32
        %mul3A_315 = arith.muli %mul3A_314, %while3A_311 : i32
        %min3A = arith.constant 9 : i32
        %min3A_316 = arith.minsi %mul3A_315, %min3A : i32
        %get3A_317 = arith.constant 0 : index
        %get3A_318 = arith.index_cast %min3A_316 : i32 to index
        %get3A_319 = arith.constant 0 : index
        %get3A_320 = arith.constant 0 : index
        %get3A_321 = vector.load %arg6[%get3A_317, %get3A_318, %get3A_319, %get3A_320] : memref<1x10x2x512xf32, #tpu.memory_space<vmem>>, vector<1x1x2x512xf32>
        %get3A_322 = vector.shape_cast %get3A_321 : vector<1x1x2x512xf32> to vector<2x512xf32>
        %iota3A_323 = tpu.iota {dimensions = array<i32: 1>} : vector<1x512xi32>
        %mul3A_324 = arith.constant 512 : i32
        %mul3A_325 = arith.muli %mul3A_315, %mul3A_324 : i32
        %add3A_326 = vector.broadcast %mul3A_325 : i32 to vector<1x512xi32>
        %add3A_327 = arith.addi %iota3A_323, %add3A_326 : vector<1x512xi32>
        %lt3A_328 = vector.broadcast %get3A_4 : i32 to vector<1x512xi32>
        %lt3A_329 = arith.cmpi slt, %add3A_327, %lt3A_328 : vector<1x512xi32>
        %slice3A_330 = vector.extract_strided_slice %get3A_322 {offsets = [0, 0], sizes = [1, 512], strides = [1, 1]} : vector<2x512xf32> to vector<1x512xf32>
        %jit3A_331 = arith.constant -1.000000e+09 : f32
        %broadcast_in_dim3A_332 = vector.broadcast %jit3A_331 : f32 to vector<1x512xf32>
        %select_n3A_333 = arith.select %lt3A_329, %slice3A_330, %broadcast_in_dim3A_332 : vector<1x512xi1>, vector<1x512xf32>
        %slice3A_334 = vector.extract_strided_slice %get3A_322 {offsets = [1, 0], sizes = [1, 512], strides = [1, 1]} : vector<2x512xf32> to vector<1x512xf32>
        %jit3A_335 = arith.constant -1.000000e+09 : f32
        %broadcast_in_dim3A_336 = vector.broadcast %jit3A_335 : f32 to vector<1x512xf32>
        %select_n3A_337 = arith.select %lt3A_329, %slice3A_334, %broadcast_in_dim3A_336 : vector<1x512xi1>, vector<1x512xf32>
        %sub3A_338 = vector.broadcast %slice3A_260 : vector<192x1xf32> to vector<192x512xf32>
        %sub3A_339 = vector.broadcast %select_n3A_333 : vector<1x512xf32> to vector<192x512xf32>
        %sub3A_340 = arith.subf %sub3A_338, %sub3A_339 : vector<192x512xf32>
        %sub3A_341 = vector.broadcast %slice3A_261 : vector<192x1xf32> to vector<192x512xf32>
        %sub3A_342 = vector.broadcast %select_n3A_337 : vector<1x512xf32> to vector<192x512xf32>
        %sub3A_343 = arith.subf %sub3A_341, %sub3A_342 : vector<192x512xf32>
        %mul3A_344 = arith.mulf %sub3A_340, %sub3A_340 : vector<192x512xf32>
        %mul3A_345 = arith.mulf %sub3A_343, %sub3A_343 : vector<192x512xf32>
        %add3A_346 = arith.addf %mul3A_344, %mul3A_345 : vector<192x512xf32>
        %reduce_min3A = arith.constant dense<0x7F800000> : vector<192xf32>
        %reduce_min3A_347 = vector.multi_reduction <minimumf>, %add3A_346, %reduce_min3A [1] : vector<192x512xf32> to vector<192xf32>
        %broadcast_in_dim3A_348 = vector.shape_cast %reduce_min3A_347 : vector<192xf32> to vector<192x1xf32>
        %reduce_min3A_349 = arith.constant dense<0x7F800000> : vector<512xf32>
        %reduce_min3A_350 = vector.multi_reduction <minimumf>, %add3A_346, %reduce_min3A_349 [0] : vector<192x512xf32> to vector<512xf32>
        %broadcast_in_dim3A_351 = vector.shape_cast %reduce_min3A_350 : vector<512xf32> to vector<1x512xf32>
        %jit3A_352 = arith.constant 0.000000e+00 : f32
        %broadcast_in_dim3A_353 = vector.broadcast %jit3A_352 : f32 to vector<1x512xf32>
        %select_n3A_354 = arith.select %lt3A_329, %broadcast_in_dim3A_351, %broadcast_in_dim3A_353 : vector<1x512xi1>, vector<1x512xf32>
        %reduce_sum3A_355 = vector.shape_cast %select_n3A_354 : vector<1x512xf32> to vector<1x1x512xf32>
        %reduce_sum3A_356 = arith.constant dense<0.000000e+00> : vector<1xf32>
        %reduce_sum3A_357 = vector.multi_reduction <add>, %reduce_sum3A_355, %reduce_sum3A_356 [1, 2] : vector<1x1x512xf32> to vector<1xf32>
        %reduce_sum3A_358 = vector.shape_cast %reduce_sum3A_357 : vector<1xf32> to vector<1x1x1xf32>
        %reduce_sum3A_359 = vector.extract %reduce_sum3A_358[0, 0, 0] : f32 from vector<1x1x1xf32>
        %mul3A_360 = arith.constant 2 : i32
        %mul3A_361 = arith.muli %mul3A_360, %while3A_311 : i32
        %add3A_362 = arith.constant 1 : i32
        %add3A_363 = arith.addi %mul3A_361, %add3A_362 : i32
        %min3A_364 = arith.constant 9 : i32
        %min3A_365 = arith.minsi %add3A_363, %min3A_364 : i32
        %get3A_366 = arith.constant 0 : index
        %get3A_367 = arith.index_cast %min3A_365 : i32 to index
        %get3A_368 = arith.constant 0 : index
        %get3A_369 = arith.constant 0 : index
        %get3A_370 = vector.load %arg6[%get3A_366, %get3A_367, %get3A_368, %get3A_369] : memref<1x10x2x512xf32, #tpu.memory_space<vmem>>, vector<1x1x2x512xf32>
        %get3A_371 = vector.shape_cast %get3A_370 : vector<1x1x2x512xf32> to vector<2x512xf32>
        %iota3A_372 = tpu.iota {dimensions = array<i32: 1>} : vector<1x512xi32>
        %mul3A_373 = arith.constant 512 : i32
        %mul3A_374 = arith.muli %add3A_363, %mul3A_373 : i32
        %add3A_375 = vector.broadcast %mul3A_374 : i32 to vector<1x512xi32>
        %add3A_376 = arith.addi %iota3A_372, %add3A_375 : vector<1x512xi32>
        %lt3A_377 = vector.broadcast %get3A_4 : i32 to vector<1x512xi32>
        %lt3A_378 = arith.cmpi slt, %add3A_376, %lt3A_377 : vector<1x512xi32>
        %slice3A_379 = vector.extract_strided_slice %get3A_371 {offsets = [0, 0], sizes = [1, 512], strides = [1, 1]} : vector<2x512xf32> to vector<1x512xf32>
        %jit3A_380 = arith.constant -1.000000e+09 : f32
        %broadcast_in_dim3A_381 = vector.broadcast %jit3A_380 : f32 to vector<1x512xf32>
        %select_n3A_382 = arith.select %lt3A_378, %slice3A_379, %broadcast_in_dim3A_381 : vector<1x512xi1>, vector<1x512xf32>
        %slice3A_383 = vector.extract_strided_slice %get3A_371 {offsets = [1, 0], sizes = [1, 512], strides = [1, 1]} : vector<2x512xf32> to vector<1x512xf32>
        %jit3A_384 = arith.constant -1.000000e+09 : f32
        %broadcast_in_dim3A_385 = vector.broadcast %jit3A_384 : f32 to vector<1x512xf32>
        %select_n3A_386 = arith.select %lt3A_378, %slice3A_383, %broadcast_in_dim3A_385 : vector<1x512xi1>, vector<1x512xf32>
        %sub3A_387 = vector.broadcast %slice3A_260 : vector<192x1xf32> to vector<192x512xf32>
        %sub3A_388 = vector.broadcast %select_n3A_382 : vector<1x512xf32> to vector<192x512xf32>
        %sub3A_389 = arith.subf %sub3A_387, %sub3A_388 : vector<192x512xf32>
        %sub3A_390 = vector.broadcast %slice3A_261 : vector<192x1xf32> to vector<192x512xf32>
        %sub3A_391 = vector.broadcast %select_n3A_386 : vector<1x512xf32> to vector<192x512xf32>
        %sub3A_392 = arith.subf %sub3A_390, %sub3A_391 : vector<192x512xf32>
        %mul3A_393 = arith.mulf %sub3A_389, %sub3A_389 : vector<192x512xf32>
        %mul3A_394 = arith.mulf %sub3A_392, %sub3A_392 : vector<192x512xf32>
        %add3A_395 = arith.addf %mul3A_393, %mul3A_394 : vector<192x512xf32>
        %reduce_min3A_396 = arith.constant dense<0x7F800000> : vector<192xf32>
        %reduce_min3A_397 = vector.multi_reduction <minimumf>, %add3A_395, %reduce_min3A_396 [1] : vector<192x512xf32> to vector<192xf32>
        %broadcast_in_dim3A_398 = vector.shape_cast %reduce_min3A_397 : vector<192xf32> to vector<192x1xf32>
        %reduce_min3A_399 = arith.constant dense<0x7F800000> : vector<512xf32>
        %reduce_min3A_400 = vector.multi_reduction <minimumf>, %add3A_395, %reduce_min3A_399 [0] : vector<192x512xf32> to vector<512xf32>
        %broadcast_in_dim3A_401 = vector.shape_cast %reduce_min3A_400 : vector<512xf32> to vector<1x512xf32>
        %jit3A_402 = arith.constant 0.000000e+00 : f32
        %broadcast_in_dim3A_403 = vector.broadcast %jit3A_402 : f32 to vector<1x512xf32>
        %select_n3A_404 = arith.select %lt3A_378, %broadcast_in_dim3A_401, %broadcast_in_dim3A_403 : vector<1x512xi1>, vector<1x512xf32>
        %reduce_sum3A_405 = vector.shape_cast %select_n3A_404 : vector<1x512xf32> to vector<1x1x512xf32>
        %reduce_sum3A_406 = arith.constant dense<0.000000e+00> : vector<1xf32>
        %reduce_sum3A_407 = vector.multi_reduction <add>, %reduce_sum3A_405, %reduce_sum3A_406 [1, 2] : vector<1x1x512xf32> to vector<1xf32>
        %reduce_sum3A_408 = vector.shape_cast %reduce_sum3A_407 : vector<1xf32> to vector<1x1x1xf32>
        %reduce_sum3A_409 = vector.extract %reduce_sum3A_408[0, 0, 0] : f32 from vector<1x1x1xf32>
        %min3A_410 = arith.minimumf %broadcast_in_dim3A_348, %broadcast_in_dim3A_398 : vector<192x1xf32>
        %min3A_411 = arith.minimumf %while3A_312, %min3A_410 : vector<192x1xf32>
        %add3A_412 = arith.addf %reduce_sum3A_359, %reduce_sum3A_409 : f32
        %add3A_413 = arith.addf %while3A_313, %add3A_412 : f32
        scf.yield %min3A_411, %add3A_413 : vector<192x1xf32>, f32
      }
      %while3A_273 = arith.constant 1 : i32
      %while3A_274:2 = scf.for %while3A_311 = %while3A_270 to %while3A_266 step %while3A_273 iter_args(%while3A_312 = %while3A_272#0, %while3A_313 = %while3A_272#1) -> (vector<192x1xf32>, f32)  : i32 {
        %mul3A_314 = arith.constant 2 : i32
        %mul3A_315 = arith.muli %mul3A_314, %while3A_311 : i32
        %min3A = arith.constant 9 : i32
        %min3A_316 = arith.minsi %mul3A_315, %min3A : i32
        %get3A_317 = arith.constant 0 : index
        %get3A_318 = arith.index_cast %min3A_316 : i32 to index
        %get3A_319 = arith.constant 0 : index
        %get3A_320 = arith.constant 0 : index
        %get3A_321 = vector.load %arg6[%get3A_317, %get3A_318, %get3A_319, %get3A_320] : memref<1x10x2x512xf32, #tpu.memory_space<vmem>>, vector<1x1x2x512xf32>
        %get3A_322 = vector.shape_cast %get3A_321 : vector<1x1x2x512xf32> to vector<2x512xf32>
        %iota3A_323 = tpu.iota {dimensions = array<i32: 1>} : vector<1x512xi32>
        %mul3A_324 = arith.constant 512 : i32
        %mul3A_325 = arith.muli %mul3A_315, %mul3A_324 : i32
        %add3A_326 = vector.broadcast %mul3A_325 : i32 to vector<1x512xi32>
        %add3A_327 = arith.addi %iota3A_323, %add3A_326 : vector<1x512xi32>
        %lt3A_328 = vector.broadcast %get3A_4 : i32 to vector<1x512xi32>
        %lt3A_329 = arith.cmpi slt, %add3A_327, %lt3A_328 : vector<1x512xi32>
        %slice3A_330 = vector.extract_strided_slice %get3A_322 {offsets = [0, 0], sizes = [1, 512], strides = [1, 1]} : vector<2x512xf32> to vector<1x512xf32>
        %jit3A_331 = arith.constant -1.000000e+09 : f32
        %broadcast_in_dim3A_332 = vector.broadcast %jit3A_331 : f32 to vector<1x512xf32>
        %select_n3A_333 = arith.select %lt3A_329, %slice3A_330, %broadcast_in_dim3A_332 : vector<1x512xi1>, vector<1x512xf32>
        %slice3A_334 = vector.extract_strided_slice %get3A_322 {offsets = [1, 0], sizes = [1, 512], strides = [1, 1]} : vector<2x512xf32> to vector<1x512xf32>
        %jit3A_335 = arith.constant -1.000000e+09 : f32
        %broadcast_in_dim3A_336 = vector.broadcast %jit3A_335 : f32 to vector<1x512xf32>
        %select_n3A_337 = arith.select %lt3A_329, %slice3A_334, %broadcast_in_dim3A_336 : vector<1x512xi1>, vector<1x512xf32>
        %sub3A_338 = vector.broadcast %slice3A_260 : vector<192x1xf32> to vector<192x512xf32>
        %sub3A_339 = vector.broadcast %select_n3A_333 : vector<1x512xf32> to vector<192x512xf32>
        %sub3A_340 = arith.subf %sub3A_338, %sub3A_339 : vector<192x512xf32>
        %sub3A_341 = vector.broadcast %slice3A_261 : vector<192x1xf32> to vector<192x512xf32>
        %sub3A_342 = vector.broadcast %select_n3A_337 : vector<1x512xf32> to vector<192x512xf32>
        %sub3A_343 = arith.subf %sub3A_341, %sub3A_342 : vector<192x512xf32>
        %mul3A_344 = arith.mulf %sub3A_340, %sub3A_340 : vector<192x512xf32>
        %mul3A_345 = arith.mulf %sub3A_343, %sub3A_343 : vector<192x512xf32>
        %add3A_346 = arith.addf %mul3A_344, %mul3A_345 : vector<192x512xf32>
        %reduce_min3A = arith.constant dense<0x7F800000> : vector<192xf32>
        %reduce_min3A_347 = vector.multi_reduction <minimumf>, %add3A_346, %reduce_min3A [1] : vector<192x512xf32> to vector<192xf32>
        %broadcast_in_dim3A_348 = vector.shape_cast %reduce_min3A_347 : vector<192xf32> to vector<192x1xf32>
        %reduce_min3A_349 = arith.constant dense<0x7F800000> : vector<512xf32>
        %reduce_min3A_350 = vector.multi_reduction <minimumf>, %add3A_346, %reduce_min3A_349 [0] : vector<192x512xf32> to vector<512xf32>
        %broadcast_in_dim3A_351 = vector.shape_cast %reduce_min3A_350 : vector<512xf32> to vector<1x512xf32>
        %jit3A_352 = arith.constant 0.000000e+00 : f32
        %broadcast_in_dim3A_353 = vector.broadcast %jit3A_352 : f32 to vector<1x512xf32>
        %select_n3A_354 = arith.select %lt3A_329, %broadcast_in_dim3A_351, %broadcast_in_dim3A_353 : vector<1x512xi1>, vector<1x512xf32>
        %reduce_sum3A_355 = vector.shape_cast %select_n3A_354 : vector<1x512xf32> to vector<1x1x512xf32>
        %reduce_sum3A_356 = arith.constant dense<0.000000e+00> : vector<1xf32>
        %reduce_sum3A_357 = vector.multi_reduction <add>, %reduce_sum3A_355, %reduce_sum3A_356 [1, 2] : vector<1x1x512xf32> to vector<1xf32>
        %reduce_sum3A_358 = vector.shape_cast %reduce_sum3A_357 : vector<1xf32> to vector<1x1x1xf32>
        %reduce_sum3A_359 = vector.extract %reduce_sum3A_358[0, 0, 0] : f32 from vector<1x1x1xf32>
        %mul3A_360 = arith.constant 2 : i32
        %mul3A_361 = arith.muli %mul3A_360, %while3A_311 : i32
        %add3A_362 = arith.constant 1 : i32
        %add3A_363 = arith.addi %mul3A_361, %add3A_362 : i32
        %min3A_364 = arith.constant 9 : i32
        %min3A_365 = arith.minsi %add3A_363, %min3A_364 : i32
        %get3A_366 = arith.constant 0 : index
        %get3A_367 = arith.index_cast %min3A_365 : i32 to index
        %get3A_368 = arith.constant 0 : index
        %get3A_369 = arith.constant 0 : index
        %get3A_370 = vector.load %arg6[%get3A_366, %get3A_367, %get3A_368, %get3A_369] : memref<1x10x2x512xf32, #tpu.memory_space<vmem>>, vector<1x1x2x512xf32>
        %get3A_371 = vector.shape_cast %get3A_370 : vector<1x1x2x512xf32> to vector<2x512xf32>
        %iota3A_372 = tpu.iota {dimensions = array<i32: 1>} : vector<1x512xi32>
        %mul3A_373 = arith.constant 512 : i32
        %mul3A_374 = arith.muli %add3A_363, %mul3A_373 : i32
        %add3A_375 = vector.broadcast %mul3A_374 : i32 to vector<1x512xi32>
        %add3A_376 = arith.addi %iota3A_372, %add3A_375 : vector<1x512xi32>
        %lt3A_377 = vector.broadcast %get3A_4 : i32 to vector<1x512xi32>
        %lt3A_378 = arith.cmpi slt, %add3A_376, %lt3A_377 : vector<1x512xi32>
        %slice3A_379 = vector.extract_strided_slice %get3A_371 {offsets = [0, 0], sizes = [1, 512], strides = [1, 1]} : vector<2x512xf32> to vector<1x512xf32>
        %jit3A_380 = arith.constant -1.000000e+09 : f32
        %broadcast_in_dim3A_381 = vector.broadcast %jit3A_380 : f32 to vector<1x512xf32>
        %select_n3A_382 = arith.select %lt3A_378, %slice3A_379, %broadcast_in_dim3A_381 : vector<1x512xi1>, vector<1x512xf32>
        %slice3A_383 = vector.extract_strided_slice %get3A_371 {offsets = [1, 0], sizes = [1, 512], strides = [1, 1]} : vector<2x512xf32> to vector<1x512xf32>
        %jit3A_384 = arith.constant -1.000000e+09 : f32
        %broadcast_in_dim3A_385 = vector.broadcast %jit3A_384 : f32 to vector<1x512xf32>
        %select_n3A_386 = arith.select %lt3A_378, %slice3A_383, %broadcast_in_dim3A_385 : vector<1x512xi1>, vector<1x512xf32>
        %sub3A_387 = vector.broadcast %slice3A_260 : vector<192x1xf32> to vector<192x512xf32>
        %sub3A_388 = vector.broadcast %select_n3A_382 : vector<1x512xf32> to vector<192x512xf32>
        %sub3A_389 = arith.subf %sub3A_387, %sub3A_388 : vector<192x512xf32>
        %sub3A_390 = vector.broadcast %slice3A_261 : vector<192x1xf32> to vector<192x512xf32>
        %sub3A_391 = vector.broadcast %select_n3A_386 : vector<1x512xf32> to vector<192x512xf32>
        %sub3A_392 = arith.subf %sub3A_390, %sub3A_391 : vector<192x512xf32>
        %mul3A_393 = arith.mulf %sub3A_389, %sub3A_389 : vector<192x512xf32>
        %mul3A_394 = arith.mulf %sub3A_392, %sub3A_392 : vector<192x512xf32>
        %add3A_395 = arith.addf %mul3A_393, %mul3A_394 : vector<192x512xf32>
        %reduce_min3A_396 = arith.constant dense<0x7F800000> : vector<192xf32>
        %reduce_min3A_397 = vector.multi_reduction <minimumf>, %add3A_395, %reduce_min3A_396 [1] : vector<192x512xf32> to vector<192xf32>
        %broadcast_in_dim3A_398 = vector.shape_cast %reduce_min3A_397 : vector<192xf32> to vector<192x1xf32>
        %reduce_min3A_399 = arith.constant dense<0x7F800000> : vector<512xf32>
        %reduce_min3A_400 = vector.multi_reduction <minimumf>, %add3A_395, %reduce_min3A_399 [0] : vector<192x512xf32> to vector<512xf32>
        %broadcast_in_dim3A_401 = vector.shape_cast %reduce_min3A_400 : vector<512xf32> to vector<1x512xf32>
        %jit3A_402 = arith.constant 0.000000e+00 : f32
        %broadcast_in_dim3A_403 = vector.broadcast %jit3A_402 : f32 to vector<1x512xf32>
        %select_n3A_404 = arith.select %lt3A_378, %broadcast_in_dim3A_401, %broadcast_in_dim3A_403 : vector<1x512xi1>, vector<1x512xf32>
        %reduce_sum3A_405 = vector.shape_cast %select_n3A_404 : vector<1x512xf32> to vector<1x1x512xf32>
        %reduce_sum3A_406 = arith.constant dense<0.000000e+00> : vector<1xf32>
        %reduce_sum3A_407 = vector.multi_reduction <add>, %reduce_sum3A_405, %reduce_sum3A_406 [1, 2] : vector<1x1x512xf32> to vector<1xf32>
        %reduce_sum3A_408 = vector.shape_cast %reduce_sum3A_407 : vector<1xf32> to vector<1x1x1xf32>
        %reduce_sum3A_409 = vector.extract %reduce_sum3A_408[0, 0, 0] : f32 from vector<1x1x1xf32>
        %min3A_410 = arith.minimumf %broadcast_in_dim3A_348, %broadcast_in_dim3A_398 : vector<192x1xf32>
        %min3A_411 = arith.minimumf %while3A_312, %min3A_410 : vector<192x1xf32>
        %add3A_412 = arith.addf %reduce_sum3A_359, %reduce_sum3A_409 : f32
        %add3A_413 = arith.addf %while3A_313, %add3A_412 : f32
        scf.yield %min3A_411, %add3A_413 : vector<192x1xf32>, f32
      }
      %mul3A_275 = arith.constant 2 : i32
      %mul3A_276 = arith.muli %mul3A_275, %select_n3A_134 : i32
      %while3A_277 = arith.subi %select_n3A_110, %mul3A_276 : i32
      %while3A_278 = arith.addi %mul3A_276, %while3A_277 : i32
      %while3A_279 = arith.constant 1 : i32
      %while3A_280 = arith.divsi %while3A_277, %while3A_279 : i32
      %while3A_281 = arith.muli %while3A_280, %while3A_279 : i32
      %while3A_282 = arith.addi %mul3A_276, %while3A_281 : i32
      %while3A_283 = arith.constant 1 : i32
      %while3A_284:2 = scf.for %while3A_311 = %mul3A_276 to %while3A_282 step %while3A_283 iter_args(%while3A_312 = %while3A_274#0, %while3A_313 = %while3A_274#1) -> (vector<192x1xf32>, f32)  : i32 {
        %min3A = arith.constant 9 : i32
        %min3A_314 = arith.minsi %while3A_311, %min3A : i32
        %get3A_315 = arith.constant 0 : index
        %get3A_316 = arith.index_cast %min3A_314 : i32 to index
        %get3A_317 = arith.constant 0 : index
        %get3A_318 = arith.constant 0 : index
        %get3A_319 = vector.load %arg6[%get3A_315, %get3A_316, %get3A_317, %get3A_318] : memref<1x10x2x512xf32, #tpu.memory_space<vmem>>, vector<1x1x2x512xf32>
        %get3A_320 = vector.shape_cast %get3A_319 : vector<1x1x2x512xf32> to vector<2x512xf32>
        %iota3A_321 = tpu.iota {dimensions = array<i32: 1>} : vector<1x512xi32>
        %mul3A_322 = arith.constant 512 : i32
        %mul3A_323 = arith.muli %while3A_311, %mul3A_322 : i32
        %add3A_324 = vector.broadcast %mul3A_323 : i32 to vector<1x512xi32>
        %add3A_325 = arith.addi %iota3A_321, %add3A_324 : vector<1x512xi32>
        %lt3A_326 = vector.broadcast %get3A_4 : i32 to vector<1x512xi32>
        %lt3A_327 = arith.cmpi slt, %add3A_325, %lt3A_326 : vector<1x512xi32>
        %slice3A_328 = vector.extract_strided_slice %get3A_320 {offsets = [0, 0], sizes = [1, 512], strides = [1, 1]} : vector<2x512xf32> to vector<1x512xf32>
        %jit3A_329 = arith.constant -1.000000e+09 : f32
        %broadcast_in_dim3A_330 = vector.broadcast %jit3A_329 : f32 to vector<1x512xf32>
        %select_n3A_331 = arith.select %lt3A_327, %slice3A_328, %broadcast_in_dim3A_330 : vector<1x512xi1>, vector<1x512xf32>
        %slice3A_332 = vector.extract_strided_slice %get3A_320 {offsets = [1, 0], sizes = [1, 512], strides = [1, 1]} : vector<2x512xf32> to vector<1x512xf32>
        %jit3A_333 = arith.constant -1.000000e+09 : f32
        %broadcast_in_dim3A_334 = vector.broadcast %jit3A_333 : f32 to vector<1x512xf32>
        %select_n3A_335 = arith.select %lt3A_327, %slice3A_332, %broadcast_in_dim3A_334 : vector<1x512xi1>, vector<1x512xf32>
        %sub3A_336 = vector.broadcast %slice3A_260 : vector<192x1xf32> to vector<192x512xf32>
        %sub3A_337 = vector.broadcast %select_n3A_331 : vector<1x512xf32> to vector<192x512xf32>
        %sub3A_338 = arith.subf %sub3A_336, %sub3A_337 : vector<192x512xf32>
        %sub3A_339 = vector.broadcast %slice3A_261 : vector<192x1xf32> to vector<192x512xf32>
        %sub3A_340 = vector.broadcast %select_n3A_335 : vector<1x512xf32> to vector<192x512xf32>
        %sub3A_341 = arith.subf %sub3A_339, %sub3A_340 : vector<192x512xf32>
        %mul3A_342 = arith.mulf %sub3A_338, %sub3A_338 : vector<192x512xf32>
        %mul3A_343 = arith.mulf %sub3A_341, %sub3A_341 : vector<192x512xf32>
        %add3A_344 = arith.addf %mul3A_342, %mul3A_343 : vector<192x512xf32>
        %reduce_min3A = arith.constant dense<0x7F800000> : vector<192xf32>
        %reduce_min3A_345 = vector.multi_reduction <minimumf>, %add3A_344, %reduce_min3A [1] : vector<192x512xf32> to vector<192xf32>
        %broadcast_in_dim3A_346 = vector.shape_cast %reduce_min3A_345 : vector<192xf32> to vector<192x1xf32>
        %reduce_min3A_347 = arith.constant dense<0x7F800000> : vector<512xf32>
        %reduce_min3A_348 = vector.multi_reduction <minimumf>, %add3A_344, %reduce_min3A_347 [0] : vector<192x512xf32> to vector<512xf32>
        %broadcast_in_dim3A_349 = vector.shape_cast %reduce_min3A_348 : vector<512xf32> to vector<1x512xf32>
        %jit3A_350 = arith.constant 0.000000e+00 : f32
        %broadcast_in_dim3A_351 = vector.broadcast %jit3A_350 : f32 to vector<1x512xf32>
        %select_n3A_352 = arith.select %lt3A_327, %broadcast_in_dim3A_349, %broadcast_in_dim3A_351 : vector<1x512xi1>, vector<1x512xf32>
        %reduce_sum3A_353 = vector.shape_cast %select_n3A_352 : vector<1x512xf32> to vector<1x1x512xf32>
        %reduce_sum3A_354 = arith.constant dense<0.000000e+00> : vector<1xf32>
        %reduce_sum3A_355 = vector.multi_reduction <add>, %reduce_sum3A_353, %reduce_sum3A_354 [1, 2] : vector<1x1x512xf32> to vector<1xf32>
        %reduce_sum3A_356 = vector.shape_cast %reduce_sum3A_355 : vector<1xf32> to vector<1x1x1xf32>
        %reduce_sum3A_357 = vector.extract %reduce_sum3A_356[0, 0, 0] : f32 from vector<1x1x1xf32>
        %min3A_358 = arith.minimumf %while3A_312, %broadcast_in_dim3A_346 : vector<192x1xf32>
        %add3A_359 = arith.addf %while3A_313, %reduce_sum3A_357 : f32
        scf.yield %min3A_358, %add3A_359 : vector<192x1xf32>, f32
      }
      %while3A_285 = arith.constant 1 : i32
      %while3A_286:2 = scf.for %while3A_311 = %while3A_282 to %while3A_278 step %while3A_285 iter_args(%while3A_312 = %while3A_284#0, %while3A_313 = %while3A_284#1) -> (vector<192x1xf32>, f32)  : i32 {
        %min3A = arith.constant 9 : i32
        %min3A_314 = arith.minsi %while3A_311, %min3A : i32
        %get3A_315 = arith.constant 0 : index
        %get3A_316 = arith.index_cast %min3A_314 : i32 to index
        %get3A_317 = arith.constant 0 : index
        %get3A_318 = arith.constant 0 : index
        %get3A_319 = vector.load %arg6[%get3A_315, %get3A_316, %get3A_317, %get3A_318] : memref<1x10x2x512xf32, #tpu.memory_space<vmem>>, vector<1x1x2x512xf32>
        %get3A_320 = vector.shape_cast %get3A_319 : vector<1x1x2x512xf32> to vector<2x512xf32>
        %iota3A_321 = tpu.iota {dimensions = array<i32: 1>} : vector<1x512xi32>
        %mul3A_322 = arith.constant 512 : i32
        %mul3A_323 = arith.muli %while3A_311, %mul3A_322 : i32
        %add3A_324 = vector.broadcast %mul3A_323 : i32 to vector<1x512xi32>
        %add3A_325 = arith.addi %iota3A_321, %add3A_324 : vector<1x512xi32>
        %lt3A_326 = vector.broadcast %get3A_4 : i32 to vector<1x512xi32>
        %lt3A_327 = arith.cmpi slt, %add3A_325, %lt3A_326 : vector<1x512xi32>
        %slice3A_328 = vector.extract_strided_slice %get3A_320 {offsets = [0, 0], sizes = [1, 512], strides = [1, 1]} : vector<2x512xf32> to vector<1x512xf32>
        %jit3A_329 = arith.constant -1.000000e+09 : f32
        %broadcast_in_dim3A_330 = vector.broadcast %jit3A_329 : f32 to vector<1x512xf32>
        %select_n3A_331 = arith.select %lt3A_327, %slice3A_328, %broadcast_in_dim3A_330 : vector<1x512xi1>, vector<1x512xf32>
        %slice3A_332 = vector.extract_strided_slice %get3A_320 {offsets = [1, 0], sizes = [1, 512], strides = [1, 1]} : vector<2x512xf32> to vector<1x512xf32>
        %jit3A_333 = arith.constant -1.000000e+09 : f32
        %broadcast_in_dim3A_334 = vector.broadcast %jit3A_333 : f32 to vector<1x512xf32>
        %select_n3A_335 = arith.select %lt3A_327, %slice3A_332, %broadcast_in_dim3A_334 : vector<1x512xi1>, vector<1x512xf32>
        %sub3A_336 = vector.broadcast %slice3A_260 : vector<192x1xf32> to vector<192x512xf32>
        %sub3A_337 = vector.broadcast %select_n3A_331 : vector<1x512xf32> to vector<192x512xf32>
        %sub3A_338 = arith.subf %sub3A_336, %sub3A_337 : vector<192x512xf32>
        %sub3A_339 = vector.broadcast %slice3A_261 : vector<192x1xf32> to vector<192x512xf32>
        %sub3A_340 = vector.broadcast %select_n3A_335 : vector<1x512xf32> to vector<192x512xf32>
        %sub3A_341 = arith.subf %sub3A_339, %sub3A_340 : vector<192x512xf32>
        %mul3A_342 = arith.mulf %sub3A_338, %sub3A_338 : vector<192x512xf32>
        %mul3A_343 = arith.mulf %sub3A_341, %sub3A_341 : vector<192x512xf32>
        %add3A_344 = arith.addf %mul3A_342, %mul3A_343 : vector<192x512xf32>
        %reduce_min3A = arith.constant dense<0x7F800000> : vector<192xf32>
        %reduce_min3A_345 = vector.multi_reduction <minimumf>, %add3A_344, %reduce_min3A [1] : vector<192x512xf32> to vector<192xf32>
        %broadcast_in_dim3A_346 = vector.shape_cast %reduce_min3A_345 : vector<192xf32> to vector<192x1xf32>
        %reduce_min3A_347 = arith.constant dense<0x7F800000> : vector<512xf32>
        %reduce_min3A_348 = vector.multi_reduction <minimumf>, %add3A_344, %reduce_min3A_347 [0] : vector<192x512xf32> to vector<512xf32>
        %broadcast_in_dim3A_349 = vector.shape_cast %reduce_min3A_348 : vector<512xf32> to vector<1x512xf32>
        %jit3A_350 = arith.constant 0.000000e+00 : f32
        %broadcast_in_dim3A_351 = vector.broadcast %jit3A_350 : f32 to vector<1x512xf32>
        %select_n3A_352 = arith.select %lt3A_327, %broadcast_in_dim3A_349, %broadcast_in_dim3A_351 : vector<1x512xi1>, vector<1x512xf32>
        %reduce_sum3A_353 = vector.shape_cast %select_n3A_352 : vector<1x512xf32> to vector<1x1x512xf32>
        %reduce_sum3A_354 = arith.constant dense<0.000000e+00> : vector<1xf32>
        %reduce_sum3A_355 = vector.multi_reduction <add>, %reduce_sum3A_353, %reduce_sum3A_354 [1, 2] : vector<1x1x512xf32> to vector<1xf32>
        %reduce_sum3A_356 = vector.shape_cast %reduce_sum3A_355 : vector<1xf32> to vector<1x1x1xf32>
        %reduce_sum3A_357 = vector.extract %reduce_sum3A_356[0, 0, 0] : f32 from vector<1x1x1xf32>
        %min3A_358 = arith.minimumf %while3A_312, %broadcast_in_dim3A_346 : vector<192x1xf32>
        %add3A_359 = arith.addf %while3A_313, %reduce_sum3A_357 : f32
        scf.yield %min3A_358, %add3A_359 : vector<192x1xf32>, f32
      }
      %iota3A_287 = tpu.iota {dimensions = array<i32: 0>} : vector<192x1xi32>
      %lt3A_288 = vector.broadcast %get3A_1 : i32 to vector<192x1xi32>
      %lt3A_289 = arith.cmpi slt, %iota3A_287, %lt3A_288 : vector<192x1xi32>
      %jit3A_290 = arith.constant 0.000000e+00 : f32
      %broadcast_in_dim3A_291 = vector.broadcast %jit3A_290 : f32 to vector<192x1xf32>
      %select_n3A_292 = arith.select %lt3A_289, %while3A_286#0, %broadcast_in_dim3A_291 : vector<192x1xi1>, vector<192x1xf32>
      %reduce_sum3A = vector.shape_cast %select_n3A_292 : vector<192x1xf32> to vector<1x192x1xf32>
      %reduce_sum3A_293 = arith.constant dense<0.000000e+00> : vector<1xf32>
      %reduce_sum3A_294 = vector.multi_reduction <add>, %reduce_sum3A, %reduce_sum3A_293 [1, 2] : vector<1x192x1xf32> to vector<1xf32>
      %reduce_sum3A_295 = vector.shape_cast %reduce_sum3A_294 : vector<1xf32> to vector<1x1x1xf32>
      %reduce_sum3A_296 = vector.extract %reduce_sum3A_295[0, 0, 0] : f32 from vector<1x1x1xf32>
      %div3A_297 = arith.divf %reduce_sum3A_296, %convert_element_type3A : f32
      %div3A_298 = arith.divf %while3A_286#1, %convert_element_type3A_8 : f32
      %add3A_299 = arith.addf %div3A_297, %div3A_298 : f32
      %mul3A_300 = arith.constant 1.250000e-01 : f32
      %mul3A_301 = arith.mulf %add3A_299, %mul3A_300 : f32
      %eq3A = arith.constant 0 : i32
      %eq3A_302 = arith.cmpi eq, %arg1, %eq3A : i32
      %convert_element_type3A_303 = arith.extui %eq3A_302 : i1 to i32
      %cond3A_304 = arith.constant 0 : i32
      %cond3A_305 = arith.cmpi ne, %convert_element_type3A_303, %cond3A_304 : i32
      scf.if %cond3A_305 {
        %swap3A = arith.index_cast %arg0 : i32 to index
        %swap3A_311 = arith.constant 0 : index
        %swap3A_312 = memref.load %arg7[%swap3A, %swap3A_311] : memref<4x1xf32, #tpu.memory_space<smem>>
        memref.store %mul3A_301, %arg7[%swap3A, %swap3A_311] : memref<4x1xf32, #tpu.memory_space<smem>>
      } else {
      }
      %gt3A_306 = arith.constant 0 : i32
      %gt3A_307 = arith.cmpi sgt, %arg1, %gt3A_306 : i32
      %convert_element_type3A_308 = arith.extui %gt3A_307 : i1 to i32
      %cond3A_309 = arith.constant 0 : i32
      %cond3A_310 = arith.cmpi ne, %convert_element_type3A_308, %cond3A_309 : i32
      scf.if %cond3A_310 {
        %get3A_311 = arith.index_cast %arg0 : i32 to index
        %get3A_312 = arith.constant 0 : index
        %get3A_313 = memref.load %arg7[%get3A_311, %get3A_312] : memref<4x1xf32, #tpu.memory_space<smem>>
        %add3A_314 = arith.addf %get3A_313, %mul3A_301 : f32
        %swap3A = arith.index_cast %arg0 : i32 to index
        %swap3A_315 = arith.constant 0 : index
        %swap3A_316 = memref.load %arg7[%swap3A, %swap3A_315] : memref<4x1xf32, #tpu.memory_space<smem>>
        memref.store %add3A_314, %arg7[%swap3A, %swap3A_315] : memref<4x1xf32, #tpu.memory_space<smem>>
      } else {
      }
    } else {
    }
    %gt3A_156 = arith.constant 192 : i32
    %gt3A_157 = arith.cmpi sgt, %get3A_1, %gt3A_156 : i32
    %le3A_158 = arith.constant 256 : i32
    %le3A_159 = arith.cmpi sle, %get3A_1, %le3A_158 : i32
    %and3A_160 = arith.andi %gt3A_157, %le3A_159 : i1
    %convert_element_type3A_161 = arith.extui %and3A_160 : i1 to i32
    %cond3A_162 = arith.constant 0 : i32
    %cond3A_163 = arith.cmpi ne, %convert_element_type3A_161, %cond3A_162 : i32
    scf.if %cond3A_163 {
      %slice3A_260 = vector.extract_strided_slice %reshape3A {offsets = [0, 0], sizes = [256, 1], strides = [1, 1]} : vector<1024x1xf32> to vector<256x1xf32>
      %slice3A_261 = vector.extract_strided_slice %reshape3A_87 {offsets = [0, 0], sizes = [256, 1], strides = [1, 1]} : vector<1024x1xf32> to vector<256x1xf32>
      %broadcast_in_dim3A_262 = arith.constant 1.000000e+30 : f32
      %broadcast_in_dim3A_263 = vector.broadcast %broadcast_in_dim3A_262 : f32 to vector<256x1xf32>
      %while3A = arith.constant 0 : i32
      %while3A_264 = arith.constant 0.000000e+00 : f32
      %while3A_265 = arith.subi %select_n3A_134, %while3A : i32
      %while3A_266 = arith.addi %while3A, %while3A_265 : i32
      %while3A_267 = arith.constant 1 : i32
      %while3A_268 = arith.divsi %while3A_265, %while3A_267 : i32
      %while3A_269 = arith.muli %while3A_268, %while3A_267 : i32
      %while3A_270 = arith.addi %while3A, %while3A_269 : i32
      %while3A_271 = arith.constant 1 : i32
      %while3A_272:2 = scf.for %while3A_311 = %while3A to %while3A_270 step %while3A_271 iter_args(%while3A_312 = %broadcast_in_dim3A_263, %while3A_313 = %while3A_264) -> (vector<256x1xf32>, f32)  : i32 {
        %mul3A_314 = arith.constant 2 : i32
        %mul3A_315 = arith.muli %mul3A_314, %while3A_311 : i32
        %min3A = arith.constant 9 : i32
        %min3A_316 = arith.minsi %mul3A_315, %min3A : i32
        %get3A_317 = arith.constant 0 : index
        %get3A_318 = arith.index_cast %min3A_316 : i32 to index
        %get3A_319 = arith.constant 0 : index
        %get3A_320 = arith.constant 0 : index
        %get3A_321 = vector.load %arg6[%get3A_317, %get3A_318, %get3A_319, %get3A_320] : memref<1x10x2x512xf32, #tpu.memory_space<vmem>>, vector<1x1x2x512xf32>
        %get3A_322 = vector.shape_cast %get3A_321 : vector<1x1x2x512xf32> to vector<2x512xf32>
        %iota3A_323 = tpu.iota {dimensions = array<i32: 1>} : vector<1x512xi32>
        %mul3A_324 = arith.constant 512 : i32
        %mul3A_325 = arith.muli %mul3A_315, %mul3A_324 : i32
        %add3A_326 = vector.broadcast %mul3A_325 : i32 to vector<1x512xi32>
        %add3A_327 = arith.addi %iota3A_323, %add3A_326 : vector<1x512xi32>
        %lt3A_328 = vector.broadcast %get3A_4 : i32 to vector<1x512xi32>
        %lt3A_329 = arith.cmpi slt, %add3A_327, %lt3A_328 : vector<1x512xi32>
        %slice3A_330 = vector.extract_strided_slice %get3A_322 {offsets = [0, 0], sizes = [1, 512], strides = [1, 1]} : vector<2x512xf32> to vector<1x512xf32>
        %jit3A_331 = arith.constant -1.000000e+09 : f32
        %broadcast_in_dim3A_332 = vector.broadcast %jit3A_331 : f32 to vector<1x512xf32>
        %select_n3A_333 = arith.select %lt3A_329, %slice3A_330, %broadcast_in_dim3A_332 : vector<1x512xi1>, vector<1x512xf32>
        %slice3A_334 = vector.extract_strided_slice %get3A_322 {offsets = [1, 0], sizes = [1, 512], strides = [1, 1]} : vector<2x512xf32> to vector<1x512xf32>
        %jit3A_335 = arith.constant -1.000000e+09 : f32
        %broadcast_in_dim3A_336 = vector.broadcast %jit3A_335 : f32 to vector<1x512xf32>
        %select_n3A_337 = arith.select %lt3A_329, %slice3A_334, %broadcast_in_dim3A_336 : vector<1x512xi1>, vector<1x512xf32>
        %sub3A_338 = vector.broadcast %slice3A_260 : vector<256x1xf32> to vector<256x512xf32>
        %sub3A_339 = vector.broadcast %select_n3A_333 : vector<1x512xf32> to vector<256x512xf32>
        %sub3A_340 = arith.subf %sub3A_338, %sub3A_339 : vector<256x512xf32>
        %sub3A_341 = vector.broadcast %slice3A_261 : vector<256x1xf32> to vector<256x512xf32>
        %sub3A_342 = vector.broadcast %select_n3A_337 : vector<1x512xf32> to vector<256x512xf32>
        %sub3A_343 = arith.subf %sub3A_341, %sub3A_342 : vector<256x512xf32>
        %mul3A_344 = arith.mulf %sub3A_340, %sub3A_340 : vector<256x512xf32>
        %mul3A_345 = arith.mulf %sub3A_343, %sub3A_343 : vector<256x512xf32>
        %add3A_346 = arith.addf %mul3A_344, %mul3A_345 : vector<256x512xf32>
        %reduce_min3A = arith.constant dense<0x7F800000> : vector<256xf32>
        %reduce_min3A_347 = vector.multi_reduction <minimumf>, %add3A_346, %reduce_min3A [1] : vector<256x512xf32> to vector<256xf32>
        %broadcast_in_dim3A_348 = vector.shape_cast %reduce_min3A_347 : vector<256xf32> to vector<256x1xf32>
        %reduce_min3A_349 = arith.constant dense<0x7F800000> : vector<512xf32>
        %reduce_min3A_350 = vector.multi_reduction <minimumf>, %add3A_346, %reduce_min3A_349 [0] : vector<256x512xf32> to vector<512xf32>
        %broadcast_in_dim3A_351 = vector.shape_cast %reduce_min3A_350 : vector<512xf32> to vector<1x512xf32>
        %jit3A_352 = arith.constant 0.000000e+00 : f32
        %broadcast_in_dim3A_353 = vector.broadcast %jit3A_352 : f32 to vector<1x512xf32>
        %select_n3A_354 = arith.select %lt3A_329, %broadcast_in_dim3A_351, %broadcast_in_dim3A_353 : vector<1x512xi1>, vector<1x512xf32>
        %reduce_sum3A_355 = vector.shape_cast %select_n3A_354 : vector<1x512xf32> to vector<1x1x512xf32>
        %reduce_sum3A_356 = arith.constant dense<0.000000e+00> : vector<1xf32>
        %reduce_sum3A_357 = vector.multi_reduction <add>, %reduce_sum3A_355, %reduce_sum3A_356 [1, 2] : vector<1x1x512xf32> to vector<1xf32>
        %reduce_sum3A_358 = vector.shape_cast %reduce_sum3A_357 : vector<1xf32> to vector<1x1x1xf32>
        %reduce_sum3A_359 = vector.extract %reduce_sum3A_358[0, 0, 0] : f32 from vector<1x1x1xf32>
        %mul3A_360 = arith.constant 2 : i32
        %mul3A_361 = arith.muli %mul3A_360, %while3A_311 : i32
        %add3A_362 = arith.constant 1 : i32
        %add3A_363 = arith.addi %mul3A_361, %add3A_362 : i32
        %min3A_364 = arith.constant 9 : i32
        %min3A_365 = arith.minsi %add3A_363, %min3A_364 : i32
        %get3A_366 = arith.constant 0 : index
        %get3A_367 = arith.index_cast %min3A_365 : i32 to index
        %get3A_368 = arith.constant 0 : index
        %get3A_369 = arith.constant 0 : index
        %get3A_370 = vector.load %arg6[%get3A_366, %get3A_367, %get3A_368, %get3A_369] : memref<1x10x2x512xf32, #tpu.memory_space<vmem>>, vector<1x1x2x512xf32>
        %get3A_371 = vector.shape_cast %get3A_370 : vector<1x1x2x512xf32> to vector<2x512xf32>
        %iota3A_372 = tpu.iota {dimensions = array<i32: 1>} : vector<1x512xi32>
        %mul3A_373 = arith.constant 512 : i32
        %mul3A_374 = arith.muli %add3A_363, %mul3A_373 : i32
        %add3A_375 = vector.broadcast %mul3A_374 : i32 to vector<1x512xi32>
        %add3A_376 = arith.addi %iota3A_372, %add3A_375 : vector<1x512xi32>
        %lt3A_377 = vector.broadcast %get3A_4 : i32 to vector<1x512xi32>
        %lt3A_378 = arith.cmpi slt, %add3A_376, %lt3A_377 : vector<1x512xi32>
        %slice3A_379 = vector.extract_strided_slice %get3A_371 {offsets = [0, 0], sizes = [1, 512], strides = [1, 1]} : vector<2x512xf32> to vector<1x512xf32>
        %jit3A_380 = arith.constant -1.000000e+09 : f32
        %broadcast_in_dim3A_381 = vector.broadcast %jit3A_380 : f32 to vector<1x512xf32>
        %select_n3A_382 = arith.select %lt3A_378, %slice3A_379, %broadcast_in_dim3A_381 : vector<1x512xi1>, vector<1x512xf32>
        %slice3A_383 = vector.extract_strided_slice %get3A_371 {offsets = [1, 0], sizes = [1, 512], strides = [1, 1]} : vector<2x512xf32> to vector<1x512xf32>
        %jit3A_384 = arith.constant -1.000000e+09 : f32
        %broadcast_in_dim3A_385 = vector.broadcast %jit3A_384 : f32 to vector<1x512xf32>
        %select_n3A_386 = arith.select %lt3A_378, %slice3A_383, %broadcast_in_dim3A_385 : vector<1x512xi1>, vector<1x512xf32>
        %sub3A_387 = vector.broadcast %slice3A_260 : vector<256x1xf32> to vector<256x512xf32>
        %sub3A_388 = vector.broadcast %select_n3A_382 : vector<1x512xf32> to vector<256x512xf32>
        %sub3A_389 = arith.subf %sub3A_387, %sub3A_388 : vector<256x512xf32>
        %sub3A_390 = vector.broadcast %slice3A_261 : vector<256x1xf32> to vector<256x512xf32>
        %sub3A_391 = vector.broadcast %select_n3A_386 : vector<1x512xf32> to vector<256x512xf32>
        %sub3A_392 = arith.subf %sub3A_390, %sub3A_391 : vector<256x512xf32>
        %mul3A_393 = arith.mulf %sub3A_389, %sub3A_389 : vector<256x512xf32>
        %mul3A_394 = arith.mulf %sub3A_392, %sub3A_392 : vector<256x512xf32>
        %add3A_395 = arith.addf %mul3A_393, %mul3A_394 : vector<256x512xf32>
        %reduce_min3A_396 = arith.constant dense<0x7F800000> : vector<256xf32>
        %reduce_min3A_397 = vector.multi_reduction <minimumf>, %add3A_395, %reduce_min3A_396 [1] : vector<256x512xf32> to vector<256xf32>
        %broadcast_in_dim3A_398 = vector.shape_cast %reduce_min3A_397 : vector<256xf32> to vector<256x1xf32>
        %reduce_min3A_399 = arith.constant dense<0x7F800000> : vector<512xf32>
        %reduce_min3A_400 = vector.multi_reduction <minimumf>, %add3A_395, %reduce_min3A_399 [0] : vector<256x512xf32> to vector<512xf32>
        %broadcast_in_dim3A_401 = vector.shape_cast %reduce_min3A_400 : vector<512xf32> to vector<1x512xf32>
        %jit3A_402 = arith.constant 0.000000e+00 : f32
        %broadcast_in_dim3A_403 = vector.broadcast %jit3A_402 : f32 to vector<1x512xf32>
        %select_n3A_404 = arith.select %lt3A_378, %broadcast_in_dim3A_401, %broadcast_in_dim3A_403 : vector<1x512xi1>, vector<1x512xf32>
        %reduce_sum3A_405 = vector.shape_cast %select_n3A_404 : vector<1x512xf32> to vector<1x1x512xf32>
        %reduce_sum3A_406 = arith.constant dense<0.000000e+00> : vector<1xf32>
        %reduce_sum3A_407 = vector.multi_reduction <add>, %reduce_sum3A_405, %reduce_sum3A_406 [1, 2] : vector<1x1x512xf32> to vector<1xf32>
        %reduce_sum3A_408 = vector.shape_cast %reduce_sum3A_407 : vector<1xf32> to vector<1x1x1xf32>
        %reduce_sum3A_409 = vector.extract %reduce_sum3A_408[0, 0, 0] : f32 from vector<1x1x1xf32>
        %min3A_410 = arith.minimumf %broadcast_in_dim3A_348, %broadcast_in_dim3A_398 : vector<256x1xf32>
        %min3A_411 = arith.minimumf %while3A_312, %min3A_410 : vector<256x1xf32>
        %add3A_412 = arith.addf %reduce_sum3A_359, %reduce_sum3A_409 : f32
        %add3A_413 = arith.addf %while3A_313, %add3A_412 : f32
        scf.yield %min3A_411, %add3A_413 : vector<256x1xf32>, f32
      }
      %while3A_273 = arith.constant 1 : i32
      %while3A_274:2 = scf.for %while3A_311 = %while3A_270 to %while3A_266 step %while3A_273 iter_args(%while3A_312 = %while3A_272#0, %while3A_313 = %while3A_272#1) -> (vector<256x1xf32>, f32)  : i32 {
        %mul3A_314 = arith.constant 2 : i32
        %mul3A_315 = arith.muli %mul3A_314, %while3A_311 : i32
        %min3A = arith.constant 9 : i32
        %min3A_316 = arith.minsi %mul3A_315, %min3A : i32
        %get3A_317 = arith.constant 0 : index
        %get3A_318 = arith.index_cast %min3A_316 : i32 to index
        %get3A_319 = arith.constant 0 : index
        %get3A_320 = arith.constant 0 : index
        %get3A_321 = vector.load %arg6[%get3A_317, %get3A_318, %get3A_319, %get3A_320] : memref<1x10x2x512xf32, #tpu.memory_space<vmem>>, vector<1x1x2x512xf32>
        %get3A_322 = vector.shape_cast %get3A_321 : vector<1x1x2x512xf32> to vector<2x512xf32>
        %iota3A_323 = tpu.iota {dimensions = array<i32: 1>} : vector<1x512xi32>
        %mul3A_324 = arith.constant 512 : i32
        %mul3A_325 = arith.muli %mul3A_315, %mul3A_324 : i32
        %add3A_326 = vector.broadcast %mul3A_325 : i32 to vector<1x512xi32>
        %add3A_327 = arith.addi %iota3A_323, %add3A_326 : vector<1x512xi32>
        %lt3A_328 = vector.broadcast %get3A_4 : i32 to vector<1x512xi32>
        %lt3A_329 = arith.cmpi slt, %add3A_327, %lt3A_328 : vector<1x512xi32>
        %slice3A_330 = vector.extract_strided_slice %get3A_322 {offsets = [0, 0], sizes = [1, 512], strides = [1, 1]} : vector<2x512xf32> to vector<1x512xf32>
        %jit3A_331 = arith.constant -1.000000e+09 : f32
        %broadcast_in_dim3A_332 = vector.broadcast %jit3A_331 : f32 to vector<1x512xf32>
        %select_n3A_333 = arith.select %lt3A_329, %slice3A_330, %broadcast_in_dim3A_332 : vector<1x512xi1>, vector<1x512xf32>
        %slice3A_334 = vector.extract_strided_slice %get3A_322 {offsets = [1, 0], sizes = [1, 512], strides = [1, 1]} : vector<2x512xf32> to vector<1x512xf32>
        %jit3A_335 = arith.constant -1.000000e+09 : f32
        %broadcast_in_dim3A_336 = vector.broadcast %jit3A_335 : f32 to vector<1x512xf32>
        %select_n3A_337 = arith.select %lt3A_329, %slice3A_334, %broadcast_in_dim3A_336 : vector<1x512xi1>, vector<1x512xf32>
        %sub3A_338 = vector.broadcast %slice3A_260 : vector<256x1xf32> to vector<256x512xf32>
        %sub3A_339 = vector.broadcast %select_n3A_333 : vector<1x512xf32> to vector<256x512xf32>
        %sub3A_340 = arith.subf %sub3A_338, %sub3A_339 : vector<256x512xf32>
        %sub3A_341 = vector.broadcast %slice3A_261 : vector<256x1xf32> to vector<256x512xf32>
        %sub3A_342 = vector.broadcast %select_n3A_337 : vector<1x512xf32> to vector<256x512xf32>
        %sub3A_343 = arith.subf %sub3A_341, %sub3A_342 : vector<256x512xf32>
        %mul3A_344 = arith.mulf %sub3A_340, %sub3A_340 : vector<256x512xf32>
        %mul3A_345 = arith.mulf %sub3A_343, %sub3A_343 : vector<256x512xf32>
        %add3A_346 = arith.addf %mul3A_344, %mul3A_345 : vector<256x512xf32>
        %reduce_min3A = arith.constant dense<0x7F800000> : vector<256xf32>
        %reduce_min3A_347 = vector.multi_reduction <minimumf>, %add3A_346, %reduce_min3A [1] : vector<256x512xf32> to vector<256xf32>
        %broadcast_in_dim3A_348 = vector.shape_cast %reduce_min3A_347 : vector<256xf32> to vector<256x1xf32>
        %reduce_min3A_349 = arith.constant dense<0x7F800000> : vector<512xf32>
        %reduce_min3A_350 = vector.multi_reduction <minimumf>, %add3A_346, %reduce_min3A_349 [0] : vector<256x512xf32> to vector<512xf32>
        %broadcast_in_dim3A_351 = vector.shape_cast %reduce_min3A_350 : vector<512xf32> to vector<1x512xf32>
        %jit3A_352 = arith.constant 0.000000e+00 : f32
        %broadcast_in_dim3A_353 = vector.broadcast %jit3A_352 : f32 to vector<1x512xf32>
        %select_n3A_354 = arith.select %lt3A_329, %broadcast_in_dim3A_351, %broadcast_in_dim3A_353 : vector<1x512xi1>, vector<1x512xf32>
        %reduce_sum3A_355 = vector.shape_cast %select_n3A_354 : vector<1x512xf32> to vector<1x1x512xf32>
        %reduce_sum3A_356 = arith.constant dense<0.000000e+00> : vector<1xf32>
        %reduce_sum3A_357 = vector.multi_reduction <add>, %reduce_sum3A_355, %reduce_sum3A_356 [1, 2] : vector<1x1x512xf32> to vector<1xf32>
        %reduce_sum3A_358 = vector.shape_cast %reduce_sum3A_357 : vector<1xf32> to vector<1x1x1xf32>
        %reduce_sum3A_359 = vector.extract %reduce_sum3A_358[0, 0, 0] : f32 from vector<1x1x1xf32>
        %mul3A_360 = arith.constant 2 : i32
        %mul3A_361 = arith.muli %mul3A_360, %while3A_311 : i32
        %add3A_362 = arith.constant 1 : i32
        %add3A_363 = arith.addi %mul3A_361, %add3A_362 : i32
        %min3A_364 = arith.constant 9 : i32
        %min3A_365 = arith.minsi %add3A_363, %min3A_364 : i32
        %get3A_366 = arith.constant 0 : index
        %get3A_367 = arith.index_cast %min3A_365 : i32 to index
        %get3A_368 = arith.constant 0 : index
        %get3A_369 = arith.constant 0 : index
        %get3A_370 = vector.load %arg6[%get3A_366, %get3A_367, %get3A_368, %get3A_369] : memref<1x10x2x512xf32, #tpu.memory_space<vmem>>, vector<1x1x2x512xf32>
        %get3A_371 = vector.shape_cast %get3A_370 : vector<1x1x2x512xf32> to vector<2x512xf32>
        %iota3A_372 = tpu.iota {dimensions = array<i32: 1>} : vector<1x512xi32>
        %mul3A_373 = arith.constant 512 : i32
        %mul3A_374 = arith.muli %add3A_363, %mul3A_373 : i32
        %add3A_375 = vector.broadcast %mul3A_374 : i32 to vector<1x512xi32>
        %add3A_376 = arith.addi %iota3A_372, %add3A_375 : vector<1x512xi32>
        %lt3A_377 = vector.broadcast %get3A_4 : i32 to vector<1x512xi32>
        %lt3A_378 = arith.cmpi slt, %add3A_376, %lt3A_377 : vector<1x512xi32>
        %slice3A_379 = vector.extract_strided_slice %get3A_371 {offsets = [0, 0], sizes = [1, 512], strides = [1, 1]} : vector<2x512xf32> to vector<1x512xf32>
        %jit3A_380 = arith.constant -1.000000e+09 : f32
        %broadcast_in_dim3A_381 = vector.broadcast %jit3A_380 : f32 to vector<1x512xf32>
        %select_n3A_382 = arith.select %lt3A_378, %slice3A_379, %broadcast_in_dim3A_381 : vector<1x512xi1>, vector<1x512xf32>
        %slice3A_383 = vector.extract_strided_slice %get3A_371 {offsets = [1, 0], sizes = [1, 512], strides = [1, 1]} : vector<2x512xf32> to vector<1x512xf32>
        %jit3A_384 = arith.constant -1.000000e+09 : f32
        %broadcast_in_dim3A_385 = vector.broadcast %jit3A_384 : f32 to vector<1x512xf32>
        %select_n3A_386 = arith.select %lt3A_378, %slice3A_383, %broadcast_in_dim3A_385 : vector<1x512xi1>, vector<1x512xf32>
        %sub3A_387 = vector.broadcast %slice3A_260 : vector<256x1xf32> to vector<256x512xf32>
        %sub3A_388 = vector.broadcast %select_n3A_382 : vector<1x512xf32> to vector<256x512xf32>
        %sub3A_389 = arith.subf %sub3A_387, %sub3A_388 : vector<256x512xf32>
        %sub3A_390 = vector.broadcast %slice3A_261 : vector<256x1xf32> to vector<256x512xf32>
        %sub3A_391 = vector.broadcast %select_n3A_386 : vector<1x512xf32> to vector<256x512xf32>
        %sub3A_392 = arith.subf %sub3A_390, %sub3A_391 : vector<256x512xf32>
        %mul3A_393 = arith.mulf %sub3A_389, %sub3A_389 : vector<256x512xf32>
        %mul3A_394 = arith.mulf %sub3A_392, %sub3A_392 : vector<256x512xf32>
        %add3A_395 = arith.addf %mul3A_393, %mul3A_394 : vector<256x512xf32>
        %reduce_min3A_396 = arith.constant dense<0x7F800000> : vector<256xf32>
        %reduce_min3A_397 = vector.multi_reduction <minimumf>, %add3A_395, %reduce_min3A_396 [1] : vector<256x512xf32> to vector<256xf32>
        %broadcast_in_dim3A_398 = vector.shape_cast %reduce_min3A_397 : vector<256xf32> to vector<256x1xf32>
        %reduce_min3A_399 = arith.constant dense<0x7F800000> : vector<512xf32>
        %reduce_min3A_400 = vector.multi_reduction <minimumf>, %add3A_395, %reduce_min3A_399 [0] : vector<256x512xf32> to vector<512xf32>
        %broadcast_in_dim3A_401 = vector.shape_cast %reduce_min3A_400 : vector<512xf32> to vector<1x512xf32>
        %jit3A_402 = arith.constant 0.000000e+00 : f32
        %broadcast_in_dim3A_403 = vector.broadcast %jit3A_402 : f32 to vector<1x512xf32>
        %select_n3A_404 = arith.select %lt3A_378, %broadcast_in_dim3A_401, %broadcast_in_dim3A_403 : vector<1x512xi1>, vector<1x512xf32>
        %reduce_sum3A_405 = vector.shape_cast %select_n3A_404 : vector<1x512xf32> to vector<1x1x512xf32>
        %reduce_sum3A_406 = arith.constant dense<0.000000e+00> : vector<1xf32>
        %reduce_sum3A_407 = vector.multi_reduction <add>, %reduce_sum3A_405, %reduce_sum3A_406 [1, 2] : vector<1x1x512xf32> to vector<1xf32>
        %reduce_sum3A_408 = vector.shape_cast %reduce_sum3A_407 : vector<1xf32> to vector<1x1x1xf32>
        %reduce_sum3A_409 = vector.extract %reduce_sum3A_408[0, 0, 0] : f32 from vector<1x1x1xf32>
        %min3A_410 = arith.minimumf %broadcast_in_dim3A_348, %broadcast_in_dim3A_398 : vector<256x1xf32>
        %min3A_411 = arith.minimumf %while3A_312, %min3A_410 : vector<256x1xf32>
        %add3A_412 = arith.addf %reduce_sum3A_359, %reduce_sum3A_409 : f32
        %add3A_413 = arith.addf %while3A_313, %add3A_412 : f32
        scf.yield %min3A_411, %add3A_413 : vector<256x1xf32>, f32
      }
      %mul3A_275 = arith.constant 2 : i32
      %mul3A_276 = arith.muli %mul3A_275, %select_n3A_134 : i32
      %while3A_277 = arith.subi %select_n3A_110, %mul3A_276 : i32
      %while3A_278 = arith.addi %mul3A_276, %while3A_277 : i32
      %while3A_279 = arith.constant 1 : i32
      %while3A_280 = arith.divsi %while3A_277, %while3A_279 : i32
      %while3A_281 = arith.muli %while3A_280, %while3A_279 : i32
      %while3A_282 = arith.addi %mul3A_276, %while3A_281 : i32
      %while3A_283 = arith.constant 1 : i32
      %while3A_284:2 = scf.for %while3A_311 = %mul3A_276 to %while3A_282 step %while3A_283 iter_args(%while3A_312 = %while3A_274#0, %while3A_313 = %while3A_274#1) -> (vector<256x1xf32>, f32)  : i32 {
        %min3A = arith.constant 9 : i32
        %min3A_314 = arith.minsi %while3A_311, %min3A : i32
        %get3A_315 = arith.constant 0 : index
        %get3A_316 = arith.index_cast %min3A_314 : i32 to index
        %get3A_317 = arith.constant 0 : index
        %get3A_318 = arith.constant 0 : index
        %get3A_319 = vector.load %arg6[%get3A_315, %get3A_316, %get3A_317, %get3A_318] : memref<1x10x2x512xf32, #tpu.memory_space<vmem>>, vector<1x1x2x512xf32>
        %get3A_320 = vector.shape_cast %get3A_319 : vector<1x1x2x512xf32> to vector<2x512xf32>
        %iota3A_321 = tpu.iota {dimensions = array<i32: 1>} : vector<1x512xi32>
        %mul3A_322 = arith.constant 512 : i32
        %mul3A_323 = arith.muli %while3A_311, %mul3A_322 : i32
        %add3A_324 = vector.broadcast %mul3A_323 : i32 to vector<1x512xi32>
        %add3A_325 = arith.addi %iota3A_321, %add3A_324 : vector<1x512xi32>
        %lt3A_326 = vector.broadcast %get3A_4 : i32 to vector<1x512xi32>
        %lt3A_327 = arith.cmpi slt, %add3A_325, %lt3A_326 : vector<1x512xi32>
        %slice3A_328 = vector.extract_strided_slice %get3A_320 {offsets = [0, 0], sizes = [1, 512], strides = [1, 1]} : vector<2x512xf32> to vector<1x512xf32>
        %jit3A_329 = arith.constant -1.000000e+09 : f32
        %broadcast_in_dim3A_330 = vector.broadcast %jit3A_329 : f32 to vector<1x512xf32>
        %select_n3A_331 = arith.select %lt3A_327, %slice3A_328, %broadcast_in_dim3A_330 : vector<1x512xi1>, vector<1x512xf32>
        %slice3A_332 = vector.extract_strided_slice %get3A_320 {offsets = [1, 0], sizes = [1, 512], strides = [1, 1]} : vector<2x512xf32> to vector<1x512xf32>
        %jit3A_333 = arith.constant -1.000000e+09 : f32
        %broadcast_in_dim3A_334 = vector.broadcast %jit3A_333 : f32 to vector<1x512xf32>
        %select_n3A_335 = arith.select %lt3A_327, %slice3A_332, %broadcast_in_dim3A_334 : vector<1x512xi1>, vector<1x512xf32>
        %sub3A_336 = vector.broadcast %slice3A_260 : vector<256x1xf32> to vector<256x512xf32>
        %sub3A_337 = vector.broadcast %select_n3A_331 : vector<1x512xf32> to vector<256x512xf32>
        %sub3A_338 = arith.subf %sub3A_336, %sub3A_337 : vector<256x512xf32>
        %sub3A_339 = vector.broadcast %slice3A_261 : vector<256x1xf32> to vector<256x512xf32>
        %sub3A_340 = vector.broadcast %select_n3A_335 : vector<1x512xf32> to vector<256x512xf32>
        %sub3A_341 = arith.subf %sub3A_339, %sub3A_340 : vector<256x512xf32>
        %mul3A_342 = arith.mulf %sub3A_338, %sub3A_338 : vector<256x512xf32>
        %mul3A_343 = arith.mulf %sub3A_341, %sub3A_341 : vector<256x512xf32>
        %add3A_344 = arith.addf %mul3A_342, %mul3A_343 : vector<256x512xf32>
        %reduce_min3A = arith.constant dense<0x7F800000> : vector<256xf32>
        %reduce_min3A_345 = vector.multi_reduction <minimumf>, %add3A_344, %reduce_min3A [1] : vector<256x512xf32> to vector<256xf32>
        %broadcast_in_dim3A_346 = vector.shape_cast %reduce_min3A_345 : vector<256xf32> to vector<256x1xf32>
        %reduce_min3A_347 = arith.constant dense<0x7F800000> : vector<512xf32>
        %reduce_min3A_348 = vector.multi_reduction <minimumf>, %add3A_344, %reduce_min3A_347 [0] : vector<256x512xf32> to vector<512xf32>
        %broadcast_in_dim3A_349 = vector.shape_cast %reduce_min3A_348 : vector<512xf32> to vector<1x512xf32>
        %jit3A_350 = arith.constant 0.000000e+00 : f32
        %broadcast_in_dim3A_351 = vector.broadcast %jit3A_350 : f32 to vector<1x512xf32>
        %select_n3A_352 = arith.select %lt3A_327, %broadcast_in_dim3A_349, %broadcast_in_dim3A_351 : vector<1x512xi1>, vector<1x512xf32>
        %reduce_sum3A_353 = vector.shape_cast %select_n3A_352 : vector<1x512xf32> to vector<1x1x512xf32>
        %reduce_sum3A_354 = arith.constant dense<0.000000e+00> : vector<1xf32>
        %reduce_sum3A_355 = vector.multi_reduction <add>, %reduce_sum3A_353, %reduce_sum3A_354 [1, 2] : vector<1x1x512xf32> to vector<1xf32>
        %reduce_sum3A_356 = vector.shape_cast %reduce_sum3A_355 : vector<1xf32> to vector<1x1x1xf32>
        %reduce_sum3A_357 = vector.extract %reduce_sum3A_356[0, 0, 0] : f32 from vector<1x1x1xf32>
        %min3A_358 = arith.minimumf %while3A_312, %broadcast_in_dim3A_346 : vector<256x1xf32>
        %add3A_359 = arith.addf %while3A_313, %reduce_sum3A_357 : f32
        scf.yield %min3A_358, %add3A_359 : vector<256x1xf32>, f32
      }
      %while3A_285 = arith.constant 1 : i32
      %while3A_286:2 = scf.for %while3A_311 = %while3A_282 to %while3A_278 step %while3A_285 iter_args(%while3A_312 = %while3A_284#0, %while3A_313 = %while3A_284#1) -> (vector<256x1xf32>, f32)  : i32 {
        %min3A = arith.constant 9 : i32
        %min3A_314 = arith.minsi %while3A_311, %min3A : i32
        %get3A_315 = arith.constant 0 : index
        %get3A_316 = arith.index_cast %min3A_314 : i32 to index
        %get3A_317 = arith.constant 0 : index
        %get3A_318 = arith.constant 0 : index
        %get3A_319 = vector.load %arg6[%get3A_315, %get3A_316, %get3A_317, %get3A_318] : memref<1x10x2x512xf32, #tpu.memory_space<vmem>>, vector<1x1x2x512xf32>
        %get3A_320 = vector.shape_cast %get3A_319 : vector<1x1x2x512xf32> to vector<2x512xf32>
        %iota3A_321 = tpu.iota {dimensions = array<i32: 1>} : vector<1x512xi32>
        %mul3A_322 = arith.constant 512 : i32
        %mul3A_323 = arith.muli %while3A_311, %mul3A_322 : i32
        %add3A_324 = vector.broadcast %mul3A_323 : i32 to vector<1x512xi32>
        %add3A_325 = arith.addi %iota3A_321, %add3A_324 : vector<1x512xi32>
        %lt3A_326 = vector.broadcast %get3A_4 : i32 to vector<1x512xi32>
        %lt3A_327 = arith.cmpi slt, %add3A_325, %lt3A_326 : vector<1x512xi32>
        %slice3A_328 = vector.extract_strided_slice %get3A_320 {offsets = [0, 0], sizes = [1, 512], strides = [1, 1]} : vector<2x512xf32> to vector<1x512xf32>
        %jit3A_329 = arith.constant -1.000000e+09 : f32
        %broadcast_in_dim3A_330 = vector.broadcast %jit3A_329 : f32 to vector<1x512xf32>
        %select_n3A_331 = arith.select %lt3A_327, %slice3A_328, %broadcast_in_dim3A_330 : vector<1x512xi1>, vector<1x512xf32>
        %slice3A_332 = vector.extract_strided_slice %get3A_320 {offsets = [1, 0], sizes = [1, 512], strides = [1, 1]} : vector<2x512xf32> to vector<1x512xf32>
        %jit3A_333 = arith.constant -1.000000e+09 : f32
        %broadcast_in_dim3A_334 = vector.broadcast %jit3A_333 : f32 to vector<1x512xf32>
        %select_n3A_335 = arith.select %lt3A_327, %slice3A_332, %broadcast_in_dim3A_334 : vector<1x512xi1>, vector<1x512xf32>
        %sub3A_336 = vector.broadcast %slice3A_260 : vector<256x1xf32> to vector<256x512xf32>
        %sub3A_337 = vector.broadcast %select_n3A_331 : vector<1x512xf32> to vector<256x512xf32>
        %sub3A_338 = arith.subf %sub3A_336, %sub3A_337 : vector<256x512xf32>
        %sub3A_339 = vector.broadcast %slice3A_261 : vector<256x1xf32> to vector<256x512xf32>
        %sub3A_340 = vector.broadcast %select_n3A_335 : vector<1x512xf32> to vector<256x512xf32>
        %sub3A_341 = arith.subf %sub3A_339, %sub3A_340 : vector<256x512xf32>
        %mul3A_342 = arith.mulf %sub3A_338, %sub3A_338 : vector<256x512xf32>
        %mul3A_343 = arith.mulf %sub3A_341, %sub3A_341 : vector<256x512xf32>
        %add3A_344 = arith.addf %mul3A_342, %mul3A_343 : vector<256x512xf32>
        %reduce_min3A = arith.constant dense<0x7F800000> : vector<256xf32>
        %reduce_min3A_345 = vector.multi_reduction <minimumf>, %add3A_344, %reduce_min3A [1] : vector<256x512xf32> to vector<256xf32>
        %broadcast_in_dim3A_346 = vector.shape_cast %reduce_min3A_345 : vector<256xf32> to vector<256x1xf32>
        %reduce_min3A_347 = arith.constant dense<0x7F800000> : vector<512xf32>
        %reduce_min3A_348 = vector.multi_reduction <minimumf>, %add3A_344, %reduce_min3A_347 [0] : vector<256x512xf32> to vector<512xf32>
        %broadcast_in_dim3A_349 = vector.shape_cast %reduce_min3A_348 : vector<512xf32> to vector<1x512xf32>
        %jit3A_350 = arith.constant 0.000000e+00 : f32
        %broadcast_in_dim3A_351 = vector.broadcast %jit3A_350 : f32 to vector<1x512xf32>
        %select_n3A_352 = arith.select %lt3A_327, %broadcast_in_dim3A_349, %broadcast_in_dim3A_351 : vector<1x512xi1>, vector<1x512xf32>
        %reduce_sum3A_353 = vector.shape_cast %select_n3A_352 : vector<1x512xf32> to vector<1x1x512xf32>
        %reduce_sum3A_354 = arith.constant dense<0.000000e+00> : vector<1xf32>
        %reduce_sum3A_355 = vector.multi_reduction <add>, %reduce_sum3A_353, %reduce_sum3A_354 [1, 2] : vector<1x1x512xf32> to vector<1xf32>
        %reduce_sum3A_356 = vector.shape_cast %reduce_sum3A_355 : vector<1xf32> to vector<1x1x1xf32>
        %reduce_sum3A_357 = vector.extract %reduce_sum3A_356[0, 0, 0] : f32 from vector<1x1x1xf32>
        %min3A_358 = arith.minimumf %while3A_312, %broadcast_in_dim3A_346 : vector<256x1xf32>
        %add3A_359 = arith.addf %while3A_313, %reduce_sum3A_357 : f32
        scf.yield %min3A_358, %add3A_359 : vector<256x1xf32>, f32
      }
      %iota3A_287 = tpu.iota {dimensions = array<i32: 0>} : vector<256x1xi32>
      %lt3A_288 = vector.broadcast %get3A_1 : i32 to vector<256x1xi32>
      %lt3A_289 = arith.cmpi slt, %iota3A_287, %lt3A_288 : vector<256x1xi32>
      %jit3A_290 = arith.constant 0.000000e+00 : f32
      %broadcast_in_dim3A_291 = vector.broadcast %jit3A_290 : f32 to vector<256x1xf32>
      %select_n3A_292 = arith.select %lt3A_289, %while3A_286#0, %broadcast_in_dim3A_291 : vector<256x1xi1>, vector<256x1xf32>
      %reduce_sum3A = vector.shape_cast %select_n3A_292 : vector<256x1xf32> to vector<1x256x1xf32>
      %reduce_sum3A_293 = arith.constant dense<0.000000e+00> : vector<1xf32>
      %reduce_sum3A_294 = vector.multi_reduction <add>, %reduce_sum3A, %reduce_sum3A_293 [1, 2] : vector<1x256x1xf32> to vector<1xf32>
      %reduce_sum3A_295 = vector.shape_cast %reduce_sum3A_294 : vector<1xf32> to vector<1x1x1xf32>
      %reduce_sum3A_296 = vector.extract %reduce_sum3A_295[0, 0, 0] : f32 from vector<1x1x1xf32>
      %div3A_297 = arith.divf %reduce_sum3A_296, %convert_element_type3A : f32
      %div3A_298 = arith.divf %while3A_286#1, %convert_element_type3A_8 : f32
      %add3A_299 = arith.addf %div3A_297, %div3A_298 : f32
      %mul3A_300 = arith.constant 1.250000e-01 : f32
      %mul3A_301 = arith.mulf %add3A_299, %mul3A_300 : f32
      %eq3A = arith.constant 0 : i32
      %eq3A_302 = arith.cmpi eq, %arg1, %eq3A : i32
      %convert_element_type3A_303 = arith.extui %eq3A_302 : i1 to i32
      %cond3A_304 = arith.constant 0 : i32
      %cond3A_305 = arith.cmpi ne, %convert_element_type3A_303, %cond3A_304 : i32
      scf.if %cond3A_305 {
        %swap3A = arith.index_cast %arg0 : i32 to index
        %swap3A_311 = arith.constant 0 : index
        %swap3A_312 = memref.load %arg7[%swap3A, %swap3A_311] : memref<4x1xf32, #tpu.memory_space<smem>>
        memref.store %mul3A_301, %arg7[%swap3A, %swap3A_311] : memref<4x1xf32, #tpu.memory_space<smem>>
      } else {
      }
      %gt3A_306 = arith.constant 0 : i32
      %gt3A_307 = arith.cmpi sgt, %arg1, %gt3A_306 : i32
      %convert_element_type3A_308 = arith.extui %gt3A_307 : i1 to i32
      %cond3A_309 = arith.constant 0 : i32
      %cond3A_310 = arith.cmpi ne, %convert_element_type3A_308, %cond3A_309 : i32
      scf.if %cond3A_310 {
        %get3A_311 = arith.index_cast %arg0 : i32 to index
        %get3A_312 = arith.constant 0 : index
        %get3A_313 = memref.load %arg7[%get3A_311, %get3A_312] : memref<4x1xf32, #tpu.memory_space<smem>>
        %add3A_314 = arith.addf %get3A_313, %mul3A_301 : f32
        %swap3A = arith.index_cast %arg0 : i32 to index
        %swap3A_315 = arith.constant 0 : index
        %swap3A_316 = memref.load %arg7[%swap3A, %swap3A_315] : memref<4x1xf32, #tpu.memory_space<smem>>
        memref.store %add3A_314, %arg7[%swap3A, %swap3A_315] : memref<4x1xf32, #tpu.memory_space<smem>>
      } else {
      }
    } else {
    }
    %gt3A_164 = arith.constant 256 : i32
    %gt3A_165 = arith.cmpi sgt, %get3A_1, %gt3A_164 : i32
    %le3A_166 = arith.constant 320 : i32
    %le3A_167 = arith.cmpi sle, %get3A_1, %le3A_166 : i32
    %and3A_168 = arith.andi %gt3A_165, %le3A_167 : i1
    %convert_element_type3A_169 = arith.extui %and3A_168 : i1 to i32
    %cond3A_170 = arith.constant 0 : i32
    %cond3A_171 = arith.cmpi ne, %convert_element_type3A_169, %cond3A_170 : i32
    scf.if %cond3A_171 {
      %slice3A_260 = vector.extract_strided_slice %reshape3A {offsets = [0, 0], sizes = [320, 1], strides = [1, 1]} : vector<1024x1xf32> to vector<320x1xf32>
      %slice3A_261 = vector.extract_strided_slice %reshape3A_87 {offsets = [0, 0], sizes = [320, 1], strides = [1, 1]} : vector<1024x1xf32> to vector<320x1xf32>
      %broadcast_in_dim3A_262 = arith.constant 1.000000e+30 : f32
      %broadcast_in_dim3A_263 = vector.broadcast %broadcast_in_dim3A_262 : f32 to vector<320x1xf32>
      %while3A = arith.constant 0 : i32
      %while3A_264 = arith.constant 0.000000e+00 : f32
      %while3A_265 = arith.subi %select_n3A_134, %while3A : i32
      %while3A_266 = arith.addi %while3A, %while3A_265 : i32
      %while3A_267 = arith.constant 1 : i32
      %while3A_268 = arith.divsi %while3A_265, %while3A_267 : i32
      %while3A_269 = arith.muli %while3A_268, %while3A_267 : i32
      %while3A_270 = arith.addi %while3A, %while3A_269 : i32
      %while3A_271 = arith.constant 1 : i32
      %while3A_272:2 = scf.for %while3A_311 = %while3A to %while3A_270 step %while3A_271 iter_args(%while3A_312 = %broadcast_in_dim3A_263, %while3A_313 = %while3A_264) -> (vector<320x1xf32>, f32)  : i32 {
        %mul3A_314 = arith.constant 2 : i32
        %mul3A_315 = arith.muli %mul3A_314, %while3A_311 : i32
        %min3A = arith.constant 9 : i32
        %min3A_316 = arith.minsi %mul3A_315, %min3A : i32
        %get3A_317 = arith.constant 0 : index
        %get3A_318 = arith.index_cast %min3A_316 : i32 to index
        %get3A_319 = arith.constant 0 : index
        %get3A_320 = arith.constant 0 : index
        %get3A_321 = vector.load %arg6[%get3A_317, %get3A_318, %get3A_319, %get3A_320] : memref<1x10x2x512xf32, #tpu.memory_space<vmem>>, vector<1x1x2x512xf32>
        %get3A_322 = vector.shape_cast %get3A_321 : vector<1x1x2x512xf32> to vector<2x512xf32>
        %iota3A_323 = tpu.iota {dimensions = array<i32: 1>} : vector<1x512xi32>
        %mul3A_324 = arith.constant 512 : i32
        %mul3A_325 = arith.muli %mul3A_315, %mul3A_324 : i32
        %add3A_326 = vector.broadcast %mul3A_325 : i32 to vector<1x512xi32>
        %add3A_327 = arith.addi %iota3A_323, %add3A_326 : vector<1x512xi32>
        %lt3A_328 = vector.broadcast %get3A_4 : i32 to vector<1x512xi32>
        %lt3A_329 = arith.cmpi slt, %add3A_327, %lt3A_328 : vector<1x512xi32>
        %slice3A_330 = vector.extract_strided_slice %get3A_322 {offsets = [0, 0], sizes = [1, 512], strides = [1, 1]} : vector<2x512xf32> to vector<1x512xf32>
        %jit3A_331 = arith.constant -1.000000e+09 : f32
        %broadcast_in_dim3A_332 = vector.broadcast %jit3A_331 : f32 to vector<1x512xf32>
        %select_n3A_333 = arith.select %lt3A_329, %slice3A_330, %broadcast_in_dim3A_332 : vector<1x512xi1>, vector<1x512xf32>
        %slice3A_334 = vector.extract_strided_slice %get3A_322 {offsets = [1, 0], sizes = [1, 512], strides = [1, 1]} : vector<2x512xf32> to vector<1x512xf32>
        %jit3A_335 = arith.constant -1.000000e+09 : f32
        %broadcast_in_dim3A_336 = vector.broadcast %jit3A_335 : f32 to vector<1x512xf32>
        %select_n3A_337 = arith.select %lt3A_329, %slice3A_334, %broadcast_in_dim3A_336 : vector<1x512xi1>, vector<1x512xf32>
        %sub3A_338 = vector.broadcast %slice3A_260 : vector<320x1xf32> to vector<320x512xf32>
        %sub3A_339 = vector.broadcast %select_n3A_333 : vector<1x512xf32> to vector<320x512xf32>
        %sub3A_340 = arith.subf %sub3A_338, %sub3A_339 : vector<320x512xf32>
        %sub3A_341 = vector.broadcast %slice3A_261 : vector<320x1xf32> to vector<320x512xf32>
        %sub3A_342 = vector.broadcast %select_n3A_337 : vector<1x512xf32> to vector<320x512xf32>
        %sub3A_343 = arith.subf %sub3A_341, %sub3A_342 : vector<320x512xf32>
        %mul3A_344 = arith.mulf %sub3A_340, %sub3A_340 : vector<320x512xf32>
        %mul3A_345 = arith.mulf %sub3A_343, %sub3A_343 : vector<320x512xf32>
        %add3A_346 = arith.addf %mul3A_344, %mul3A_345 : vector<320x512xf32>
        %reduce_min3A = arith.constant dense<0x7F800000> : vector<320xf32>
        %reduce_min3A_347 = vector.multi_reduction <minimumf>, %add3A_346, %reduce_min3A [1] : vector<320x512xf32> to vector<320xf32>
        %broadcast_in_dim3A_348 = vector.shape_cast %reduce_min3A_347 : vector<320xf32> to vector<320x1xf32>
        %reduce_min3A_349 = arith.constant dense<0x7F800000> : vector<512xf32>
        %reduce_min3A_350 = vector.multi_reduction <minimumf>, %add3A_346, %reduce_min3A_349 [0] : vector<320x512xf32> to vector<512xf32>
        %broadcast_in_dim3A_351 = vector.shape_cast %reduce_min3A_350 : vector<512xf32> to vector<1x512xf32>
        %jit3A_352 = arith.constant 0.000000e+00 : f32
        %broadcast_in_dim3A_353 = vector.broadcast %jit3A_352 : f32 to vector<1x512xf32>
        %select_n3A_354 = arith.select %lt3A_329, %broadcast_in_dim3A_351, %broadcast_in_dim3A_353 : vector<1x512xi1>, vector<1x512xf32>
        %reduce_sum3A_355 = vector.shape_cast %select_n3A_354 : vector<1x512xf32> to vector<1x1x512xf32>
        %reduce_sum3A_356 = arith.constant dense<0.000000e+00> : vector<1xf32>
        %reduce_sum3A_357 = vector.multi_reduction <add>, %reduce_sum3A_355, %reduce_sum3A_356 [1, 2] : vector<1x1x512xf32> to vector<1xf32>
        %reduce_sum3A_358 = vector.shape_cast %reduce_sum3A_357 : vector<1xf32> to vector<1x1x1xf32>
        %reduce_sum3A_359 = vector.extract %reduce_sum3A_358[0, 0, 0] : f32 from vector<1x1x1xf32>
        %mul3A_360 = arith.constant 2 : i32
        %mul3A_361 = arith.muli %mul3A_360, %while3A_311 : i32
        %add3A_362 = arith.constant 1 : i32
        %add3A_363 = arith.addi %mul3A_361, %add3A_362 : i32
        %min3A_364 = arith.constant 9 : i32
        %min3A_365 = arith.minsi %add3A_363, %min3A_364 : i32
        %get3A_366 = arith.constant 0 : index
        %get3A_367 = arith.index_cast %min3A_365 : i32 to index
        %get3A_368 = arith.constant 0 : index
        %get3A_369 = arith.constant 0 : index
        %get3A_370 = vector.load %arg6[%get3A_366, %get3A_367, %get3A_368, %get3A_369] : memref<1x10x2x512xf32, #tpu.memory_space<vmem>>, vector<1x1x2x512xf32>
        %get3A_371 = vector.shape_cast %get3A_370 : vector<1x1x2x512xf32> to vector<2x512xf32>
        %iota3A_372 = tpu.iota {dimensions = array<i32: 1>} : vector<1x512xi32>
        %mul3A_373 = arith.constant 512 : i32
        %mul3A_374 = arith.muli %add3A_363, %mul3A_373 : i32
        %add3A_375 = vector.broadcast %mul3A_374 : i32 to vector<1x512xi32>
        %add3A_376 = arith.addi %iota3A_372, %add3A_375 : vector<1x512xi32>
        %lt3A_377 = vector.broadcast %get3A_4 : i32 to vector<1x512xi32>
        %lt3A_378 = arith.cmpi slt, %add3A_376, %lt3A_377 : vector<1x512xi32>
        %slice3A_379 = vector.extract_strided_slice %get3A_371 {offsets = [0, 0], sizes = [1, 512], strides = [1, 1]} : vector<2x512xf32> to vector<1x512xf32>
        %jit3A_380 = arith.constant -1.000000e+09 : f32
        %broadcast_in_dim3A_381 = vector.broadcast %jit3A_380 : f32 to vector<1x512xf32>
        %select_n3A_382 = arith.select %lt3A_378, %slice3A_379, %broadcast_in_dim3A_381 : vector<1x512xi1>, vector<1x512xf32>
        %slice3A_383 = vector.extract_strided_slice %get3A_371 {offsets = [1, 0], sizes = [1, 512], strides = [1, 1]} : vector<2x512xf32> to vector<1x512xf32>
        %jit3A_384 = arith.constant -1.000000e+09 : f32
        %broadcast_in_dim3A_385 = vector.broadcast %jit3A_384 : f32 to vector<1x512xf32>
        %select_n3A_386 = arith.select %lt3A_378, %slice3A_383, %broadcast_in_dim3A_385 : vector<1x512xi1>, vector<1x512xf32>
        %sub3A_387 = vector.broadcast %slice3A_260 : vector<320x1xf32> to vector<320x512xf32>
        %sub3A_388 = vector.broadcast %select_n3A_382 : vector<1x512xf32> to vector<320x512xf32>
        %sub3A_389 = arith.subf %sub3A_387, %sub3A_388 : vector<320x512xf32>
        %sub3A_390 = vector.broadcast %slice3A_261 : vector<320x1xf32> to vector<320x512xf32>
        %sub3A_391 = vector.broadcast %select_n3A_386 : vector<1x512xf32> to vector<320x512xf32>
        %sub3A_392 = arith.subf %sub3A_390, %sub3A_391 : vector<320x512xf32>
        %mul3A_393 = arith.mulf %sub3A_389, %sub3A_389 : vector<320x512xf32>
        %mul3A_394 = arith.mulf %sub3A_392, %sub3A_392 : vector<320x512xf32>
        %add3A_395 = arith.addf %mul3A_393, %mul3A_394 : vector<320x512xf32>
        %reduce_min3A_396 = arith.constant dense<0x7F800000> : vector<320xf32>
        %reduce_min3A_397 = vector.multi_reduction <minimumf>, %add3A_395, %reduce_min3A_396 [1] : vector<320x512xf32> to vector<320xf32>
        %broadcast_in_dim3A_398 = vector.shape_cast %reduce_min3A_397 : vector<320xf32> to vector<320x1xf32>
        %reduce_min3A_399 = arith.constant dense<0x7F800000> : vector<512xf32>
        %reduce_min3A_400 = vector.multi_reduction <minimumf>, %add3A_395, %reduce_min3A_399 [0] : vector<320x512xf32> to vector<512xf32>
        %broadcast_in_dim3A_401 = vector.shape_cast %reduce_min3A_400 : vector<512xf32> to vector<1x512xf32>
        %jit3A_402 = arith.constant 0.000000e+00 : f32
        %broadcast_in_dim3A_403 = vector.broadcast %jit3A_402 : f32 to vector<1x512xf32>
        %select_n3A_404 = arith.select %lt3A_378, %broadcast_in_dim3A_401, %broadcast_in_dim3A_403 : vector<1x512xi1>, vector<1x512xf32>
        %reduce_sum3A_405 = vector.shape_cast %select_n3A_404 : vector<1x512xf32> to vector<1x1x512xf32>
        %reduce_sum3A_406 = arith.constant dense<0.000000e+00> : vector<1xf32>
        %reduce_sum3A_407 = vector.multi_reduction <add>, %reduce_sum3A_405, %reduce_sum3A_406 [1, 2] : vector<1x1x512xf32> to vector<1xf32>
        %reduce_sum3A_408 = vector.shape_cast %reduce_sum3A_407 : vector<1xf32> to vector<1x1x1xf32>
        %reduce_sum3A_409 = vector.extract %reduce_sum3A_408[0, 0, 0] : f32 from vector<1x1x1xf32>
        %min3A_410 = arith.minimumf %broadcast_in_dim3A_348, %broadcast_in_dim3A_398 : vector<320x1xf32>
        %min3A_411 = arith.minimumf %while3A_312, %min3A_410 : vector<320x1xf32>
        %add3A_412 = arith.addf %reduce_sum3A_359, %reduce_sum3A_409 : f32
        %add3A_413 = arith.addf %while3A_313, %add3A_412 : f32
        scf.yield %min3A_411, %add3A_413 : vector<320x1xf32>, f32
      }
      %while3A_273 = arith.constant 1 : i32
      %while3A_274:2 = scf.for %while3A_311 = %while3A_270 to %while3A_266 step %while3A_273 iter_args(%while3A_312 = %while3A_272#0, %while3A_313 = %while3A_272#1) -> (vector<320x1xf32>, f32)  : i32 {
        %mul3A_314 = arith.constant 2 : i32
        %mul3A_315 = arith.muli %mul3A_314, %while3A_311 : i32
        %min3A = arith.constant 9 : i32
        %min3A_316 = arith.minsi %mul3A_315, %min3A : i32
        %get3A_317 = arith.constant 0 : index
        %get3A_318 = arith.index_cast %min3A_316 : i32 to index
        %get3A_319 = arith.constant 0 : index
        %get3A_320 = arith.constant 0 : index
        %get3A_321 = vector.load %arg6[%get3A_317, %get3A_318, %get3A_319, %get3A_320] : memref<1x10x2x512xf32, #tpu.memory_space<vmem>>, vector<1x1x2x512xf32>
        %get3A_322 = vector.shape_cast %get3A_321 : vector<1x1x2x512xf32> to vector<2x512xf32>
        %iota3A_323 = tpu.iota {dimensions = array<i32: 1>} : vector<1x512xi32>
        %mul3A_324 = arith.constant 512 : i32
        %mul3A_325 = arith.muli %mul3A_315, %mul3A_324 : i32
        %add3A_326 = vector.broadcast %mul3A_325 : i32 to vector<1x512xi32>
        %add3A_327 = arith.addi %iota3A_323, %add3A_326 : vector<1x512xi32>
        %lt3A_328 = vector.broadcast %get3A_4 : i32 to vector<1x512xi32>
        %lt3A_329 = arith.cmpi slt, %add3A_327, %lt3A_328 : vector<1x512xi32>
        %slice3A_330 = vector.extract_strided_slice %get3A_322 {offsets = [0, 0], sizes = [1, 512], strides = [1, 1]} : vector<2x512xf32> to vector<1x512xf32>
        %jit3A_331 = arith.constant -1.000000e+09 : f32
        %broadcast_in_dim3A_332 = vector.broadcast %jit3A_331 : f32 to vector<1x512xf32>
        %select_n3A_333 = arith.select %lt3A_329, %slice3A_330, %broadcast_in_dim3A_332 : vector<1x512xi1>, vector<1x512xf32>
        %slice3A_334 = vector.extract_strided_slice %get3A_322 {offsets = [1, 0], sizes = [1, 512], strides = [1, 1]} : vector<2x512xf32> to vector<1x512xf32>
        %jit3A_335 = arith.constant -1.000000e+09 : f32
        %broadcast_in_dim3A_336 = vector.broadcast %jit3A_335 : f32 to vector<1x512xf32>
        %select_n3A_337 = arith.select %lt3A_329, %slice3A_334, %broadcast_in_dim3A_336 : vector<1x512xi1>, vector<1x512xf32>
        %sub3A_338 = vector.broadcast %slice3A_260 : vector<320x1xf32> to vector<320x512xf32>
        %sub3A_339 = vector.broadcast %select_n3A_333 : vector<1x512xf32> to vector<320x512xf32>
        %sub3A_340 = arith.subf %sub3A_338, %sub3A_339 : vector<320x512xf32>
        %sub3A_341 = vector.broadcast %slice3A_261 : vector<320x1xf32> to vector<320x512xf32>
        %sub3A_342 = vector.broadcast %select_n3A_337 : vector<1x512xf32> to vector<320x512xf32>
        %sub3A_343 = arith.subf %sub3A_341, %sub3A_342 : vector<320x512xf32>
        %mul3A_344 = arith.mulf %sub3A_340, %sub3A_340 : vector<320x512xf32>
        %mul3A_345 = arith.mulf %sub3A_343, %sub3A_343 : vector<320x512xf32>
        %add3A_346 = arith.addf %mul3A_344, %mul3A_345 : vector<320x512xf32>
        %reduce_min3A = arith.constant dense<0x7F800000> : vector<320xf32>
        %reduce_min3A_347 = vector.multi_reduction <minimumf>, %add3A_346, %reduce_min3A [1] : vector<320x512xf32> to vector<320xf32>
        %broadcast_in_dim3A_348 = vector.shape_cast %reduce_min3A_347 : vector<320xf32> to vector<320x1xf32>
        %reduce_min3A_349 = arith.constant dense<0x7F800000> : vector<512xf32>
        %reduce_min3A_350 = vector.multi_reduction <minimumf>, %add3A_346, %reduce_min3A_349 [0] : vector<320x512xf32> to vector<512xf32>
        %broadcast_in_dim3A_351 = vector.shape_cast %reduce_min3A_350 : vector<512xf32> to vector<1x512xf32>
        %jit3A_352 = arith.constant 0.000000e+00 : f32
        %broadcast_in_dim3A_353 = vector.broadcast %jit3A_352 : f32 to vector<1x512xf32>
        %select_n3A_354 = arith.select %lt3A_329, %broadcast_in_dim3A_351, %broadcast_in_dim3A_353 : vector<1x512xi1>, vector<1x512xf32>
        %reduce_sum3A_355 = vector.shape_cast %select_n3A_354 : vector<1x512xf32> to vector<1x1x512xf32>
        %reduce_sum3A_356 = arith.constant dense<0.000000e+00> : vector<1xf32>
        %reduce_sum3A_357 = vector.multi_reduction <add>, %reduce_sum3A_355, %reduce_sum3A_356 [1, 2] : vector<1x1x512xf32> to vector<1xf32>
        %reduce_sum3A_358 = vector.shape_cast %reduce_sum3A_357 : vector<1xf32> to vector<1x1x1xf32>
        %reduce_sum3A_359 = vector.extract %reduce_sum3A_358[0, 0, 0] : f32 from vector<1x1x1xf32>
        %mul3A_360 = arith.constant 2 : i32
        %mul3A_361 = arith.muli %mul3A_360, %while3A_311 : i32
        %add3A_362 = arith.constant 1 : i32
        %add3A_363 = arith.addi %mul3A_361, %add3A_362 : i32
        %min3A_364 = arith.constant 9 : i32
        %min3A_365 = arith.minsi %add3A_363, %min3A_364 : i32
        %get3A_366 = arith.constant 0 : index
        %get3A_367 = arith.index_cast %min3A_365 : i32 to index
        %get3A_368 = arith.constant 0 : index
        %get3A_369 = arith.constant 0 : index
        %get3A_370 = vector.load %arg6[%get3A_366, %get3A_367, %get3A_368, %get3A_369] : memref<1x10x2x512xf32, #tpu.memory_space<vmem>>, vector<1x1x2x512xf32>
        %get3A_371 = vector.shape_cast %get3A_370 : vector<1x1x2x512xf32> to vector<2x512xf32>
        %iota3A_372 = tpu.iota {dimensions = array<i32: 1>} : vector<1x512xi32>
        %mul3A_373 = arith.constant 512 : i32
        %mul3A_374 = arith.muli %add3A_363, %mul3A_373 : i32
        %add3A_375 = vector.broadcast %mul3A_374 : i32 to vector<1x512xi32>
        %add3A_376 = arith.addi %iota3A_372, %add3A_375 : vector<1x512xi32>
        %lt3A_377 = vector.broadcast %get3A_4 : i32 to vector<1x512xi32>
        %lt3A_378 = arith.cmpi slt, %add3A_376, %lt3A_377 : vector<1x512xi32>
        %slice3A_379 = vector.extract_strided_slice %get3A_371 {offsets = [0, 0], sizes = [1, 512], strides = [1, 1]} : vector<2x512xf32> to vector<1x512xf32>
        %jit3A_380 = arith.constant -1.000000e+09 : f32
        %broadcast_in_dim3A_381 = vector.broadcast %jit3A_380 : f32 to vector<1x512xf32>
        %select_n3A_382 = arith.select %lt3A_378, %slice3A_379, %broadcast_in_dim3A_381 : vector<1x512xi1>, vector<1x512xf32>
        %slice3A_383 = vector.extract_strided_slice %get3A_371 {offsets = [1, 0], sizes = [1, 512], strides = [1, 1]} : vector<2x512xf32> to vector<1x512xf32>
        %jit3A_384 = arith.constant -1.000000e+09 : f32
        %broadcast_in_dim3A_385 = vector.broadcast %jit3A_384 : f32 to vector<1x512xf32>
        %select_n3A_386 = arith.select %lt3A_378, %slice3A_383, %broadcast_in_dim3A_385 : vector<1x512xi1>, vector<1x512xf32>
        %sub3A_387 = vector.broadcast %slice3A_260 : vector<320x1xf32> to vector<320x512xf32>
        %sub3A_388 = vector.broadcast %select_n3A_382 : vector<1x512xf32> to vector<320x512xf32>
        %sub3A_389 = arith.subf %sub3A_387, %sub3A_388 : vector<320x512xf32>
        %sub3A_390 = vector.broadcast %slice3A_261 : vector<320x1xf32> to vector<320x512xf32>
        %sub3A_391 = vector.broadcast %select_n3A_386 : vector<1x512xf32> to vector<320x512xf32>
        %sub3A_392 = arith.subf %sub3A_390, %sub3A_391 : vector<320x512xf32>
        %mul3A_393 = arith.mulf %sub3A_389, %sub3A_389 : vector<320x512xf32>
        %mul3A_394 = arith.mulf %sub3A_392, %sub3A_392 : vector<320x512xf32>
        %add3A_395 = arith.addf %mul3A_393, %mul3A_394 : vector<320x512xf32>
        %reduce_min3A_396 = arith.constant dense<0x7F800000> : vector<320xf32>
        %reduce_min3A_397 = vector.multi_reduction <minimumf>, %add3A_395, %reduce_min3A_396 [1] : vector<320x512xf32> to vector<320xf32>
        %broadcast_in_dim3A_398 = vector.shape_cast %reduce_min3A_397 : vector<320xf32> to vector<320x1xf32>
        %reduce_min3A_399 = arith.constant dense<0x7F800000> : vector<512xf32>
        %reduce_min3A_400 = vector.multi_reduction <minimumf>, %add3A_395, %reduce_min3A_399 [0] : vector<320x512xf32> to vector<512xf32>
        %broadcast_in_dim3A_401 = vector.shape_cast %reduce_min3A_400 : vector<512xf32> to vector<1x512xf32>
        %jit3A_402 = arith.constant 0.000000e+00 : f32
        %broadcast_in_dim3A_403 = vector.broadcast %jit3A_402 : f32 to vector<1x512xf32>
        %select_n3A_404 = arith.select %lt3A_378, %broadcast_in_dim3A_401, %broadcast_in_dim3A_403 : vector<1x512xi1>, vector<1x512xf32>
        %reduce_sum3A_405 = vector.shape_cast %select_n3A_404 : vector<1x512xf32> to vector<1x1x512xf32>
        %reduce_sum3A_406 = arith.constant dense<0.000000e+00> : vector<1xf32>
        %reduce_sum3A_407 = vector.multi_reduction <add>, %reduce_sum3A_405, %reduce_sum3A_406 [1, 2] : vector<1x1x512xf32> to vector<1xf32>
        %reduce_sum3A_408 = vector.shape_cast %reduce_sum3A_407 : vector<1xf32> to vector<1x1x1xf32>
        %reduce_sum3A_409 = vector.extract %reduce_sum3A_408[0, 0, 0] : f32 from vector<1x1x1xf32>
        %min3A_410 = arith.minimumf %broadcast_in_dim3A_348, %broadcast_in_dim3A_398 : vector<320x1xf32>
        %min3A_411 = arith.minimumf %while3A_312, %min3A_410 : vector<320x1xf32>
        %add3A_412 = arith.addf %reduce_sum3A_359, %reduce_sum3A_409 : f32
        %add3A_413 = arith.addf %while3A_313, %add3A_412 : f32
        scf.yield %min3A_411, %add3A_413 : vector<320x1xf32>, f32
      }
      %mul3A_275 = arith.constant 2 : i32
      %mul3A_276 = arith.muli %mul3A_275, %select_n3A_134 : i32
      %while3A_277 = arith.subi %select_n3A_110, %mul3A_276 : i32
      %while3A_278 = arith.addi %mul3A_276, %while3A_277 : i32
      %while3A_279 = arith.constant 1 : i32
      %while3A_280 = arith.divsi %while3A_277, %while3A_279 : i32
      %while3A_281 = arith.muli %while3A_280, %while3A_279 : i32
      %while3A_282 = arith.addi %mul3A_276, %while3A_281 : i32
      %while3A_283 = arith.constant 1 : i32
      %while3A_284:2 = scf.for %while3A_311 = %mul3A_276 to %while3A_282 step %while3A_283 iter_args(%while3A_312 = %while3A_274#0, %while3A_313 = %while3A_274#1) -> (vector<320x1xf32>, f32)  : i32 {
        %min3A = arith.constant 9 : i32
        %min3A_314 = arith.minsi %while3A_311, %min3A : i32
        %get3A_315 = arith.constant 0 : index
        %get3A_316 = arith.index_cast %min3A_314 : i32 to index
        %get3A_317 = arith.constant 0 : index
        %get3A_318 = arith.constant 0 : index
        %get3A_319 = vector.load %arg6[%get3A_315, %get3A_316, %get3A_317, %get3A_318] : memref<1x10x2x512xf32, #tpu.memory_space<vmem>>, vector<1x1x2x512xf32>
        %get3A_320 = vector.shape_cast %get3A_319 : vector<1x1x2x512xf32> to vector<2x512xf32>
        %iota3A_321 = tpu.iota {dimensions = array<i32: 1>} : vector<1x512xi32>
        %mul3A_322 = arith.constant 512 : i32
        %mul3A_323 = arith.muli %while3A_311, %mul3A_322 : i32
        %add3A_324 = vector.broadcast %mul3A_323 : i32 to vector<1x512xi32>
        %add3A_325 = arith.addi %iota3A_321, %add3A_324 : vector<1x512xi32>
        %lt3A_326 = vector.broadcast %get3A_4 : i32 to vector<1x512xi32>
        %lt3A_327 = arith.cmpi slt, %add3A_325, %lt3A_326 : vector<1x512xi32>
        %slice3A_328 = vector.extract_strided_slice %get3A_320 {offsets = [0, 0], sizes = [1, 512], strides = [1, 1]} : vector<2x512xf32> to vector<1x512xf32>
        %jit3A_329 = arith.constant -1.000000e+09 : f32
        %broadcast_in_dim3A_330 = vector.broadcast %jit3A_329 : f32 to vector<1x512xf32>
        %select_n3A_331 = arith.select %lt3A_327, %slice3A_328, %broadcast_in_dim3A_330 : vector<1x512xi1>, vector<1x512xf32>
        %slice3A_332 = vector.extract_strided_slice %get3A_320 {offsets = [1, 0], sizes = [1, 512], strides = [1, 1]} : vector<2x512xf32> to vector<1x512xf32>
        %jit3A_333 = arith.constant -1.000000e+09 : f32
        %broadcast_in_dim3A_334 = vector.broadcast %jit3A_333 : f32 to vector<1x512xf32>
        %select_n3A_335 = arith.select %lt3A_327, %slice3A_332, %broadcast_in_dim3A_334 : vector<1x512xi1>, vector<1x512xf32>
        %sub3A_336 = vector.broadcast %slice3A_260 : vector<320x1xf32> to vector<320x512xf32>
        %sub3A_337 = vector.broadcast %select_n3A_331 : vector<1x512xf32> to vector<320x512xf32>
        %sub3A_338 = arith.subf %sub3A_336, %sub3A_337 : vector<320x512xf32>
        %sub3A_339 = vector.broadcast %slice3A_261 : vector<320x1xf32> to vector<320x512xf32>
        %sub3A_340 = vector.broadcast %select_n3A_335 : vector<1x512xf32> to vector<320x512xf32>
        %sub3A_341 = arith.subf %sub3A_339, %sub3A_340 : vector<320x512xf32>
        %mul3A_342 = arith.mulf %sub3A_338, %sub3A_338 : vector<320x512xf32>
        %mul3A_343 = arith.mulf %sub3A_341, %sub3A_341 : vector<320x512xf32>
        %add3A_344 = arith.addf %mul3A_342, %mul3A_343 : vector<320x512xf32>
        %reduce_min3A = arith.constant dense<0x7F800000> : vector<320xf32>
        %reduce_min3A_345 = vector.multi_reduction <minimumf>, %add3A_344, %reduce_min3A [1] : vector<320x512xf32> to vector<320xf32>
        %broadcast_in_dim3A_346 = vector.shape_cast %reduce_min3A_345 : vector<320xf32> to vector<320x1xf32>
        %reduce_min3A_347 = arith.constant dense<0x7F800000> : vector<512xf32>
        %reduce_min3A_348 = vector.multi_reduction <minimumf>, %add3A_344, %reduce_min3A_347 [0] : vector<320x512xf32> to vector<512xf32>
        %broadcast_in_dim3A_349 = vector.shape_cast %reduce_min3A_348 : vector<512xf32> to vector<1x512xf32>
        %jit3A_350 = arith.constant 0.000000e+00 : f32
        %broadcast_in_dim3A_351 = vector.broadcast %jit3A_350 : f32 to vector<1x512xf32>
        %select_n3A_352 = arith.select %lt3A_327, %broadcast_in_dim3A_349, %broadcast_in_dim3A_351 : vector<1x512xi1>, vector<1x512xf32>
        %reduce_sum3A_353 = vector.shape_cast %select_n3A_352 : vector<1x512xf32> to vector<1x1x512xf32>
        %reduce_sum3A_354 = arith.constant dense<0.000000e+00> : vector<1xf32>
        %reduce_sum3A_355 = vector.multi_reduction <add>, %reduce_sum3A_353, %reduce_sum3A_354 [1, 2] : vector<1x1x512xf32> to vector<1xf32>
        %reduce_sum3A_356 = vector.shape_cast %reduce_sum3A_355 : vector<1xf32> to vector<1x1x1xf32>
        %reduce_sum3A_357 = vector.extract %reduce_sum3A_356[0, 0, 0] : f32 from vector<1x1x1xf32>
        %min3A_358 = arith.minimumf %while3A_312, %broadcast_in_dim3A_346 : vector<320x1xf32>
        %add3A_359 = arith.addf %while3A_313, %reduce_sum3A_357 : f32
        scf.yield %min3A_358, %add3A_359 : vector<320x1xf32>, f32
      }
      %while3A_285 = arith.constant 1 : i32
      %while3A_286:2 = scf.for %while3A_311 = %while3A_282 to %while3A_278 step %while3A_285 iter_args(%while3A_312 = %while3A_284#0, %while3A_313 = %while3A_284#1) -> (vector<320x1xf32>, f32)  : i32 {
        %min3A = arith.constant 9 : i32
        %min3A_314 = arith.minsi %while3A_311, %min3A : i32
        %get3A_315 = arith.constant 0 : index
        %get3A_316 = arith.index_cast %min3A_314 : i32 to index
        %get3A_317 = arith.constant 0 : index
        %get3A_318 = arith.constant 0 : index
        %get3A_319 = vector.load %arg6[%get3A_315, %get3A_316, %get3A_317, %get3A_318] : memref<1x10x2x512xf32, #tpu.memory_space<vmem>>, vector<1x1x2x512xf32>
        %get3A_320 = vector.shape_cast %get3A_319 : vector<1x1x2x512xf32> to vector<2x512xf32>
        %iota3A_321 = tpu.iota {dimensions = array<i32: 1>} : vector<1x512xi32>
        %mul3A_322 = arith.constant 512 : i32
        %mul3A_323 = arith.muli %while3A_311, %mul3A_322 : i32
        %add3A_324 = vector.broadcast %mul3A_323 : i32 to vector<1x512xi32>
        %add3A_325 = arith.addi %iota3A_321, %add3A_324 : vector<1x512xi32>
        %lt3A_326 = vector.broadcast %get3A_4 : i32 to vector<1x512xi32>
        %lt3A_327 = arith.cmpi slt, %add3A_325, %lt3A_326 : vector<1x512xi32>
        %slice3A_328 = vector.extract_strided_slice %get3A_320 {offsets = [0, 0], sizes = [1, 512], strides = [1, 1]} : vector<2x512xf32> to vector<1x512xf32>
        %jit3A_329 = arith.constant -1.000000e+09 : f32
        %broadcast_in_dim3A_330 = vector.broadcast %jit3A_329 : f32 to vector<1x512xf32>
        %select_n3A_331 = arith.select %lt3A_327, %slice3A_328, %broadcast_in_dim3A_330 : vector<1x512xi1>, vector<1x512xf32>
        %slice3A_332 = vector.extract_strided_slice %get3A_320 {offsets = [1, 0], sizes = [1, 512], strides = [1, 1]} : vector<2x512xf32> to vector<1x512xf32>
        %jit3A_333 = arith.constant -1.000000e+09 : f32
        %broadcast_in_dim3A_334 = vector.broadcast %jit3A_333 : f32 to vector<1x512xf32>
        %select_n3A_335 = arith.select %lt3A_327, %slice3A_332, %broadcast_in_dim3A_334 : vector<1x512xi1>, vector<1x512xf32>
        %sub3A_336 = vector.broadcast %slice3A_260 : vector<320x1xf32> to vector<320x512xf32>
        %sub3A_337 = vector.broadcast %select_n3A_331 : vector<1x512xf32> to vector<320x512xf32>
        %sub3A_338 = arith.subf %sub3A_336, %sub3A_337 : vector<320x512xf32>
        %sub3A_339 = vector.broadcast %slice3A_261 : vector<320x1xf32> to vector<320x512xf32>
        %sub3A_340 = vector.broadcast %select_n3A_335 : vector<1x512xf32> to vector<320x512xf32>
        %sub3A_341 = arith.subf %sub3A_339, %sub3A_340 : vector<320x512xf32>
        %mul3A_342 = arith.mulf %sub3A_338, %sub3A_338 : vector<320x512xf32>
        %mul3A_343 = arith.mulf %sub3A_341, %sub3A_341 : vector<320x512xf32>
        %add3A_344 = arith.addf %mul3A_342, %mul3A_343 : vector<320x512xf32>
        %reduce_min3A = arith.constant dense<0x7F800000> : vector<320xf32>
        %reduce_min3A_345 = vector.multi_reduction <minimumf>, %add3A_344, %reduce_min3A [1] : vector<320x512xf32> to vector<320xf32>
        %broadcast_in_dim3A_346 = vector.shape_cast %reduce_min3A_345 : vector<320xf32> to vector<320x1xf32>
        %reduce_min3A_347 = arith.constant dense<0x7F800000> : vector<512xf32>
        %reduce_min3A_348 = vector.multi_reduction <minimumf>, %add3A_344, %reduce_min3A_347 [0] : vector<320x512xf32> to vector<512xf32>
        %broadcast_in_dim3A_349 = vector.shape_cast %reduce_min3A_348 : vector<512xf32> to vector<1x512xf32>
        %jit3A_350 = arith.constant 0.000000e+00 : f32
        %broadcast_in_dim3A_351 = vector.broadcast %jit3A_350 : f32 to vector<1x512xf32>
        %select_n3A_352 = arith.select %lt3A_327, %broadcast_in_dim3A_349, %broadcast_in_dim3A_351 : vector<1x512xi1>, vector<1x512xf32>
        %reduce_sum3A_353 = vector.shape_cast %select_n3A_352 : vector<1x512xf32> to vector<1x1x512xf32>
        %reduce_sum3A_354 = arith.constant dense<0.000000e+00> : vector<1xf32>
        %reduce_sum3A_355 = vector.multi_reduction <add>, %reduce_sum3A_353, %reduce_sum3A_354 [1, 2] : vector<1x1x512xf32> to vector<1xf32>
        %reduce_sum3A_356 = vector.shape_cast %reduce_sum3A_355 : vector<1xf32> to vector<1x1x1xf32>
        %reduce_sum3A_357 = vector.extract %reduce_sum3A_356[0, 0, 0] : f32 from vector<1x1x1xf32>
        %min3A_358 = arith.minimumf %while3A_312, %broadcast_in_dim3A_346 : vector<320x1xf32>
        %add3A_359 = arith.addf %while3A_313, %reduce_sum3A_357 : f32
        scf.yield %min3A_358, %add3A_359 : vector<320x1xf32>, f32
      }
      %iota3A_287 = tpu.iota {dimensions = array<i32: 0>} : vector<320x1xi32>
      %lt3A_288 = vector.broadcast %get3A_1 : i32 to vector<320x1xi32>
      %lt3A_289 = arith.cmpi slt, %iota3A_287, %lt3A_288 : vector<320x1xi32>
      %jit3A_290 = arith.constant 0.000000e+00 : f32
      %broadcast_in_dim3A_291 = vector.broadcast %jit3A_290 : f32 to vector<320x1xf32>
      %select_n3A_292 = arith.select %lt3A_289, %while3A_286#0, %broadcast_in_dim3A_291 : vector<320x1xi1>, vector<320x1xf32>
      %reduce_sum3A = vector.shape_cast %select_n3A_292 : vector<320x1xf32> to vector<1x320x1xf32>
      %reduce_sum3A_293 = arith.constant dense<0.000000e+00> : vector<1xf32>
      %reduce_sum3A_294 = vector.multi_reduction <add>, %reduce_sum3A, %reduce_sum3A_293 [1, 2] : vector<1x320x1xf32> to vector<1xf32>
      %reduce_sum3A_295 = vector.shape_cast %reduce_sum3A_294 : vector<1xf32> to vector<1x1x1xf32>
      %reduce_sum3A_296 = vector.extract %reduce_sum3A_295[0, 0, 0] : f32 from vector<1x1x1xf32>
      %div3A_297 = arith.divf %reduce_sum3A_296, %convert_element_type3A : f32
      %div3A_298 = arith.divf %while3A_286#1, %convert_element_type3A_8 : f32
      %add3A_299 = arith.addf %div3A_297, %div3A_298 : f32
      %mul3A_300 = arith.constant 1.250000e-01 : f32
      %mul3A_301 = arith.mulf %add3A_299, %mul3A_300 : f32
      %eq3A = arith.constant 0 : i32
      %eq3A_302 = arith.cmpi eq, %arg1, %eq3A : i32
      %convert_element_type3A_303 = arith.extui %eq3A_302 : i1 to i32
      %cond3A_304 = arith.constant 0 : i32
      %cond3A_305 = arith.cmpi ne, %convert_element_type3A_303, %cond3A_304 : i32
      scf.if %cond3A_305 {
        %swap3A = arith.index_cast %arg0 : i32 to index
        %swap3A_311 = arith.constant 0 : index
        %swap3A_312 = memref.load %arg7[%swap3A, %swap3A_311] : memref<4x1xf32, #tpu.memory_space<smem>>
        memref.store %mul3A_301, %arg7[%swap3A, %swap3A_311] : memref<4x1xf32, #tpu.memory_space<smem>>
      } else {
      }
      %gt3A_306 = arith.constant 0 : i32
      %gt3A_307 = arith.cmpi sgt, %arg1, %gt3A_306 : i32
      %convert_element_type3A_308 = arith.extui %gt3A_307 : i1 to i32
      %cond3A_309 = arith.constant 0 : i32
      %cond3A_310 = arith.cmpi ne, %convert_element_type3A_308, %cond3A_309 : i32
      scf.if %cond3A_310 {
        %get3A_311 = arith.index_cast %arg0 : i32 to index
        %get3A_312 = arith.constant 0 : index
        %get3A_313 = memref.load %arg7[%get3A_311, %get3A_312] : memref<4x1xf32, #tpu.memory_space<smem>>
        %add3A_314 = arith.addf %get3A_313, %mul3A_301 : f32
        %swap3A = arith.index_cast %arg0 : i32 to index
        %swap3A_315 = arith.constant 0 : index
        %swap3A_316 = memref.load %arg7[%swap3A, %swap3A_315] : memref<4x1xf32, #tpu.memory_space<smem>>
        memref.store %add3A_314, %arg7[%swap3A, %swap3A_315] : memref<4x1xf32, #tpu.memory_space<smem>>
      } else {
      }
    } else {
    }
    %gt3A_172 = arith.constant 320 : i32
    %gt3A_173 = arith.cmpi sgt, %get3A_1, %gt3A_172 : i32
    %le3A_174 = arith.constant 384 : i32
    %le3A_175 = arith.cmpi sle, %get3A_1, %le3A_174 : i32
    %and3A_176 = arith.andi %gt3A_173, %le3A_175 : i1
    %convert_element_type3A_177 = arith.extui %and3A_176 : i1 to i32
    %cond3A_178 = arith.constant 0 : i32
    %cond3A_179 = arith.cmpi ne, %convert_element_type3A_177, %cond3A_178 : i32
    scf.if %cond3A_179 {
      %slice3A_260 = vector.extract_strided_slice %reshape3A {offsets = [0, 0], sizes = [384, 1], strides = [1, 1]} : vector<1024x1xf32> to vector<384x1xf32>
      %slice3A_261 = vector.extract_strided_slice %reshape3A_87 {offsets = [0, 0], sizes = [384, 1], strides = [1, 1]} : vector<1024x1xf32> to vector<384x1xf32>
      %broadcast_in_dim3A_262 = arith.constant 1.000000e+30 : f32
      %broadcast_in_dim3A_263 = vector.broadcast %broadcast_in_dim3A_262 : f32 to vector<384x1xf32>
      %while3A = arith.constant 0 : i32
      %while3A_264 = arith.constant 0.000000e+00 : f32
      %while3A_265 = arith.subi %select_n3A_134, %while3A : i32
      %while3A_266 = arith.addi %while3A, %while3A_265 : i32
      %while3A_267 = arith.constant 1 : i32
      %while3A_268 = arith.divsi %while3A_265, %while3A_267 : i32
      %while3A_269 = arith.muli %while3A_268, %while3A_267 : i32
      %while3A_270 = arith.addi %while3A, %while3A_269 : i32
      %while3A_271 = arith.constant 1 : i32
      %while3A_272:2 = scf.for %while3A_311 = %while3A to %while3A_270 step %while3A_271 iter_args(%while3A_312 = %broadcast_in_dim3A_263, %while3A_313 = %while3A_264) -> (vector<384x1xf32>, f32)  : i32 {
        %mul3A_314 = arith.constant 2 : i32
        %mul3A_315 = arith.muli %mul3A_314, %while3A_311 : i32
        %min3A = arith.constant 9 : i32
        %min3A_316 = arith.minsi %mul3A_315, %min3A : i32
        %get3A_317 = arith.constant 0 : index
        %get3A_318 = arith.index_cast %min3A_316 : i32 to index
        %get3A_319 = arith.constant 0 : index
        %get3A_320 = arith.constant 0 : index
        %get3A_321 = vector.load %arg6[%get3A_317, %get3A_318, %get3A_319, %get3A_320] : memref<1x10x2x512xf32, #tpu.memory_space<vmem>>, vector<1x1x2x512xf32>
        %get3A_322 = vector.shape_cast %get3A_321 : vector<1x1x2x512xf32> to vector<2x512xf32>
        %iota3A_323 = tpu.iota {dimensions = array<i32: 1>} : vector<1x512xi32>
        %mul3A_324 = arith.constant 512 : i32
        %mul3A_325 = arith.muli %mul3A_315, %mul3A_324 : i32
        %add3A_326 = vector.broadcast %mul3A_325 : i32 to vector<1x512xi32>
        %add3A_327 = arith.addi %iota3A_323, %add3A_326 : vector<1x512xi32>
        %lt3A_328 = vector.broadcast %get3A_4 : i32 to vector<1x512xi32>
        %lt3A_329 = arith.cmpi slt, %add3A_327, %lt3A_328 : vector<1x512xi32>
        %slice3A_330 = vector.extract_strided_slice %get3A_322 {offsets = [0, 0], sizes = [1, 512], strides = [1, 1]} : vector<2x512xf32> to vector<1x512xf32>
        %jit3A_331 = arith.constant -1.000000e+09 : f32
        %broadcast_in_dim3A_332 = vector.broadcast %jit3A_331 : f32 to vector<1x512xf32>
        %select_n3A_333 = arith.select %lt3A_329, %slice3A_330, %broadcast_in_dim3A_332 : vector<1x512xi1>, vector<1x512xf32>
        %slice3A_334 = vector.extract_strided_slice %get3A_322 {offsets = [1, 0], sizes = [1, 512], strides = [1, 1]} : vector<2x512xf32> to vector<1x512xf32>
        %jit3A_335 = arith.constant -1.000000e+09 : f32
        %broadcast_in_dim3A_336 = vector.broadcast %jit3A_335 : f32 to vector<1x512xf32>
        %select_n3A_337 = arith.select %lt3A_329, %slice3A_334, %broadcast_in_dim3A_336 : vector<1x512xi1>, vector<1x512xf32>
        %sub3A_338 = vector.broadcast %slice3A_260 : vector<384x1xf32> to vector<384x512xf32>
        %sub3A_339 = vector.broadcast %select_n3A_333 : vector<1x512xf32> to vector<384x512xf32>
        %sub3A_340 = arith.subf %sub3A_338, %sub3A_339 : vector<384x512xf32>
        %sub3A_341 = vector.broadcast %slice3A_261 : vector<384x1xf32> to vector<384x512xf32>
        %sub3A_342 = vector.broadcast %select_n3A_337 : vector<1x512xf32> to vector<384x512xf32>
        %sub3A_343 = arith.subf %sub3A_341, %sub3A_342 : vector<384x512xf32>
        %mul3A_344 = arith.mulf %sub3A_340, %sub3A_340 : vector<384x512xf32>
        %mul3A_345 = arith.mulf %sub3A_343, %sub3A_343 : vector<384x512xf32>
        %add3A_346 = arith.addf %mul3A_344, %mul3A_345 : vector<384x512xf32>
        %reduce_min3A = arith.constant dense<0x7F800000> : vector<384xf32>
        %reduce_min3A_347 = vector.multi_reduction <minimumf>, %add3A_346, %reduce_min3A [1] : vector<384x512xf32> to vector<384xf32>
        %broadcast_in_dim3A_348 = vector.shape_cast %reduce_min3A_347 : vector<384xf32> to vector<384x1xf32>
        %reduce_min3A_349 = arith.constant dense<0x7F800000> : vector<512xf32>
        %reduce_min3A_350 = vector.multi_reduction <minimumf>, %add3A_346, %reduce_min3A_349 [0] : vector<384x512xf32> to vector<512xf32>
        %broadcast_in_dim3A_351 = vector.shape_cast %reduce_min3A_350 : vector<512xf32> to vector<1x512xf32>
        %jit3A_352 = arith.constant 0.000000e+00 : f32
        %broadcast_in_dim3A_353 = vector.broadcast %jit3A_352 : f32 to vector<1x512xf32>
        %select_n3A_354 = arith.select %lt3A_329, %broadcast_in_dim3A_351, %broadcast_in_dim3A_353 : vector<1x512xi1>, vector<1x512xf32>
        %reduce_sum3A_355 = vector.shape_cast %select_n3A_354 : vector<1x512xf32> to vector<1x1x512xf32>
        %reduce_sum3A_356 = arith.constant dense<0.000000e+00> : vector<1xf32>
        %reduce_sum3A_357 = vector.multi_reduction <add>, %reduce_sum3A_355, %reduce_sum3A_356 [1, 2] : vector<1x1x512xf32> to vector<1xf32>
        %reduce_sum3A_358 = vector.shape_cast %reduce_sum3A_357 : vector<1xf32> to vector<1x1x1xf32>
        %reduce_sum3A_359 = vector.extract %reduce_sum3A_358[0, 0, 0] : f32 from vector<1x1x1xf32>
        %mul3A_360 = arith.constant 2 : i32
        %mul3A_361 = arith.muli %mul3A_360, %while3A_311 : i32
        %add3A_362 = arith.constant 1 : i32
        %add3A_363 = arith.addi %mul3A_361, %add3A_362 : i32
        %min3A_364 = arith.constant 9 : i32
        %min3A_365 = arith.minsi %add3A_363, %min3A_364 : i32
        %get3A_366 = arith.constant 0 : index
        %get3A_367 = arith.index_cast %min3A_365 : i32 to index
        %get3A_368 = arith.constant 0 : index
        %get3A_369 = arith.constant 0 : index
        %get3A_370 = vector.load %arg6[%get3A_366, %get3A_367, %get3A_368, %get3A_369] : memref<1x10x2x512xf32, #tpu.memory_space<vmem>>, vector<1x1x2x512xf32>
        %get3A_371 = vector.shape_cast %get3A_370 : vector<1x1x2x512xf32> to vector<2x512xf32>
        %iota3A_372 = tpu.iota {dimensions = array<i32: 1>} : vector<1x512xi32>
        %mul3A_373 = arith.constant 512 : i32
        %mul3A_374 = arith.muli %add3A_363, %mul3A_373 : i32
        %add3A_375 = vector.broadcast %mul3A_374 : i32 to vector<1x512xi32>
        %add3A_376 = arith.addi %iota3A_372, %add3A_375 : vector<1x512xi32>
        %lt3A_377 = vector.broadcast %get3A_4 : i32 to vector<1x512xi32>
        %lt3A_378 = arith.cmpi slt, %add3A_376, %lt3A_377 : vector<1x512xi32>
        %slice3A_379 = vector.extract_strided_slice %get3A_371 {offsets = [0, 0], sizes = [1, 512], strides = [1, 1]} : vector<2x512xf32> to vector<1x512xf32>
        %jit3A_380 = arith.constant -1.000000e+09 : f32
        %broadcast_in_dim3A_381 = vector.broadcast %jit3A_380 : f32 to vector<1x512xf32>
        %select_n3A_382 = arith.select %lt3A_378, %slice3A_379, %broadcast_in_dim3A_381 : vector<1x512xi1>, vector<1x512xf32>
        %slice3A_383 = vector.extract_strided_slice %get3A_371 {offsets = [1, 0], sizes = [1, 512], strides = [1, 1]} : vector<2x512xf32> to vector<1x512xf32>
        %jit3A_384 = arith.constant -1.000000e+09 : f32
        %broadcast_in_dim3A_385 = vector.broadcast %jit3A_384 : f32 to vector<1x512xf32>
        %select_n3A_386 = arith.select %lt3A_378, %slice3A_383, %broadcast_in_dim3A_385 : vector<1x512xi1>, vector<1x512xf32>
        %sub3A_387 = vector.broadcast %slice3A_260 : vector<384x1xf32> to vector<384x512xf32>
        %sub3A_388 = vector.broadcast %select_n3A_382 : vector<1x512xf32> to vector<384x512xf32>
        %sub3A_389 = arith.subf %sub3A_387, %sub3A_388 : vector<384x512xf32>
        %sub3A_390 = vector.broadcast %slice3A_261 : vector<384x1xf32> to vector<384x512xf32>
        %sub3A_391 = vector.broadcast %select_n3A_386 : vector<1x512xf32> to vector<384x512xf32>
        %sub3A_392 = arith.subf %sub3A_390, %sub3A_391 : vector<384x512xf32>
        %mul3A_393 = arith.mulf %sub3A_389, %sub3A_389 : vector<384x512xf32>
        %mul3A_394 = arith.mulf %sub3A_392, %sub3A_392 : vector<384x512xf32>
        %add3A_395 = arith.addf %mul3A_393, %mul3A_394 : vector<384x512xf32>
        %reduce_min3A_396 = arith.constant dense<0x7F800000> : vector<384xf32>
        %reduce_min3A_397 = vector.multi_reduction <minimumf>, %add3A_395, %reduce_min3A_396 [1] : vector<384x512xf32> to vector<384xf32>
        %broadcast_in_dim3A_398 = vector.shape_cast %reduce_min3A_397 : vector<384xf32> to vector<384x1xf32>
        %reduce_min3A_399 = arith.constant dense<0x7F800000> : vector<512xf32>
        %reduce_min3A_400 = vector.multi_reduction <minimumf>, %add3A_395, %reduce_min3A_399 [0] : vector<384x512xf32> to vector<512xf32>
        %broadcast_in_dim3A_401 = vector.shape_cast %reduce_min3A_400 : vector<512xf32> to vector<1x512xf32>
        %jit3A_402 = arith.constant 0.000000e+00 : f32
        %broadcast_in_dim3A_403 = vector.broadcast %jit3A_402 : f32 to vector<1x512xf32>
        %select_n3A_404 = arith.select %lt3A_378, %broadcast_in_dim3A_401, %broadcast_in_dim3A_403 : vector<1x512xi1>, vector<1x512xf32>
        %reduce_sum3A_405 = vector.shape_cast %select_n3A_404 : vector<1x512xf32> to vector<1x1x512xf32>
        %reduce_sum3A_406 = arith.constant dense<0.000000e+00> : vector<1xf32>
        %reduce_sum3A_407 = vector.multi_reduction <add>, %reduce_sum3A_405, %reduce_sum3A_406 [1, 2] : vector<1x1x512xf32> to vector<1xf32>
        %reduce_sum3A_408 = vector.shape_cast %reduce_sum3A_407 : vector<1xf32> to vector<1x1x1xf32>
        %reduce_sum3A_409 = vector.extract %reduce_sum3A_408[0, 0, 0] : f32 from vector<1x1x1xf32>
        %min3A_410 = arith.minimumf %broadcast_in_dim3A_348, %broadcast_in_dim3A_398 : vector<384x1xf32>
        %min3A_411 = arith.minimumf %while3A_312, %min3A_410 : vector<384x1xf32>
        %add3A_412 = arith.addf %reduce_sum3A_359, %reduce_sum3A_409 : f32
        %add3A_413 = arith.addf %while3A_313, %add3A_412 : f32
        scf.yield %min3A_411, %add3A_413 : vector<384x1xf32>, f32
      }
      %while3A_273 = arith.constant 1 : i32
      %while3A_274:2 = scf.for %while3A_311 = %while3A_270 to %while3A_266 step %while3A_273 iter_args(%while3A_312 = %while3A_272#0, %while3A_313 = %while3A_272#1) -> (vector<384x1xf32>, f32)  : i32 {
        %mul3A_314 = arith.constant 2 : i32
        %mul3A_315 = arith.muli %mul3A_314, %while3A_311 : i32
        %min3A = arith.constant 9 : i32
        %min3A_316 = arith.minsi %mul3A_315, %min3A : i32
        %get3A_317 = arith.constant 0 : index
        %get3A_318 = arith.index_cast %min3A_316 : i32 to index
        %get3A_319 = arith.constant 0 : index
        %get3A_320 = arith.constant 0 : index
        %get3A_321 = vector.load %arg6[%get3A_317, %get3A_318, %get3A_319, %get3A_320] : memref<1x10x2x512xf32, #tpu.memory_space<vmem>>, vector<1x1x2x512xf32>
        %get3A_322 = vector.shape_cast %get3A_321 : vector<1x1x2x512xf32> to vector<2x512xf32>
        %iota3A_323 = tpu.iota {dimensions = array<i32: 1>} : vector<1x512xi32>
        %mul3A_324 = arith.constant 512 : i32
        %mul3A_325 = arith.muli %mul3A_315, %mul3A_324 : i32
        %add3A_326 = vector.broadcast %mul3A_325 : i32 to vector<1x512xi32>
        %add3A_327 = arith.addi %iota3A_323, %add3A_326 : vector<1x512xi32>
        %lt3A_328 = vector.broadcast %get3A_4 : i32 to vector<1x512xi32>
        %lt3A_329 = arith.cmpi slt, %add3A_327, %lt3A_328 : vector<1x512xi32>
        %slice3A_330 = vector.extract_strided_slice %get3A_322 {offsets = [0, 0], sizes = [1, 512], strides = [1, 1]} : vector<2x512xf32> to vector<1x512xf32>
        %jit3A_331 = arith.constant -1.000000e+09 : f32
        %broadcast_in_dim3A_332 = vector.broadcast %jit3A_331 : f32 to vector<1x512xf32>
        %select_n3A_333 = arith.select %lt3A_329, %slice3A_330, %broadcast_in_dim3A_332 : vector<1x512xi1>, vector<1x512xf32>
        %slice3A_334 = vector.extract_strided_slice %get3A_322 {offsets = [1, 0], sizes = [1, 512], strides = [1, 1]} : vector<2x512xf32> to vector<1x512xf32>
        %jit3A_335 = arith.constant -1.000000e+09 : f32
        %broadcast_in_dim3A_336 = vector.broadcast %jit3A_335 : f32 to vector<1x512xf32>
        %select_n3A_337 = arith.select %lt3A_329, %slice3A_334, %broadcast_in_dim3A_336 : vector<1x512xi1>, vector<1x512xf32>
        %sub3A_338 = vector.broadcast %slice3A_260 : vector<384x1xf32> to vector<384x512xf32>
        %sub3A_339 = vector.broadcast %select_n3A_333 : vector<1x512xf32> to vector<384x512xf32>
        %sub3A_340 = arith.subf %sub3A_338, %sub3A_339 : vector<384x512xf32>
        %sub3A_341 = vector.broadcast %slice3A_261 : vector<384x1xf32> to vector<384x512xf32>
        %sub3A_342 = vector.broadcast %select_n3A_337 : vector<1x512xf32> to vector<384x512xf32>
        %sub3A_343 = arith.subf %sub3A_341, %sub3A_342 : vector<384x512xf32>
        %mul3A_344 = arith.mulf %sub3A_340, %sub3A_340 : vector<384x512xf32>
        %mul3A_345 = arith.mulf %sub3A_343, %sub3A_343 : vector<384x512xf32>
        %add3A_346 = arith.addf %mul3A_344, %mul3A_345 : vector<384x512xf32>
        %reduce_min3A = arith.constant dense<0x7F800000> : vector<384xf32>
        %reduce_min3A_347 = vector.multi_reduction <minimumf>, %add3A_346, %reduce_min3A [1] : vector<384x512xf32> to vector<384xf32>
        %broadcast_in_dim3A_348 = vector.shape_cast %reduce_min3A_347 : vector<384xf32> to vector<384x1xf32>
        %reduce_min3A_349 = arith.constant dense<0x7F800000> : vector<512xf32>
        %reduce_min3A_350 = vector.multi_reduction <minimumf>, %add3A_346, %reduce_min3A_349 [0] : vector<384x512xf32> to vector<512xf32>
        %broadcast_in_dim3A_351 = vector.shape_cast %reduce_min3A_350 : vector<512xf32> to vector<1x512xf32>
        %jit3A_352 = arith.constant 0.000000e+00 : f32
        %broadcast_in_dim3A_353 = vector.broadcast %jit3A_352 : f32 to vector<1x512xf32>
        %select_n3A_354 = arith.select %lt3A_329, %broadcast_in_dim3A_351, %broadcast_in_dim3A_353 : vector<1x512xi1>, vector<1x512xf32>
        %reduce_sum3A_355 = vector.shape_cast %select_n3A_354 : vector<1x512xf32> to vector<1x1x512xf32>
        %reduce_sum3A_356 = arith.constant dense<0.000000e+00> : vector<1xf32>
        %reduce_sum3A_357 = vector.multi_reduction <add>, %reduce_sum3A_355, %reduce_sum3A_356 [1, 2] : vector<1x1x512xf32> to vector<1xf32>
        %reduce_sum3A_358 = vector.shape_cast %reduce_sum3A_357 : vector<1xf32> to vector<1x1x1xf32>
        %reduce_sum3A_359 = vector.extract %reduce_sum3A_358[0, 0, 0] : f32 from vector<1x1x1xf32>
        %mul3A_360 = arith.constant 2 : i32
        %mul3A_361 = arith.muli %mul3A_360, %while3A_311 : i32
        %add3A_362 = arith.constant 1 : i32
        %add3A_363 = arith.addi %mul3A_361, %add3A_362 : i32
        %min3A_364 = arith.constant 9 : i32
        %min3A_365 = arith.minsi %add3A_363, %min3A_364 : i32
        %get3A_366 = arith.constant 0 : index
        %get3A_367 = arith.index_cast %min3A_365 : i32 to index
        %get3A_368 = arith.constant 0 : index
        %get3A_369 = arith.constant 0 : index
        %get3A_370 = vector.load %arg6[%get3A_366, %get3A_367, %get3A_368, %get3A_369] : memref<1x10x2x512xf32, #tpu.memory_space<vmem>>, vector<1x1x2x512xf32>
        %get3A_371 = vector.shape_cast %get3A_370 : vector<1x1x2x512xf32> to vector<2x512xf32>
        %iota3A_372 = tpu.iota {dimensions = array<i32: 1>} : vector<1x512xi32>
        %mul3A_373 = arith.constant 512 : i32
        %mul3A_374 = arith.muli %add3A_363, %mul3A_373 : i32
        %add3A_375 = vector.broadcast %mul3A_374 : i32 to vector<1x512xi32>
        %add3A_376 = arith.addi %iota3A_372, %add3A_375 : vector<1x512xi32>
        %lt3A_377 = vector.broadcast %get3A_4 : i32 to vector<1x512xi32>
        %lt3A_378 = arith.cmpi slt, %add3A_376, %lt3A_377 : vector<1x512xi32>
        %slice3A_379 = vector.extract_strided_slice %get3A_371 {offsets = [0, 0], sizes = [1, 512], strides = [1, 1]} : vector<2x512xf32> to vector<1x512xf32>
        %jit3A_380 = arith.constant -1.000000e+09 : f32
        %broadcast_in_dim3A_381 = vector.broadcast %jit3A_380 : f32 to vector<1x512xf32>
        %select_n3A_382 = arith.select %lt3A_378, %slice3A_379, %broadcast_in_dim3A_381 : vector<1x512xi1>, vector<1x512xf32>
        %slice3A_383 = vector.extract_strided_slice %get3A_371 {offsets = [1, 0], sizes = [1, 512], strides = [1, 1]} : vector<2x512xf32> to vector<1x512xf32>
        %jit3A_384 = arith.constant -1.000000e+09 : f32
        %broadcast_in_dim3A_385 = vector.broadcast %jit3A_384 : f32 to vector<1x512xf32>
        %select_n3A_386 = arith.select %lt3A_378, %slice3A_383, %broadcast_in_dim3A_385 : vector<1x512xi1>, vector<1x512xf32>
        %sub3A_387 = vector.broadcast %slice3A_260 : vector<384x1xf32> to vector<384x512xf32>
        %sub3A_388 = vector.broadcast %select_n3A_382 : vector<1x512xf32> to vector<384x512xf32>
        %sub3A_389 = arith.subf %sub3A_387, %sub3A_388 : vector<384x512xf32>
        %sub3A_390 = vector.broadcast %slice3A_261 : vector<384x1xf32> to vector<384x512xf32>
        %sub3A_391 = vector.broadcast %select_n3A_386 : vector<1x512xf32> to vector<384x512xf32>
        %sub3A_392 = arith.subf %sub3A_390, %sub3A_391 : vector<384x512xf32>
        %mul3A_393 = arith.mulf %sub3A_389, %sub3A_389 : vector<384x512xf32>
        %mul3A_394 = arith.mulf %sub3A_392, %sub3A_392 : vector<384x512xf32>
        %add3A_395 = arith.addf %mul3A_393, %mul3A_394 : vector<384x512xf32>
        %reduce_min3A_396 = arith.constant dense<0x7F800000> : vector<384xf32>
        %reduce_min3A_397 = vector.multi_reduction <minimumf>, %add3A_395, %reduce_min3A_396 [1] : vector<384x512xf32> to vector<384xf32>
        %broadcast_in_dim3A_398 = vector.shape_cast %reduce_min3A_397 : vector<384xf32> to vector<384x1xf32>
        %reduce_min3A_399 = arith.constant dense<0x7F800000> : vector<512xf32>
        %reduce_min3A_400 = vector.multi_reduction <minimumf>, %add3A_395, %reduce_min3A_399 [0] : vector<384x512xf32> to vector<512xf32>
        %broadcast_in_dim3A_401 = vector.shape_cast %reduce_min3A_400 : vector<512xf32> to vector<1x512xf32>
        %jit3A_402 = arith.constant 0.000000e+00 : f32
        %broadcast_in_dim3A_403 = vector.broadcast %jit3A_402 : f32 to vector<1x512xf32>
        %select_n3A_404 = arith.select %lt3A_378, %broadcast_in_dim3A_401, %broadcast_in_dim3A_403 : vector<1x512xi1>, vector<1x512xf32>
        %reduce_sum3A_405 = vector.shape_cast %select_n3A_404 : vector<1x512xf32> to vector<1x1x512xf32>
        %reduce_sum3A_406 = arith.constant dense<0.000000e+00> : vector<1xf32>
        %reduce_sum3A_407 = vector.multi_reduction <add>, %reduce_sum3A_405, %reduce_sum3A_406 [1, 2] : vector<1x1x512xf32> to vector<1xf32>
        %reduce_sum3A_408 = vector.shape_cast %reduce_sum3A_407 : vector<1xf32> to vector<1x1x1xf32>
        %reduce_sum3A_409 = vector.extract %reduce_sum3A_408[0, 0, 0] : f32 from vector<1x1x1xf32>
        %min3A_410 = arith.minimumf %broadcast_in_dim3A_348, %broadcast_in_dim3A_398 : vector<384x1xf32>
        %min3A_411 = arith.minimumf %while3A_312, %min3A_410 : vector<384x1xf32>
        %add3A_412 = arith.addf %reduce_sum3A_359, %reduce_sum3A_409 : f32
        %add3A_413 = arith.addf %while3A_313, %add3A_412 : f32
        scf.yield %min3A_411, %add3A_413 : vector<384x1xf32>, f32
      }
      %mul3A_275 = arith.constant 2 : i32
      %mul3A_276 = arith.muli %mul3A_275, %select_n3A_134 : i32
      %while3A_277 = arith.subi %select_n3A_110, %mul3A_276 : i32
      %while3A_278 = arith.addi %mul3A_276, %while3A_277 : i32
      %while3A_279 = arith.constant 1 : i32
      %while3A_280 = arith.divsi %while3A_277, %while3A_279 : i32
      %while3A_281 = arith.muli %while3A_280, %while3A_279 : i32
      %while3A_282 = arith.addi %mul3A_276, %while3A_281 : i32
      %while3A_283 = arith.constant 1 : i32
      %while3A_284:2 = scf.for %while3A_311 = %mul3A_276 to %while3A_282 step %while3A_283 iter_args(%while3A_312 = %while3A_274#0, %while3A_313 = %while3A_274#1) -> (vector<384x1xf32>, f32)  : i32 {
        %min3A = arith.constant 9 : i32
        %min3A_314 = arith.minsi %while3A_311, %min3A : i32
        %get3A_315 = arith.constant 0 : index
        %get3A_316 = arith.index_cast %min3A_314 : i32 to index
        %get3A_317 = arith.constant 0 : index
        %get3A_318 = arith.constant 0 : index
        %get3A_319 = vector.load %arg6[%get3A_315, %get3A_316, %get3A_317, %get3A_318] : memref<1x10x2x512xf32, #tpu.memory_space<vmem>>, vector<1x1x2x512xf32>
        %get3A_320 = vector.shape_cast %get3A_319 : vector<1x1x2x512xf32> to vector<2x512xf32>
        %iota3A_321 = tpu.iota {dimensions = array<i32: 1>} : vector<1x512xi32>
        %mul3A_322 = arith.constant 512 : i32
        %mul3A_323 = arith.muli %while3A_311, %mul3A_322 : i32
        %add3A_324 = vector.broadcast %mul3A_323 : i32 to vector<1x512xi32>
        %add3A_325 = arith.addi %iota3A_321, %add3A_324 : vector<1x512xi32>
        %lt3A_326 = vector.broadcast %get3A_4 : i32 to vector<1x512xi32>
        %lt3A_327 = arith.cmpi slt, %add3A_325, %lt3A_326 : vector<1x512xi32>
        %slice3A_328 = vector.extract_strided_slice %get3A_320 {offsets = [0, 0], sizes = [1, 512], strides = [1, 1]} : vector<2x512xf32> to vector<1x512xf32>
        %jit3A_329 = arith.constant -1.000000e+09 : f32
        %broadcast_in_dim3A_330 = vector.broadcast %jit3A_329 : f32 to vector<1x512xf32>
        %select_n3A_331 = arith.select %lt3A_327, %slice3A_328, %broadcast_in_dim3A_330 : vector<1x512xi1>, vector<1x512xf32>
        %slice3A_332 = vector.extract_strided_slice %get3A_320 {offsets = [1, 0], sizes = [1, 512], strides = [1, 1]} : vector<2x512xf32> to vector<1x512xf32>
        %jit3A_333 = arith.constant -1.000000e+09 : f32
        %broadcast_in_dim3A_334 = vector.broadcast %jit3A_333 : f32 to vector<1x512xf32>
        %select_n3A_335 = arith.select %lt3A_327, %slice3A_332, %broadcast_in_dim3A_334 : vector<1x512xi1>, vector<1x512xf32>
        %sub3A_336 = vector.broadcast %slice3A_260 : vector<384x1xf32> to vector<384x512xf32>
        %sub3A_337 = vector.broadcast %select_n3A_331 : vector<1x512xf32> to vector<384x512xf32>
        %sub3A_338 = arith.subf %sub3A_336, %sub3A_337 : vector<384x512xf32>
        %sub3A_339 = vector.broadcast %slice3A_261 : vector<384x1xf32> to vector<384x512xf32>
        %sub3A_340 = vector.broadcast %select_n3A_335 : vector<1x512xf32> to vector<384x512xf32>
        %sub3A_341 = arith.subf %sub3A_339, %sub3A_340 : vector<384x512xf32>
        %mul3A_342 = arith.mulf %sub3A_338, %sub3A_338 : vector<384x512xf32>
        %mul3A_343 = arith.mulf %sub3A_341, %sub3A_341 : vector<384x512xf32>
        %add3A_344 = arith.addf %mul3A_342, %mul3A_343 : vector<384x512xf32>
        %reduce_min3A = arith.constant dense<0x7F800000> : vector<384xf32>
        %reduce_min3A_345 = vector.multi_reduction <minimumf>, %add3A_344, %reduce_min3A [1] : vector<384x512xf32> to vector<384xf32>
        %broadcast_in_dim3A_346 = vector.shape_cast %reduce_min3A_345 : vector<384xf32> to vector<384x1xf32>
        %reduce_min3A_347 = arith.constant dense<0x7F800000> : vector<512xf32>
        %reduce_min3A_348 = vector.multi_reduction <minimumf>, %add3A_344, %reduce_min3A_347 [0] : vector<384x512xf32> to vector<512xf32>
        %broadcast_in_dim3A_349 = vector.shape_cast %reduce_min3A_348 : vector<512xf32> to vector<1x512xf32>
        %jit3A_350 = arith.constant 0.000000e+00 : f32
        %broadcast_in_dim3A_351 = vector.broadcast %jit3A_350 : f32 to vector<1x512xf32>
        %select_n3A_352 = arith.select %lt3A_327, %broadcast_in_dim3A_349, %broadcast_in_dim3A_351 : vector<1x512xi1>, vector<1x512xf32>
        %reduce_sum3A_353 = vector.shape_cast %select_n3A_352 : vector<1x512xf32> to vector<1x1x512xf32>
        %reduce_sum3A_354 = arith.constant dense<0.000000e+00> : vector<1xf32>
        %reduce_sum3A_355 = vector.multi_reduction <add>, %reduce_sum3A_353, %reduce_sum3A_354 [1, 2] : vector<1x1x512xf32> to vector<1xf32>
        %reduce_sum3A_356 = vector.shape_cast %reduce_sum3A_355 : vector<1xf32> to vector<1x1x1xf32>
        %reduce_sum3A_357 = vector.extract %reduce_sum3A_356[0, 0, 0] : f32 from vector<1x1x1xf32>
        %min3A_358 = arith.minimumf %while3A_312, %broadcast_in_dim3A_346 : vector<384x1xf32>
        %add3A_359 = arith.addf %while3A_313, %reduce_sum3A_357 : f32
        scf.yield %min3A_358, %add3A_359 : vector<384x1xf32>, f32
      }
      %while3A_285 = arith.constant 1 : i32
      %while3A_286:2 = scf.for %while3A_311 = %while3A_282 to %while3A_278 step %while3A_285 iter_args(%while3A_312 = %while3A_284#0, %while3A_313 = %while3A_284#1) -> (vector<384x1xf32>, f32)  : i32 {
        %min3A = arith.constant 9 : i32
        %min3A_314 = arith.minsi %while3A_311, %min3A : i32
        %get3A_315 = arith.constant 0 : index
        %get3A_316 = arith.index_cast %min3A_314 : i32 to index
        %get3A_317 = arith.constant 0 : index
        %get3A_318 = arith.constant 0 : index
        %get3A_319 = vector.load %arg6[%get3A_315, %get3A_316, %get3A_317, %get3A_318] : memref<1x10x2x512xf32, #tpu.memory_space<vmem>>, vector<1x1x2x512xf32>
        %get3A_320 = vector.shape_cast %get3A_319 : vector<1x1x2x512xf32> to vector<2x512xf32>
        %iota3A_321 = tpu.iota {dimensions = array<i32: 1>} : vector<1x512xi32>
        %mul3A_322 = arith.constant 512 : i32
        %mul3A_323 = arith.muli %while3A_311, %mul3A_322 : i32
        %add3A_324 = vector.broadcast %mul3A_323 : i32 to vector<1x512xi32>
        %add3A_325 = arith.addi %iota3A_321, %add3A_324 : vector<1x512xi32>
        %lt3A_326 = vector.broadcast %get3A_4 : i32 to vector<1x512xi32>
        %lt3A_327 = arith.cmpi slt, %add3A_325, %lt3A_326 : vector<1x512xi32>
        %slice3A_328 = vector.extract_strided_slice %get3A_320 {offsets = [0, 0], sizes = [1, 512], strides = [1, 1]} : vector<2x512xf32> to vector<1x512xf32>
        %jit3A_329 = arith.constant -1.000000e+09 : f32
        %broadcast_in_dim3A_330 = vector.broadcast %jit3A_329 : f32 to vector<1x512xf32>
        %select_n3A_331 = arith.select %lt3A_327, %slice3A_328, %broadcast_in_dim3A_330 : vector<1x512xi1>, vector<1x512xf32>
        %slice3A_332 = vector.extract_strided_slice %get3A_320 {offsets = [1, 0], sizes = [1, 512], strides = [1, 1]} : vector<2x512xf32> to vector<1x512xf32>
        %jit3A_333 = arith.constant -1.000000e+09 : f32
        %broadcast_in_dim3A_334 = vector.broadcast %jit3A_333 : f32 to vector<1x512xf32>
        %select_n3A_335 = arith.select %lt3A_327, %slice3A_332, %broadcast_in_dim3A_334 : vector<1x512xi1>, vector<1x512xf32>
        %sub3A_336 = vector.broadcast %slice3A_260 : vector<384x1xf32> to vector<384x512xf32>
        %sub3A_337 = vector.broadcast %select_n3A_331 : vector<1x512xf32> to vector<384x512xf32>
        %sub3A_338 = arith.subf %sub3A_336, %sub3A_337 : vector<384x512xf32>
        %sub3A_339 = vector.broadcast %slice3A_261 : vector<384x1xf32> to vector<384x512xf32>
        %sub3A_340 = vector.broadcast %select_n3A_335 : vector<1x512xf32> to vector<384x512xf32>
        %sub3A_341 = arith.subf %sub3A_339, %sub3A_340 : vector<384x512xf32>
        %mul3A_342 = arith.mulf %sub3A_338, %sub3A_338 : vector<384x512xf32>
        %mul3A_343 = arith.mulf %sub3A_341, %sub3A_341 : vector<384x512xf32>
        %add3A_344 = arith.addf %mul3A_342, %mul3A_343 : vector<384x512xf32>
        %reduce_min3A = arith.constant dense<0x7F800000> : vector<384xf32>
        %reduce_min3A_345 = vector.multi_reduction <minimumf>, %add3A_344, %reduce_min3A [1] : vector<384x512xf32> to vector<384xf32>
        %broadcast_in_dim3A_346 = vector.shape_cast %reduce_min3A_345 : vector<384xf32> to vector<384x1xf32>
        %reduce_min3A_347 = arith.constant dense<0x7F800000> : vector<512xf32>
        %reduce_min3A_348 = vector.multi_reduction <minimumf>, %add3A_344, %reduce_min3A_347 [0] : vector<384x512xf32> to vector<512xf32>
        %broadcast_in_dim3A_349 = vector.shape_cast %reduce_min3A_348 : vector<512xf32> to vector<1x512xf32>
        %jit3A_350 = arith.constant 0.000000e+00 : f32
        %broadcast_in_dim3A_351 = vector.broadcast %jit3A_350 : f32 to vector<1x512xf32>
        %select_n3A_352 = arith.select %lt3A_327, %broadcast_in_dim3A_349, %broadcast_in_dim3A_351 : vector<1x512xi1>, vector<1x512xf32>
        %reduce_sum3A_353 = vector.shape_cast %select_n3A_352 : vector<1x512xf32> to vector<1x1x512xf32>
        %reduce_sum3A_354 = arith.constant dense<0.000000e+00> : vector<1xf32>
        %reduce_sum3A_355 = vector.multi_reduction <add>, %reduce_sum3A_353, %reduce_sum3A_354 [1, 2] : vector<1x1x512xf32> to vector<1xf32>
        %reduce_sum3A_356 = vector.shape_cast %reduce_sum3A_355 : vector<1xf32> to vector<1x1x1xf32>
        %reduce_sum3A_357 = vector.extract %reduce_sum3A_356[0, 0, 0] : f32 from vector<1x1x1xf32>
        %min3A_358 = arith.minimumf %while3A_312, %broadcast_in_dim3A_346 : vector<384x1xf32>
        %add3A_359 = arith.addf %while3A_313, %reduce_sum3A_357 : f32
        scf.yield %min3A_358, %add3A_359 : vector<384x1xf32>, f32
      }
      %iota3A_287 = tpu.iota {dimensions = array<i32: 0>} : vector<384x1xi32>
      %lt3A_288 = vector.broadcast %get3A_1 : i32 to vector<384x1xi32>
      %lt3A_289 = arith.cmpi slt, %iota3A_287, %lt3A_288 : vector<384x1xi32>
      %jit3A_290 = arith.constant 0.000000e+00 : f32
      %broadcast_in_dim3A_291 = vector.broadcast %jit3A_290 : f32 to vector<384x1xf32>
      %select_n3A_292 = arith.select %lt3A_289, %while3A_286#0, %broadcast_in_dim3A_291 : vector<384x1xi1>, vector<384x1xf32>
      %reduce_sum3A = vector.shape_cast %select_n3A_292 : vector<384x1xf32> to vector<1x384x1xf32>
      %reduce_sum3A_293 = arith.constant dense<0.000000e+00> : vector<1xf32>
      %reduce_sum3A_294 = vector.multi_reduction <add>, %reduce_sum3A, %reduce_sum3A_293 [1, 2] : vector<1x384x1xf32> to vector<1xf32>
      %reduce_sum3A_295 = vector.shape_cast %reduce_sum3A_294 : vector<1xf32> to vector<1x1x1xf32>
      %reduce_sum3A_296 = vector.extract %reduce_sum3A_295[0, 0, 0] : f32 from vector<1x1x1xf32>
      %div3A_297 = arith.divf %reduce_sum3A_296, %convert_element_type3A : f32
      %div3A_298 = arith.divf %while3A_286#1, %convert_element_type3A_8 : f32
      %add3A_299 = arith.addf %div3A_297, %div3A_298 : f32
      %mul3A_300 = arith.constant 1.250000e-01 : f32
      %mul3A_301 = arith.mulf %add3A_299, %mul3A_300 : f32
      %eq3A = arith.constant 0 : i32
      %eq3A_302 = arith.cmpi eq, %arg1, %eq3A : i32
      %convert_element_type3A_303 = arith.extui %eq3A_302 : i1 to i32
      %cond3A_304 = arith.constant 0 : i32
      %cond3A_305 = arith.cmpi ne, %convert_element_type3A_303, %cond3A_304 : i32
      scf.if %cond3A_305 {
        %swap3A = arith.index_cast %arg0 : i32 to index
        %swap3A_311 = arith.constant 0 : index
        %swap3A_312 = memref.load %arg7[%swap3A, %swap3A_311] : memref<4x1xf32, #tpu.memory_space<smem>>
        memref.store %mul3A_301, %arg7[%swap3A, %swap3A_311] : memref<4x1xf32, #tpu.memory_space<smem>>
      } else {
      }
      %gt3A_306 = arith.constant 0 : i32
      %gt3A_307 = arith.cmpi sgt, %arg1, %gt3A_306 : i32
      %convert_element_type3A_308 = arith.extui %gt3A_307 : i1 to i32
      %cond3A_309 = arith.constant 0 : i32
      %cond3A_310 = arith.cmpi ne, %convert_element_type3A_308, %cond3A_309 : i32
      scf.if %cond3A_310 {
        %get3A_311 = arith.index_cast %arg0 : i32 to index
        %get3A_312 = arith.constant 0 : index
        %get3A_313 = memref.load %arg7[%get3A_311, %get3A_312] : memref<4x1xf32, #tpu.memory_space<smem>>
        %add3A_314 = arith.addf %get3A_313, %mul3A_301 : f32
        %swap3A = arith.index_cast %arg0 : i32 to index
        %swap3A_315 = arith.constant 0 : index
        %swap3A_316 = memref.load %arg7[%swap3A, %swap3A_315] : memref<4x1xf32, #tpu.memory_space<smem>>
        memref.store %add3A_314, %arg7[%swap3A, %swap3A_315] : memref<4x1xf32, #tpu.memory_space<smem>>
      } else {
      }
    } else {
    }
    %gt3A_180 = arith.constant 384 : i32
    %gt3A_181 = arith.cmpi sgt, %get3A_1, %gt3A_180 : i32
    %le3A_182 = arith.constant 448 : i32
    %le3A_183 = arith.cmpi sle, %get3A_1, %le3A_182 : i32
    %and3A_184 = arith.andi %gt3A_181, %le3A_183 : i1
    %convert_element_type3A_185 = arith.extui %and3A_184 : i1 to i32
    %cond3A_186 = arith.constant 0 : i32
    %cond3A_187 = arith.cmpi ne, %convert_element_type3A_185, %cond3A_186 : i32
    scf.if %cond3A_187 {
      %slice3A_260 = vector.extract_strided_slice %reshape3A {offsets = [0, 0], sizes = [448, 1], strides = [1, 1]} : vector<1024x1xf32> to vector<448x1xf32>
      %slice3A_261 = vector.extract_strided_slice %reshape3A_87 {offsets = [0, 0], sizes = [448, 1], strides = [1, 1]} : vector<1024x1xf32> to vector<448x1xf32>
      %broadcast_in_dim3A_262 = arith.constant 1.000000e+30 : f32
      %broadcast_in_dim3A_263 = vector.broadcast %broadcast_in_dim3A_262 : f32 to vector<448x1xf32>
      %while3A = arith.constant 0 : i32
      %while3A_264 = arith.constant 0.000000e+00 : f32
      %while3A_265 = arith.subi %select_n3A_134, %while3A : i32
      %while3A_266 = arith.addi %while3A, %while3A_265 : i32
      %while3A_267 = arith.constant 1 : i32
      %while3A_268 = arith.divsi %while3A_265, %while3A_267 : i32
      %while3A_269 = arith.muli %while3A_268, %while3A_267 : i32
      %while3A_270 = arith.addi %while3A, %while3A_269 : i32
      %while3A_271 = arith.constant 1 : i32
      %while3A_272:2 = scf.for %while3A_311 = %while3A to %while3A_270 step %while3A_271 iter_args(%while3A_312 = %broadcast_in_dim3A_263, %while3A_313 = %while3A_264) -> (vector<448x1xf32>, f32)  : i32 {
        %mul3A_314 = arith.constant 2 : i32
        %mul3A_315 = arith.muli %mul3A_314, %while3A_311 : i32
        %min3A = arith.constant 9 : i32
        %min3A_316 = arith.minsi %mul3A_315, %min3A : i32
        %get3A_317 = arith.constant 0 : index
        %get3A_318 = arith.index_cast %min3A_316 : i32 to index
        %get3A_319 = arith.constant 0 : index
        %get3A_320 = arith.constant 0 : index
        %get3A_321 = vector.load %arg6[%get3A_317, %get3A_318, %get3A_319, %get3A_320] : memref<1x10x2x512xf32, #tpu.memory_space<vmem>>, vector<1x1x2x512xf32>
        %get3A_322 = vector.shape_cast %get3A_321 : vector<1x1x2x512xf32> to vector<2x512xf32>
        %iota3A_323 = tpu.iota {dimensions = array<i32: 1>} : vector<1x512xi32>
        %mul3A_324 = arith.constant 512 : i32
        %mul3A_325 = arith.muli %mul3A_315, %mul3A_324 : i32
        %add3A_326 = vector.broadcast %mul3A_325 : i32 to vector<1x512xi32>
        %add3A_327 = arith.addi %iota3A_323, %add3A_326 : vector<1x512xi32>
        %lt3A_328 = vector.broadcast %get3A_4 : i32 to vector<1x512xi32>
        %lt3A_329 = arith.cmpi slt, %add3A_327, %lt3A_328 : vector<1x512xi32>
        %slice3A_330 = vector.extract_strided_slice %get3A_322 {offsets = [0, 0], sizes = [1, 512], strides = [1, 1]} : vector<2x512xf32> to vector<1x512xf32>
        %jit3A_331 = arith.constant -1.000000e+09 : f32
        %broadcast_in_dim3A_332 = vector.broadcast %jit3A_331 : f32 to vector<1x512xf32>
        %select_n3A_333 = arith.select %lt3A_329, %slice3A_330, %broadcast_in_dim3A_332 : vector<1x512xi1>, vector<1x512xf32>
        %slice3A_334 = vector.extract_strided_slice %get3A_322 {offsets = [1, 0], sizes = [1, 512], strides = [1, 1]} : vector<2x512xf32> to vector<1x512xf32>
        %jit3A_335 = arith.constant -1.000000e+09 : f32
        %broadcast_in_dim3A_336 = vector.broadcast %jit3A_335 : f32 to vector<1x512xf32>
        %select_n3A_337 = arith.select %lt3A_329, %slice3A_334, %broadcast_in_dim3A_336 : vector<1x512xi1>, vector<1x512xf32>
        %sub3A_338 = vector.broadcast %slice3A_260 : vector<448x1xf32> to vector<448x512xf32>
        %sub3A_339 = vector.broadcast %select_n3A_333 : vector<1x512xf32> to vector<448x512xf32>
        %sub3A_340 = arith.subf %sub3A_338, %sub3A_339 : vector<448x512xf32>
        %sub3A_341 = vector.broadcast %slice3A_261 : vector<448x1xf32> to vector<448x512xf32>
        %sub3A_342 = vector.broadcast %select_n3A_337 : vector<1x512xf32> to vector<448x512xf32>
        %sub3A_343 = arith.subf %sub3A_341, %sub3A_342 : vector<448x512xf32>
        %mul3A_344 = arith.mulf %sub3A_340, %sub3A_340 : vector<448x512xf32>
        %mul3A_345 = arith.mulf %sub3A_343, %sub3A_343 : vector<448x512xf32>
        %add3A_346 = arith.addf %mul3A_344, %mul3A_345 : vector<448x512xf32>
        %reduce_min3A = arith.constant dense<0x7F800000> : vector<448xf32>
        %reduce_min3A_347 = vector.multi_reduction <minimumf>, %add3A_346, %reduce_min3A [1] : vector<448x512xf32> to vector<448xf32>
        %broadcast_in_dim3A_348 = vector.shape_cast %reduce_min3A_347 : vector<448xf32> to vector<448x1xf32>
        %reduce_min3A_349 = arith.constant dense<0x7F800000> : vector<512xf32>
        %reduce_min3A_350 = vector.multi_reduction <minimumf>, %add3A_346, %reduce_min3A_349 [0] : vector<448x512xf32> to vector<512xf32>
        %broadcast_in_dim3A_351 = vector.shape_cast %reduce_min3A_350 : vector<512xf32> to vector<1x512xf32>
        %jit3A_352 = arith.constant 0.000000e+00 : f32
        %broadcast_in_dim3A_353 = vector.broadcast %jit3A_352 : f32 to vector<1x512xf32>
        %select_n3A_354 = arith.select %lt3A_329, %broadcast_in_dim3A_351, %broadcast_in_dim3A_353 : vector<1x512xi1>, vector<1x512xf32>
        %reduce_sum3A_355 = vector.shape_cast %select_n3A_354 : vector<1x512xf32> to vector<1x1x512xf32>
        %reduce_sum3A_356 = arith.constant dense<0.000000e+00> : vector<1xf32>
        %reduce_sum3A_357 = vector.multi_reduction <add>, %reduce_sum3A_355, %reduce_sum3A_356 [1, 2] : vector<1x1x512xf32> to vector<1xf32>
        %reduce_sum3A_358 = vector.shape_cast %reduce_sum3A_357 : vector<1xf32> to vector<1x1x1xf32>
        %reduce_sum3A_359 = vector.extract %reduce_sum3A_358[0, 0, 0] : f32 from vector<1x1x1xf32>
        %mul3A_360 = arith.constant 2 : i32
        %mul3A_361 = arith.muli %mul3A_360, %while3A_311 : i32
        %add3A_362 = arith.constant 1 : i32
        %add3A_363 = arith.addi %mul3A_361, %add3A_362 : i32
        %min3A_364 = arith.constant 9 : i32
        %min3A_365 = arith.minsi %add3A_363, %min3A_364 : i32
        %get3A_366 = arith.constant 0 : index
        %get3A_367 = arith.index_cast %min3A_365 : i32 to index
        %get3A_368 = arith.constant 0 : index
        %get3A_369 = arith.constant 0 : index
        %get3A_370 = vector.load %arg6[%get3A_366, %get3A_367, %get3A_368, %get3A_369] : memref<1x10x2x512xf32, #tpu.memory_space<vmem>>, vector<1x1x2x512xf32>
        %get3A_371 = vector.shape_cast %get3A_370 : vector<1x1x2x512xf32> to vector<2x512xf32>
        %iota3A_372 = tpu.iota {dimensions = array<i32: 1>} : vector<1x512xi32>
        %mul3A_373 = arith.constant 512 : i32
        %mul3A_374 = arith.muli %add3A_363, %mul3A_373 : i32
        %add3A_375 = vector.broadcast %mul3A_374 : i32 to vector<1x512xi32>
        %add3A_376 = arith.addi %iota3A_372, %add3A_375 : vector<1x512xi32>
        %lt3A_377 = vector.broadcast %get3A_4 : i32 to vector<1x512xi32>
        %lt3A_378 = arith.cmpi slt, %add3A_376, %lt3A_377 : vector<1x512xi32>
        %slice3A_379 = vector.extract_strided_slice %get3A_371 {offsets = [0, 0], sizes = [1, 512], strides = [1, 1]} : vector<2x512xf32> to vector<1x512xf32>
        %jit3A_380 = arith.constant -1.000000e+09 : f32
        %broadcast_in_dim3A_381 = vector.broadcast %jit3A_380 : f32 to vector<1x512xf32>
        %select_n3A_382 = arith.select %lt3A_378, %slice3A_379, %broadcast_in_dim3A_381 : vector<1x512xi1>, vector<1x512xf32>
        %slice3A_383 = vector.extract_strided_slice %get3A_371 {offsets = [1, 0], sizes = [1, 512], strides = [1, 1]} : vector<2x512xf32> to vector<1x512xf32>
        %jit3A_384 = arith.constant -1.000000e+09 : f32
        %broadcast_in_dim3A_385 = vector.broadcast %jit3A_384 : f32 to vector<1x512xf32>
        %select_n3A_386 = arith.select %lt3A_378, %slice3A_383, %broadcast_in_dim3A_385 : vector<1x512xi1>, vector<1x512xf32>
        %sub3A_387 = vector.broadcast %slice3A_260 : vector<448x1xf32> to vector<448x512xf32>
        %sub3A_388 = vector.broadcast %select_n3A_382 : vector<1x512xf32> to vector<448x512xf32>
        %sub3A_389 = arith.subf %sub3A_387, %sub3A_388 : vector<448x512xf32>
        %sub3A_390 = vector.broadcast %slice3A_261 : vector<448x1xf32> to vector<448x512xf32>
        %sub3A_391 = vector.broadcast %select_n3A_386 : vector<1x512xf32> to vector<448x512xf32>
        %sub3A_392 = arith.subf %sub3A_390, %sub3A_391 : vector<448x512xf32>
        %mul3A_393 = arith.mulf %sub3A_389, %sub3A_389 : vector<448x512xf32>
        %mul3A_394 = arith.mulf %sub3A_392, %sub3A_392 : vector<448x512xf32>
        %add3A_395 = arith.addf %mul3A_393, %mul3A_394 : vector<448x512xf32>
        %reduce_min3A_396 = arith.constant dense<0x7F800000> : vector<448xf32>
        %reduce_min3A_397 = vector.multi_reduction <minimumf>, %add3A_395, %reduce_min3A_396 [1] : vector<448x512xf32> to vector<448xf32>
        %broadcast_in_dim3A_398 = vector.shape_cast %reduce_min3A_397 : vector<448xf32> to vector<448x1xf32>
        %reduce_min3A_399 = arith.constant dense<0x7F800000> : vector<512xf32>
        %reduce_min3A_400 = vector.multi_reduction <minimumf>, %add3A_395, %reduce_min3A_399 [0] : vector<448x512xf32> to vector<512xf32>
        %broadcast_in_dim3A_401 = vector.shape_cast %reduce_min3A_400 : vector<512xf32> to vector<1x512xf32>
        %jit3A_402 = arith.constant 0.000000e+00 : f32
        %broadcast_in_dim3A_403 = vector.broadcast %jit3A_402 : f32 to vector<1x512xf32>
        %select_n3A_404 = arith.select %lt3A_378, %broadcast_in_dim3A_401, %broadcast_in_dim3A_403 : vector<1x512xi1>, vector<1x512xf32>
        %reduce_sum3A_405 = vector.shape_cast %select_n3A_404 : vector<1x512xf32> to vector<1x1x512xf32>
        %reduce_sum3A_406 = arith.constant dense<0.000000e+00> : vector<1xf32>
        %reduce_sum3A_407 = vector.multi_reduction <add>, %reduce_sum3A_405, %reduce_sum3A_406 [1, 2] : vector<1x1x512xf32> to vector<1xf32>
        %reduce_sum3A_408 = vector.shape_cast %reduce_sum3A_407 : vector<1xf32> to vector<1x1x1xf32>
        %reduce_sum3A_409 = vector.extract %reduce_sum3A_408[0, 0, 0] : f32 from vector<1x1x1xf32>
        %min3A_410 = arith.minimumf %broadcast_in_dim3A_348, %broadcast_in_dim3A_398 : vector<448x1xf32>
        %min3A_411 = arith.minimumf %while3A_312, %min3A_410 : vector<448x1xf32>
        %add3A_412 = arith.addf %reduce_sum3A_359, %reduce_sum3A_409 : f32
        %add3A_413 = arith.addf %while3A_313, %add3A_412 : f32
        scf.yield %min3A_411, %add3A_413 : vector<448x1xf32>, f32
      }
      %while3A_273 = arith.constant 1 : i32
      %while3A_274:2 = scf.for %while3A_311 = %while3A_270 to %while3A_266 step %while3A_273 iter_args(%while3A_312 = %while3A_272#0, %while3A_313 = %while3A_272#1) -> (vector<448x1xf32>, f32)  : i32 {
        %mul3A_314 = arith.constant 2 : i32
        %mul3A_315 = arith.muli %mul3A_314, %while3A_311 : i32
        %min3A = arith.constant 9 : i32
        %min3A_316 = arith.minsi %mul3A_315, %min3A : i32
        %get3A_317 = arith.constant 0 : index
        %get3A_318 = arith.index_cast %min3A_316 : i32 to index
        %get3A_319 = arith.constant 0 : index
        %get3A_320 = arith.constant 0 : index
        %get3A_321 = vector.load %arg6[%get3A_317, %get3A_318, %get3A_319, %get3A_320] : memref<1x10x2x512xf32, #tpu.memory_space<vmem>>, vector<1x1x2x512xf32>
        %get3A_322 = vector.shape_cast %get3A_321 : vector<1x1x2x512xf32> to vector<2x512xf32>
        %iota3A_323 = tpu.iota {dimensions = array<i32: 1>} : vector<1x512xi32>
        %mul3A_324 = arith.constant 512 : i32
        %mul3A_325 = arith.muli %mul3A_315, %mul3A_324 : i32
        %add3A_326 = vector.broadcast %mul3A_325 : i32 to vector<1x512xi32>
        %add3A_327 = arith.addi %iota3A_323, %add3A_326 : vector<1x512xi32>
        %lt3A_328 = vector.broadcast %get3A_4 : i32 to vector<1x512xi32>
        %lt3A_329 = arith.cmpi slt, %add3A_327, %lt3A_328 : vector<1x512xi32>
        %slice3A_330 = vector.extract_strided_slice %get3A_322 {offsets = [0, 0], sizes = [1, 512], strides = [1, 1]} : vector<2x512xf32> to vector<1x512xf32>
        %jit3A_331 = arith.constant -1.000000e+09 : f32
        %broadcast_in_dim3A_332 = vector.broadcast %jit3A_331 : f32 to vector<1x512xf32>
        %select_n3A_333 = arith.select %lt3A_329, %slice3A_330, %broadcast_in_dim3A_332 : vector<1x512xi1>, vector<1x512xf32>
        %slice3A_334 = vector.extract_strided_slice %get3A_322 {offsets = [1, 0], sizes = [1, 512], strides = [1, 1]} : vector<2x512xf32> to vector<1x512xf32>
        %jit3A_335 = arith.constant -1.000000e+09 : f32
        %broadcast_in_dim3A_336 = vector.broadcast %jit3A_335 : f32 to vector<1x512xf32>
        %select_n3A_337 = arith.select %lt3A_329, %slice3A_334, %broadcast_in_dim3A_336 : vector<1x512xi1>, vector<1x512xf32>
        %sub3A_338 = vector.broadcast %slice3A_260 : vector<448x1xf32> to vector<448x512xf32>
        %sub3A_339 = vector.broadcast %select_n3A_333 : vector<1x512xf32> to vector<448x512xf32>
        %sub3A_340 = arith.subf %sub3A_338, %sub3A_339 : vector<448x512xf32>
        %sub3A_341 = vector.broadcast %slice3A_261 : vector<448x1xf32> to vector<448x512xf32>
        %sub3A_342 = vector.broadcast %select_n3A_337 : vector<1x512xf32> to vector<448x512xf32>
        %sub3A_343 = arith.subf %sub3A_341, %sub3A_342 : vector<448x512xf32>
        %mul3A_344 = arith.mulf %sub3A_340, %sub3A_340 : vector<448x512xf32>
        %mul3A_345 = arith.mulf %sub3A_343, %sub3A_343 : vector<448x512xf32>
        %add3A_346 = arith.addf %mul3A_344, %mul3A_345 : vector<448x512xf32>
        %reduce_min3A = arith.constant dense<0x7F800000> : vector<448xf32>
        %reduce_min3A_347 = vector.multi_reduction <minimumf>, %add3A_346, %reduce_min3A [1] : vector<448x512xf32> to vector<448xf32>
        %broadcast_in_dim3A_348 = vector.shape_cast %reduce_min3A_347 : vector<448xf32> to vector<448x1xf32>
        %reduce_min3A_349 = arith.constant dense<0x7F800000> : vector<512xf32>
        %reduce_min3A_350 = vector.multi_reduction <minimumf>, %add3A_346, %reduce_min3A_349 [0] : vector<448x512xf32> to vector<512xf32>
        %broadcast_in_dim3A_351 = vector.shape_cast %reduce_min3A_350 : vector<512xf32> to vector<1x512xf32>
        %jit3A_352 = arith.constant 0.000000e+00 : f32
        %broadcast_in_dim3A_353 = vector.broadcast %jit3A_352 : f32 to vector<1x512xf32>
        %select_n3A_354 = arith.select %lt3A_329, %broadcast_in_dim3A_351, %broadcast_in_dim3A_353 : vector<1x512xi1>, vector<1x512xf32>
        %reduce_sum3A_355 = vector.shape_cast %select_n3A_354 : vector<1x512xf32> to vector<1x1x512xf32>
        %reduce_sum3A_356 = arith.constant dense<0.000000e+00> : vector<1xf32>
        %reduce_sum3A_357 = vector.multi_reduction <add>, %reduce_sum3A_355, %reduce_sum3A_356 [1, 2] : vector<1x1x512xf32> to vector<1xf32>
        %reduce_sum3A_358 = vector.shape_cast %reduce_sum3A_357 : vector<1xf32> to vector<1x1x1xf32>
        %reduce_sum3A_359 = vector.extract %reduce_sum3A_358[0, 0, 0] : f32 from vector<1x1x1xf32>
        %mul3A_360 = arith.constant 2 : i32
        %mul3A_361 = arith.muli %mul3A_360, %while3A_311 : i32
        %add3A_362 = arith.constant 1 : i32
        %add3A_363 = arith.addi %mul3A_361, %add3A_362 : i32
        %min3A_364 = arith.constant 9 : i32
        %min3A_365 = arith.minsi %add3A_363, %min3A_364 : i32
        %get3A_366 = arith.constant 0 : index
        %get3A_367 = arith.index_cast %min3A_365 : i32 to index
        %get3A_368 = arith.constant 0 : index
        %get3A_369 = arith.constant 0 : index
        %get3A_370 = vector.load %arg6[%get3A_366, %get3A_367, %get3A_368, %get3A_369] : memref<1x10x2x512xf32, #tpu.memory_space<vmem>>, vector<1x1x2x512xf32>
        %get3A_371 = vector.shape_cast %get3A_370 : vector<1x1x2x512xf32> to vector<2x512xf32>
        %iota3A_372 = tpu.iota {dimensions = array<i32: 1>} : vector<1x512xi32>
        %mul3A_373 = arith.constant 512 : i32
        %mul3A_374 = arith.muli %add3A_363, %mul3A_373 : i32
        %add3A_375 = vector.broadcast %mul3A_374 : i32 to vector<1x512xi32>
        %add3A_376 = arith.addi %iota3A_372, %add3A_375 : vector<1x512xi32>
        %lt3A_377 = vector.broadcast %get3A_4 : i32 to vector<1x512xi32>
        %lt3A_378 = arith.cmpi slt, %add3A_376, %lt3A_377 : vector<1x512xi32>
        %slice3A_379 = vector.extract_strided_slice %get3A_371 {offsets = [0, 0], sizes = [1, 512], strides = [1, 1]} : vector<2x512xf32> to vector<1x512xf32>
        %jit3A_380 = arith.constant -1.000000e+09 : f32
        %broadcast_in_dim3A_381 = vector.broadcast %jit3A_380 : f32 to vector<1x512xf32>
        %select_n3A_382 = arith.select %lt3A_378, %slice3A_379, %broadcast_in_dim3A_381 : vector<1x512xi1>, vector<1x512xf32>
        %slice3A_383 = vector.extract_strided_slice %get3A_371 {offsets = [1, 0], sizes = [1, 512], strides = [1, 1]} : vector<2x512xf32> to vector<1x512xf32>
        %jit3A_384 = arith.constant -1.000000e+09 : f32
        %broadcast_in_dim3A_385 = vector.broadcast %jit3A_384 : f32 to vector<1x512xf32>
        %select_n3A_386 = arith.select %lt3A_378, %slice3A_383, %broadcast_in_dim3A_385 : vector<1x512xi1>, vector<1x512xf32>
        %sub3A_387 = vector.broadcast %slice3A_260 : vector<448x1xf32> to vector<448x512xf32>
        %sub3A_388 = vector.broadcast %select_n3A_382 : vector<1x512xf32> to vector<448x512xf32>
        %sub3A_389 = arith.subf %sub3A_387, %sub3A_388 : vector<448x512xf32>
        %sub3A_390 = vector.broadcast %slice3A_261 : vector<448x1xf32> to vector<448x512xf32>
        %sub3A_391 = vector.broadcast %select_n3A_386 : vector<1x512xf32> to vector<448x512xf32>
        %sub3A_392 = arith.subf %sub3A_390, %sub3A_391 : vector<448x512xf32>
        %mul3A_393 = arith.mulf %sub3A_389, %sub3A_389 : vector<448x512xf32>
        %mul3A_394 = arith.mulf %sub3A_392, %sub3A_392 : vector<448x512xf32>
        %add3A_395 = arith.addf %mul3A_393, %mul3A_394 : vector<448x512xf32>
        %reduce_min3A_396 = arith.constant dense<0x7F800000> : vector<448xf32>
        %reduce_min3A_397 = vector.multi_reduction <minimumf>, %add3A_395, %reduce_min3A_396 [1] : vector<448x512xf32> to vector<448xf32>
        %broadcast_in_dim3A_398 = vector.shape_cast %reduce_min3A_397 : vector<448xf32> to vector<448x1xf32>
        %reduce_min3A_399 = arith.constant dense<0x7F800000> : vector<512xf32>
        %reduce_min3A_400 = vector.multi_reduction <minimumf>, %add3A_395, %reduce_min3A_399 [0] : vector<448x512xf32> to vector<512xf32>
        %broadcast_in_dim3A_401 = vector.shape_cast %reduce_min3A_400 : vector<512xf32> to vector<1x512xf32>
        %jit3A_402 = arith.constant 0.000000e+00 : f32
        %broadcast_in_dim3A_403 = vector.broadcast %jit3A_402 : f32 to vector<1x512xf32>
        %select_n3A_404 = arith.select %lt3A_378, %broadcast_in_dim3A_401, %broadcast_in_dim3A_403 : vector<1x512xi1>, vector<1x512xf32>
        %reduce_sum3A_405 = vector.shape_cast %select_n3A_404 : vector<1x512xf32> to vector<1x1x512xf32>
        %reduce_sum3A_406 = arith.constant dense<0.000000e+00> : vector<1xf32>
        %reduce_sum3A_407 = vector.multi_reduction <add>, %reduce_sum3A_405, %reduce_sum3A_406 [1, 2] : vector<1x1x512xf32> to vector<1xf32>
        %reduce_sum3A_408 = vector.shape_cast %reduce_sum3A_407 : vector<1xf32> to vector<1x1x1xf32>
        %reduce_sum3A_409 = vector.extract %reduce_sum3A_408[0, 0, 0] : f32 from vector<1x1x1xf32>
        %min3A_410 = arith.minimumf %broadcast_in_dim3A_348, %broadcast_in_dim3A_398 : vector<448x1xf32>
        %min3A_411 = arith.minimumf %while3A_312, %min3A_410 : vector<448x1xf32>
        %add3A_412 = arith.addf %reduce_sum3A_359, %reduce_sum3A_409 : f32
        %add3A_413 = arith.addf %while3A_313, %add3A_412 : f32
        scf.yield %min3A_411, %add3A_413 : vector<448x1xf32>, f32
      }
      %mul3A_275 = arith.constant 2 : i32
      %mul3A_276 = arith.muli %mul3A_275, %select_n3A_134 : i32
      %while3A_277 = arith.subi %select_n3A_110, %mul3A_276 : i32
      %while3A_278 = arith.addi %mul3A_276, %while3A_277 : i32
      %while3A_279 = arith.constant 1 : i32
      %while3A_280 = arith.divsi %while3A_277, %while3A_279 : i32
      %while3A_281 = arith.muli %while3A_280, %while3A_279 : i32
      %while3A_282 = arith.addi %mul3A_276, %while3A_281 : i32
      %while3A_283 = arith.constant 1 : i32
      %while3A_284:2 = scf.for %while3A_311 = %mul3A_276 to %while3A_282 step %while3A_283 iter_args(%while3A_312 = %while3A_274#0, %while3A_313 = %while3A_274#1) -> (vector<448x1xf32>, f32)  : i32 {
        %min3A = arith.constant 9 : i32
        %min3A_314 = arith.minsi %while3A_311, %min3A : i32
        %get3A_315 = arith.constant 0 : index
        %get3A_316 = arith.index_cast %min3A_314 : i32 to index
        %get3A_317 = arith.constant 0 : index
        %get3A_318 = arith.constant 0 : index
        %get3A_319 = vector.load %arg6[%get3A_315, %get3A_316, %get3A_317, %get3A_318] : memref<1x10x2x512xf32, #tpu.memory_space<vmem>>, vector<1x1x2x512xf32>
        %get3A_320 = vector.shape_cast %get3A_319 : vector<1x1x2x512xf32> to vector<2x512xf32>
        %iota3A_321 = tpu.iota {dimensions = array<i32: 1>} : vector<1x512xi32>
        %mul3A_322 = arith.constant 512 : i32
        %mul3A_323 = arith.muli %while3A_311, %mul3A_322 : i32
        %add3A_324 = vector.broadcast %mul3A_323 : i32 to vector<1x512xi32>
        %add3A_325 = arith.addi %iota3A_321, %add3A_324 : vector<1x512xi32>
        %lt3A_326 = vector.broadcast %get3A_4 : i32 to vector<1x512xi32>
        %lt3A_327 = arith.cmpi slt, %add3A_325, %lt3A_326 : vector<1x512xi32>
        %slice3A_328 = vector.extract_strided_slice %get3A_320 {offsets = [0, 0], sizes = [1, 512], strides = [1, 1]} : vector<2x512xf32> to vector<1x512xf32>
        %jit3A_329 = arith.constant -1.000000e+09 : f32
        %broadcast_in_dim3A_330 = vector.broadcast %jit3A_329 : f32 to vector<1x512xf32>
        %select_n3A_331 = arith.select %lt3A_327, %slice3A_328, %broadcast_in_dim3A_330 : vector<1x512xi1>, vector<1x512xf32>
        %slice3A_332 = vector.extract_strided_slice %get3A_320 {offsets = [1, 0], sizes = [1, 512], strides = [1, 1]} : vector<2x512xf32> to vector<1x512xf32>
        %jit3A_333 = arith.constant -1.000000e+09 : f32
        %broadcast_in_dim3A_334 = vector.broadcast %jit3A_333 : f32 to vector<1x512xf32>
        %select_n3A_335 = arith.select %lt3A_327, %slice3A_332, %broadcast_in_dim3A_334 : vector<1x512xi1>, vector<1x512xf32>
        %sub3A_336 = vector.broadcast %slice3A_260 : vector<448x1xf32> to vector<448x512xf32>
        %sub3A_337 = vector.broadcast %select_n3A_331 : vector<1x512xf32> to vector<448x512xf32>
        %sub3A_338 = arith.subf %sub3A_336, %sub3A_337 : vector<448x512xf32>
        %sub3A_339 = vector.broadcast %slice3A_261 : vector<448x1xf32> to vector<448x512xf32>
        %sub3A_340 = vector.broadcast %select_n3A_335 : vector<1x512xf32> to vector<448x512xf32>
        %sub3A_341 = arith.subf %sub3A_339, %sub3A_340 : vector<448x512xf32>
        %mul3A_342 = arith.mulf %sub3A_338, %sub3A_338 : vector<448x512xf32>
        %mul3A_343 = arith.mulf %sub3A_341, %sub3A_341 : vector<448x512xf32>
        %add3A_344 = arith.addf %mul3A_342, %mul3A_343 : vector<448x512xf32>
        %reduce_min3A = arith.constant dense<0x7F800000> : vector<448xf32>
        %reduce_min3A_345 = vector.multi_reduction <minimumf>, %add3A_344, %reduce_min3A [1] : vector<448x512xf32> to vector<448xf32>
        %broadcast_in_dim3A_346 = vector.shape_cast %reduce_min3A_345 : vector<448xf32> to vector<448x1xf32>
        %reduce_min3A_347 = arith.constant dense<0x7F800000> : vector<512xf32>
        %reduce_min3A_348 = vector.multi_reduction <minimumf>, %add3A_344, %reduce_min3A_347 [0] : vector<448x512xf32> to vector<512xf32>
        %broadcast_in_dim3A_349 = vector.shape_cast %reduce_min3A_348 : vector<512xf32> to vector<1x512xf32>
        %jit3A_350 = arith.constant 0.000000e+00 : f32
        %broadcast_in_dim3A_351 = vector.broadcast %jit3A_350 : f32 to vector<1x512xf32>
        %select_n3A_352 = arith.select %lt3A_327, %broadcast_in_dim3A_349, %broadcast_in_dim3A_351 : vector<1x512xi1>, vector<1x512xf32>
        %reduce_sum3A_353 = vector.shape_cast %select_n3A_352 : vector<1x512xf32> to vector<1x1x512xf32>
        %reduce_sum3A_354 = arith.constant dense<0.000000e+00> : vector<1xf32>
        %reduce_sum3A_355 = vector.multi_reduction <add>, %reduce_sum3A_353, %reduce_sum3A_354 [1, 2] : vector<1x1x512xf32> to vector<1xf32>
        %reduce_sum3A_356 = vector.shape_cast %reduce_sum3A_355 : vector<1xf32> to vector<1x1x1xf32>
        %reduce_sum3A_357 = vector.extract %reduce_sum3A_356[0, 0, 0] : f32 from vector<1x1x1xf32>
        %min3A_358 = arith.minimumf %while3A_312, %broadcast_in_dim3A_346 : vector<448x1xf32>
        %add3A_359 = arith.addf %while3A_313, %reduce_sum3A_357 : f32
        scf.yield %min3A_358, %add3A_359 : vector<448x1xf32>, f32
      }
      %while3A_285 = arith.constant 1 : i32
      %while3A_286:2 = scf.for %while3A_311 = %while3A_282 to %while3A_278 step %while3A_285 iter_args(%while3A_312 = %while3A_284#0, %while3A_313 = %while3A_284#1) -> (vector<448x1xf32>, f32)  : i32 {
        %min3A = arith.constant 9 : i32
        %min3A_314 = arith.minsi %while3A_311, %min3A : i32
        %get3A_315 = arith.constant 0 : index
        %get3A_316 = arith.index_cast %min3A_314 : i32 to index
        %get3A_317 = arith.constant 0 : index
        %get3A_318 = arith.constant 0 : index
        %get3A_319 = vector.load %arg6[%get3A_315, %get3A_316, %get3A_317, %get3A_318] : memref<1x10x2x512xf32, #tpu.memory_space<vmem>>, vector<1x1x2x512xf32>
        %get3A_320 = vector.shape_cast %get3A_319 : vector<1x1x2x512xf32> to vector<2x512xf32>
        %iota3A_321 = tpu.iota {dimensions = array<i32: 1>} : vector<1x512xi32>
        %mul3A_322 = arith.constant 512 : i32
        %mul3A_323 = arith.muli %while3A_311, %mul3A_322 : i32
        %add3A_324 = vector.broadcast %mul3A_323 : i32 to vector<1x512xi32>
        %add3A_325 = arith.addi %iota3A_321, %add3A_324 : vector<1x512xi32>
        %lt3A_326 = vector.broadcast %get3A_4 : i32 to vector<1x512xi32>
        %lt3A_327 = arith.cmpi slt, %add3A_325, %lt3A_326 : vector<1x512xi32>
        %slice3A_328 = vector.extract_strided_slice %get3A_320 {offsets = [0, 0], sizes = [1, 512], strides = [1, 1]} : vector<2x512xf32> to vector<1x512xf32>
        %jit3A_329 = arith.constant -1.000000e+09 : f32
        %broadcast_in_dim3A_330 = vector.broadcast %jit3A_329 : f32 to vector<1x512xf32>
        %select_n3A_331 = arith.select %lt3A_327, %slice3A_328, %broadcast_in_dim3A_330 : vector<1x512xi1>, vector<1x512xf32>
        %slice3A_332 = vector.extract_strided_slice %get3A_320 {offsets = [1, 0], sizes = [1, 512], strides = [1, 1]} : vector<2x512xf32> to vector<1x512xf32>
        %jit3A_333 = arith.constant -1.000000e+09 : f32
        %broadcast_in_dim3A_334 = vector.broadcast %jit3A_333 : f32 to vector<1x512xf32>
        %select_n3A_335 = arith.select %lt3A_327, %slice3A_332, %broadcast_in_dim3A_334 : vector<1x512xi1>, vector<1x512xf32>
        %sub3A_336 = vector.broadcast %slice3A_260 : vector<448x1xf32> to vector<448x512xf32>
        %sub3A_337 = vector.broadcast %select_n3A_331 : vector<1x512xf32> to vector<448x512xf32>
        %sub3A_338 = arith.subf %sub3A_336, %sub3A_337 : vector<448x512xf32>
        %sub3A_339 = vector.broadcast %slice3A_261 : vector<448x1xf32> to vector<448x512xf32>
        %sub3A_340 = vector.broadcast %select_n3A_335 : vector<1x512xf32> to vector<448x512xf32>
        %sub3A_341 = arith.subf %sub3A_339, %sub3A_340 : vector<448x512xf32>
        %mul3A_342 = arith.mulf %sub3A_338, %sub3A_338 : vector<448x512xf32>
        %mul3A_343 = arith.mulf %sub3A_341, %sub3A_341 : vector<448x512xf32>
        %add3A_344 = arith.addf %mul3A_342, %mul3A_343 : vector<448x512xf32>
        %reduce_min3A = arith.constant dense<0x7F800000> : vector<448xf32>
        %reduce_min3A_345 = vector.multi_reduction <minimumf>, %add3A_344, %reduce_min3A [1] : vector<448x512xf32> to vector<448xf32>
        %broadcast_in_dim3A_346 = vector.shape_cast %reduce_min3A_345 : vector<448xf32> to vector<448x1xf32>
        %reduce_min3A_347 = arith.constant dense<0x7F800000> : vector<512xf32>
        %reduce_min3A_348 = vector.multi_reduction <minimumf>, %add3A_344, %reduce_min3A_347 [0] : vector<448x512xf32> to vector<512xf32>
        %broadcast_in_dim3A_349 = vector.shape_cast %reduce_min3A_348 : vector<512xf32> to vector<1x512xf32>
        %jit3A_350 = arith.constant 0.000000e+00 : f32
        %broadcast_in_dim3A_351 = vector.broadcast %jit3A_350 : f32 to vector<1x512xf32>
        %select_n3A_352 = arith.select %lt3A_327, %broadcast_in_dim3A_349, %broadcast_in_dim3A_351 : vector<1x512xi1>, vector<1x512xf32>
        %reduce_sum3A_353 = vector.shape_cast %select_n3A_352 : vector<1x512xf32> to vector<1x1x512xf32>
        %reduce_sum3A_354 = arith.constant dense<0.000000e+00> : vector<1xf32>
        %reduce_sum3A_355 = vector.multi_reduction <add>, %reduce_sum3A_353, %reduce_sum3A_354 [1, 2] : vector<1x1x512xf32> to vector<1xf32>
        %reduce_sum3A_356 = vector.shape_cast %reduce_sum3A_355 : vector<1xf32> to vector<1x1x1xf32>
        %reduce_sum3A_357 = vector.extract %reduce_sum3A_356[0, 0, 0] : f32 from vector<1x1x1xf32>
        %min3A_358 = arith.minimumf %while3A_312, %broadcast_in_dim3A_346 : vector<448x1xf32>
        %add3A_359 = arith.addf %while3A_313, %reduce_sum3A_357 : f32
        scf.yield %min3A_358, %add3A_359 : vector<448x1xf32>, f32
      }
      %iota3A_287 = tpu.iota {dimensions = array<i32: 0>} : vector<448x1xi32>
      %lt3A_288 = vector.broadcast %get3A_1 : i32 to vector<448x1xi32>
      %lt3A_289 = arith.cmpi slt, %iota3A_287, %lt3A_288 : vector<448x1xi32>
      %jit3A_290 = arith.constant 0.000000e+00 : f32
      %broadcast_in_dim3A_291 = vector.broadcast %jit3A_290 : f32 to vector<448x1xf32>
      %select_n3A_292 = arith.select %lt3A_289, %while3A_286#0, %broadcast_in_dim3A_291 : vector<448x1xi1>, vector<448x1xf32>
      %reduce_sum3A = vector.shape_cast %select_n3A_292 : vector<448x1xf32> to vector<1x448x1xf32>
      %reduce_sum3A_293 = arith.constant dense<0.000000e+00> : vector<1xf32>
      %reduce_sum3A_294 = vector.multi_reduction <add>, %reduce_sum3A, %reduce_sum3A_293 [1, 2] : vector<1x448x1xf32> to vector<1xf32>
      %reduce_sum3A_295 = vector.shape_cast %reduce_sum3A_294 : vector<1xf32> to vector<1x1x1xf32>
      %reduce_sum3A_296 = vector.extract %reduce_sum3A_295[0, 0, 0] : f32 from vector<1x1x1xf32>
      %div3A_297 = arith.divf %reduce_sum3A_296, %convert_element_type3A : f32
      %div3A_298 = arith.divf %while3A_286#1, %convert_element_type3A_8 : f32
      %add3A_299 = arith.addf %div3A_297, %div3A_298 : f32
      %mul3A_300 = arith.constant 1.250000e-01 : f32
      %mul3A_301 = arith.mulf %add3A_299, %mul3A_300 : f32
      %eq3A = arith.constant 0 : i32
      %eq3A_302 = arith.cmpi eq, %arg1, %eq3A : i32
      %convert_element_type3A_303 = arith.extui %eq3A_302 : i1 to i32
      %cond3A_304 = arith.constant 0 : i32
      %cond3A_305 = arith.cmpi ne, %convert_element_type3A_303, %cond3A_304 : i32
      scf.if %cond3A_305 {
        %swap3A = arith.index_cast %arg0 : i32 to index
        %swap3A_311 = arith.constant 0 : index
        %swap3A_312 = memref.load %arg7[%swap3A, %swap3A_311] : memref<4x1xf32, #tpu.memory_space<smem>>
        memref.store %mul3A_301, %arg7[%swap3A, %swap3A_311] : memref<4x1xf32, #tpu.memory_space<smem>>
      } else {
      }
      %gt3A_306 = arith.constant 0 : i32
      %gt3A_307 = arith.cmpi sgt, %arg1, %gt3A_306 : i32
      %convert_element_type3A_308 = arith.extui %gt3A_307 : i1 to i32
      %cond3A_309 = arith.constant 0 : i32
      %cond3A_310 = arith.cmpi ne, %convert_element_type3A_308, %cond3A_309 : i32
      scf.if %cond3A_310 {
        %get3A_311 = arith.index_cast %arg0 : i32 to index
        %get3A_312 = arith.constant 0 : index
        %get3A_313 = memref.load %arg7[%get3A_311, %get3A_312] : memref<4x1xf32, #tpu.memory_space<smem>>
        %add3A_314 = arith.addf %get3A_313, %mul3A_301 : f32
        %swap3A = arith.index_cast %arg0 : i32 to index
        %swap3A_315 = arith.constant 0 : index
        %swap3A_316 = memref.load %arg7[%swap3A, %swap3A_315] : memref<4x1xf32, #tpu.memory_space<smem>>
        memref.store %add3A_314, %arg7[%swap3A, %swap3A_315] : memref<4x1xf32, #tpu.memory_space<smem>>
      } else {
      }
    } else {
    }
    %gt3A_188 = arith.constant 448 : i32
    %gt3A_189 = arith.cmpi sgt, %get3A_1, %gt3A_188 : i32
    %le3A_190 = arith.constant 512 : i32
    %le3A_191 = arith.cmpi sle, %get3A_1, %le3A_190 : i32
    %and3A_192 = arith.andi %gt3A_189, %le3A_191 : i1
    %convert_element_type3A_193 = arith.extui %and3A_192 : i1 to i32
    %cond3A_194 = arith.constant 0 : i32
    %cond3A_195 = arith.cmpi ne, %convert_element_type3A_193, %cond3A_194 : i32
    scf.if %cond3A_195 {
      %slice3A_260 = vector.extract_strided_slice %reshape3A {offsets = [0, 0], sizes = [512, 1], strides = [1, 1]} : vector<1024x1xf32> to vector<512x1xf32>
      %slice3A_261 = vector.extract_strided_slice %reshape3A_87 {offsets = [0, 0], sizes = [512, 1], strides = [1, 1]} : vector<1024x1xf32> to vector<512x1xf32>
      %broadcast_in_dim3A_262 = arith.constant 1.000000e+30 : f32
      %broadcast_in_dim3A_263 = vector.broadcast %broadcast_in_dim3A_262 : f32 to vector<512x1xf32>
      %while3A = arith.constant 0 : i32
      %while3A_264 = arith.constant 0.000000e+00 : f32
      %while3A_265 = arith.subi %select_n3A_134, %while3A : i32
      %while3A_266 = arith.addi %while3A, %while3A_265 : i32
      %while3A_267 = arith.constant 1 : i32
      %while3A_268 = arith.divsi %while3A_265, %while3A_267 : i32
      %while3A_269 = arith.muli %while3A_268, %while3A_267 : i32
      %while3A_270 = arith.addi %while3A, %while3A_269 : i32
      %while3A_271 = arith.constant 1 : i32
      %while3A_272:2 = scf.for %while3A_311 = %while3A to %while3A_270 step %while3A_271 iter_args(%while3A_312 = %broadcast_in_dim3A_263, %while3A_313 = %while3A_264) -> (vector<512x1xf32>, f32)  : i32 {
        %mul3A_314 = arith.constant 2 : i32
        %mul3A_315 = arith.muli %mul3A_314, %while3A_311 : i32
        %min3A = arith.constant 9 : i32
        %min3A_316 = arith.minsi %mul3A_315, %min3A : i32
        %get3A_317 = arith.constant 0 : index
        %get3A_318 = arith.index_cast %min3A_316 : i32 to index
        %get3A_319 = arith.constant 0 : index
        %get3A_320 = arith.constant 0 : index
        %get3A_321 = vector.load %arg6[%get3A_317, %get3A_318, %get3A_319, %get3A_320] : memref<1x10x2x512xf32, #tpu.memory_space<vmem>>, vector<1x1x2x512xf32>
        %get3A_322 = vector.shape_cast %get3A_321 : vector<1x1x2x512xf32> to vector<2x512xf32>
        %iota3A_323 = tpu.iota {dimensions = array<i32: 1>} : vector<1x512xi32>
        %mul3A_324 = arith.constant 512 : i32
        %mul3A_325 = arith.muli %mul3A_315, %mul3A_324 : i32
        %add3A_326 = vector.broadcast %mul3A_325 : i32 to vector<1x512xi32>
        %add3A_327 = arith.addi %iota3A_323, %add3A_326 : vector<1x512xi32>
        %lt3A_328 = vector.broadcast %get3A_4 : i32 to vector<1x512xi32>
        %lt3A_329 = arith.cmpi slt, %add3A_327, %lt3A_328 : vector<1x512xi32>
        %slice3A_330 = vector.extract_strided_slice %get3A_322 {offsets = [0, 0], sizes = [1, 512], strides = [1, 1]} : vector<2x512xf32> to vector<1x512xf32>
        %jit3A_331 = arith.constant -1.000000e+09 : f32
        %broadcast_in_dim3A_332 = vector.broadcast %jit3A_331 : f32 to vector<1x512xf32>
        %select_n3A_333 = arith.select %lt3A_329, %slice3A_330, %broadcast_in_dim3A_332 : vector<1x512xi1>, vector<1x512xf32>
        %slice3A_334 = vector.extract_strided_slice %get3A_322 {offsets = [1, 0], sizes = [1, 512], strides = [1, 1]} : vector<2x512xf32> to vector<1x512xf32>
        %jit3A_335 = arith.constant -1.000000e+09 : f32
        %broadcast_in_dim3A_336 = vector.broadcast %jit3A_335 : f32 to vector<1x512xf32>
        %select_n3A_337 = arith.select %lt3A_329, %slice3A_334, %broadcast_in_dim3A_336 : vector<1x512xi1>, vector<1x512xf32>
        %sub3A_338 = vector.broadcast %slice3A_260 : vector<512x1xf32> to vector<512x512xf32>
        %sub3A_339 = vector.broadcast %select_n3A_333 : vector<1x512xf32> to vector<512x512xf32>
        %sub3A_340 = arith.subf %sub3A_338, %sub3A_339 : vector<512x512xf32>
        %sub3A_341 = vector.broadcast %slice3A_261 : vector<512x1xf32> to vector<512x512xf32>
        %sub3A_342 = vector.broadcast %select_n3A_337 : vector<1x512xf32> to vector<512x512xf32>
        %sub3A_343 = arith.subf %sub3A_341, %sub3A_342 : vector<512x512xf32>
        %mul3A_344 = arith.mulf %sub3A_340, %sub3A_340 : vector<512x512xf32>
        %mul3A_345 = arith.mulf %sub3A_343, %sub3A_343 : vector<512x512xf32>
        %add3A_346 = arith.addf %mul3A_344, %mul3A_345 : vector<512x512xf32>
        %reduce_min3A = arith.constant dense<0x7F800000> : vector<512xf32>
        %reduce_min3A_347 = vector.multi_reduction <minimumf>, %add3A_346, %reduce_min3A [1] : vector<512x512xf32> to vector<512xf32>
        %broadcast_in_dim3A_348 = vector.shape_cast %reduce_min3A_347 : vector<512xf32> to vector<512x1xf32>
        %reduce_min3A_349 = arith.constant dense<0x7F800000> : vector<512xf32>
        %reduce_min3A_350 = vector.multi_reduction <minimumf>, %add3A_346, %reduce_min3A_349 [0] : vector<512x512xf32> to vector<512xf32>
        %broadcast_in_dim3A_351 = vector.shape_cast %reduce_min3A_350 : vector<512xf32> to vector<1x512xf32>
        %jit3A_352 = arith.constant 0.000000e+00 : f32
        %broadcast_in_dim3A_353 = vector.broadcast %jit3A_352 : f32 to vector<1x512xf32>
        %select_n3A_354 = arith.select %lt3A_329, %broadcast_in_dim3A_351, %broadcast_in_dim3A_353 : vector<1x512xi1>, vector<1x512xf32>
        %reduce_sum3A_355 = vector.shape_cast %select_n3A_354 : vector<1x512xf32> to vector<1x1x512xf32>
        %reduce_sum3A_356 = arith.constant dense<0.000000e+00> : vector<1xf32>
        %reduce_sum3A_357 = vector.multi_reduction <add>, %reduce_sum3A_355, %reduce_sum3A_356 [1, 2] : vector<1x1x512xf32> to vector<1xf32>
        %reduce_sum3A_358 = vector.shape_cast %reduce_sum3A_357 : vector<1xf32> to vector<1x1x1xf32>
        %reduce_sum3A_359 = vector.extract %reduce_sum3A_358[0, 0, 0] : f32 from vector<1x1x1xf32>
        %mul3A_360 = arith.constant 2 : i32
        %mul3A_361 = arith.muli %mul3A_360, %while3A_311 : i32
        %add3A_362 = arith.constant 1 : i32
        %add3A_363 = arith.addi %mul3A_361, %add3A_362 : i32
        %min3A_364 = arith.constant 9 : i32
        %min3A_365 = arith.minsi %add3A_363, %min3A_364 : i32
        %get3A_366 = arith.constant 0 : index
        %get3A_367 = arith.index_cast %min3A_365 : i32 to index
        %get3A_368 = arith.constant 0 : index
        %get3A_369 = arith.constant 0 : index
        %get3A_370 = vector.load %arg6[%get3A_366, %get3A_367, %get3A_368, %get3A_369] : memref<1x10x2x512xf32, #tpu.memory_space<vmem>>, vector<1x1x2x512xf32>
        %get3A_371 = vector.shape_cast %get3A_370 : vector<1x1x2x512xf32> to vector<2x512xf32>
        %iota3A_372 = tpu.iota {dimensions = array<i32: 1>} : vector<1x512xi32>
        %mul3A_373 = arith.constant 512 : i32
        %mul3A_374 = arith.muli %add3A_363, %mul3A_373 : i32
        %add3A_375 = vector.broadcast %mul3A_374 : i32 to vector<1x512xi32>
        %add3A_376 = arith.addi %iota3A_372, %add3A_375 : vector<1x512xi32>
        %lt3A_377 = vector.broadcast %get3A_4 : i32 to vector<1x512xi32>
        %lt3A_378 = arith.cmpi slt, %add3A_376, %lt3A_377 : vector<1x512xi32>
        %slice3A_379 = vector.extract_strided_slice %get3A_371 {offsets = [0, 0], sizes = [1, 512], strides = [1, 1]} : vector<2x512xf32> to vector<1x512xf32>
        %jit3A_380 = arith.constant -1.000000e+09 : f32
        %broadcast_in_dim3A_381 = vector.broadcast %jit3A_380 : f32 to vector<1x512xf32>
        %select_n3A_382 = arith.select %lt3A_378, %slice3A_379, %broadcast_in_dim3A_381 : vector<1x512xi1>, vector<1x512xf32>
        %slice3A_383 = vector.extract_strided_slice %get3A_371 {offsets = [1, 0], sizes = [1, 512], strides = [1, 1]} : vector<2x512xf32> to vector<1x512xf32>
        %jit3A_384 = arith.constant -1.000000e+09 : f32
        %broadcast_in_dim3A_385 = vector.broadcast %jit3A_384 : f32 to vector<1x512xf32>
        %select_n3A_386 = arith.select %lt3A_378, %slice3A_383, %broadcast_in_dim3A_385 : vector<1x512xi1>, vector<1x512xf32>
        %sub3A_387 = vector.broadcast %slice3A_260 : vector<512x1xf32> to vector<512x512xf32>
        %sub3A_388 = vector.broadcast %select_n3A_382 : vector<1x512xf32> to vector<512x512xf32>
        %sub3A_389 = arith.subf %sub3A_387, %sub3A_388 : vector<512x512xf32>
        %sub3A_390 = vector.broadcast %slice3A_261 : vector<512x1xf32> to vector<512x512xf32>
        %sub3A_391 = vector.broadcast %select_n3A_386 : vector<1x512xf32> to vector<512x512xf32>
        %sub3A_392 = arith.subf %sub3A_390, %sub3A_391 : vector<512x512xf32>
        %mul3A_393 = arith.mulf %sub3A_389, %sub3A_389 : vector<512x512xf32>
        %mul3A_394 = arith.mulf %sub3A_392, %sub3A_392 : vector<512x512xf32>
        %add3A_395 = arith.addf %mul3A_393, %mul3A_394 : vector<512x512xf32>
        %reduce_min3A_396 = arith.constant dense<0x7F800000> : vector<512xf32>
        %reduce_min3A_397 = vector.multi_reduction <minimumf>, %add3A_395, %reduce_min3A_396 [1] : vector<512x512xf32> to vector<512xf32>
        %broadcast_in_dim3A_398 = vector.shape_cast %reduce_min3A_397 : vector<512xf32> to vector<512x1xf32>
        %reduce_min3A_399 = arith.constant dense<0x7F800000> : vector<512xf32>
        %reduce_min3A_400 = vector.multi_reduction <minimumf>, %add3A_395, %reduce_min3A_399 [0] : vector<512x512xf32> to vector<512xf32>
        %broadcast_in_dim3A_401 = vector.shape_cast %reduce_min3A_400 : vector<512xf32> to vector<1x512xf32>
        %jit3A_402 = arith.constant 0.000000e+00 : f32
        %broadcast_in_dim3A_403 = vector.broadcast %jit3A_402 : f32 to vector<1x512xf32>
        %select_n3A_404 = arith.select %lt3A_378, %broadcast_in_dim3A_401, %broadcast_in_dim3A_403 : vector<1x512xi1>, vector<1x512xf32>
        %reduce_sum3A_405 = vector.shape_cast %select_n3A_404 : vector<1x512xf32> to vector<1x1x512xf32>
        %reduce_sum3A_406 = arith.constant dense<0.000000e+00> : vector<1xf32>
        %reduce_sum3A_407 = vector.multi_reduction <add>, %reduce_sum3A_405, %reduce_sum3A_406 [1, 2] : vector<1x1x512xf32> to vector<1xf32>
        %reduce_sum3A_408 = vector.shape_cast %reduce_sum3A_407 : vector<1xf32> to vector<1x1x1xf32>
        %reduce_sum3A_409 = vector.extract %reduce_sum3A_408[0, 0, 0] : f32 from vector<1x1x1xf32>
        %min3A_410 = arith.minimumf %broadcast_in_dim3A_348, %broadcast_in_dim3A_398 : vector<512x1xf32>
        %min3A_411 = arith.minimumf %while3A_312, %min3A_410 : vector<512x1xf32>
        %add3A_412 = arith.addf %reduce_sum3A_359, %reduce_sum3A_409 : f32
        %add3A_413 = arith.addf %while3A_313, %add3A_412 : f32
        scf.yield %min3A_411, %add3A_413 : vector<512x1xf32>, f32
      }
      %while3A_273 = arith.constant 1 : i32
      %while3A_274:2 = scf.for %while3A_311 = %while3A_270 to %while3A_266 step %while3A_273 iter_args(%while3A_312 = %while3A_272#0, %while3A_313 = %while3A_272#1) -> (vector<512x1xf32>, f32)  : i32 {
        %mul3A_314 = arith.constant 2 : i32
        %mul3A_315 = arith.muli %mul3A_314, %while3A_311 : i32
        %min3A = arith.constant 9 : i32
        %min3A_316 = arith.minsi %mul3A_315, %min3A : i32
        %get3A_317 = arith.constant 0 : index
        %get3A_318 = arith.index_cast %min3A_316 : i32 to index
        %get3A_319 = arith.constant 0 : index
        %get3A_320 = arith.constant 0 : index
        %get3A_321 = vector.load %arg6[%get3A_317, %get3A_318, %get3A_319, %get3A_320] : memref<1x10x2x512xf32, #tpu.memory_space<vmem>>, vector<1x1x2x512xf32>
        %get3A_322 = vector.shape_cast %get3A_321 : vector<1x1x2x512xf32> to vector<2x512xf32>
        %iota3A_323 = tpu.iota {dimensions = array<i32: 1>} : vector<1x512xi32>
        %mul3A_324 = arith.constant 512 : i32
        %mul3A_325 = arith.muli %mul3A_315, %mul3A_324 : i32
        %add3A_326 = vector.broadcast %mul3A_325 : i32 to vector<1x512xi32>
        %add3A_327 = arith.addi %iota3A_323, %add3A_326 : vector<1x512xi32>
        %lt3A_328 = vector.broadcast %get3A_4 : i32 to vector<1x512xi32>
        %lt3A_329 = arith.cmpi slt, %add3A_327, %lt3A_328 : vector<1x512xi32>
        %slice3A_330 = vector.extract_strided_slice %get3A_322 {offsets = [0, 0], sizes = [1, 512], strides = [1, 1]} : vector<2x512xf32> to vector<1x512xf32>
        %jit3A_331 = arith.constant -1.000000e+09 : f32
        %broadcast_in_dim3A_332 = vector.broadcast %jit3A_331 : f32 to vector<1x512xf32>
        %select_n3A_333 = arith.select %lt3A_329, %slice3A_330, %broadcast_in_dim3A_332 : vector<1x512xi1>, vector<1x512xf32>
        %slice3A_334 = vector.extract_strided_slice %get3A_322 {offsets = [1, 0], sizes = [1, 512], strides = [1, 1]} : vector<2x512xf32> to vector<1x512xf32>
        %jit3A_335 = arith.constant -1.000000e+09 : f32
        %broadcast_in_dim3A_336 = vector.broadcast %jit3A_335 : f32 to vector<1x512xf32>
        %select_n3A_337 = arith.select %lt3A_329, %slice3A_334, %broadcast_in_dim3A_336 : vector<1x512xi1>, vector<1x512xf32>
        %sub3A_338 = vector.broadcast %slice3A_260 : vector<512x1xf32> to vector<512x512xf32>
        %sub3A_339 = vector.broadcast %select_n3A_333 : vector<1x512xf32> to vector<512x512xf32>
        %sub3A_340 = arith.subf %sub3A_338, %sub3A_339 : vector<512x512xf32>
        %sub3A_341 = vector.broadcast %slice3A_261 : vector<512x1xf32> to vector<512x512xf32>
        %sub3A_342 = vector.broadcast %select_n3A_337 : vector<1x512xf32> to vector<512x512xf32>
        %sub3A_343 = arith.subf %sub3A_341, %sub3A_342 : vector<512x512xf32>
        %mul3A_344 = arith.mulf %sub3A_340, %sub3A_340 : vector<512x512xf32>
        %mul3A_345 = arith.mulf %sub3A_343, %sub3A_343 : vector<512x512xf32>
        %add3A_346 = arith.addf %mul3A_344, %mul3A_345 : vector<512x512xf32>
        %reduce_min3A = arith.constant dense<0x7F800000> : vector<512xf32>
        %reduce_min3A_347 = vector.multi_reduction <minimumf>, %add3A_346, %reduce_min3A [1] : vector<512x512xf32> to vector<512xf32>
        %broadcast_in_dim3A_348 = vector.shape_cast %reduce_min3A_347 : vector<512xf32> to vector<512x1xf32>
        %reduce_min3A_349 = arith.constant dense<0x7F800000> : vector<512xf32>
        %reduce_min3A_350 = vector.multi_reduction <minimumf>, %add3A_346, %reduce_min3A_349 [0] : vector<512x512xf32> to vector<512xf32>
        %broadcast_in_dim3A_351 = vector.shape_cast %reduce_min3A_350 : vector<512xf32> to vector<1x512xf32>
        %jit3A_352 = arith.constant 0.000000e+00 : f32
        %broadcast_in_dim3A_353 = vector.broadcast %jit3A_352 : f32 to vector<1x512xf32>
        %select_n3A_354 = arith.select %lt3A_329, %broadcast_in_dim3A_351, %broadcast_in_dim3A_353 : vector<1x512xi1>, vector<1x512xf32>
        %reduce_sum3A_355 = vector.shape_cast %select_n3A_354 : vector<1x512xf32> to vector<1x1x512xf32>
        %reduce_sum3A_356 = arith.constant dense<0.000000e+00> : vector<1xf32>
        %reduce_sum3A_357 = vector.multi_reduction <add>, %reduce_sum3A_355, %reduce_sum3A_356 [1, 2] : vector<1x1x512xf32> to vector<1xf32>
        %reduce_sum3A_358 = vector.shape_cast %reduce_sum3A_357 : vector<1xf32> to vector<1x1x1xf32>
        %reduce_sum3A_359 = vector.extract %reduce_sum3A_358[0, 0, 0] : f32 from vector<1x1x1xf32>
        %mul3A_360 = arith.constant 2 : i32
        %mul3A_361 = arith.muli %mul3A_360, %while3A_311 : i32
        %add3A_362 = arith.constant 1 : i32
        %add3A_363 = arith.addi %mul3A_361, %add3A_362 : i32
        %min3A_364 = arith.constant 9 : i32
        %min3A_365 = arith.minsi %add3A_363, %min3A_364 : i32
        %get3A_366 = arith.constant 0 : index
        %get3A_367 = arith.index_cast %min3A_365 : i32 to index
        %get3A_368 = arith.constant 0 : index
        %get3A_369 = arith.constant 0 : index
        %get3A_370 = vector.load %arg6[%get3A_366, %get3A_367, %get3A_368, %get3A_369] : memref<1x10x2x512xf32, #tpu.memory_space<vmem>>, vector<1x1x2x512xf32>
        %get3A_371 = vector.shape_cast %get3A_370 : vector<1x1x2x512xf32> to vector<2x512xf32>
        %iota3A_372 = tpu.iota {dimensions = array<i32: 1>} : vector<1x512xi32>
        %mul3A_373 = arith.constant 512 : i32
        %mul3A_374 = arith.muli %add3A_363, %mul3A_373 : i32
        %add3A_375 = vector.broadcast %mul3A_374 : i32 to vector<1x512xi32>
        %add3A_376 = arith.addi %iota3A_372, %add3A_375 : vector<1x512xi32>
        %lt3A_377 = vector.broadcast %get3A_4 : i32 to vector<1x512xi32>
        %lt3A_378 = arith.cmpi slt, %add3A_376, %lt3A_377 : vector<1x512xi32>
        %slice3A_379 = vector.extract_strided_slice %get3A_371 {offsets = [0, 0], sizes = [1, 512], strides = [1, 1]} : vector<2x512xf32> to vector<1x512xf32>
        %jit3A_380 = arith.constant -1.000000e+09 : f32
        %broadcast_in_dim3A_381 = vector.broadcast %jit3A_380 : f32 to vector<1x512xf32>
        %select_n3A_382 = arith.select %lt3A_378, %slice3A_379, %broadcast_in_dim3A_381 : vector<1x512xi1>, vector<1x512xf32>
        %slice3A_383 = vector.extract_strided_slice %get3A_371 {offsets = [1, 0], sizes = [1, 512], strides = [1, 1]} : vector<2x512xf32> to vector<1x512xf32>
        %jit3A_384 = arith.constant -1.000000e+09 : f32
        %broadcast_in_dim3A_385 = vector.broadcast %jit3A_384 : f32 to vector<1x512xf32>
        %select_n3A_386 = arith.select %lt3A_378, %slice3A_383, %broadcast_in_dim3A_385 : vector<1x512xi1>, vector<1x512xf32>
        %sub3A_387 = vector.broadcast %slice3A_260 : vector<512x1xf32> to vector<512x512xf32>
        %sub3A_388 = vector.broadcast %select_n3A_382 : vector<1x512xf32> to vector<512x512xf32>
        %sub3A_389 = arith.subf %sub3A_387, %sub3A_388 : vector<512x512xf32>
        %sub3A_390 = vector.broadcast %slice3A_261 : vector<512x1xf32> to vector<512x512xf32>
        %sub3A_391 = vector.broadcast %select_n3A_386 : vector<1x512xf32> to vector<512x512xf32>
        %sub3A_392 = arith.subf %sub3A_390, %sub3A_391 : vector<512x512xf32>
        %mul3A_393 = arith.mulf %sub3A_389, %sub3A_389 : vector<512x512xf32>
        %mul3A_394 = arith.mulf %sub3A_392, %sub3A_392 : vector<512x512xf32>
        %add3A_395 = arith.addf %mul3A_393, %mul3A_394 : vector<512x512xf32>
        %reduce_min3A_396 = arith.constant dense<0x7F800000> : vector<512xf32>
        %reduce_min3A_397 = vector.multi_reduction <minimumf>, %add3A_395, %reduce_min3A_396 [1] : vector<512x512xf32> to vector<512xf32>
        %broadcast_in_dim3A_398 = vector.shape_cast %reduce_min3A_397 : vector<512xf32> to vector<512x1xf32>
        %reduce_min3A_399 = arith.constant dense<0x7F800000> : vector<512xf32>
        %reduce_min3A_400 = vector.multi_reduction <minimumf>, %add3A_395, %reduce_min3A_399 [0] : vector<512x512xf32> to vector<512xf32>
        %broadcast_in_dim3A_401 = vector.shape_cast %reduce_min3A_400 : vector<512xf32> to vector<1x512xf32>
        %jit3A_402 = arith.constant 0.000000e+00 : f32
        %broadcast_in_dim3A_403 = vector.broadcast %jit3A_402 : f32 to vector<1x512xf32>
        %select_n3A_404 = arith.select %lt3A_378, %broadcast_in_dim3A_401, %broadcast_in_dim3A_403 : vector<1x512xi1>, vector<1x512xf32>
        %reduce_sum3A_405 = vector.shape_cast %select_n3A_404 : vector<1x512xf32> to vector<1x1x512xf32>
        %reduce_sum3A_406 = arith.constant dense<0.000000e+00> : vector<1xf32>
        %reduce_sum3A_407 = vector.multi_reduction <add>, %reduce_sum3A_405, %reduce_sum3A_406 [1, 2] : vector<1x1x512xf32> to vector<1xf32>
        %reduce_sum3A_408 = vector.shape_cast %reduce_sum3A_407 : vector<1xf32> to vector<1x1x1xf32>
        %reduce_sum3A_409 = vector.extract %reduce_sum3A_408[0, 0, 0] : f32 from vector<1x1x1xf32>
        %min3A_410 = arith.minimumf %broadcast_in_dim3A_348, %broadcast_in_dim3A_398 : vector<512x1xf32>
        %min3A_411 = arith.minimumf %while3A_312, %min3A_410 : vector<512x1xf32>
        %add3A_412 = arith.addf %reduce_sum3A_359, %reduce_sum3A_409 : f32
        %add3A_413 = arith.addf %while3A_313, %add3A_412 : f32
        scf.yield %min3A_411, %add3A_413 : vector<512x1xf32>, f32
      }
      %mul3A_275 = arith.constant 2 : i32
      %mul3A_276 = arith.muli %mul3A_275, %select_n3A_134 : i32
      %while3A_277 = arith.subi %select_n3A_110, %mul3A_276 : i32
      %while3A_278 = arith.addi %mul3A_276, %while3A_277 : i32
      %while3A_279 = arith.constant 1 : i32
      %while3A_280 = arith.divsi %while3A_277, %while3A_279 : i32
      %while3A_281 = arith.muli %while3A_280, %while3A_279 : i32
      %while3A_282 = arith.addi %mul3A_276, %while3A_281 : i32
      %while3A_283 = arith.constant 1 : i32
      %while3A_284:2 = scf.for %while3A_311 = %mul3A_276 to %while3A_282 step %while3A_283 iter_args(%while3A_312 = %while3A_274#0, %while3A_313 = %while3A_274#1) -> (vector<512x1xf32>, f32)  : i32 {
        %min3A = arith.constant 9 : i32
        %min3A_314 = arith.minsi %while3A_311, %min3A : i32
        %get3A_315 = arith.constant 0 : index
        %get3A_316 = arith.index_cast %min3A_314 : i32 to index
        %get3A_317 = arith.constant 0 : index
        %get3A_318 = arith.constant 0 : index
        %get3A_319 = vector.load %arg6[%get3A_315, %get3A_316, %get3A_317, %get3A_318] : memref<1x10x2x512xf32, #tpu.memory_space<vmem>>, vector<1x1x2x512xf32>
        %get3A_320 = vector.shape_cast %get3A_319 : vector<1x1x2x512xf32> to vector<2x512xf32>
        %iota3A_321 = tpu.iota {dimensions = array<i32: 1>} : vector<1x512xi32>
        %mul3A_322 = arith.constant 512 : i32
        %mul3A_323 = arith.muli %while3A_311, %mul3A_322 : i32
        %add3A_324 = vector.broadcast %mul3A_323 : i32 to vector<1x512xi32>
        %add3A_325 = arith.addi %iota3A_321, %add3A_324 : vector<1x512xi32>
        %lt3A_326 = vector.broadcast %get3A_4 : i32 to vector<1x512xi32>
        %lt3A_327 = arith.cmpi slt, %add3A_325, %lt3A_326 : vector<1x512xi32>
        %slice3A_328 = vector.extract_strided_slice %get3A_320 {offsets = [0, 0], sizes = [1, 512], strides = [1, 1]} : vector<2x512xf32> to vector<1x512xf32>
        %jit3A_329 = arith.constant -1.000000e+09 : f32
        %broadcast_in_dim3A_330 = vector.broadcast %jit3A_329 : f32 to vector<1x512xf32>
        %select_n3A_331 = arith.select %lt3A_327, %slice3A_328, %broadcast_in_dim3A_330 : vector<1x512xi1>, vector<1x512xf32>
        %slice3A_332 = vector.extract_strided_slice %get3A_320 {offsets = [1, 0], sizes = [1, 512], strides = [1, 1]} : vector<2x512xf32> to vector<1x512xf32>
        %jit3A_333 = arith.constant -1.000000e+09 : f32
        %broadcast_in_dim3A_334 = vector.broadcast %jit3A_333 : f32 to vector<1x512xf32>
        %select_n3A_335 = arith.select %lt3A_327, %slice3A_332, %broadcast_in_dim3A_334 : vector<1x512xi1>, vector<1x512xf32>
        %sub3A_336 = vector.broadcast %slice3A_260 : vector<512x1xf32> to vector<512x512xf32>
        %sub3A_337 = vector.broadcast %select_n3A_331 : vector<1x512xf32> to vector<512x512xf32>
        %sub3A_338 = arith.subf %sub3A_336, %sub3A_337 : vector<512x512xf32>
        %sub3A_339 = vector.broadcast %slice3A_261 : vector<512x1xf32> to vector<512x512xf32>
        %sub3A_340 = vector.broadcast %select_n3A_335 : vector<1x512xf32> to vector<512x512xf32>
        %sub3A_341 = arith.subf %sub3A_339, %sub3A_340 : vector<512x512xf32>
        %mul3A_342 = arith.mulf %sub3A_338, %sub3A_338 : vector<512x512xf32>
        %mul3A_343 = arith.mulf %sub3A_341, %sub3A_341 : vector<512x512xf32>
        %add3A_344 = arith.addf %mul3A_342, %mul3A_343 : vector<512x512xf32>
        %reduce_min3A = arith.constant dense<0x7F800000> : vector<512xf32>
        %reduce_min3A_345 = vector.multi_reduction <minimumf>, %add3A_344, %reduce_min3A [1] : vector<512x512xf32> to vector<512xf32>
        %broadcast_in_dim3A_346 = vector.shape_cast %reduce_min3A_345 : vector<512xf32> to vector<512x1xf32>
        %reduce_min3A_347 = arith.constant dense<0x7F800000> : vector<512xf32>
        %reduce_min3A_348 = vector.multi_reduction <minimumf>, %add3A_344, %reduce_min3A_347 [0] : vector<512x512xf32> to vector<512xf32>
        %broadcast_in_dim3A_349 = vector.shape_cast %reduce_min3A_348 : vector<512xf32> to vector<1x512xf32>
        %jit3A_350 = arith.constant 0.000000e+00 : f32
        %broadcast_in_dim3A_351 = vector.broadcast %jit3A_350 : f32 to vector<1x512xf32>
        %select_n3A_352 = arith.select %lt3A_327, %broadcast_in_dim3A_349, %broadcast_in_dim3A_351 : vector<1x512xi1>, vector<1x512xf32>
        %reduce_sum3A_353 = vector.shape_cast %select_n3A_352 : vector<1x512xf32> to vector<1x1x512xf32>
        %reduce_sum3A_354 = arith.constant dense<0.000000e+00> : vector<1xf32>
        %reduce_sum3A_355 = vector.multi_reduction <add>, %reduce_sum3A_353, %reduce_sum3A_354 [1, 2] : vector<1x1x512xf32> to vector<1xf32>
        %reduce_sum3A_356 = vector.shape_cast %reduce_sum3A_355 : vector<1xf32> to vector<1x1x1xf32>
        %reduce_sum3A_357 = vector.extract %reduce_sum3A_356[0, 0, 0] : f32 from vector<1x1x1xf32>
        %min3A_358 = arith.minimumf %while3A_312, %broadcast_in_dim3A_346 : vector<512x1xf32>
        %add3A_359 = arith.addf %while3A_313, %reduce_sum3A_357 : f32
        scf.yield %min3A_358, %add3A_359 : vector<512x1xf32>, f32
      }
      %while3A_285 = arith.constant 1 : i32
      %while3A_286:2 = scf.for %while3A_311 = %while3A_282 to %while3A_278 step %while3A_285 iter_args(%while3A_312 = %while3A_284#0, %while3A_313 = %while3A_284#1) -> (vector<512x1xf32>, f32)  : i32 {
        %min3A = arith.constant 9 : i32
        %min3A_314 = arith.minsi %while3A_311, %min3A : i32
        %get3A_315 = arith.constant 0 : index
        %get3A_316 = arith.index_cast %min3A_314 : i32 to index
        %get3A_317 = arith.constant 0 : index
        %get3A_318 = arith.constant 0 : index
        %get3A_319 = vector.load %arg6[%get3A_315, %get3A_316, %get3A_317, %get3A_318] : memref<1x10x2x512xf32, #tpu.memory_space<vmem>>, vector<1x1x2x512xf32>
        %get3A_320 = vector.shape_cast %get3A_319 : vector<1x1x2x512xf32> to vector<2x512xf32>
        %iota3A_321 = tpu.iota {dimensions = array<i32: 1>} : vector<1x512xi32>
        %mul3A_322 = arith.constant 512 : i32
        %mul3A_323 = arith.muli %while3A_311, %mul3A_322 : i32
        %add3A_324 = vector.broadcast %mul3A_323 : i32 to vector<1x512xi32>
        %add3A_325 = arith.addi %iota3A_321, %add3A_324 : vector<1x512xi32>
        %lt3A_326 = vector.broadcast %get3A_4 : i32 to vector<1x512xi32>
        %lt3A_327 = arith.cmpi slt, %add3A_325, %lt3A_326 : vector<1x512xi32>
        %slice3A_328 = vector.extract_strided_slice %get3A_320 {offsets = [0, 0], sizes = [1, 512], strides = [1, 1]} : vector<2x512xf32> to vector<1x512xf32>
        %jit3A_329 = arith.constant -1.000000e+09 : f32
        %broadcast_in_dim3A_330 = vector.broadcast %jit3A_329 : f32 to vector<1x512xf32>
        %select_n3A_331 = arith.select %lt3A_327, %slice3A_328, %broadcast_in_dim3A_330 : vector<1x512xi1>, vector<1x512xf32>
        %slice3A_332 = vector.extract_strided_slice %get3A_320 {offsets = [1, 0], sizes = [1, 512], strides = [1, 1]} : vector<2x512xf32> to vector<1x512xf32>
        %jit3A_333 = arith.constant -1.000000e+09 : f32
        %broadcast_in_dim3A_334 = vector.broadcast %jit3A_333 : f32 to vector<1x512xf32>
        %select_n3A_335 = arith.select %lt3A_327, %slice3A_332, %broadcast_in_dim3A_334 : vector<1x512xi1>, vector<1x512xf32>
        %sub3A_336 = vector.broadcast %slice3A_260 : vector<512x1xf32> to vector<512x512xf32>
        %sub3A_337 = vector.broadcast %select_n3A_331 : vector<1x512xf32> to vector<512x512xf32>
        %sub3A_338 = arith.subf %sub3A_336, %sub3A_337 : vector<512x512xf32>
        %sub3A_339 = vector.broadcast %slice3A_261 : vector<512x1xf32> to vector<512x512xf32>
        %sub3A_340 = vector.broadcast %select_n3A_335 : vector<1x512xf32> to vector<512x512xf32>
        %sub3A_341 = arith.subf %sub3A_339, %sub3A_340 : vector<512x512xf32>
        %mul3A_342 = arith.mulf %sub3A_338, %sub3A_338 : vector<512x512xf32>
        %mul3A_343 = arith.mulf %sub3A_341, %sub3A_341 : vector<512x512xf32>
        %add3A_344 = arith.addf %mul3A_342, %mul3A_343 : vector<512x512xf32>
        %reduce_min3A = arith.constant dense<0x7F800000> : vector<512xf32>
        %reduce_min3A_345 = vector.multi_reduction <minimumf>, %add3A_344, %reduce_min3A [1] : vector<512x512xf32> to vector<512xf32>
        %broadcast_in_dim3A_346 = vector.shape_cast %reduce_min3A_345 : vector<512xf32> to vector<512x1xf32>
        %reduce_min3A_347 = arith.constant dense<0x7F800000> : vector<512xf32>
        %reduce_min3A_348 = vector.multi_reduction <minimumf>, %add3A_344, %reduce_min3A_347 [0] : vector<512x512xf32> to vector<512xf32>
        %broadcast_in_dim3A_349 = vector.shape_cast %reduce_min3A_348 : vector<512xf32> to vector<1x512xf32>
        %jit3A_350 = arith.constant 0.000000e+00 : f32
        %broadcast_in_dim3A_351 = vector.broadcast %jit3A_350 : f32 to vector<1x512xf32>
        %select_n3A_352 = arith.select %lt3A_327, %broadcast_in_dim3A_349, %broadcast_in_dim3A_351 : vector<1x512xi1>, vector<1x512xf32>
        %reduce_sum3A_353 = vector.shape_cast %select_n3A_352 : vector<1x512xf32> to vector<1x1x512xf32>
        %reduce_sum3A_354 = arith.constant dense<0.000000e+00> : vector<1xf32>
        %reduce_sum3A_355 = vector.multi_reduction <add>, %reduce_sum3A_353, %reduce_sum3A_354 [1, 2] : vector<1x1x512xf32> to vector<1xf32>
        %reduce_sum3A_356 = vector.shape_cast %reduce_sum3A_355 : vector<1xf32> to vector<1x1x1xf32>
        %reduce_sum3A_357 = vector.extract %reduce_sum3A_356[0, 0, 0] : f32 from vector<1x1x1xf32>
        %min3A_358 = arith.minimumf %while3A_312, %broadcast_in_dim3A_346 : vector<512x1xf32>
        %add3A_359 = arith.addf %while3A_313, %reduce_sum3A_357 : f32
        scf.yield %min3A_358, %add3A_359 : vector<512x1xf32>, f32
      }
      %iota3A_287 = tpu.iota {dimensions = array<i32: 0>} : vector<512x1xi32>
      %lt3A_288 = vector.broadcast %get3A_1 : i32 to vector<512x1xi32>
      %lt3A_289 = arith.cmpi slt, %iota3A_287, %lt3A_288 : vector<512x1xi32>
      %jit3A_290 = arith.constant 0.000000e+00 : f32
      %broadcast_in_dim3A_291 = vector.broadcast %jit3A_290 : f32 to vector<512x1xf32>
      %select_n3A_292 = arith.select %lt3A_289, %while3A_286#0, %broadcast_in_dim3A_291 : vector<512x1xi1>, vector<512x1xf32>
      %reduce_sum3A = vector.shape_cast %select_n3A_292 : vector<512x1xf32> to vector<1x512x1xf32>
      %reduce_sum3A_293 = arith.constant dense<0.000000e+00> : vector<1xf32>
      %reduce_sum3A_294 = vector.multi_reduction <add>, %reduce_sum3A, %reduce_sum3A_293 [1, 2] : vector<1x512x1xf32> to vector<1xf32>
      %reduce_sum3A_295 = vector.shape_cast %reduce_sum3A_294 : vector<1xf32> to vector<1x1x1xf32>
      %reduce_sum3A_296 = vector.extract %reduce_sum3A_295[0, 0, 0] : f32 from vector<1x1x1xf32>
      %div3A_297 = arith.divf %reduce_sum3A_296, %convert_element_type3A : f32
      %div3A_298 = arith.divf %while3A_286#1, %convert_element_type3A_8 : f32
      %add3A_299 = arith.addf %div3A_297, %div3A_298 : f32
      %mul3A_300 = arith.constant 1.250000e-01 : f32
      %mul3A_301 = arith.mulf %add3A_299, %mul3A_300 : f32
      %eq3A = arith.constant 0 : i32
      %eq3A_302 = arith.cmpi eq, %arg1, %eq3A : i32
      %convert_element_type3A_303 = arith.extui %eq3A_302 : i1 to i32
      %cond3A_304 = arith.constant 0 : i32
      %cond3A_305 = arith.cmpi ne, %convert_element_type3A_303, %cond3A_304 : i32
      scf.if %cond3A_305 {
        %swap3A = arith.index_cast %arg0 : i32 to index
        %swap3A_311 = arith.constant 0 : index
        %swap3A_312 = memref.load %arg7[%swap3A, %swap3A_311] : memref<4x1xf32, #tpu.memory_space<smem>>
        memref.store %mul3A_301, %arg7[%swap3A, %swap3A_311] : memref<4x1xf32, #tpu.memory_space<smem>>
      } else {
      }
      %gt3A_306 = arith.constant 0 : i32
      %gt3A_307 = arith.cmpi sgt, %arg1, %gt3A_306 : i32
      %convert_element_type3A_308 = arith.extui %gt3A_307 : i1 to i32
      %cond3A_309 = arith.constant 0 : i32
      %cond3A_310 = arith.cmpi ne, %convert_element_type3A_308, %cond3A_309 : i32
      scf.if %cond3A_310 {
        %get3A_311 = arith.index_cast %arg0 : i32 to index
        %get3A_312 = arith.constant 0 : index
        %get3A_313 = memref.load %arg7[%get3A_311, %get3A_312] : memref<4x1xf32, #tpu.memory_space<smem>>
        %add3A_314 = arith.addf %get3A_313, %mul3A_301 : f32
        %swap3A = arith.index_cast %arg0 : i32 to index
        %swap3A_315 = arith.constant 0 : index
        %swap3A_316 = memref.load %arg7[%swap3A, %swap3A_315] : memref<4x1xf32, #tpu.memory_space<smem>>
        memref.store %add3A_314, %arg7[%swap3A, %swap3A_315] : memref<4x1xf32, #tpu.memory_space<smem>>
      } else {
      }
    } else {
    }
    %gt3A_196 = arith.constant 512 : i32
    %gt3A_197 = arith.cmpi sgt, %get3A_1, %gt3A_196 : i32
    %le3A_198 = arith.constant 576 : i32
    %le3A_199 = arith.cmpi sle, %get3A_1, %le3A_198 : i32
    %and3A_200 = arith.andi %gt3A_197, %le3A_199 : i1
    %convert_element_type3A_201 = arith.extui %and3A_200 : i1 to i32
    %cond3A_202 = arith.constant 0 : i32
    %cond3A_203 = arith.cmpi ne, %convert_element_type3A_201, %cond3A_202 : i32
    scf.if %cond3A_203 {
      %slice3A_260 = vector.extract_strided_slice %reshape3A {offsets = [0, 0], sizes = [576, 1], strides = [1, 1]} : vector<1024x1xf32> to vector<576x1xf32>
      %slice3A_261 = vector.extract_strided_slice %reshape3A_87 {offsets = [0, 0], sizes = [576, 1], strides = [1, 1]} : vector<1024x1xf32> to vector<576x1xf32>
      %broadcast_in_dim3A_262 = arith.constant 1.000000e+30 : f32
      %broadcast_in_dim3A_263 = vector.broadcast %broadcast_in_dim3A_262 : f32 to vector<576x1xf32>
      %while3A = arith.constant 0 : i32
      %while3A_264 = arith.constant 0.000000e+00 : f32
      %while3A_265 = arith.subi %select_n3A_134, %while3A : i32
      %while3A_266 = arith.addi %while3A, %while3A_265 : i32
      %while3A_267 = arith.constant 1 : i32
      %while3A_268 = arith.divsi %while3A_265, %while3A_267 : i32
      %while3A_269 = arith.muli %while3A_268, %while3A_267 : i32
      %while3A_270 = arith.addi %while3A, %while3A_269 : i32
      %while3A_271 = arith.constant 1 : i32
      %while3A_272:2 = scf.for %while3A_311 = %while3A to %while3A_270 step %while3A_271 iter_args(%while3A_312 = %broadcast_in_dim3A_263, %while3A_313 = %while3A_264) -> (vector<576x1xf32>, f32)  : i32 {
        %mul3A_314 = arith.constant 2 : i32
        %mul3A_315 = arith.muli %mul3A_314, %while3A_311 : i32
        %min3A = arith.constant 9 : i32
        %min3A_316 = arith.minsi %mul3A_315, %min3A : i32
        %get3A_317 = arith.constant 0 : index
        %get3A_318 = arith.index_cast %min3A_316 : i32 to index
        %get3A_319 = arith.constant 0 : index
        %get3A_320 = arith.constant 0 : index
        %get3A_321 = vector.load %arg6[%get3A_317, %get3A_318, %get3A_319, %get3A_320] : memref<1x10x2x512xf32, #tpu.memory_space<vmem>>, vector<1x1x2x512xf32>
        %get3A_322 = vector.shape_cast %get3A_321 : vector<1x1x2x512xf32> to vector<2x512xf32>
        %iota3A_323 = tpu.iota {dimensions = array<i32: 1>} : vector<1x512xi32>
        %mul3A_324 = arith.constant 512 : i32
        %mul3A_325 = arith.muli %mul3A_315, %mul3A_324 : i32
        %add3A_326 = vector.broadcast %mul3A_325 : i32 to vector<1x512xi32>
        %add3A_327 = arith.addi %iota3A_323, %add3A_326 : vector<1x512xi32>
        %lt3A_328 = vector.broadcast %get3A_4 : i32 to vector<1x512xi32>
        %lt3A_329 = arith.cmpi slt, %add3A_327, %lt3A_328 : vector<1x512xi32>
        %slice3A_330 = vector.extract_strided_slice %get3A_322 {offsets = [0, 0], sizes = [1, 512], strides = [1, 1]} : vector<2x512xf32> to vector<1x512xf32>
        %jit3A_331 = arith.constant -1.000000e+09 : f32
        %broadcast_in_dim3A_332 = vector.broadcast %jit3A_331 : f32 to vector<1x512xf32>
        %select_n3A_333 = arith.select %lt3A_329, %slice3A_330, %broadcast_in_dim3A_332 : vector<1x512xi1>, vector<1x512xf32>
        %slice3A_334 = vector.extract_strided_slice %get3A_322 {offsets = [1, 0], sizes = [1, 512], strides = [1, 1]} : vector<2x512xf32> to vector<1x512xf32>
        %jit3A_335 = arith.constant -1.000000e+09 : f32
        %broadcast_in_dim3A_336 = vector.broadcast %jit3A_335 : f32 to vector<1x512xf32>
        %select_n3A_337 = arith.select %lt3A_329, %slice3A_334, %broadcast_in_dim3A_336 : vector<1x512xi1>, vector<1x512xf32>
        %sub3A_338 = vector.broadcast %slice3A_260 : vector<576x1xf32> to vector<576x512xf32>
        %sub3A_339 = vector.broadcast %select_n3A_333 : vector<1x512xf32> to vector<576x512xf32>
        %sub3A_340 = arith.subf %sub3A_338, %sub3A_339 : vector<576x512xf32>
        %sub3A_341 = vector.broadcast %slice3A_261 : vector<576x1xf32> to vector<576x512xf32>
        %sub3A_342 = vector.broadcast %select_n3A_337 : vector<1x512xf32> to vector<576x512xf32>
        %sub3A_343 = arith.subf %sub3A_341, %sub3A_342 : vector<576x512xf32>
        %mul3A_344 = arith.mulf %sub3A_340, %sub3A_340 : vector<576x512xf32>
        %mul3A_345 = arith.mulf %sub3A_343, %sub3A_343 : vector<576x512xf32>
        %add3A_346 = arith.addf %mul3A_344, %mul3A_345 : vector<576x512xf32>
        %reduce_min3A = arith.constant dense<0x7F800000> : vector<576xf32>
        %reduce_min3A_347 = vector.multi_reduction <minimumf>, %add3A_346, %reduce_min3A [1] : vector<576x512xf32> to vector<576xf32>
        %broadcast_in_dim3A_348 = vector.shape_cast %reduce_min3A_347 : vector<576xf32> to vector<576x1xf32>
        %reduce_min3A_349 = arith.constant dense<0x7F800000> : vector<512xf32>
        %reduce_min3A_350 = vector.multi_reduction <minimumf>, %add3A_346, %reduce_min3A_349 [0] : vector<576x512xf32> to vector<512xf32>
        %broadcast_in_dim3A_351 = vector.shape_cast %reduce_min3A_350 : vector<512xf32> to vector<1x512xf32>
        %jit3A_352 = arith.constant 0.000000e+00 : f32
        %broadcast_in_dim3A_353 = vector.broadcast %jit3A_352 : f32 to vector<1x512xf32>
        %select_n3A_354 = arith.select %lt3A_329, %broadcast_in_dim3A_351, %broadcast_in_dim3A_353 : vector<1x512xi1>, vector<1x512xf32>
        %reduce_sum3A_355 = vector.shape_cast %select_n3A_354 : vector<1x512xf32> to vector<1x1x512xf32>
        %reduce_sum3A_356 = arith.constant dense<0.000000e+00> : vector<1xf32>
        %reduce_sum3A_357 = vector.multi_reduction <add>, %reduce_sum3A_355, %reduce_sum3A_356 [1, 2] : vector<1x1x512xf32> to vector<1xf32>
        %reduce_sum3A_358 = vector.shape_cast %reduce_sum3A_357 : vector<1xf32> to vector<1x1x1xf32>
        %reduce_sum3A_359 = vector.extract %reduce_sum3A_358[0, 0, 0] : f32 from vector<1x1x1xf32>
        %mul3A_360 = arith.constant 2 : i32
        %mul3A_361 = arith.muli %mul3A_360, %while3A_311 : i32
        %add3A_362 = arith.constant 1 : i32
        %add3A_363 = arith.addi %mul3A_361, %add3A_362 : i32
        %min3A_364 = arith.constant 9 : i32
        %min3A_365 = arith.minsi %add3A_363, %min3A_364 : i32
        %get3A_366 = arith.constant 0 : index
        %get3A_367 = arith.index_cast %min3A_365 : i32 to index
        %get3A_368 = arith.constant 0 : index
        %get3A_369 = arith.constant 0 : index
        %get3A_370 = vector.load %arg6[%get3A_366, %get3A_367, %get3A_368, %get3A_369] : memref<1x10x2x512xf32, #tpu.memory_space<vmem>>, vector<1x1x2x512xf32>
        %get3A_371 = vector.shape_cast %get3A_370 : vector<1x1x2x512xf32> to vector<2x512xf32>
        %iota3A_372 = tpu.iota {dimensions = array<i32: 1>} : vector<1x512xi32>
        %mul3A_373 = arith.constant 512 : i32
        %mul3A_374 = arith.muli %add3A_363, %mul3A_373 : i32
        %add3A_375 = vector.broadcast %mul3A_374 : i32 to vector<1x512xi32>
        %add3A_376 = arith.addi %iota3A_372, %add3A_375 : vector<1x512xi32>
        %lt3A_377 = vector.broadcast %get3A_4 : i32 to vector<1x512xi32>
        %lt3A_378 = arith.cmpi slt, %add3A_376, %lt3A_377 : vector<1x512xi32>
        %slice3A_379 = vector.extract_strided_slice %get3A_371 {offsets = [0, 0], sizes = [1, 512], strides = [1, 1]} : vector<2x512xf32> to vector<1x512xf32>
        %jit3A_380 = arith.constant -1.000000e+09 : f32
        %broadcast_in_dim3A_381 = vector.broadcast %jit3A_380 : f32 to vector<1x512xf32>
        %select_n3A_382 = arith.select %lt3A_378, %slice3A_379, %broadcast_in_dim3A_381 : vector<1x512xi1>, vector<1x512xf32>
        %slice3A_383 = vector.extract_strided_slice %get3A_371 {offsets = [1, 0], sizes = [1, 512], strides = [1, 1]} : vector<2x512xf32> to vector<1x512xf32>
        %jit3A_384 = arith.constant -1.000000e+09 : f32
        %broadcast_in_dim3A_385 = vector.broadcast %jit3A_384 : f32 to vector<1x512xf32>
        %select_n3A_386 = arith.select %lt3A_378, %slice3A_383, %broadcast_in_dim3A_385 : vector<1x512xi1>, vector<1x512xf32>
        %sub3A_387 = vector.broadcast %slice3A_260 : vector<576x1xf32> to vector<576x512xf32>
        %sub3A_388 = vector.broadcast %select_n3A_382 : vector<1x512xf32> to vector<576x512xf32>
        %sub3A_389 = arith.subf %sub3A_387, %sub3A_388 : vector<576x512xf32>
        %sub3A_390 = vector.broadcast %slice3A_261 : vector<576x1xf32> to vector<576x512xf32>
        %sub3A_391 = vector.broadcast %select_n3A_386 : vector<1x512xf32> to vector<576x512xf32>
        %sub3A_392 = arith.subf %sub3A_390, %sub3A_391 : vector<576x512xf32>
        %mul3A_393 = arith.mulf %sub3A_389, %sub3A_389 : vector<576x512xf32>
        %mul3A_394 = arith.mulf %sub3A_392, %sub3A_392 : vector<576x512xf32>
        %add3A_395 = arith.addf %mul3A_393, %mul3A_394 : vector<576x512xf32>
        %reduce_min3A_396 = arith.constant dense<0x7F800000> : vector<576xf32>
        %reduce_min3A_397 = vector.multi_reduction <minimumf>, %add3A_395, %reduce_min3A_396 [1] : vector<576x512xf32> to vector<576xf32>
        %broadcast_in_dim3A_398 = vector.shape_cast %reduce_min3A_397 : vector<576xf32> to vector<576x1xf32>
        %reduce_min3A_399 = arith.constant dense<0x7F800000> : vector<512xf32>
        %reduce_min3A_400 = vector.multi_reduction <minimumf>, %add3A_395, %reduce_min3A_399 [0] : vector<576x512xf32> to vector<512xf32>
        %broadcast_in_dim3A_401 = vector.shape_cast %reduce_min3A_400 : vector<512xf32> to vector<1x512xf32>
        %jit3A_402 = arith.constant 0.000000e+00 : f32
        %broadcast_in_dim3A_403 = vector.broadcast %jit3A_402 : f32 to vector<1x512xf32>
        %select_n3A_404 = arith.select %lt3A_378, %broadcast_in_dim3A_401, %broadcast_in_dim3A_403 : vector<1x512xi1>, vector<1x512xf32>
        %reduce_sum3A_405 = vector.shape_cast %select_n3A_404 : vector<1x512xf32> to vector<1x1x512xf32>
        %reduce_sum3A_406 = arith.constant dense<0.000000e+00> : vector<1xf32>
        %reduce_sum3A_407 = vector.multi_reduction <add>, %reduce_sum3A_405, %reduce_sum3A_406 [1, 2] : vector<1x1x512xf32> to vector<1xf32>
        %reduce_sum3A_408 = vector.shape_cast %reduce_sum3A_407 : vector<1xf32> to vector<1x1x1xf32>
        %reduce_sum3A_409 = vector.extract %reduce_sum3A_408[0, 0, 0] : f32 from vector<1x1x1xf32>
        %min3A_410 = arith.minimumf %broadcast_in_dim3A_348, %broadcast_in_dim3A_398 : vector<576x1xf32>
        %min3A_411 = arith.minimumf %while3A_312, %min3A_410 : vector<576x1xf32>
        %add3A_412 = arith.addf %reduce_sum3A_359, %reduce_sum3A_409 : f32
        %add3A_413 = arith.addf %while3A_313, %add3A_412 : f32
        scf.yield %min3A_411, %add3A_413 : vector<576x1xf32>, f32
      }
      %while3A_273 = arith.constant 1 : i32
      %while3A_274:2 = scf.for %while3A_311 = %while3A_270 to %while3A_266 step %while3A_273 iter_args(%while3A_312 = %while3A_272#0, %while3A_313 = %while3A_272#1) -> (vector<576x1xf32>, f32)  : i32 {
        %mul3A_314 = arith.constant 2 : i32
        %mul3A_315 = arith.muli %mul3A_314, %while3A_311 : i32
        %min3A = arith.constant 9 : i32
        %min3A_316 = arith.minsi %mul3A_315, %min3A : i32
        %get3A_317 = arith.constant 0 : index
        %get3A_318 = arith.index_cast %min3A_316 : i32 to index
        %get3A_319 = arith.constant 0 : index
        %get3A_320 = arith.constant 0 : index
        %get3A_321 = vector.load %arg6[%get3A_317, %get3A_318, %get3A_319, %get3A_320] : memref<1x10x2x512xf32, #tpu.memory_space<vmem>>, vector<1x1x2x512xf32>
        %get3A_322 = vector.shape_cast %get3A_321 : vector<1x1x2x512xf32> to vector<2x512xf32>
        %iota3A_323 = tpu.iota {dimensions = array<i32: 1>} : vector<1x512xi32>
        %mul3A_324 = arith.constant 512 : i32
        %mul3A_325 = arith.muli %mul3A_315, %mul3A_324 : i32
        %add3A_326 = vector.broadcast %mul3A_325 : i32 to vector<1x512xi32>
        %add3A_327 = arith.addi %iota3A_323, %add3A_326 : vector<1x512xi32>
        %lt3A_328 = vector.broadcast %get3A_4 : i32 to vector<1x512xi32>
        %lt3A_329 = arith.cmpi slt, %add3A_327, %lt3A_328 : vector<1x512xi32>
        %slice3A_330 = vector.extract_strided_slice %get3A_322 {offsets = [0, 0], sizes = [1, 512], strides = [1, 1]} : vector<2x512xf32> to vector<1x512xf32>
        %jit3A_331 = arith.constant -1.000000e+09 : f32
        %broadcast_in_dim3A_332 = vector.broadcast %jit3A_331 : f32 to vector<1x512xf32>
        %select_n3A_333 = arith.select %lt3A_329, %slice3A_330, %broadcast_in_dim3A_332 : vector<1x512xi1>, vector<1x512xf32>
        %slice3A_334 = vector.extract_strided_slice %get3A_322 {offsets = [1, 0], sizes = [1, 512], strides = [1, 1]} : vector<2x512xf32> to vector<1x512xf32>
        %jit3A_335 = arith.constant -1.000000e+09 : f32
        %broadcast_in_dim3A_336 = vector.broadcast %jit3A_335 : f32 to vector<1x512xf32>
        %select_n3A_337 = arith.select %lt3A_329, %slice3A_334, %broadcast_in_dim3A_336 : vector<1x512xi1>, vector<1x512xf32>
        %sub3A_338 = vector.broadcast %slice3A_260 : vector<576x1xf32> to vector<576x512xf32>
        %sub3A_339 = vector.broadcast %select_n3A_333 : vector<1x512xf32> to vector<576x512xf32>
        %sub3A_340 = arith.subf %sub3A_338, %sub3A_339 : vector<576x512xf32>
        %sub3A_341 = vector.broadcast %slice3A_261 : vector<576x1xf32> to vector<576x512xf32>
        %sub3A_342 = vector.broadcast %select_n3A_337 : vector<1x512xf32> to vector<576x512xf32>
        %sub3A_343 = arith.subf %sub3A_341, %sub3A_342 : vector<576x512xf32>
        %mul3A_344 = arith.mulf %sub3A_340, %sub3A_340 : vector<576x512xf32>
        %mul3A_345 = arith.mulf %sub3A_343, %sub3A_343 : vector<576x512xf32>
        %add3A_346 = arith.addf %mul3A_344, %mul3A_345 : vector<576x512xf32>
        %reduce_min3A = arith.constant dense<0x7F800000> : vector<576xf32>
        %reduce_min3A_347 = vector.multi_reduction <minimumf>, %add3A_346, %reduce_min3A [1] : vector<576x512xf32> to vector<576xf32>
        %broadcast_in_dim3A_348 = vector.shape_cast %reduce_min3A_347 : vector<576xf32> to vector<576x1xf32>
        %reduce_min3A_349 = arith.constant dense<0x7F800000> : vector<512xf32>
        %reduce_min3A_350 = vector.multi_reduction <minimumf>, %add3A_346, %reduce_min3A_349 [0] : vector<576x512xf32> to vector<512xf32>
        %broadcast_in_dim3A_351 = vector.shape_cast %reduce_min3A_350 : vector<512xf32> to vector<1x512xf32>
        %jit3A_352 = arith.constant 0.000000e+00 : f32
        %broadcast_in_dim3A_353 = vector.broadcast %jit3A_352 : f32 to vector<1x512xf32>
        %select_n3A_354 = arith.select %lt3A_329, %broadcast_in_dim3A_351, %broadcast_in_dim3A_353 : vector<1x512xi1>, vector<1x512xf32>
        %reduce_sum3A_355 = vector.shape_cast %select_n3A_354 : vector<1x512xf32> to vector<1x1x512xf32>
        %reduce_sum3A_356 = arith.constant dense<0.000000e+00> : vector<1xf32>
        %reduce_sum3A_357 = vector.multi_reduction <add>, %reduce_sum3A_355, %reduce_sum3A_356 [1, 2] : vector<1x1x512xf32> to vector<1xf32>
        %reduce_sum3A_358 = vector.shape_cast %reduce_sum3A_357 : vector<1xf32> to vector<1x1x1xf32>
        %reduce_sum3A_359 = vector.extract %reduce_sum3A_358[0, 0, 0] : f32 from vector<1x1x1xf32>
        %mul3A_360 = arith.constant 2 : i32
        %mul3A_361 = arith.muli %mul3A_360, %while3A_311 : i32
        %add3A_362 = arith.constant 1 : i32
        %add3A_363 = arith.addi %mul3A_361, %add3A_362 : i32
        %min3A_364 = arith.constant 9 : i32
        %min3A_365 = arith.minsi %add3A_363, %min3A_364 : i32
        %get3A_366 = arith.constant 0 : index
        %get3A_367 = arith.index_cast %min3A_365 : i32 to index
        %get3A_368 = arith.constant 0 : index
        %get3A_369 = arith.constant 0 : index
        %get3A_370 = vector.load %arg6[%get3A_366, %get3A_367, %get3A_368, %get3A_369] : memref<1x10x2x512xf32, #tpu.memory_space<vmem>>, vector<1x1x2x512xf32>
        %get3A_371 = vector.shape_cast %get3A_370 : vector<1x1x2x512xf32> to vector<2x512xf32>
        %iota3A_372 = tpu.iota {dimensions = array<i32: 1>} : vector<1x512xi32>
        %mul3A_373 = arith.constant 512 : i32
        %mul3A_374 = arith.muli %add3A_363, %mul3A_373 : i32
        %add3A_375 = vector.broadcast %mul3A_374 : i32 to vector<1x512xi32>
        %add3A_376 = arith.addi %iota3A_372, %add3A_375 : vector<1x512xi32>
        %lt3A_377 = vector.broadcast %get3A_4 : i32 to vector<1x512xi32>
        %lt3A_378 = arith.cmpi slt, %add3A_376, %lt3A_377 : vector<1x512xi32>
        %slice3A_379 = vector.extract_strided_slice %get3A_371 {offsets = [0, 0], sizes = [1, 512], strides = [1, 1]} : vector<2x512xf32> to vector<1x512xf32>
        %jit3A_380 = arith.constant -1.000000e+09 : f32
        %broadcast_in_dim3A_381 = vector.broadcast %jit3A_380 : f32 to vector<1x512xf32>
        %select_n3A_382 = arith.select %lt3A_378, %slice3A_379, %broadcast_in_dim3A_381 : vector<1x512xi1>, vector<1x512xf32>
        %slice3A_383 = vector.extract_strided_slice %get3A_371 {offsets = [1, 0], sizes = [1, 512], strides = [1, 1]} : vector<2x512xf32> to vector<1x512xf32>
        %jit3A_384 = arith.constant -1.000000e+09 : f32
        %broadcast_in_dim3A_385 = vector.broadcast %jit3A_384 : f32 to vector<1x512xf32>
        %select_n3A_386 = arith.select %lt3A_378, %slice3A_383, %broadcast_in_dim3A_385 : vector<1x512xi1>, vector<1x512xf32>
        %sub3A_387 = vector.broadcast %slice3A_260 : vector<576x1xf32> to vector<576x512xf32>
        %sub3A_388 = vector.broadcast %select_n3A_382 : vector<1x512xf32> to vector<576x512xf32>
        %sub3A_389 = arith.subf %sub3A_387, %sub3A_388 : vector<576x512xf32>
        %sub3A_390 = vector.broadcast %slice3A_261 : vector<576x1xf32> to vector<576x512xf32>
        %sub3A_391 = vector.broadcast %select_n3A_386 : vector<1x512xf32> to vector<576x512xf32>
        %sub3A_392 = arith.subf %sub3A_390, %sub3A_391 : vector<576x512xf32>
        %mul3A_393 = arith.mulf %sub3A_389, %sub3A_389 : vector<576x512xf32>
        %mul3A_394 = arith.mulf %sub3A_392, %sub3A_392 : vector<576x512xf32>
        %add3A_395 = arith.addf %mul3A_393, %mul3A_394 : vector<576x512xf32>
        %reduce_min3A_396 = arith.constant dense<0x7F800000> : vector<576xf32>
        %reduce_min3A_397 = vector.multi_reduction <minimumf>, %add3A_395, %reduce_min3A_396 [1] : vector<576x512xf32> to vector<576xf32>
        %broadcast_in_dim3A_398 = vector.shape_cast %reduce_min3A_397 : vector<576xf32> to vector<576x1xf32>
        %reduce_min3A_399 = arith.constant dense<0x7F800000> : vector<512xf32>
        %reduce_min3A_400 = vector.multi_reduction <minimumf>, %add3A_395, %reduce_min3A_399 [0] : vector<576x512xf32> to vector<512xf32>
        %broadcast_in_dim3A_401 = vector.shape_cast %reduce_min3A_400 : vector<512xf32> to vector<1x512xf32>
        %jit3A_402 = arith.constant 0.000000e+00 : f32
        %broadcast_in_dim3A_403 = vector.broadcast %jit3A_402 : f32 to vector<1x512xf32>
        %select_n3A_404 = arith.select %lt3A_378, %broadcast_in_dim3A_401, %broadcast_in_dim3A_403 : vector<1x512xi1>, vector<1x512xf32>
        %reduce_sum3A_405 = vector.shape_cast %select_n3A_404 : vector<1x512xf32> to vector<1x1x512xf32>
        %reduce_sum3A_406 = arith.constant dense<0.000000e+00> : vector<1xf32>
        %reduce_sum3A_407 = vector.multi_reduction <add>, %reduce_sum3A_405, %reduce_sum3A_406 [1, 2] : vector<1x1x512xf32> to vector<1xf32>
        %reduce_sum3A_408 = vector.shape_cast %reduce_sum3A_407 : vector<1xf32> to vector<1x1x1xf32>
        %reduce_sum3A_409 = vector.extract %reduce_sum3A_408[0, 0, 0] : f32 from vector<1x1x1xf32>
        %min3A_410 = arith.minimumf %broadcast_in_dim3A_348, %broadcast_in_dim3A_398 : vector<576x1xf32>
        %min3A_411 = arith.minimumf %while3A_312, %min3A_410 : vector<576x1xf32>
        %add3A_412 = arith.addf %reduce_sum3A_359, %reduce_sum3A_409 : f32
        %add3A_413 = arith.addf %while3A_313, %add3A_412 : f32
        scf.yield %min3A_411, %add3A_413 : vector<576x1xf32>, f32
      }
      %mul3A_275 = arith.constant 2 : i32
      %mul3A_276 = arith.muli %mul3A_275, %select_n3A_134 : i32
      %while3A_277 = arith.subi %select_n3A_110, %mul3A_276 : i32
      %while3A_278 = arith.addi %mul3A_276, %while3A_277 : i32
      %while3A_279 = arith.constant 1 : i32
      %while3A_280 = arith.divsi %while3A_277, %while3A_279 : i32
      %while3A_281 = arith.muli %while3A_280, %while3A_279 : i32
      %while3A_282 = arith.addi %mul3A_276, %while3A_281 : i32
      %while3A_283 = arith.constant 1 : i32
      %while3A_284:2 = scf.for %while3A_311 = %mul3A_276 to %while3A_282 step %while3A_283 iter_args(%while3A_312 = %while3A_274#0, %while3A_313 = %while3A_274#1) -> (vector<576x1xf32>, f32)  : i32 {
        %min3A = arith.constant 9 : i32
        %min3A_314 = arith.minsi %while3A_311, %min3A : i32
        %get3A_315 = arith.constant 0 : index
        %get3A_316 = arith.index_cast %min3A_314 : i32 to index
        %get3A_317 = arith.constant 0 : index
        %get3A_318 = arith.constant 0 : index
        %get3A_319 = vector.load %arg6[%get3A_315, %get3A_316, %get3A_317, %get3A_318] : memref<1x10x2x512xf32, #tpu.memory_space<vmem>>, vector<1x1x2x512xf32>
        %get3A_320 = vector.shape_cast %get3A_319 : vector<1x1x2x512xf32> to vector<2x512xf32>
        %iota3A_321 = tpu.iota {dimensions = array<i32: 1>} : vector<1x512xi32>
        %mul3A_322 = arith.constant 512 : i32
        %mul3A_323 = arith.muli %while3A_311, %mul3A_322 : i32
        %add3A_324 = vector.broadcast %mul3A_323 : i32 to vector<1x512xi32>
        %add3A_325 = arith.addi %iota3A_321, %add3A_324 : vector<1x512xi32>
        %lt3A_326 = vector.broadcast %get3A_4 : i32 to vector<1x512xi32>
        %lt3A_327 = arith.cmpi slt, %add3A_325, %lt3A_326 : vector<1x512xi32>
        %slice3A_328 = vector.extract_strided_slice %get3A_320 {offsets = [0, 0], sizes = [1, 512], strides = [1, 1]} : vector<2x512xf32> to vector<1x512xf32>
        %jit3A_329 = arith.constant -1.000000e+09 : f32
        %broadcast_in_dim3A_330 = vector.broadcast %jit3A_329 : f32 to vector<1x512xf32>
        %select_n3A_331 = arith.select %lt3A_327, %slice3A_328, %broadcast_in_dim3A_330 : vector<1x512xi1>, vector<1x512xf32>
        %slice3A_332 = vector.extract_strided_slice %get3A_320 {offsets = [1, 0], sizes = [1, 512], strides = [1, 1]} : vector<2x512xf32> to vector<1x512xf32>
        %jit3A_333 = arith.constant -1.000000e+09 : f32
        %broadcast_in_dim3A_334 = vector.broadcast %jit3A_333 : f32 to vector<1x512xf32>
        %select_n3A_335 = arith.select %lt3A_327, %slice3A_332, %broadcast_in_dim3A_334 : vector<1x512xi1>, vector<1x512xf32>
        %sub3A_336 = vector.broadcast %slice3A_260 : vector<576x1xf32> to vector<576x512xf32>
        %sub3A_337 = vector.broadcast %select_n3A_331 : vector<1x512xf32> to vector<576x512xf32>
        %sub3A_338 = arith.subf %sub3A_336, %sub3A_337 : vector<576x512xf32>
        %sub3A_339 = vector.broadcast %slice3A_261 : vector<576x1xf32> to vector<576x512xf32>
        %sub3A_340 = vector.broadcast %select_n3A_335 : vector<1x512xf32> to vector<576x512xf32>
        %sub3A_341 = arith.subf %sub3A_339, %sub3A_340 : vector<576x512xf32>
        %mul3A_342 = arith.mulf %sub3A_338, %sub3A_338 : vector<576x512xf32>
        %mul3A_343 = arith.mulf %sub3A_341, %sub3A_341 : vector<576x512xf32>
        %add3A_344 = arith.addf %mul3A_342, %mul3A_343 : vector<576x512xf32>
        %reduce_min3A = arith.constant dense<0x7F800000> : vector<576xf32>
        %reduce_min3A_345 = vector.multi_reduction <minimumf>, %add3A_344, %reduce_min3A [1] : vector<576x512xf32> to vector<576xf32>
        %broadcast_in_dim3A_346 = vector.shape_cast %reduce_min3A_345 : vector<576xf32> to vector<576x1xf32>
        %reduce_min3A_347 = arith.constant dense<0x7F800000> : vector<512xf32>
        %reduce_min3A_348 = vector.multi_reduction <minimumf>, %add3A_344, %reduce_min3A_347 [0] : vector<576x512xf32> to vector<512xf32>
        %broadcast_in_dim3A_349 = vector.shape_cast %reduce_min3A_348 : vector<512xf32> to vector<1x512xf32>
        %jit3A_350 = arith.constant 0.000000e+00 : f32
        %broadcast_in_dim3A_351 = vector.broadcast %jit3A_350 : f32 to vector<1x512xf32>
        %select_n3A_352 = arith.select %lt3A_327, %broadcast_in_dim3A_349, %broadcast_in_dim3A_351 : vector<1x512xi1>, vector<1x512xf32>
        %reduce_sum3A_353 = vector.shape_cast %select_n3A_352 : vector<1x512xf32> to vector<1x1x512xf32>
        %reduce_sum3A_354 = arith.constant dense<0.000000e+00> : vector<1xf32>
        %reduce_sum3A_355 = vector.multi_reduction <add>, %reduce_sum3A_353, %reduce_sum3A_354 [1, 2] : vector<1x1x512xf32> to vector<1xf32>
        %reduce_sum3A_356 = vector.shape_cast %reduce_sum3A_355 : vector<1xf32> to vector<1x1x1xf32>
        %reduce_sum3A_357 = vector.extract %reduce_sum3A_356[0, 0, 0] : f32 from vector<1x1x1xf32>
        %min3A_358 = arith.minimumf %while3A_312, %broadcast_in_dim3A_346 : vector<576x1xf32>
        %add3A_359 = arith.addf %while3A_313, %reduce_sum3A_357 : f32
        scf.yield %min3A_358, %add3A_359 : vector<576x1xf32>, f32
      }
      %while3A_285 = arith.constant 1 : i32
      %while3A_286:2 = scf.for %while3A_311 = %while3A_282 to %while3A_278 step %while3A_285 iter_args(%while3A_312 = %while3A_284#0, %while3A_313 = %while3A_284#1) -> (vector<576x1xf32>, f32)  : i32 {
        %min3A = arith.constant 9 : i32
        %min3A_314 = arith.minsi %while3A_311, %min3A : i32
        %get3A_315 = arith.constant 0 : index
        %get3A_316 = arith.index_cast %min3A_314 : i32 to index
        %get3A_317 = arith.constant 0 : index
        %get3A_318 = arith.constant 0 : index
        %get3A_319 = vector.load %arg6[%get3A_315, %get3A_316, %get3A_317, %get3A_318] : memref<1x10x2x512xf32, #tpu.memory_space<vmem>>, vector<1x1x2x512xf32>
        %get3A_320 = vector.shape_cast %get3A_319 : vector<1x1x2x512xf32> to vector<2x512xf32>
        %iota3A_321 = tpu.iota {dimensions = array<i32: 1>} : vector<1x512xi32>
        %mul3A_322 = arith.constant 512 : i32
        %mul3A_323 = arith.muli %while3A_311, %mul3A_322 : i32
        %add3A_324 = vector.broadcast %mul3A_323 : i32 to vector<1x512xi32>
        %add3A_325 = arith.addi %iota3A_321, %add3A_324 : vector<1x512xi32>
        %lt3A_326 = vector.broadcast %get3A_4 : i32 to vector<1x512xi32>
        %lt3A_327 = arith.cmpi slt, %add3A_325, %lt3A_326 : vector<1x512xi32>
        %slice3A_328 = vector.extract_strided_slice %get3A_320 {offsets = [0, 0], sizes = [1, 512], strides = [1, 1]} : vector<2x512xf32> to vector<1x512xf32>
        %jit3A_329 = arith.constant -1.000000e+09 : f32
        %broadcast_in_dim3A_330 = vector.broadcast %jit3A_329 : f32 to vector<1x512xf32>
        %select_n3A_331 = arith.select %lt3A_327, %slice3A_328, %broadcast_in_dim3A_330 : vector<1x512xi1>, vector<1x512xf32>
        %slice3A_332 = vector.extract_strided_slice %get3A_320 {offsets = [1, 0], sizes = [1, 512], strides = [1, 1]} : vector<2x512xf32> to vector<1x512xf32>
        %jit3A_333 = arith.constant -1.000000e+09 : f32
        %broadcast_in_dim3A_334 = vector.broadcast %jit3A_333 : f32 to vector<1x512xf32>
        %select_n3A_335 = arith.select %lt3A_327, %slice3A_332, %broadcast_in_dim3A_334 : vector<1x512xi1>, vector<1x512xf32>
        %sub3A_336 = vector.broadcast %slice3A_260 : vector<576x1xf32> to vector<576x512xf32>
        %sub3A_337 = vector.broadcast %select_n3A_331 : vector<1x512xf32> to vector<576x512xf32>
        %sub3A_338 = arith.subf %sub3A_336, %sub3A_337 : vector<576x512xf32>
        %sub3A_339 = vector.broadcast %slice3A_261 : vector<576x1xf32> to vector<576x512xf32>
        %sub3A_340 = vector.broadcast %select_n3A_335 : vector<1x512xf32> to vector<576x512xf32>
        %sub3A_341 = arith.subf %sub3A_339, %sub3A_340 : vector<576x512xf32>
        %mul3A_342 = arith.mulf %sub3A_338, %sub3A_338 : vector<576x512xf32>
        %mul3A_343 = arith.mulf %sub3A_341, %sub3A_341 : vector<576x512xf32>
        %add3A_344 = arith.addf %mul3A_342, %mul3A_343 : vector<576x512xf32>
        %reduce_min3A = arith.constant dense<0x7F800000> : vector<576xf32>
        %reduce_min3A_345 = vector.multi_reduction <minimumf>, %add3A_344, %reduce_min3A [1] : vector<576x512xf32> to vector<576xf32>
        %broadcast_in_dim3A_346 = vector.shape_cast %reduce_min3A_345 : vector<576xf32> to vector<576x1xf32>
        %reduce_min3A_347 = arith.constant dense<0x7F800000> : vector<512xf32>
        %reduce_min3A_348 = vector.multi_reduction <minimumf>, %add3A_344, %reduce_min3A_347 [0] : vector<576x512xf32> to vector<512xf32>
        %broadcast_in_dim3A_349 = vector.shape_cast %reduce_min3A_348 : vector<512xf32> to vector<1x512xf32>
        %jit3A_350 = arith.constant 0.000000e+00 : f32
        %broadcast_in_dim3A_351 = vector.broadcast %jit3A_350 : f32 to vector<1x512xf32>
        %select_n3A_352 = arith.select %lt3A_327, %broadcast_in_dim3A_349, %broadcast_in_dim3A_351 : vector<1x512xi1>, vector<1x512xf32>
        %reduce_sum3A_353 = vector.shape_cast %select_n3A_352 : vector<1x512xf32> to vector<1x1x512xf32>
        %reduce_sum3A_354 = arith.constant dense<0.000000e+00> : vector<1xf32>
        %reduce_sum3A_355 = vector.multi_reduction <add>, %reduce_sum3A_353, %reduce_sum3A_354 [1, 2] : vector<1x1x512xf32> to vector<1xf32>
        %reduce_sum3A_356 = vector.shape_cast %reduce_sum3A_355 : vector<1xf32> to vector<1x1x1xf32>
        %reduce_sum3A_357 = vector.extract %reduce_sum3A_356[0, 0, 0] : f32 from vector<1x1x1xf32>
        %min3A_358 = arith.minimumf %while3A_312, %broadcast_in_dim3A_346 : vector<576x1xf32>
        %add3A_359 = arith.addf %while3A_313, %reduce_sum3A_357 : f32
        scf.yield %min3A_358, %add3A_359 : vector<576x1xf32>, f32
      }
      %iota3A_287 = tpu.iota {dimensions = array<i32: 0>} : vector<576x1xi32>
      %lt3A_288 = vector.broadcast %get3A_1 : i32 to vector<576x1xi32>
      %lt3A_289 = arith.cmpi slt, %iota3A_287, %lt3A_288 : vector<576x1xi32>
      %jit3A_290 = arith.constant 0.000000e+00 : f32
      %broadcast_in_dim3A_291 = vector.broadcast %jit3A_290 : f32 to vector<576x1xf32>
      %select_n3A_292 = arith.select %lt3A_289, %while3A_286#0, %broadcast_in_dim3A_291 : vector<576x1xi1>, vector<576x1xf32>
      %reduce_sum3A = vector.shape_cast %select_n3A_292 : vector<576x1xf32> to vector<1x576x1xf32>
      %reduce_sum3A_293 = arith.constant dense<0.000000e+00> : vector<1xf32>
      %reduce_sum3A_294 = vector.multi_reduction <add>, %reduce_sum3A, %reduce_sum3A_293 [1, 2] : vector<1x576x1xf32> to vector<1xf32>
      %reduce_sum3A_295 = vector.shape_cast %reduce_sum3A_294 : vector<1xf32> to vector<1x1x1xf32>
      %reduce_sum3A_296 = vector.extract %reduce_sum3A_295[0, 0, 0] : f32 from vector<1x1x1xf32>
      %div3A_297 = arith.divf %reduce_sum3A_296, %convert_element_type3A : f32
      %div3A_298 = arith.divf %while3A_286#1, %convert_element_type3A_8 : f32
      %add3A_299 = arith.addf %div3A_297, %div3A_298 : f32
      %mul3A_300 = arith.constant 1.250000e-01 : f32
      %mul3A_301 = arith.mulf %add3A_299, %mul3A_300 : f32
      %eq3A = arith.constant 0 : i32
      %eq3A_302 = arith.cmpi eq, %arg1, %eq3A : i32
      %convert_element_type3A_303 = arith.extui %eq3A_302 : i1 to i32
      %cond3A_304 = arith.constant 0 : i32
      %cond3A_305 = arith.cmpi ne, %convert_element_type3A_303, %cond3A_304 : i32
      scf.if %cond3A_305 {
        %swap3A = arith.index_cast %arg0 : i32 to index
        %swap3A_311 = arith.constant 0 : index
        %swap3A_312 = memref.load %arg7[%swap3A, %swap3A_311] : memref<4x1xf32, #tpu.memory_space<smem>>
        memref.store %mul3A_301, %arg7[%swap3A, %swap3A_311] : memref<4x1xf32, #tpu.memory_space<smem>>
      } else {
      }
      %gt3A_306 = arith.constant 0 : i32
      %gt3A_307 = arith.cmpi sgt, %arg1, %gt3A_306 : i32
      %convert_element_type3A_308 = arith.extui %gt3A_307 : i1 to i32
      %cond3A_309 = arith.constant 0 : i32
      %cond3A_310 = arith.cmpi ne, %convert_element_type3A_308, %cond3A_309 : i32
      scf.if %cond3A_310 {
        %get3A_311 = arith.index_cast %arg0 : i32 to index
        %get3A_312 = arith.constant 0 : index
        %get3A_313 = memref.load %arg7[%get3A_311, %get3A_312] : memref<4x1xf32, #tpu.memory_space<smem>>
        %add3A_314 = arith.addf %get3A_313, %mul3A_301 : f32
        %swap3A = arith.index_cast %arg0 : i32 to index
        %swap3A_315 = arith.constant 0 : index
        %swap3A_316 = memref.load %arg7[%swap3A, %swap3A_315] : memref<4x1xf32, #tpu.memory_space<smem>>
        memref.store %add3A_314, %arg7[%swap3A, %swap3A_315] : memref<4x1xf32, #tpu.memory_space<smem>>
      } else {
      }
    } else {
    }
    %gt3A_204 = arith.constant 576 : i32
    %gt3A_205 = arith.cmpi sgt, %get3A_1, %gt3A_204 : i32
    %le3A_206 = arith.constant 640 : i32
    %le3A_207 = arith.cmpi sle, %get3A_1, %le3A_206 : i32
    %and3A_208 = arith.andi %gt3A_205, %le3A_207 : i1
    %convert_element_type3A_209 = arith.extui %and3A_208 : i1 to i32
    %cond3A_210 = arith.constant 0 : i32
    %cond3A_211 = arith.cmpi ne, %convert_element_type3A_209, %cond3A_210 : i32
    scf.if %cond3A_211 {
      %slice3A_260 = vector.extract_strided_slice %reshape3A {offsets = [0, 0], sizes = [640, 1], strides = [1, 1]} : vector<1024x1xf32> to vector<640x1xf32>
      %slice3A_261 = vector.extract_strided_slice %reshape3A_87 {offsets = [0, 0], sizes = [640, 1], strides = [1, 1]} : vector<1024x1xf32> to vector<640x1xf32>
      %broadcast_in_dim3A_262 = arith.constant 1.000000e+30 : f32
      %broadcast_in_dim3A_263 = vector.broadcast %broadcast_in_dim3A_262 : f32 to vector<640x1xf32>
      %while3A = arith.constant 0 : i32
      %while3A_264 = arith.constant 0.000000e+00 : f32
      %while3A_265 = arith.subi %select_n3A_134, %while3A : i32
      %while3A_266 = arith.addi %while3A, %while3A_265 : i32
      %while3A_267 = arith.constant 1 : i32
      %while3A_268 = arith.divsi %while3A_265, %while3A_267 : i32
      %while3A_269 = arith.muli %while3A_268, %while3A_267 : i32
      %while3A_270 = arith.addi %while3A, %while3A_269 : i32
      %while3A_271 = arith.constant 1 : i32
      %while3A_272:2 = scf.for %while3A_311 = %while3A to %while3A_270 step %while3A_271 iter_args(%while3A_312 = %broadcast_in_dim3A_263, %while3A_313 = %while3A_264) -> (vector<640x1xf32>, f32)  : i32 {
        %mul3A_314 = arith.constant 2 : i32
        %mul3A_315 = arith.muli %mul3A_314, %while3A_311 : i32
        %min3A = arith.constant 9 : i32
        %min3A_316 = arith.minsi %mul3A_315, %min3A : i32
        %get3A_317 = arith.constant 0 : index
        %get3A_318 = arith.index_cast %min3A_316 : i32 to index
        %get3A_319 = arith.constant 0 : index
        %get3A_320 = arith.constant 0 : index
        %get3A_321 = vector.load %arg6[%get3A_317, %get3A_318, %get3A_319, %get3A_320] : memref<1x10x2x512xf32, #tpu.memory_space<vmem>>, vector<1x1x2x512xf32>
        %get3A_322 = vector.shape_cast %get3A_321 : vector<1x1x2x512xf32> to vector<2x512xf32>
        %iota3A_323 = tpu.iota {dimensions = array<i32: 1>} : vector<1x512xi32>
        %mul3A_324 = arith.constant 512 : i32
        %mul3A_325 = arith.muli %mul3A_315, %mul3A_324 : i32
        %add3A_326 = vector.broadcast %mul3A_325 : i32 to vector<1x512xi32>
        %add3A_327 = arith.addi %iota3A_323, %add3A_326 : vector<1x512xi32>
        %lt3A_328 = vector.broadcast %get3A_4 : i32 to vector<1x512xi32>
        %lt3A_329 = arith.cmpi slt, %add3A_327, %lt3A_328 : vector<1x512xi32>
        %slice3A_330 = vector.extract_strided_slice %get3A_322 {offsets = [0, 0], sizes = [1, 512], strides = [1, 1]} : vector<2x512xf32> to vector<1x512xf32>
        %jit3A_331 = arith.constant -1.000000e+09 : f32
        %broadcast_in_dim3A_332 = vector.broadcast %jit3A_331 : f32 to vector<1x512xf32>
        %select_n3A_333 = arith.select %lt3A_329, %slice3A_330, %broadcast_in_dim3A_332 : vector<1x512xi1>, vector<1x512xf32>
        %slice3A_334 = vector.extract_strided_slice %get3A_322 {offsets = [1, 0], sizes = [1, 512], strides = [1, 1]} : vector<2x512xf32> to vector<1x512xf32>
        %jit3A_335 = arith.constant -1.000000e+09 : f32
        %broadcast_in_dim3A_336 = vector.broadcast %jit3A_335 : f32 to vector<1x512xf32>
        %select_n3A_337 = arith.select %lt3A_329, %slice3A_334, %broadcast_in_dim3A_336 : vector<1x512xi1>, vector<1x512xf32>
        %sub3A_338 = vector.broadcast %slice3A_260 : vector<640x1xf32> to vector<640x512xf32>
        %sub3A_339 = vector.broadcast %select_n3A_333 : vector<1x512xf32> to vector<640x512xf32>
        %sub3A_340 = arith.subf %sub3A_338, %sub3A_339 : vector<640x512xf32>
        %sub3A_341 = vector.broadcast %slice3A_261 : vector<640x1xf32> to vector<640x512xf32>
        %sub3A_342 = vector.broadcast %select_n3A_337 : vector<1x512xf32> to vector<640x512xf32>
        %sub3A_343 = arith.subf %sub3A_341, %sub3A_342 : vector<640x512xf32>
        %mul3A_344 = arith.mulf %sub3A_340, %sub3A_340 : vector<640x512xf32>
        %mul3A_345 = arith.mulf %sub3A_343, %sub3A_343 : vector<640x512xf32>
        %add3A_346 = arith.addf %mul3A_344, %mul3A_345 : vector<640x512xf32>
        %reduce_min3A = arith.constant dense<0x7F800000> : vector<640xf32>
        %reduce_min3A_347 = vector.multi_reduction <minimumf>, %add3A_346, %reduce_min3A [1] : vector<640x512xf32> to vector<640xf32>
        %broadcast_in_dim3A_348 = vector.shape_cast %reduce_min3A_347 : vector<640xf32> to vector<640x1xf32>
        %reduce_min3A_349 = arith.constant dense<0x7F800000> : vector<512xf32>
        %reduce_min3A_350 = vector.multi_reduction <minimumf>, %add3A_346, %reduce_min3A_349 [0] : vector<640x512xf32> to vector<512xf32>
        %broadcast_in_dim3A_351 = vector.shape_cast %reduce_min3A_350 : vector<512xf32> to vector<1x512xf32>
        %jit3A_352 = arith.constant 0.000000e+00 : f32
        %broadcast_in_dim3A_353 = vector.broadcast %jit3A_352 : f32 to vector<1x512xf32>
        %select_n3A_354 = arith.select %lt3A_329, %broadcast_in_dim3A_351, %broadcast_in_dim3A_353 : vector<1x512xi1>, vector<1x512xf32>
        %reduce_sum3A_355 = vector.shape_cast %select_n3A_354 : vector<1x512xf32> to vector<1x1x512xf32>
        %reduce_sum3A_356 = arith.constant dense<0.000000e+00> : vector<1xf32>
        %reduce_sum3A_357 = vector.multi_reduction <add>, %reduce_sum3A_355, %reduce_sum3A_356 [1, 2] : vector<1x1x512xf32> to vector<1xf32>
        %reduce_sum3A_358 = vector.shape_cast %reduce_sum3A_357 : vector<1xf32> to vector<1x1x1xf32>
        %reduce_sum3A_359 = vector.extract %reduce_sum3A_358[0, 0, 0] : f32 from vector<1x1x1xf32>
        %mul3A_360 = arith.constant 2 : i32
        %mul3A_361 = arith.muli %mul3A_360, %while3A_311 : i32
        %add3A_362 = arith.constant 1 : i32
        %add3A_363 = arith.addi %mul3A_361, %add3A_362 : i32
        %min3A_364 = arith.constant 9 : i32
        %min3A_365 = arith.minsi %add3A_363, %min3A_364 : i32
        %get3A_366 = arith.constant 0 : index
        %get3A_367 = arith.index_cast %min3A_365 : i32 to index
        %get3A_368 = arith.constant 0 : index
        %get3A_369 = arith.constant 0 : index
        %get3A_370 = vector.load %arg6[%get3A_366, %get3A_367, %get3A_368, %get3A_369] : memref<1x10x2x512xf32, #tpu.memory_space<vmem>>, vector<1x1x2x512xf32>
        %get3A_371 = vector.shape_cast %get3A_370 : vector<1x1x2x512xf32> to vector<2x512xf32>
        %iota3A_372 = tpu.iota {dimensions = array<i32: 1>} : vector<1x512xi32>
        %mul3A_373 = arith.constant 512 : i32
        %mul3A_374 = arith.muli %add3A_363, %mul3A_373 : i32
        %add3A_375 = vector.broadcast %mul3A_374 : i32 to vector<1x512xi32>
        %add3A_376 = arith.addi %iota3A_372, %add3A_375 : vector<1x512xi32>
        %lt3A_377 = vector.broadcast %get3A_4 : i32 to vector<1x512xi32>
        %lt3A_378 = arith.cmpi slt, %add3A_376, %lt3A_377 : vector<1x512xi32>
        %slice3A_379 = vector.extract_strided_slice %get3A_371 {offsets = [0, 0], sizes = [1, 512], strides = [1, 1]} : vector<2x512xf32> to vector<1x512xf32>
        %jit3A_380 = arith.constant -1.000000e+09 : f32
        %broadcast_in_dim3A_381 = vector.broadcast %jit3A_380 : f32 to vector<1x512xf32>
        %select_n3A_382 = arith.select %lt3A_378, %slice3A_379, %broadcast_in_dim3A_381 : vector<1x512xi1>, vector<1x512xf32>
        %slice3A_383 = vector.extract_strided_slice %get3A_371 {offsets = [1, 0], sizes = [1, 512], strides = [1, 1]} : vector<2x512xf32> to vector<1x512xf32>
        %jit3A_384 = arith.constant -1.000000e+09 : f32
        %broadcast_in_dim3A_385 = vector.broadcast %jit3A_384 : f32 to vector<1x512xf32>
        %select_n3A_386 = arith.select %lt3A_378, %slice3A_383, %broadcast_in_dim3A_385 : vector<1x512xi1>, vector<1x512xf32>
        %sub3A_387 = vector.broadcast %slice3A_260 : vector<640x1xf32> to vector<640x512xf32>
        %sub3A_388 = vector.broadcast %select_n3A_382 : vector<1x512xf32> to vector<640x512xf32>
        %sub3A_389 = arith.subf %sub3A_387, %sub3A_388 : vector<640x512xf32>
        %sub3A_390 = vector.broadcast %slice3A_261 : vector<640x1xf32> to vector<640x512xf32>
        %sub3A_391 = vector.broadcast %select_n3A_386 : vector<1x512xf32> to vector<640x512xf32>
        %sub3A_392 = arith.subf %sub3A_390, %sub3A_391 : vector<640x512xf32>
        %mul3A_393 = arith.mulf %sub3A_389, %sub3A_389 : vector<640x512xf32>
        %mul3A_394 = arith.mulf %sub3A_392, %sub3A_392 : vector<640x512xf32>
        %add3A_395 = arith.addf %mul3A_393, %mul3A_394 : vector<640x512xf32>
        %reduce_min3A_396 = arith.constant dense<0x7F800000> : vector<640xf32>
        %reduce_min3A_397 = vector.multi_reduction <minimumf>, %add3A_395, %reduce_min3A_396 [1] : vector<640x512xf32> to vector<640xf32>
        %broadcast_in_dim3A_398 = vector.shape_cast %reduce_min3A_397 : vector<640xf32> to vector<640x1xf32>
        %reduce_min3A_399 = arith.constant dense<0x7F800000> : vector<512xf32>
        %reduce_min3A_400 = vector.multi_reduction <minimumf>, %add3A_395, %reduce_min3A_399 [0] : vector<640x512xf32> to vector<512xf32>
        %broadcast_in_dim3A_401 = vector.shape_cast %reduce_min3A_400 : vector<512xf32> to vector<1x512xf32>
        %jit3A_402 = arith.constant 0.000000e+00 : f32
        %broadcast_in_dim3A_403 = vector.broadcast %jit3A_402 : f32 to vector<1x512xf32>
        %select_n3A_404 = arith.select %lt3A_378, %broadcast_in_dim3A_401, %broadcast_in_dim3A_403 : vector<1x512xi1>, vector<1x512xf32>
        %reduce_sum3A_405 = vector.shape_cast %select_n3A_404 : vector<1x512xf32> to vector<1x1x512xf32>
        %reduce_sum3A_406 = arith.constant dense<0.000000e+00> : vector<1xf32>
        %reduce_sum3A_407 = vector.multi_reduction <add>, %reduce_sum3A_405, %reduce_sum3A_406 [1, 2] : vector<1x1x512xf32> to vector<1xf32>
        %reduce_sum3A_408 = vector.shape_cast %reduce_sum3A_407 : vector<1xf32> to vector<1x1x1xf32>
        %reduce_sum3A_409 = vector.extract %reduce_sum3A_408[0, 0, 0] : f32 from vector<1x1x1xf32>
        %min3A_410 = arith.minimumf %broadcast_in_dim3A_348, %broadcast_in_dim3A_398 : vector<640x1xf32>
        %min3A_411 = arith.minimumf %while3A_312, %min3A_410 : vector<640x1xf32>
        %add3A_412 = arith.addf %reduce_sum3A_359, %reduce_sum3A_409 : f32
        %add3A_413 = arith.addf %while3A_313, %add3A_412 : f32
        scf.yield %min3A_411, %add3A_413 : vector<640x1xf32>, f32
      }
      %while3A_273 = arith.constant 1 : i32
      %while3A_274:2 = scf.for %while3A_311 = %while3A_270 to %while3A_266 step %while3A_273 iter_args(%while3A_312 = %while3A_272#0, %while3A_313 = %while3A_272#1) -> (vector<640x1xf32>, f32)  : i32 {
        %mul3A_314 = arith.constant 2 : i32
        %mul3A_315 = arith.muli %mul3A_314, %while3A_311 : i32
        %min3A = arith.constant 9 : i32
        %min3A_316 = arith.minsi %mul3A_315, %min3A : i32
        %get3A_317 = arith.constant 0 : index
        %get3A_318 = arith.index_cast %min3A_316 : i32 to index
        %get3A_319 = arith.constant 0 : index
        %get3A_320 = arith.constant 0 : index
        %get3A_321 = vector.load %arg6[%get3A_317, %get3A_318, %get3A_319, %get3A_320] : memref<1x10x2x512xf32, #tpu.memory_space<vmem>>, vector<1x1x2x512xf32>
        %get3A_322 = vector.shape_cast %get3A_321 : vector<1x1x2x512xf32> to vector<2x512xf32>
        %iota3A_323 = tpu.iota {dimensions = array<i32: 1>} : vector<1x512xi32>
        %mul3A_324 = arith.constant 512 : i32
        %mul3A_325 = arith.muli %mul3A_315, %mul3A_324 : i32
        %add3A_326 = vector.broadcast %mul3A_325 : i32 to vector<1x512xi32>
        %add3A_327 = arith.addi %iota3A_323, %add3A_326 : vector<1x512xi32>
        %lt3A_328 = vector.broadcast %get3A_4 : i32 to vector<1x512xi32>
        %lt3A_329 = arith.cmpi slt, %add3A_327, %lt3A_328 : vector<1x512xi32>
        %slice3A_330 = vector.extract_strided_slice %get3A_322 {offsets = [0, 0], sizes = [1, 512], strides = [1, 1]} : vector<2x512xf32> to vector<1x512xf32>
        %jit3A_331 = arith.constant -1.000000e+09 : f32
        %broadcast_in_dim3A_332 = vector.broadcast %jit3A_331 : f32 to vector<1x512xf32>
        %select_n3A_333 = arith.select %lt3A_329, %slice3A_330, %broadcast_in_dim3A_332 : vector<1x512xi1>, vector<1x512xf32>
        %slice3A_334 = vector.extract_strided_slice %get3A_322 {offsets = [1, 0], sizes = [1, 512], strides = [1, 1]} : vector<2x512xf32> to vector<1x512xf32>
        %jit3A_335 = arith.constant -1.000000e+09 : f32
        %broadcast_in_dim3A_336 = vector.broadcast %jit3A_335 : f32 to vector<1x512xf32>
        %select_n3A_337 = arith.select %lt3A_329, %slice3A_334, %broadcast_in_dim3A_336 : vector<1x512xi1>, vector<1x512xf32>
        %sub3A_338 = vector.broadcast %slice3A_260 : vector<640x1xf32> to vector<640x512xf32>
        %sub3A_339 = vector.broadcast %select_n3A_333 : vector<1x512xf32> to vector<640x512xf32>
        %sub3A_340 = arith.subf %sub3A_338, %sub3A_339 : vector<640x512xf32>
        %sub3A_341 = vector.broadcast %slice3A_261 : vector<640x1xf32> to vector<640x512xf32>
        %sub3A_342 = vector.broadcast %select_n3A_337 : vector<1x512xf32> to vector<640x512xf32>
        %sub3A_343 = arith.subf %sub3A_341, %sub3A_342 : vector<640x512xf32>
        %mul3A_344 = arith.mulf %sub3A_340, %sub3A_340 : vector<640x512xf32>
        %mul3A_345 = arith.mulf %sub3A_343, %sub3A_343 : vector<640x512xf32>
        %add3A_346 = arith.addf %mul3A_344, %mul3A_345 : vector<640x512xf32>
        %reduce_min3A = arith.constant dense<0x7F800000> : vector<640xf32>
        %reduce_min3A_347 = vector.multi_reduction <minimumf>, %add3A_346, %reduce_min3A [1] : vector<640x512xf32> to vector<640xf32>
        %broadcast_in_dim3A_348 = vector.shape_cast %reduce_min3A_347 : vector<640xf32> to vector<640x1xf32>
        %reduce_min3A_349 = arith.constant dense<0x7F800000> : vector<512xf32>
        %reduce_min3A_350 = vector.multi_reduction <minimumf>, %add3A_346, %reduce_min3A_349 [0] : vector<640x512xf32> to vector<512xf32>
        %broadcast_in_dim3A_351 = vector.shape_cast %reduce_min3A_350 : vector<512xf32> to vector<1x512xf32>
        %jit3A_352 = arith.constant 0.000000e+00 : f32
        %broadcast_in_dim3A_353 = vector.broadcast %jit3A_352 : f32 to vector<1x512xf32>
        %select_n3A_354 = arith.select %lt3A_329, %broadcast_in_dim3A_351, %broadcast_in_dim3A_353 : vector<1x512xi1>, vector<1x512xf32>
        %reduce_sum3A_355 = vector.shape_cast %select_n3A_354 : vector<1x512xf32> to vector<1x1x512xf32>
        %reduce_sum3A_356 = arith.constant dense<0.000000e+00> : vector<1xf32>
        %reduce_sum3A_357 = vector.multi_reduction <add>, %reduce_sum3A_355, %reduce_sum3A_356 [1, 2] : vector<1x1x512xf32> to vector<1xf32>
        %reduce_sum3A_358 = vector.shape_cast %reduce_sum3A_357 : vector<1xf32> to vector<1x1x1xf32>
        %reduce_sum3A_359 = vector.extract %reduce_sum3A_358[0, 0, 0] : f32 from vector<1x1x1xf32>
        %mul3A_360 = arith.constant 2 : i32
        %mul3A_361 = arith.muli %mul3A_360, %while3A_311 : i32
        %add3A_362 = arith.constant 1 : i32
        %add3A_363 = arith.addi %mul3A_361, %add3A_362 : i32
        %min3A_364 = arith.constant 9 : i32
        %min3A_365 = arith.minsi %add3A_363, %min3A_364 : i32
        %get3A_366 = arith.constant 0 : index
        %get3A_367 = arith.index_cast %min3A_365 : i32 to index
        %get3A_368 = arith.constant 0 : index
        %get3A_369 = arith.constant 0 : index
        %get3A_370 = vector.load %arg6[%get3A_366, %get3A_367, %get3A_368, %get3A_369] : memref<1x10x2x512xf32, #tpu.memory_space<vmem>>, vector<1x1x2x512xf32>
        %get3A_371 = vector.shape_cast %get3A_370 : vector<1x1x2x512xf32> to vector<2x512xf32>
        %iota3A_372 = tpu.iota {dimensions = array<i32: 1>} : vector<1x512xi32>
        %mul3A_373 = arith.constant 512 : i32
        %mul3A_374 = arith.muli %add3A_363, %mul3A_373 : i32
        %add3A_375 = vector.broadcast %mul3A_374 : i32 to vector<1x512xi32>
        %add3A_376 = arith.addi %iota3A_372, %add3A_375 : vector<1x512xi32>
        %lt3A_377 = vector.broadcast %get3A_4 : i32 to vector<1x512xi32>
        %lt3A_378 = arith.cmpi slt, %add3A_376, %lt3A_377 : vector<1x512xi32>
        %slice3A_379 = vector.extract_strided_slice %get3A_371 {offsets = [0, 0], sizes = [1, 512], strides = [1, 1]} : vector<2x512xf32> to vector<1x512xf32>
        %jit3A_380 = arith.constant -1.000000e+09 : f32
        %broadcast_in_dim3A_381 = vector.broadcast %jit3A_380 : f32 to vector<1x512xf32>
        %select_n3A_382 = arith.select %lt3A_378, %slice3A_379, %broadcast_in_dim3A_381 : vector<1x512xi1>, vector<1x512xf32>
        %slice3A_383 = vector.extract_strided_slice %get3A_371 {offsets = [1, 0], sizes = [1, 512], strides = [1, 1]} : vector<2x512xf32> to vector<1x512xf32>
        %jit3A_384 = arith.constant -1.000000e+09 : f32
        %broadcast_in_dim3A_385 = vector.broadcast %jit3A_384 : f32 to vector<1x512xf32>
        %select_n3A_386 = arith.select %lt3A_378, %slice3A_383, %broadcast_in_dim3A_385 : vector<1x512xi1>, vector<1x512xf32>
        %sub3A_387 = vector.broadcast %slice3A_260 : vector<640x1xf32> to vector<640x512xf32>
        %sub3A_388 = vector.broadcast %select_n3A_382 : vector<1x512xf32> to vector<640x512xf32>
        %sub3A_389 = arith.subf %sub3A_387, %sub3A_388 : vector<640x512xf32>
        %sub3A_390 = vector.broadcast %slice3A_261 : vector<640x1xf32> to vector<640x512xf32>
        %sub3A_391 = vector.broadcast %select_n3A_386 : vector<1x512xf32> to vector<640x512xf32>
        %sub3A_392 = arith.subf %sub3A_390, %sub3A_391 : vector<640x512xf32>
        %mul3A_393 = arith.mulf %sub3A_389, %sub3A_389 : vector<640x512xf32>
        %mul3A_394 = arith.mulf %sub3A_392, %sub3A_392 : vector<640x512xf32>
        %add3A_395 = arith.addf %mul3A_393, %mul3A_394 : vector<640x512xf32>
        %reduce_min3A_396 = arith.constant dense<0x7F800000> : vector<640xf32>
        %reduce_min3A_397 = vector.multi_reduction <minimumf>, %add3A_395, %reduce_min3A_396 [1] : vector<640x512xf32> to vector<640xf32>
        %broadcast_in_dim3A_398 = vector.shape_cast %reduce_min3A_397 : vector<640xf32> to vector<640x1xf32>
        %reduce_min3A_399 = arith.constant dense<0x7F800000> : vector<512xf32>
        %reduce_min3A_400 = vector.multi_reduction <minimumf>, %add3A_395, %reduce_min3A_399 [0] : vector<640x512xf32> to vector<512xf32>
        %broadcast_in_dim3A_401 = vector.shape_cast %reduce_min3A_400 : vector<512xf32> to vector<1x512xf32>
        %jit3A_402 = arith.constant 0.000000e+00 : f32
        %broadcast_in_dim3A_403 = vector.broadcast %jit3A_402 : f32 to vector<1x512xf32>
        %select_n3A_404 = arith.select %lt3A_378, %broadcast_in_dim3A_401, %broadcast_in_dim3A_403 : vector<1x512xi1>, vector<1x512xf32>
        %reduce_sum3A_405 = vector.shape_cast %select_n3A_404 : vector<1x512xf32> to vector<1x1x512xf32>
        %reduce_sum3A_406 = arith.constant dense<0.000000e+00> : vector<1xf32>
        %reduce_sum3A_407 = vector.multi_reduction <add>, %reduce_sum3A_405, %reduce_sum3A_406 [1, 2] : vector<1x1x512xf32> to vector<1xf32>
        %reduce_sum3A_408 = vector.shape_cast %reduce_sum3A_407 : vector<1xf32> to vector<1x1x1xf32>
        %reduce_sum3A_409 = vector.extract %reduce_sum3A_408[0, 0, 0] : f32 from vector<1x1x1xf32>
        %min3A_410 = arith.minimumf %broadcast_in_dim3A_348, %broadcast_in_dim3A_398 : vector<640x1xf32>
        %min3A_411 = arith.minimumf %while3A_312, %min3A_410 : vector<640x1xf32>
        %add3A_412 = arith.addf %reduce_sum3A_359, %reduce_sum3A_409 : f32
        %add3A_413 = arith.addf %while3A_313, %add3A_412 : f32
        scf.yield %min3A_411, %add3A_413 : vector<640x1xf32>, f32
      }
      %mul3A_275 = arith.constant 2 : i32
      %mul3A_276 = arith.muli %mul3A_275, %select_n3A_134 : i32
      %while3A_277 = arith.subi %select_n3A_110, %mul3A_276 : i32
      %while3A_278 = arith.addi %mul3A_276, %while3A_277 : i32
      %while3A_279 = arith.constant 1 : i32
      %while3A_280 = arith.divsi %while3A_277, %while3A_279 : i32
      %while3A_281 = arith.muli %while3A_280, %while3A_279 : i32
      %while3A_282 = arith.addi %mul3A_276, %while3A_281 : i32
      %while3A_283 = arith.constant 1 : i32
      %while3A_284:2 = scf.for %while3A_311 = %mul3A_276 to %while3A_282 step %while3A_283 iter_args(%while3A_312 = %while3A_274#0, %while3A_313 = %while3A_274#1) -> (vector<640x1xf32>, f32)  : i32 {
        %min3A = arith.constant 9 : i32
        %min3A_314 = arith.minsi %while3A_311, %min3A : i32
        %get3A_315 = arith.constant 0 : index
        %get3A_316 = arith.index_cast %min3A_314 : i32 to index
        %get3A_317 = arith.constant 0 : index
        %get3A_318 = arith.constant 0 : index
        %get3A_319 = vector.load %arg6[%get3A_315, %get3A_316, %get3A_317, %get3A_318] : memref<1x10x2x512xf32, #tpu.memory_space<vmem>>, vector<1x1x2x512xf32>
        %get3A_320 = vector.shape_cast %get3A_319 : vector<1x1x2x512xf32> to vector<2x512xf32>
        %iota3A_321 = tpu.iota {dimensions = array<i32: 1>} : vector<1x512xi32>
        %mul3A_322 = arith.constant 512 : i32
        %mul3A_323 = arith.muli %while3A_311, %mul3A_322 : i32
        %add3A_324 = vector.broadcast %mul3A_323 : i32 to vector<1x512xi32>
        %add3A_325 = arith.addi %iota3A_321, %add3A_324 : vector<1x512xi32>
        %lt3A_326 = vector.broadcast %get3A_4 : i32 to vector<1x512xi32>
        %lt3A_327 = arith.cmpi slt, %add3A_325, %lt3A_326 : vector<1x512xi32>
        %slice3A_328 = vector.extract_strided_slice %get3A_320 {offsets = [0, 0], sizes = [1, 512], strides = [1, 1]} : vector<2x512xf32> to vector<1x512xf32>
        %jit3A_329 = arith.constant -1.000000e+09 : f32
        %broadcast_in_dim3A_330 = vector.broadcast %jit3A_329 : f32 to vector<1x512xf32>
        %select_n3A_331 = arith.select %lt3A_327, %slice3A_328, %broadcast_in_dim3A_330 : vector<1x512xi1>, vector<1x512xf32>
        %slice3A_332 = vector.extract_strided_slice %get3A_320 {offsets = [1, 0], sizes = [1, 512], strides = [1, 1]} : vector<2x512xf32> to vector<1x512xf32>
        %jit3A_333 = arith.constant -1.000000e+09 : f32
        %broadcast_in_dim3A_334 = vector.broadcast %jit3A_333 : f32 to vector<1x512xf32>
        %select_n3A_335 = arith.select %lt3A_327, %slice3A_332, %broadcast_in_dim3A_334 : vector<1x512xi1>, vector<1x512xf32>
        %sub3A_336 = vector.broadcast %slice3A_260 : vector<640x1xf32> to vector<640x512xf32>
        %sub3A_337 = vector.broadcast %select_n3A_331 : vector<1x512xf32> to vector<640x512xf32>
        %sub3A_338 = arith.subf %sub3A_336, %sub3A_337 : vector<640x512xf32>
        %sub3A_339 = vector.broadcast %slice3A_261 : vector<640x1xf32> to vector<640x512xf32>
        %sub3A_340 = vector.broadcast %select_n3A_335 : vector<1x512xf32> to vector<640x512xf32>
        %sub3A_341 = arith.subf %sub3A_339, %sub3A_340 : vector<640x512xf32>
        %mul3A_342 = arith.mulf %sub3A_338, %sub3A_338 : vector<640x512xf32>
        %mul3A_343 = arith.mulf %sub3A_341, %sub3A_341 : vector<640x512xf32>
        %add3A_344 = arith.addf %mul3A_342, %mul3A_343 : vector<640x512xf32>
        %reduce_min3A = arith.constant dense<0x7F800000> : vector<640xf32>
        %reduce_min3A_345 = vector.multi_reduction <minimumf>, %add3A_344, %reduce_min3A [1] : vector<640x512xf32> to vector<640xf32>
        %broadcast_in_dim3A_346 = vector.shape_cast %reduce_min3A_345 : vector<640xf32> to vector<640x1xf32>
        %reduce_min3A_347 = arith.constant dense<0x7F800000> : vector<512xf32>
        %reduce_min3A_348 = vector.multi_reduction <minimumf>, %add3A_344, %reduce_min3A_347 [0] : vector<640x512xf32> to vector<512xf32>
        %broadcast_in_dim3A_349 = vector.shape_cast %reduce_min3A_348 : vector<512xf32> to vector<1x512xf32>
        %jit3A_350 = arith.constant 0.000000e+00 : f32
        %broadcast_in_dim3A_351 = vector.broadcast %jit3A_350 : f32 to vector<1x512xf32>
        %select_n3A_352 = arith.select %lt3A_327, %broadcast_in_dim3A_349, %broadcast_in_dim3A_351 : vector<1x512xi1>, vector<1x512xf32>
        %reduce_sum3A_353 = vector.shape_cast %select_n3A_352 : vector<1x512xf32> to vector<1x1x512xf32>
        %reduce_sum3A_354 = arith.constant dense<0.000000e+00> : vector<1xf32>
        %reduce_sum3A_355 = vector.multi_reduction <add>, %reduce_sum3A_353, %reduce_sum3A_354 [1, 2] : vector<1x1x512xf32> to vector<1xf32>
        %reduce_sum3A_356 = vector.shape_cast %reduce_sum3A_355 : vector<1xf32> to vector<1x1x1xf32>
        %reduce_sum3A_357 = vector.extract %reduce_sum3A_356[0, 0, 0] : f32 from vector<1x1x1xf32>
        %min3A_358 = arith.minimumf %while3A_312, %broadcast_in_dim3A_346 : vector<640x1xf32>
        %add3A_359 = arith.addf %while3A_313, %reduce_sum3A_357 : f32
        scf.yield %min3A_358, %add3A_359 : vector<640x1xf32>, f32
      }
      %while3A_285 = arith.constant 1 : i32
      %while3A_286:2 = scf.for %while3A_311 = %while3A_282 to %while3A_278 step %while3A_285 iter_args(%while3A_312 = %while3A_284#0, %while3A_313 = %while3A_284#1) -> (vector<640x1xf32>, f32)  : i32 {
        %min3A = arith.constant 9 : i32
        %min3A_314 = arith.minsi %while3A_311, %min3A : i32
        %get3A_315 = arith.constant 0 : index
        %get3A_316 = arith.index_cast %min3A_314 : i32 to index
        %get3A_317 = arith.constant 0 : index
        %get3A_318 = arith.constant 0 : index
        %get3A_319 = vector.load %arg6[%get3A_315, %get3A_316, %get3A_317, %get3A_318] : memref<1x10x2x512xf32, #tpu.memory_space<vmem>>, vector<1x1x2x512xf32>
        %get3A_320 = vector.shape_cast %get3A_319 : vector<1x1x2x512xf32> to vector<2x512xf32>
        %iota3A_321 = tpu.iota {dimensions = array<i32: 1>} : vector<1x512xi32>
        %mul3A_322 = arith.constant 512 : i32
        %mul3A_323 = arith.muli %while3A_311, %mul3A_322 : i32
        %add3A_324 = vector.broadcast %mul3A_323 : i32 to vector<1x512xi32>
        %add3A_325 = arith.addi %iota3A_321, %add3A_324 : vector<1x512xi32>
        %lt3A_326 = vector.broadcast %get3A_4 : i32 to vector<1x512xi32>
        %lt3A_327 = arith.cmpi slt, %add3A_325, %lt3A_326 : vector<1x512xi32>
        %slice3A_328 = vector.extract_strided_slice %get3A_320 {offsets = [0, 0], sizes = [1, 512], strides = [1, 1]} : vector<2x512xf32> to vector<1x512xf32>
        %jit3A_329 = arith.constant -1.000000e+09 : f32
        %broadcast_in_dim3A_330 = vector.broadcast %jit3A_329 : f32 to vector<1x512xf32>
        %select_n3A_331 = arith.select %lt3A_327, %slice3A_328, %broadcast_in_dim3A_330 : vector<1x512xi1>, vector<1x512xf32>
        %slice3A_332 = vector.extract_strided_slice %get3A_320 {offsets = [1, 0], sizes = [1, 512], strides = [1, 1]} : vector<2x512xf32> to vector<1x512xf32>
        %jit3A_333 = arith.constant -1.000000e+09 : f32
        %broadcast_in_dim3A_334 = vector.broadcast %jit3A_333 : f32 to vector<1x512xf32>
        %select_n3A_335 = arith.select %lt3A_327, %slice3A_332, %broadcast_in_dim3A_334 : vector<1x512xi1>, vector<1x512xf32>
        %sub3A_336 = vector.broadcast %slice3A_260 : vector<640x1xf32> to vector<640x512xf32>
        %sub3A_337 = vector.broadcast %select_n3A_331 : vector<1x512xf32> to vector<640x512xf32>
        %sub3A_338 = arith.subf %sub3A_336, %sub3A_337 : vector<640x512xf32>
        %sub3A_339 = vector.broadcast %slice3A_261 : vector<640x1xf32> to vector<640x512xf32>
        %sub3A_340 = vector.broadcast %select_n3A_335 : vector<1x512xf32> to vector<640x512xf32>
        %sub3A_341 = arith.subf %sub3A_339, %sub3A_340 : vector<640x512xf32>
        %mul3A_342 = arith.mulf %sub3A_338, %sub3A_338 : vector<640x512xf32>
        %mul3A_343 = arith.mulf %sub3A_341, %sub3A_341 : vector<640x512xf32>
        %add3A_344 = arith.addf %mul3A_342, %mul3A_343 : vector<640x512xf32>
        %reduce_min3A = arith.constant dense<0x7F800000> : vector<640xf32>
        %reduce_min3A_345 = vector.multi_reduction <minimumf>, %add3A_344, %reduce_min3A [1] : vector<640x512xf32> to vector<640xf32>
        %broadcast_in_dim3A_346 = vector.shape_cast %reduce_min3A_345 : vector<640xf32> to vector<640x1xf32>
        %reduce_min3A_347 = arith.constant dense<0x7F800000> : vector<512xf32>
        %reduce_min3A_348 = vector.multi_reduction <minimumf>, %add3A_344, %reduce_min3A_347 [0] : vector<640x512xf32> to vector<512xf32>
        %broadcast_in_dim3A_349 = vector.shape_cast %reduce_min3A_348 : vector<512xf32> to vector<1x512xf32>
        %jit3A_350 = arith.constant 0.000000e+00 : f32
        %broadcast_in_dim3A_351 = vector.broadcast %jit3A_350 : f32 to vector<1x512xf32>
        %select_n3A_352 = arith.select %lt3A_327, %broadcast_in_dim3A_349, %broadcast_in_dim3A_351 : vector<1x512xi1>, vector<1x512xf32>
        %reduce_sum3A_353 = vector.shape_cast %select_n3A_352 : vector<1x512xf32> to vector<1x1x512xf32>
        %reduce_sum3A_354 = arith.constant dense<0.000000e+00> : vector<1xf32>
        %reduce_sum3A_355 = vector.multi_reduction <add>, %reduce_sum3A_353, %reduce_sum3A_354 [1, 2] : vector<1x1x512xf32> to vector<1xf32>
        %reduce_sum3A_356 = vector.shape_cast %reduce_sum3A_355 : vector<1xf32> to vector<1x1x1xf32>
        %reduce_sum3A_357 = vector.extract %reduce_sum3A_356[0, 0, 0] : f32 from vector<1x1x1xf32>
        %min3A_358 = arith.minimumf %while3A_312, %broadcast_in_dim3A_346 : vector<640x1xf32>
        %add3A_359 = arith.addf %while3A_313, %reduce_sum3A_357 : f32
        scf.yield %min3A_358, %add3A_359 : vector<640x1xf32>, f32
      }
      %iota3A_287 = tpu.iota {dimensions = array<i32: 0>} : vector<640x1xi32>
      %lt3A_288 = vector.broadcast %get3A_1 : i32 to vector<640x1xi32>
      %lt3A_289 = arith.cmpi slt, %iota3A_287, %lt3A_288 : vector<640x1xi32>
      %jit3A_290 = arith.constant 0.000000e+00 : f32
      %broadcast_in_dim3A_291 = vector.broadcast %jit3A_290 : f32 to vector<640x1xf32>
      %select_n3A_292 = arith.select %lt3A_289, %while3A_286#0, %broadcast_in_dim3A_291 : vector<640x1xi1>, vector<640x1xf32>
      %reduce_sum3A = vector.shape_cast %select_n3A_292 : vector<640x1xf32> to vector<1x640x1xf32>
      %reduce_sum3A_293 = arith.constant dense<0.000000e+00> : vector<1xf32>
      %reduce_sum3A_294 = vector.multi_reduction <add>, %reduce_sum3A, %reduce_sum3A_293 [1, 2] : vector<1x640x1xf32> to vector<1xf32>
      %reduce_sum3A_295 = vector.shape_cast %reduce_sum3A_294 : vector<1xf32> to vector<1x1x1xf32>
      %reduce_sum3A_296 = vector.extract %reduce_sum3A_295[0, 0, 0] : f32 from vector<1x1x1xf32>
      %div3A_297 = arith.divf %reduce_sum3A_296, %convert_element_type3A : f32
      %div3A_298 = arith.divf %while3A_286#1, %convert_element_type3A_8 : f32
      %add3A_299 = arith.addf %div3A_297, %div3A_298 : f32
      %mul3A_300 = arith.constant 1.250000e-01 : f32
      %mul3A_301 = arith.mulf %add3A_299, %mul3A_300 : f32
      %eq3A = arith.constant 0 : i32
      %eq3A_302 = arith.cmpi eq, %arg1, %eq3A : i32
      %convert_element_type3A_303 = arith.extui %eq3A_302 : i1 to i32
      %cond3A_304 = arith.constant 0 : i32
      %cond3A_305 = arith.cmpi ne, %convert_element_type3A_303, %cond3A_304 : i32
      scf.if %cond3A_305 {
        %swap3A = arith.index_cast %arg0 : i32 to index
        %swap3A_311 = arith.constant 0 : index
        %swap3A_312 = memref.load %arg7[%swap3A, %swap3A_311] : memref<4x1xf32, #tpu.memory_space<smem>>
        memref.store %mul3A_301, %arg7[%swap3A, %swap3A_311] : memref<4x1xf32, #tpu.memory_space<smem>>
      } else {
      }
      %gt3A_306 = arith.constant 0 : i32
      %gt3A_307 = arith.cmpi sgt, %arg1, %gt3A_306 : i32
      %convert_element_type3A_308 = arith.extui %gt3A_307 : i1 to i32
      %cond3A_309 = arith.constant 0 : i32
      %cond3A_310 = arith.cmpi ne, %convert_element_type3A_308, %cond3A_309 : i32
      scf.if %cond3A_310 {
        %get3A_311 = arith.index_cast %arg0 : i32 to index
        %get3A_312 = arith.constant 0 : index
        %get3A_313 = memref.load %arg7[%get3A_311, %get3A_312] : memref<4x1xf32, #tpu.memory_space<smem>>
        %add3A_314 = arith.addf %get3A_313, %mul3A_301 : f32
        %swap3A = arith.index_cast %arg0 : i32 to index
        %swap3A_315 = arith.constant 0 : index
        %swap3A_316 = memref.load %arg7[%swap3A, %swap3A_315] : memref<4x1xf32, #tpu.memory_space<smem>>
        memref.store %add3A_314, %arg7[%swap3A, %swap3A_315] : memref<4x1xf32, #tpu.memory_space<smem>>
      } else {
      }
    } else {
    }
    %gt3A_212 = arith.constant 640 : i32
    %gt3A_213 = arith.cmpi sgt, %get3A_1, %gt3A_212 : i32
    %le3A_214 = arith.constant 704 : i32
    %le3A_215 = arith.cmpi sle, %get3A_1, %le3A_214 : i32
    %and3A_216 = arith.andi %gt3A_213, %le3A_215 : i1
    %convert_element_type3A_217 = arith.extui %and3A_216 : i1 to i32
    %cond3A_218 = arith.constant 0 : i32
    %cond3A_219 = arith.cmpi ne, %convert_element_type3A_217, %cond3A_218 : i32
    scf.if %cond3A_219 {
      %slice3A_260 = vector.extract_strided_slice %reshape3A {offsets = [0, 0], sizes = [704, 1], strides = [1, 1]} : vector<1024x1xf32> to vector<704x1xf32>
      %slice3A_261 = vector.extract_strided_slice %reshape3A_87 {offsets = [0, 0], sizes = [704, 1], strides = [1, 1]} : vector<1024x1xf32> to vector<704x1xf32>
      %broadcast_in_dim3A_262 = arith.constant 1.000000e+30 : f32
      %broadcast_in_dim3A_263 = vector.broadcast %broadcast_in_dim3A_262 : f32 to vector<704x1xf32>
      %while3A = arith.constant 0 : i32
      %while3A_264 = arith.constant 0.000000e+00 : f32
      %while3A_265 = arith.subi %select_n3A_134, %while3A : i32
      %while3A_266 = arith.addi %while3A, %while3A_265 : i32
      %while3A_267 = arith.constant 1 : i32
      %while3A_268 = arith.divsi %while3A_265, %while3A_267 : i32
      %while3A_269 = arith.muli %while3A_268, %while3A_267 : i32
      %while3A_270 = arith.addi %while3A, %while3A_269 : i32
      %while3A_271 = arith.constant 1 : i32
      %while3A_272:2 = scf.for %while3A_311 = %while3A to %while3A_270 step %while3A_271 iter_args(%while3A_312 = %broadcast_in_dim3A_263, %while3A_313 = %while3A_264) -> (vector<704x1xf32>, f32)  : i32 {
        %mul3A_314 = arith.constant 2 : i32
        %mul3A_315 = arith.muli %mul3A_314, %while3A_311 : i32
        %min3A = arith.constant 9 : i32
        %min3A_316 = arith.minsi %mul3A_315, %min3A : i32
        %get3A_317 = arith.constant 0 : index
        %get3A_318 = arith.index_cast %min3A_316 : i32 to index
        %get3A_319 = arith.constant 0 : index
        %get3A_320 = arith.constant 0 : index
        %get3A_321 = vector.load %arg6[%get3A_317, %get3A_318, %get3A_319, %get3A_320] : memref<1x10x2x512xf32, #tpu.memory_space<vmem>>, vector<1x1x2x512xf32>
        %get3A_322 = vector.shape_cast %get3A_321 : vector<1x1x2x512xf32> to vector<2x512xf32>
        %iota3A_323 = tpu.iota {dimensions = array<i32: 1>} : vector<1x512xi32>
        %mul3A_324 = arith.constant 512 : i32
        %mul3A_325 = arith.muli %mul3A_315, %mul3A_324 : i32
        %add3A_326 = vector.broadcast %mul3A_325 : i32 to vector<1x512xi32>
        %add3A_327 = arith.addi %iota3A_323, %add3A_326 : vector<1x512xi32>
        %lt3A_328 = vector.broadcast %get3A_4 : i32 to vector<1x512xi32>
        %lt3A_329 = arith.cmpi slt, %add3A_327, %lt3A_328 : vector<1x512xi32>
        %slice3A_330 = vector.extract_strided_slice %get3A_322 {offsets = [0, 0], sizes = [1, 512], strides = [1, 1]} : vector<2x512xf32> to vector<1x512xf32>
        %jit3A_331 = arith.constant -1.000000e+09 : f32
        %broadcast_in_dim3A_332 = vector.broadcast %jit3A_331 : f32 to vector<1x512xf32>
        %select_n3A_333 = arith.select %lt3A_329, %slice3A_330, %broadcast_in_dim3A_332 : vector<1x512xi1>, vector<1x512xf32>
        %slice3A_334 = vector.extract_strided_slice %get3A_322 {offsets = [1, 0], sizes = [1, 512], strides = [1, 1]} : vector<2x512xf32> to vector<1x512xf32>
        %jit3A_335 = arith.constant -1.000000e+09 : f32
        %broadcast_in_dim3A_336 = vector.broadcast %jit3A_335 : f32 to vector<1x512xf32>
        %select_n3A_337 = arith.select %lt3A_329, %slice3A_334, %broadcast_in_dim3A_336 : vector<1x512xi1>, vector<1x512xf32>
        %sub3A_338 = vector.broadcast %slice3A_260 : vector<704x1xf32> to vector<704x512xf32>
        %sub3A_339 = vector.broadcast %select_n3A_333 : vector<1x512xf32> to vector<704x512xf32>
        %sub3A_340 = arith.subf %sub3A_338, %sub3A_339 : vector<704x512xf32>
        %sub3A_341 = vector.broadcast %slice3A_261 : vector<704x1xf32> to vector<704x512xf32>
        %sub3A_342 = vector.broadcast %select_n3A_337 : vector<1x512xf32> to vector<704x512xf32>
        %sub3A_343 = arith.subf %sub3A_341, %sub3A_342 : vector<704x512xf32>
        %mul3A_344 = arith.mulf %sub3A_340, %sub3A_340 : vector<704x512xf32>
        %mul3A_345 = arith.mulf %sub3A_343, %sub3A_343 : vector<704x512xf32>
        %add3A_346 = arith.addf %mul3A_344, %mul3A_345 : vector<704x512xf32>
        %reduce_min3A = arith.constant dense<0x7F800000> : vector<704xf32>
        %reduce_min3A_347 = vector.multi_reduction <minimumf>, %add3A_346, %reduce_min3A [1] : vector<704x512xf32> to vector<704xf32>
        %broadcast_in_dim3A_348 = vector.shape_cast %reduce_min3A_347 : vector<704xf32> to vector<704x1xf32>
        %reduce_min3A_349 = arith.constant dense<0x7F800000> : vector<512xf32>
        %reduce_min3A_350 = vector.multi_reduction <minimumf>, %add3A_346, %reduce_min3A_349 [0] : vector<704x512xf32> to vector<512xf32>
        %broadcast_in_dim3A_351 = vector.shape_cast %reduce_min3A_350 : vector<512xf32> to vector<1x512xf32>
        %jit3A_352 = arith.constant 0.000000e+00 : f32
        %broadcast_in_dim3A_353 = vector.broadcast %jit3A_352 : f32 to vector<1x512xf32>
        %select_n3A_354 = arith.select %lt3A_329, %broadcast_in_dim3A_351, %broadcast_in_dim3A_353 : vector<1x512xi1>, vector<1x512xf32>
        %reduce_sum3A_355 = vector.shape_cast %select_n3A_354 : vector<1x512xf32> to vector<1x1x512xf32>
        %reduce_sum3A_356 = arith.constant dense<0.000000e+00> : vector<1xf32>
        %reduce_sum3A_357 = vector.multi_reduction <add>, %reduce_sum3A_355, %reduce_sum3A_356 [1, 2] : vector<1x1x512xf32> to vector<1xf32>
        %reduce_sum3A_358 = vector.shape_cast %reduce_sum3A_357 : vector<1xf32> to vector<1x1x1xf32>
        %reduce_sum3A_359 = vector.extract %reduce_sum3A_358[0, 0, 0] : f32 from vector<1x1x1xf32>
        %mul3A_360 = arith.constant 2 : i32
        %mul3A_361 = arith.muli %mul3A_360, %while3A_311 : i32
        %add3A_362 = arith.constant 1 : i32
        %add3A_363 = arith.addi %mul3A_361, %add3A_362 : i32
        %min3A_364 = arith.constant 9 : i32
        %min3A_365 = arith.minsi %add3A_363, %min3A_364 : i32
        %get3A_366 = arith.constant 0 : index
        %get3A_367 = arith.index_cast %min3A_365 : i32 to index
        %get3A_368 = arith.constant 0 : index
        %get3A_369 = arith.constant 0 : index
        %get3A_370 = vector.load %arg6[%get3A_366, %get3A_367, %get3A_368, %get3A_369] : memref<1x10x2x512xf32, #tpu.memory_space<vmem>>, vector<1x1x2x512xf32>
        %get3A_371 = vector.shape_cast %get3A_370 : vector<1x1x2x512xf32> to vector<2x512xf32>
        %iota3A_372 = tpu.iota {dimensions = array<i32: 1>} : vector<1x512xi32>
        %mul3A_373 = arith.constant 512 : i32
        %mul3A_374 = arith.muli %add3A_363, %mul3A_373 : i32
        %add3A_375 = vector.broadcast %mul3A_374 : i32 to vector<1x512xi32>
        %add3A_376 = arith.addi %iota3A_372, %add3A_375 : vector<1x512xi32>
        %lt3A_377 = vector.broadcast %get3A_4 : i32 to vector<1x512xi32>
        %lt3A_378 = arith.cmpi slt, %add3A_376, %lt3A_377 : vector<1x512xi32>
        %slice3A_379 = vector.extract_strided_slice %get3A_371 {offsets = [0, 0], sizes = [1, 512], strides = [1, 1]} : vector<2x512xf32> to vector<1x512xf32>
        %jit3A_380 = arith.constant -1.000000e+09 : f32
        %broadcast_in_dim3A_381 = vector.broadcast %jit3A_380 : f32 to vector<1x512xf32>
        %select_n3A_382 = arith.select %lt3A_378, %slice3A_379, %broadcast_in_dim3A_381 : vector<1x512xi1>, vector<1x512xf32>
        %slice3A_383 = vector.extract_strided_slice %get3A_371 {offsets = [1, 0], sizes = [1, 512], strides = [1, 1]} : vector<2x512xf32> to vector<1x512xf32>
        %jit3A_384 = arith.constant -1.000000e+09 : f32
        %broadcast_in_dim3A_385 = vector.broadcast %jit3A_384 : f32 to vector<1x512xf32>
        %select_n3A_386 = arith.select %lt3A_378, %slice3A_383, %broadcast_in_dim3A_385 : vector<1x512xi1>, vector<1x512xf32>
        %sub3A_387 = vector.broadcast %slice3A_260 : vector<704x1xf32> to vector<704x512xf32>
        %sub3A_388 = vector.broadcast %select_n3A_382 : vector<1x512xf32> to vector<704x512xf32>
        %sub3A_389 = arith.subf %sub3A_387, %sub3A_388 : vector<704x512xf32>
        %sub3A_390 = vector.broadcast %slice3A_261 : vector<704x1xf32> to vector<704x512xf32>
        %sub3A_391 = vector.broadcast %select_n3A_386 : vector<1x512xf32> to vector<704x512xf32>
        %sub3A_392 = arith.subf %sub3A_390, %sub3A_391 : vector<704x512xf32>
        %mul3A_393 = arith.mulf %sub3A_389, %sub3A_389 : vector<704x512xf32>
        %mul3A_394 = arith.mulf %sub3A_392, %sub3A_392 : vector<704x512xf32>
        %add3A_395 = arith.addf %mul3A_393, %mul3A_394 : vector<704x512xf32>
        %reduce_min3A_396 = arith.constant dense<0x7F800000> : vector<704xf32>
        %reduce_min3A_397 = vector.multi_reduction <minimumf>, %add3A_395, %reduce_min3A_396 [1] : vector<704x512xf32> to vector<704xf32>
        %broadcast_in_dim3A_398 = vector.shape_cast %reduce_min3A_397 : vector<704xf32> to vector<704x1xf32>
        %reduce_min3A_399 = arith.constant dense<0x7F800000> : vector<512xf32>
        %reduce_min3A_400 = vector.multi_reduction <minimumf>, %add3A_395, %reduce_min3A_399 [0] : vector<704x512xf32> to vector<512xf32>
        %broadcast_in_dim3A_401 = vector.shape_cast %reduce_min3A_400 : vector<512xf32> to vector<1x512xf32>
        %jit3A_402 = arith.constant 0.000000e+00 : f32
        %broadcast_in_dim3A_403 = vector.broadcast %jit3A_402 : f32 to vector<1x512xf32>
        %select_n3A_404 = arith.select %lt3A_378, %broadcast_in_dim3A_401, %broadcast_in_dim3A_403 : vector<1x512xi1>, vector<1x512xf32>
        %reduce_sum3A_405 = vector.shape_cast %select_n3A_404 : vector<1x512xf32> to vector<1x1x512xf32>
        %reduce_sum3A_406 = arith.constant dense<0.000000e+00> : vector<1xf32>
        %reduce_sum3A_407 = vector.multi_reduction <add>, %reduce_sum3A_405, %reduce_sum3A_406 [1, 2] : vector<1x1x512xf32> to vector<1xf32>
        %reduce_sum3A_408 = vector.shape_cast %reduce_sum3A_407 : vector<1xf32> to vector<1x1x1xf32>
        %reduce_sum3A_409 = vector.extract %reduce_sum3A_408[0, 0, 0] : f32 from vector<1x1x1xf32>
        %min3A_410 = arith.minimumf %broadcast_in_dim3A_348, %broadcast_in_dim3A_398 : vector<704x1xf32>
        %min3A_411 = arith.minimumf %while3A_312, %min3A_410 : vector<704x1xf32>
        %add3A_412 = arith.addf %reduce_sum3A_359, %reduce_sum3A_409 : f32
        %add3A_413 = arith.addf %while3A_313, %add3A_412 : f32
        scf.yield %min3A_411, %add3A_413 : vector<704x1xf32>, f32
      }
      %while3A_273 = arith.constant 1 : i32
      %while3A_274:2 = scf.for %while3A_311 = %while3A_270 to %while3A_266 step %while3A_273 iter_args(%while3A_312 = %while3A_272#0, %while3A_313 = %while3A_272#1) -> (vector<704x1xf32>, f32)  : i32 {
        %mul3A_314 = arith.constant 2 : i32
        %mul3A_315 = arith.muli %mul3A_314, %while3A_311 : i32
        %min3A = arith.constant 9 : i32
        %min3A_316 = arith.minsi %mul3A_315, %min3A : i32
        %get3A_317 = arith.constant 0 : index
        %get3A_318 = arith.index_cast %min3A_316 : i32 to index
        %get3A_319 = arith.constant 0 : index
        %get3A_320 = arith.constant 0 : index
        %get3A_321 = vector.load %arg6[%get3A_317, %get3A_318, %get3A_319, %get3A_320] : memref<1x10x2x512xf32, #tpu.memory_space<vmem>>, vector<1x1x2x512xf32>
        %get3A_322 = vector.shape_cast %get3A_321 : vector<1x1x2x512xf32> to vector<2x512xf32>
        %iota3A_323 = tpu.iota {dimensions = array<i32: 1>} : vector<1x512xi32>
        %mul3A_324 = arith.constant 512 : i32
        %mul3A_325 = arith.muli %mul3A_315, %mul3A_324 : i32
        %add3A_326 = vector.broadcast %mul3A_325 : i32 to vector<1x512xi32>
        %add3A_327 = arith.addi %iota3A_323, %add3A_326 : vector<1x512xi32>
        %lt3A_328 = vector.broadcast %get3A_4 : i32 to vector<1x512xi32>
        %lt3A_329 = arith.cmpi slt, %add3A_327, %lt3A_328 : vector<1x512xi32>
        %slice3A_330 = vector.extract_strided_slice %get3A_322 {offsets = [0, 0], sizes = [1, 512], strides = [1, 1]} : vector<2x512xf32> to vector<1x512xf32>
        %jit3A_331 = arith.constant -1.000000e+09 : f32
        %broadcast_in_dim3A_332 = vector.broadcast %jit3A_331 : f32 to vector<1x512xf32>
        %select_n3A_333 = arith.select %lt3A_329, %slice3A_330, %broadcast_in_dim3A_332 : vector<1x512xi1>, vector<1x512xf32>
        %slice3A_334 = vector.extract_strided_slice %get3A_322 {offsets = [1, 0], sizes = [1, 512], strides = [1, 1]} : vector<2x512xf32> to vector<1x512xf32>
        %jit3A_335 = arith.constant -1.000000e+09 : f32
        %broadcast_in_dim3A_336 = vector.broadcast %jit3A_335 : f32 to vector<1x512xf32>
        %select_n3A_337 = arith.select %lt3A_329, %slice3A_334, %broadcast_in_dim3A_336 : vector<1x512xi1>, vector<1x512xf32>
        %sub3A_338 = vector.broadcast %slice3A_260 : vector<704x1xf32> to vector<704x512xf32>
        %sub3A_339 = vector.broadcast %select_n3A_333 : vector<1x512xf32> to vector<704x512xf32>
        %sub3A_340 = arith.subf %sub3A_338, %sub3A_339 : vector<704x512xf32>
        %sub3A_341 = vector.broadcast %slice3A_261 : vector<704x1xf32> to vector<704x512xf32>
        %sub3A_342 = vector.broadcast %select_n3A_337 : vector<1x512xf32> to vector<704x512xf32>
        %sub3A_343 = arith.subf %sub3A_341, %sub3A_342 : vector<704x512xf32>
        %mul3A_344 = arith.mulf %sub3A_340, %sub3A_340 : vector<704x512xf32>
        %mul3A_345 = arith.mulf %sub3A_343, %sub3A_343 : vector<704x512xf32>
        %add3A_346 = arith.addf %mul3A_344, %mul3A_345 : vector<704x512xf32>
        %reduce_min3A = arith.constant dense<0x7F800000> : vector<704xf32>
        %reduce_min3A_347 = vector.multi_reduction <minimumf>, %add3A_346, %reduce_min3A [1] : vector<704x512xf32> to vector<704xf32>
        %broadcast_in_dim3A_348 = vector.shape_cast %reduce_min3A_347 : vector<704xf32> to vector<704x1xf32>
        %reduce_min3A_349 = arith.constant dense<0x7F800000> : vector<512xf32>
        %reduce_min3A_350 = vector.multi_reduction <minimumf>, %add3A_346, %reduce_min3A_349 [0] : vector<704x512xf32> to vector<512xf32>
        %broadcast_in_dim3A_351 = vector.shape_cast %reduce_min3A_350 : vector<512xf32> to vector<1x512xf32>
        %jit3A_352 = arith.constant 0.000000e+00 : f32
        %broadcast_in_dim3A_353 = vector.broadcast %jit3A_352 : f32 to vector<1x512xf32>
        %select_n3A_354 = arith.select %lt3A_329, %broadcast_in_dim3A_351, %broadcast_in_dim3A_353 : vector<1x512xi1>, vector<1x512xf32>
        %reduce_sum3A_355 = vector.shape_cast %select_n3A_354 : vector<1x512xf32> to vector<1x1x512xf32>
        %reduce_sum3A_356 = arith.constant dense<0.000000e+00> : vector<1xf32>
        %reduce_sum3A_357 = vector.multi_reduction <add>, %reduce_sum3A_355, %reduce_sum3A_356 [1, 2] : vector<1x1x512xf32> to vector<1xf32>
        %reduce_sum3A_358 = vector.shape_cast %reduce_sum3A_357 : vector<1xf32> to vector<1x1x1xf32>
        %reduce_sum3A_359 = vector.extract %reduce_sum3A_358[0, 0, 0] : f32 from vector<1x1x1xf32>
        %mul3A_360 = arith.constant 2 : i32
        %mul3A_361 = arith.muli %mul3A_360, %while3A_311 : i32
        %add3A_362 = arith.constant 1 : i32
        %add3A_363 = arith.addi %mul3A_361, %add3A_362 : i32
        %min3A_364 = arith.constant 9 : i32
        %min3A_365 = arith.minsi %add3A_363, %min3A_364 : i32
        %get3A_366 = arith.constant 0 : index
        %get3A_367 = arith.index_cast %min3A_365 : i32 to index
        %get3A_368 = arith.constant 0 : index
        %get3A_369 = arith.constant 0 : index
        %get3A_370 = vector.load %arg6[%get3A_366, %get3A_367, %get3A_368, %get3A_369] : memref<1x10x2x512xf32, #tpu.memory_space<vmem>>, vector<1x1x2x512xf32>
        %get3A_371 = vector.shape_cast %get3A_370 : vector<1x1x2x512xf32> to vector<2x512xf32>
        %iota3A_372 = tpu.iota {dimensions = array<i32: 1>} : vector<1x512xi32>
        %mul3A_373 = arith.constant 512 : i32
        %mul3A_374 = arith.muli %add3A_363, %mul3A_373 : i32
        %add3A_375 = vector.broadcast %mul3A_374 : i32 to vector<1x512xi32>
        %add3A_376 = arith.addi %iota3A_372, %add3A_375 : vector<1x512xi32>
        %lt3A_377 = vector.broadcast %get3A_4 : i32 to vector<1x512xi32>
        %lt3A_378 = arith.cmpi slt, %add3A_376, %lt3A_377 : vector<1x512xi32>
        %slice3A_379 = vector.extract_strided_slice %get3A_371 {offsets = [0, 0], sizes = [1, 512], strides = [1, 1]} : vector<2x512xf32> to vector<1x512xf32>
        %jit3A_380 = arith.constant -1.000000e+09 : f32
        %broadcast_in_dim3A_381 = vector.broadcast %jit3A_380 : f32 to vector<1x512xf32>
        %select_n3A_382 = arith.select %lt3A_378, %slice3A_379, %broadcast_in_dim3A_381 : vector<1x512xi1>, vector<1x512xf32>
        %slice3A_383 = vector.extract_strided_slice %get3A_371 {offsets = [1, 0], sizes = [1, 512], strides = [1, 1]} : vector<2x512xf32> to vector<1x512xf32>
        %jit3A_384 = arith.constant -1.000000e+09 : f32
        %broadcast_in_dim3A_385 = vector.broadcast %jit3A_384 : f32 to vector<1x512xf32>
        %select_n3A_386 = arith.select %lt3A_378, %slice3A_383, %broadcast_in_dim3A_385 : vector<1x512xi1>, vector<1x512xf32>
        %sub3A_387 = vector.broadcast %slice3A_260 : vector<704x1xf32> to vector<704x512xf32>
        %sub3A_388 = vector.broadcast %select_n3A_382 : vector<1x512xf32> to vector<704x512xf32>
        %sub3A_389 = arith.subf %sub3A_387, %sub3A_388 : vector<704x512xf32>
        %sub3A_390 = vector.broadcast %slice3A_261 : vector<704x1xf32> to vector<704x512xf32>
        %sub3A_391 = vector.broadcast %select_n3A_386 : vector<1x512xf32> to vector<704x512xf32>
        %sub3A_392 = arith.subf %sub3A_390, %sub3A_391 : vector<704x512xf32>
        %mul3A_393 = arith.mulf %sub3A_389, %sub3A_389 : vector<704x512xf32>
        %mul3A_394 = arith.mulf %sub3A_392, %sub3A_392 : vector<704x512xf32>
        %add3A_395 = arith.addf %mul3A_393, %mul3A_394 : vector<704x512xf32>
        %reduce_min3A_396 = arith.constant dense<0x7F800000> : vector<704xf32>
        %reduce_min3A_397 = vector.multi_reduction <minimumf>, %add3A_395, %reduce_min3A_396 [1] : vector<704x512xf32> to vector<704xf32>
        %broadcast_in_dim3A_398 = vector.shape_cast %reduce_min3A_397 : vector<704xf32> to vector<704x1xf32>
        %reduce_min3A_399 = arith.constant dense<0x7F800000> : vector<512xf32>
        %reduce_min3A_400 = vector.multi_reduction <minimumf>, %add3A_395, %reduce_min3A_399 [0] : vector<704x512xf32> to vector<512xf32>
        %broadcast_in_dim3A_401 = vector.shape_cast %reduce_min3A_400 : vector<512xf32> to vector<1x512xf32>
        %jit3A_402 = arith.constant 0.000000e+00 : f32
        %broadcast_in_dim3A_403 = vector.broadcast %jit3A_402 : f32 to vector<1x512xf32>
        %select_n3A_404 = arith.select %lt3A_378, %broadcast_in_dim3A_401, %broadcast_in_dim3A_403 : vector<1x512xi1>, vector<1x512xf32>
        %reduce_sum3A_405 = vector.shape_cast %select_n3A_404 : vector<1x512xf32> to vector<1x1x512xf32>
        %reduce_sum3A_406 = arith.constant dense<0.000000e+00> : vector<1xf32>
        %reduce_sum3A_407 = vector.multi_reduction <add>, %reduce_sum3A_405, %reduce_sum3A_406 [1, 2] : vector<1x1x512xf32> to vector<1xf32>
        %reduce_sum3A_408 = vector.shape_cast %reduce_sum3A_407 : vector<1xf32> to vector<1x1x1xf32>
        %reduce_sum3A_409 = vector.extract %reduce_sum3A_408[0, 0, 0] : f32 from vector<1x1x1xf32>
        %min3A_410 = arith.minimumf %broadcast_in_dim3A_348, %broadcast_in_dim3A_398 : vector<704x1xf32>
        %min3A_411 = arith.minimumf %while3A_312, %min3A_410 : vector<704x1xf32>
        %add3A_412 = arith.addf %reduce_sum3A_359, %reduce_sum3A_409 : f32
        %add3A_413 = arith.addf %while3A_313, %add3A_412 : f32
        scf.yield %min3A_411, %add3A_413 : vector<704x1xf32>, f32
      }
      %mul3A_275 = arith.constant 2 : i32
      %mul3A_276 = arith.muli %mul3A_275, %select_n3A_134 : i32
      %while3A_277 = arith.subi %select_n3A_110, %mul3A_276 : i32
      %while3A_278 = arith.addi %mul3A_276, %while3A_277 : i32
      %while3A_279 = arith.constant 1 : i32
      %while3A_280 = arith.divsi %while3A_277, %while3A_279 : i32
      %while3A_281 = arith.muli %while3A_280, %while3A_279 : i32
      %while3A_282 = arith.addi %mul3A_276, %while3A_281 : i32
      %while3A_283 = arith.constant 1 : i32
      %while3A_284:2 = scf.for %while3A_311 = %mul3A_276 to %while3A_282 step %while3A_283 iter_args(%while3A_312 = %while3A_274#0, %while3A_313 = %while3A_274#1) -> (vector<704x1xf32>, f32)  : i32 {
        %min3A = arith.constant 9 : i32
        %min3A_314 = arith.minsi %while3A_311, %min3A : i32
        %get3A_315 = arith.constant 0 : index
        %get3A_316 = arith.index_cast %min3A_314 : i32 to index
        %get3A_317 = arith.constant 0 : index
        %get3A_318 = arith.constant 0 : index
        %get3A_319 = vector.load %arg6[%get3A_315, %get3A_316, %get3A_317, %get3A_318] : memref<1x10x2x512xf32, #tpu.memory_space<vmem>>, vector<1x1x2x512xf32>
        %get3A_320 = vector.shape_cast %get3A_319 : vector<1x1x2x512xf32> to vector<2x512xf32>
        %iota3A_321 = tpu.iota {dimensions = array<i32: 1>} : vector<1x512xi32>
        %mul3A_322 = arith.constant 512 : i32
        %mul3A_323 = arith.muli %while3A_311, %mul3A_322 : i32
        %add3A_324 = vector.broadcast %mul3A_323 : i32 to vector<1x512xi32>
        %add3A_325 = arith.addi %iota3A_321, %add3A_324 : vector<1x512xi32>
        %lt3A_326 = vector.broadcast %get3A_4 : i32 to vector<1x512xi32>
        %lt3A_327 = arith.cmpi slt, %add3A_325, %lt3A_326 : vector<1x512xi32>
        %slice3A_328 = vector.extract_strided_slice %get3A_320 {offsets = [0, 0], sizes = [1, 512], strides = [1, 1]} : vector<2x512xf32> to vector<1x512xf32>
        %jit3A_329 = arith.constant -1.000000e+09 : f32
        %broadcast_in_dim3A_330 = vector.broadcast %jit3A_329 : f32 to vector<1x512xf32>
        %select_n3A_331 = arith.select %lt3A_327, %slice3A_328, %broadcast_in_dim3A_330 : vector<1x512xi1>, vector<1x512xf32>
        %slice3A_332 = vector.extract_strided_slice %get3A_320 {offsets = [1, 0], sizes = [1, 512], strides = [1, 1]} : vector<2x512xf32> to vector<1x512xf32>
        %jit3A_333 = arith.constant -1.000000e+09 : f32
        %broadcast_in_dim3A_334 = vector.broadcast %jit3A_333 : f32 to vector<1x512xf32>
        %select_n3A_335 = arith.select %lt3A_327, %slice3A_332, %broadcast_in_dim3A_334 : vector<1x512xi1>, vector<1x512xf32>
        %sub3A_336 = vector.broadcast %slice3A_260 : vector<704x1xf32> to vector<704x512xf32>
        %sub3A_337 = vector.broadcast %select_n3A_331 : vector<1x512xf32> to vector<704x512xf32>
        %sub3A_338 = arith.subf %sub3A_336, %sub3A_337 : vector<704x512xf32>
        %sub3A_339 = vector.broadcast %slice3A_261 : vector<704x1xf32> to vector<704x512xf32>
        %sub3A_340 = vector.broadcast %select_n3A_335 : vector<1x512xf32> to vector<704x512xf32>
        %sub3A_341 = arith.subf %sub3A_339, %sub3A_340 : vector<704x512xf32>
        %mul3A_342 = arith.mulf %sub3A_338, %sub3A_338 : vector<704x512xf32>
        %mul3A_343 = arith.mulf %sub3A_341, %sub3A_341 : vector<704x512xf32>
        %add3A_344 = arith.addf %mul3A_342, %mul3A_343 : vector<704x512xf32>
        %reduce_min3A = arith.constant dense<0x7F800000> : vector<704xf32>
        %reduce_min3A_345 = vector.multi_reduction <minimumf>, %add3A_344, %reduce_min3A [1] : vector<704x512xf32> to vector<704xf32>
        %broadcast_in_dim3A_346 = vector.shape_cast %reduce_min3A_345 : vector<704xf32> to vector<704x1xf32>
        %reduce_min3A_347 = arith.constant dense<0x7F800000> : vector<512xf32>
        %reduce_min3A_348 = vector.multi_reduction <minimumf>, %add3A_344, %reduce_min3A_347 [0] : vector<704x512xf32> to vector<512xf32>
        %broadcast_in_dim3A_349 = vector.shape_cast %reduce_min3A_348 : vector<512xf32> to vector<1x512xf32>
        %jit3A_350 = arith.constant 0.000000e+00 : f32
        %broadcast_in_dim3A_351 = vector.broadcast %jit3A_350 : f32 to vector<1x512xf32>
        %select_n3A_352 = arith.select %lt3A_327, %broadcast_in_dim3A_349, %broadcast_in_dim3A_351 : vector<1x512xi1>, vector<1x512xf32>
        %reduce_sum3A_353 = vector.shape_cast %select_n3A_352 : vector<1x512xf32> to vector<1x1x512xf32>
        %reduce_sum3A_354 = arith.constant dense<0.000000e+00> : vector<1xf32>
        %reduce_sum3A_355 = vector.multi_reduction <add>, %reduce_sum3A_353, %reduce_sum3A_354 [1, 2] : vector<1x1x512xf32> to vector<1xf32>
        %reduce_sum3A_356 = vector.shape_cast %reduce_sum3A_355 : vector<1xf32> to vector<1x1x1xf32>
        %reduce_sum3A_357 = vector.extract %reduce_sum3A_356[0, 0, 0] : f32 from vector<1x1x1xf32>
        %min3A_358 = arith.minimumf %while3A_312, %broadcast_in_dim3A_346 : vector<704x1xf32>
        %add3A_359 = arith.addf %while3A_313, %reduce_sum3A_357 : f32
        scf.yield %min3A_358, %add3A_359 : vector<704x1xf32>, f32
      }
      %while3A_285 = arith.constant 1 : i32
      %while3A_286:2 = scf.for %while3A_311 = %while3A_282 to %while3A_278 step %while3A_285 iter_args(%while3A_312 = %while3A_284#0, %while3A_313 = %while3A_284#1) -> (vector<704x1xf32>, f32)  : i32 {
        %min3A = arith.constant 9 : i32
        %min3A_314 = arith.minsi %while3A_311, %min3A : i32
        %get3A_315 = arith.constant 0 : index
        %get3A_316 = arith.index_cast %min3A_314 : i32 to index
        %get3A_317 = arith.constant 0 : index
        %get3A_318 = arith.constant 0 : index
        %get3A_319 = vector.load %arg6[%get3A_315, %get3A_316, %get3A_317, %get3A_318] : memref<1x10x2x512xf32, #tpu.memory_space<vmem>>, vector<1x1x2x512xf32>
        %get3A_320 = vector.shape_cast %get3A_319 : vector<1x1x2x512xf32> to vector<2x512xf32>
        %iota3A_321 = tpu.iota {dimensions = array<i32: 1>} : vector<1x512xi32>
        %mul3A_322 = arith.constant 512 : i32
        %mul3A_323 = arith.muli %while3A_311, %mul3A_322 : i32
        %add3A_324 = vector.broadcast %mul3A_323 : i32 to vector<1x512xi32>
        %add3A_325 = arith.addi %iota3A_321, %add3A_324 : vector<1x512xi32>
        %lt3A_326 = vector.broadcast %get3A_4 : i32 to vector<1x512xi32>
        %lt3A_327 = arith.cmpi slt, %add3A_325, %lt3A_326 : vector<1x512xi32>
        %slice3A_328 = vector.extract_strided_slice %get3A_320 {offsets = [0, 0], sizes = [1, 512], strides = [1, 1]} : vector<2x512xf32> to vector<1x512xf32>
        %jit3A_329 = arith.constant -1.000000e+09 : f32
        %broadcast_in_dim3A_330 = vector.broadcast %jit3A_329 : f32 to vector<1x512xf32>
        %select_n3A_331 = arith.select %lt3A_327, %slice3A_328, %broadcast_in_dim3A_330 : vector<1x512xi1>, vector<1x512xf32>
        %slice3A_332 = vector.extract_strided_slice %get3A_320 {offsets = [1, 0], sizes = [1, 512], strides = [1, 1]} : vector<2x512xf32> to vector<1x512xf32>
        %jit3A_333 = arith.constant -1.000000e+09 : f32
        %broadcast_in_dim3A_334 = vector.broadcast %jit3A_333 : f32 to vector<1x512xf32>
        %select_n3A_335 = arith.select %lt3A_327, %slice3A_332, %broadcast_in_dim3A_334 : vector<1x512xi1>, vector<1x512xf32>
        %sub3A_336 = vector.broadcast %slice3A_260 : vector<704x1xf32> to vector<704x512xf32>
        %sub3A_337 = vector.broadcast %select_n3A_331 : vector<1x512xf32> to vector<704x512xf32>
        %sub3A_338 = arith.subf %sub3A_336, %sub3A_337 : vector<704x512xf32>
        %sub3A_339 = vector.broadcast %slice3A_261 : vector<704x1xf32> to vector<704x512xf32>
        %sub3A_340 = vector.broadcast %select_n3A_335 : vector<1x512xf32> to vector<704x512xf32>
        %sub3A_341 = arith.subf %sub3A_339, %sub3A_340 : vector<704x512xf32>
        %mul3A_342 = arith.mulf %sub3A_338, %sub3A_338 : vector<704x512xf32>
        %mul3A_343 = arith.mulf %sub3A_341, %sub3A_341 : vector<704x512xf32>
        %add3A_344 = arith.addf %mul3A_342, %mul3A_343 : vector<704x512xf32>
        %reduce_min3A = arith.constant dense<0x7F800000> : vector<704xf32>
        %reduce_min3A_345 = vector.multi_reduction <minimumf>, %add3A_344, %reduce_min3A [1] : vector<704x512xf32> to vector<704xf32>
        %broadcast_in_dim3A_346 = vector.shape_cast %reduce_min3A_345 : vector<704xf32> to vector<704x1xf32>
        %reduce_min3A_347 = arith.constant dense<0x7F800000> : vector<512xf32>
        %reduce_min3A_348 = vector.multi_reduction <minimumf>, %add3A_344, %reduce_min3A_347 [0] : vector<704x512xf32> to vector<512xf32>
        %broadcast_in_dim3A_349 = vector.shape_cast %reduce_min3A_348 : vector<512xf32> to vector<1x512xf32>
        %jit3A_350 = arith.constant 0.000000e+00 : f32
        %broadcast_in_dim3A_351 = vector.broadcast %jit3A_350 : f32 to vector<1x512xf32>
        %select_n3A_352 = arith.select %lt3A_327, %broadcast_in_dim3A_349, %broadcast_in_dim3A_351 : vector<1x512xi1>, vector<1x512xf32>
        %reduce_sum3A_353 = vector.shape_cast %select_n3A_352 : vector<1x512xf32> to vector<1x1x512xf32>
        %reduce_sum3A_354 = arith.constant dense<0.000000e+00> : vector<1xf32>
        %reduce_sum3A_355 = vector.multi_reduction <add>, %reduce_sum3A_353, %reduce_sum3A_354 [1, 2] : vector<1x1x512xf32> to vector<1xf32>
        %reduce_sum3A_356 = vector.shape_cast %reduce_sum3A_355 : vector<1xf32> to vector<1x1x1xf32>
        %reduce_sum3A_357 = vector.extract %reduce_sum3A_356[0, 0, 0] : f32 from vector<1x1x1xf32>
        %min3A_358 = arith.minimumf %while3A_312, %broadcast_in_dim3A_346 : vector<704x1xf32>
        %add3A_359 = arith.addf %while3A_313, %reduce_sum3A_357 : f32
        scf.yield %min3A_358, %add3A_359 : vector<704x1xf32>, f32
      }
      %iota3A_287 = tpu.iota {dimensions = array<i32: 0>} : vector<704x1xi32>
      %lt3A_288 = vector.broadcast %get3A_1 : i32 to vector<704x1xi32>
      %lt3A_289 = arith.cmpi slt, %iota3A_287, %lt3A_288 : vector<704x1xi32>
      %jit3A_290 = arith.constant 0.000000e+00 : f32
      %broadcast_in_dim3A_291 = vector.broadcast %jit3A_290 : f32 to vector<704x1xf32>
      %select_n3A_292 = arith.select %lt3A_289, %while3A_286#0, %broadcast_in_dim3A_291 : vector<704x1xi1>, vector<704x1xf32>
      %reduce_sum3A = vector.shape_cast %select_n3A_292 : vector<704x1xf32> to vector<1x704x1xf32>
      %reduce_sum3A_293 = arith.constant dense<0.000000e+00> : vector<1xf32>
      %reduce_sum3A_294 = vector.multi_reduction <add>, %reduce_sum3A, %reduce_sum3A_293 [1, 2] : vector<1x704x1xf32> to vector<1xf32>
      %reduce_sum3A_295 = vector.shape_cast %reduce_sum3A_294 : vector<1xf32> to vector<1x1x1xf32>
      %reduce_sum3A_296 = vector.extract %reduce_sum3A_295[0, 0, 0] : f32 from vector<1x1x1xf32>
      %div3A_297 = arith.divf %reduce_sum3A_296, %convert_element_type3A : f32
      %div3A_298 = arith.divf %while3A_286#1, %convert_element_type3A_8 : f32
      %add3A_299 = arith.addf %div3A_297, %div3A_298 : f32
      %mul3A_300 = arith.constant 1.250000e-01 : f32
      %mul3A_301 = arith.mulf %add3A_299, %mul3A_300 : f32
      %eq3A = arith.constant 0 : i32
      %eq3A_302 = arith.cmpi eq, %arg1, %eq3A : i32
      %convert_element_type3A_303 = arith.extui %eq3A_302 : i1 to i32
      %cond3A_304 = arith.constant 0 : i32
      %cond3A_305 = arith.cmpi ne, %convert_element_type3A_303, %cond3A_304 : i32
      scf.if %cond3A_305 {
        %swap3A = arith.index_cast %arg0 : i32 to index
        %swap3A_311 = arith.constant 0 : index
        %swap3A_312 = memref.load %arg7[%swap3A, %swap3A_311] : memref<4x1xf32, #tpu.memory_space<smem>>
        memref.store %mul3A_301, %arg7[%swap3A, %swap3A_311] : memref<4x1xf32, #tpu.memory_space<smem>>
      } else {
      }
      %gt3A_306 = arith.constant 0 : i32
      %gt3A_307 = arith.cmpi sgt, %arg1, %gt3A_306 : i32
      %convert_element_type3A_308 = arith.extui %gt3A_307 : i1 to i32
      %cond3A_309 = arith.constant 0 : i32
      %cond3A_310 = arith.cmpi ne, %convert_element_type3A_308, %cond3A_309 : i32
      scf.if %cond3A_310 {
        %get3A_311 = arith.index_cast %arg0 : i32 to index
        %get3A_312 = arith.constant 0 : index
        %get3A_313 = memref.load %arg7[%get3A_311, %get3A_312] : memref<4x1xf32, #tpu.memory_space<smem>>
        %add3A_314 = arith.addf %get3A_313, %mul3A_301 : f32
        %swap3A = arith.index_cast %arg0 : i32 to index
        %swap3A_315 = arith.constant 0 : index
        %swap3A_316 = memref.load %arg7[%swap3A, %swap3A_315] : memref<4x1xf32, #tpu.memory_space<smem>>
        memref.store %add3A_314, %arg7[%swap3A, %swap3A_315] : memref<4x1xf32, #tpu.memory_space<smem>>
      } else {
      }
    } else {
    }
    %gt3A_220 = arith.constant 704 : i32
    %gt3A_221 = arith.cmpi sgt, %get3A_1, %gt3A_220 : i32
    %le3A_222 = arith.constant 768 : i32
    %le3A_223 = arith.cmpi sle, %get3A_1, %le3A_222 : i32
    %and3A_224 = arith.andi %gt3A_221, %le3A_223 : i1
    %convert_element_type3A_225 = arith.extui %and3A_224 : i1 to i32
    %cond3A_226 = arith.constant 0 : i32
    %cond3A_227 = arith.cmpi ne, %convert_element_type3A_225, %cond3A_226 : i32
    scf.if %cond3A_227 {
      %slice3A_260 = vector.extract_strided_slice %reshape3A {offsets = [0, 0], sizes = [768, 1], strides = [1, 1]} : vector<1024x1xf32> to vector<768x1xf32>
      %slice3A_261 = vector.extract_strided_slice %reshape3A_87 {offsets = [0, 0], sizes = [768, 1], strides = [1, 1]} : vector<1024x1xf32> to vector<768x1xf32>
      %broadcast_in_dim3A_262 = arith.constant 1.000000e+30 : f32
      %broadcast_in_dim3A_263 = vector.broadcast %broadcast_in_dim3A_262 : f32 to vector<768x1xf32>
      %while3A = arith.constant 0 : i32
      %while3A_264 = arith.constant 0.000000e+00 : f32
      %while3A_265 = arith.subi %select_n3A_134, %while3A : i32
      %while3A_266 = arith.addi %while3A, %while3A_265 : i32
      %while3A_267 = arith.constant 1 : i32
      %while3A_268 = arith.divsi %while3A_265, %while3A_267 : i32
      %while3A_269 = arith.muli %while3A_268, %while3A_267 : i32
      %while3A_270 = arith.addi %while3A, %while3A_269 : i32
      %while3A_271 = arith.constant 1 : i32
      %while3A_272:2 = scf.for %while3A_311 = %while3A to %while3A_270 step %while3A_271 iter_args(%while3A_312 = %broadcast_in_dim3A_263, %while3A_313 = %while3A_264) -> (vector<768x1xf32>, f32)  : i32 {
        %mul3A_314 = arith.constant 2 : i32
        %mul3A_315 = arith.muli %mul3A_314, %while3A_311 : i32
        %min3A = arith.constant 9 : i32
        %min3A_316 = arith.minsi %mul3A_315, %min3A : i32
        %get3A_317 = arith.constant 0 : index
        %get3A_318 = arith.index_cast %min3A_316 : i32 to index
        %get3A_319 = arith.constant 0 : index
        %get3A_320 = arith.constant 0 : index
        %get3A_321 = vector.load %arg6[%get3A_317, %get3A_318, %get3A_319, %get3A_320] : memref<1x10x2x512xf32, #tpu.memory_space<vmem>>, vector<1x1x2x512xf32>
        %get3A_322 = vector.shape_cast %get3A_321 : vector<1x1x2x512xf32> to vector<2x512xf32>
        %iota3A_323 = tpu.iota {dimensions = array<i32: 1>} : vector<1x512xi32>
        %mul3A_324 = arith.constant 512 : i32
        %mul3A_325 = arith.muli %mul3A_315, %mul3A_324 : i32
        %add3A_326 = vector.broadcast %mul3A_325 : i32 to vector<1x512xi32>
        %add3A_327 = arith.addi %iota3A_323, %add3A_326 : vector<1x512xi32>
        %lt3A_328 = vector.broadcast %get3A_4 : i32 to vector<1x512xi32>
        %lt3A_329 = arith.cmpi slt, %add3A_327, %lt3A_328 : vector<1x512xi32>
        %slice3A_330 = vector.extract_strided_slice %get3A_322 {offsets = [0, 0], sizes = [1, 512], strides = [1, 1]} : vector<2x512xf32> to vector<1x512xf32>
        %jit3A_331 = arith.constant -1.000000e+09 : f32
        %broadcast_in_dim3A_332 = vector.broadcast %jit3A_331 : f32 to vector<1x512xf32>
        %select_n3A_333 = arith.select %lt3A_329, %slice3A_330, %broadcast_in_dim3A_332 : vector<1x512xi1>, vector<1x512xf32>
        %slice3A_334 = vector.extract_strided_slice %get3A_322 {offsets = [1, 0], sizes = [1, 512], strides = [1, 1]} : vector<2x512xf32> to vector<1x512xf32>
        %jit3A_335 = arith.constant -1.000000e+09 : f32
        %broadcast_in_dim3A_336 = vector.broadcast %jit3A_335 : f32 to vector<1x512xf32>
        %select_n3A_337 = arith.select %lt3A_329, %slice3A_334, %broadcast_in_dim3A_336 : vector<1x512xi1>, vector<1x512xf32>
        %sub3A_338 = vector.broadcast %slice3A_260 : vector<768x1xf32> to vector<768x512xf32>
        %sub3A_339 = vector.broadcast %select_n3A_333 : vector<1x512xf32> to vector<768x512xf32>
        %sub3A_340 = arith.subf %sub3A_338, %sub3A_339 : vector<768x512xf32>
        %sub3A_341 = vector.broadcast %slice3A_261 : vector<768x1xf32> to vector<768x512xf32>
        %sub3A_342 = vector.broadcast %select_n3A_337 : vector<1x512xf32> to vector<768x512xf32>
        %sub3A_343 = arith.subf %sub3A_341, %sub3A_342 : vector<768x512xf32>
        %mul3A_344 = arith.mulf %sub3A_340, %sub3A_340 : vector<768x512xf32>
        %mul3A_345 = arith.mulf %sub3A_343, %sub3A_343 : vector<768x512xf32>
        %add3A_346 = arith.addf %mul3A_344, %mul3A_345 : vector<768x512xf32>
        %reduce_min3A = arith.constant dense<0x7F800000> : vector<768xf32>
        %reduce_min3A_347 = vector.multi_reduction <minimumf>, %add3A_346, %reduce_min3A [1] : vector<768x512xf32> to vector<768xf32>
        %broadcast_in_dim3A_348 = vector.shape_cast %reduce_min3A_347 : vector<768xf32> to vector<768x1xf32>
        %reduce_min3A_349 = arith.constant dense<0x7F800000> : vector<512xf32>
        %reduce_min3A_350 = vector.multi_reduction <minimumf>, %add3A_346, %reduce_min3A_349 [0] : vector<768x512xf32> to vector<512xf32>
        %broadcast_in_dim3A_351 = vector.shape_cast %reduce_min3A_350 : vector<512xf32> to vector<1x512xf32>
        %jit3A_352 = arith.constant 0.000000e+00 : f32
        %broadcast_in_dim3A_353 = vector.broadcast %jit3A_352 : f32 to vector<1x512xf32>
        %select_n3A_354 = arith.select %lt3A_329, %broadcast_in_dim3A_351, %broadcast_in_dim3A_353 : vector<1x512xi1>, vector<1x512xf32>
        %reduce_sum3A_355 = vector.shape_cast %select_n3A_354 : vector<1x512xf32> to vector<1x1x512xf32>
        %reduce_sum3A_356 = arith.constant dense<0.000000e+00> : vector<1xf32>
        %reduce_sum3A_357 = vector.multi_reduction <add>, %reduce_sum3A_355, %reduce_sum3A_356 [1, 2] : vector<1x1x512xf32> to vector<1xf32>
        %reduce_sum3A_358 = vector.shape_cast %reduce_sum3A_357 : vector<1xf32> to vector<1x1x1xf32>
        %reduce_sum3A_359 = vector.extract %reduce_sum3A_358[0, 0, 0] : f32 from vector<1x1x1xf32>
        %mul3A_360 = arith.constant 2 : i32
        %mul3A_361 = arith.muli %mul3A_360, %while3A_311 : i32
        %add3A_362 = arith.constant 1 : i32
        %add3A_363 = arith.addi %mul3A_361, %add3A_362 : i32
        %min3A_364 = arith.constant 9 : i32
        %min3A_365 = arith.minsi %add3A_363, %min3A_364 : i32
        %get3A_366 = arith.constant 0 : index
        %get3A_367 = arith.index_cast %min3A_365 : i32 to index
        %get3A_368 = arith.constant 0 : index
        %get3A_369 = arith.constant 0 : index
        %get3A_370 = vector.load %arg6[%get3A_366, %get3A_367, %get3A_368, %get3A_369] : memref<1x10x2x512xf32, #tpu.memory_space<vmem>>, vector<1x1x2x512xf32>
        %get3A_371 = vector.shape_cast %get3A_370 : vector<1x1x2x512xf32> to vector<2x512xf32>
        %iota3A_372 = tpu.iota {dimensions = array<i32: 1>} : vector<1x512xi32>
        %mul3A_373 = arith.constant 512 : i32
        %mul3A_374 = arith.muli %add3A_363, %mul3A_373 : i32
        %add3A_375 = vector.broadcast %mul3A_374 : i32 to vector<1x512xi32>
        %add3A_376 = arith.addi %iota3A_372, %add3A_375 : vector<1x512xi32>
        %lt3A_377 = vector.broadcast %get3A_4 : i32 to vector<1x512xi32>
        %lt3A_378 = arith.cmpi slt, %add3A_376, %lt3A_377 : vector<1x512xi32>
        %slice3A_379 = vector.extract_strided_slice %get3A_371 {offsets = [0, 0], sizes = [1, 512], strides = [1, 1]} : vector<2x512xf32> to vector<1x512xf32>
        %jit3A_380 = arith.constant -1.000000e+09 : f32
        %broadcast_in_dim3A_381 = vector.broadcast %jit3A_380 : f32 to vector<1x512xf32>
        %select_n3A_382 = arith.select %lt3A_378, %slice3A_379, %broadcast_in_dim3A_381 : vector<1x512xi1>, vector<1x512xf32>
        %slice3A_383 = vector.extract_strided_slice %get3A_371 {offsets = [1, 0], sizes = [1, 512], strides = [1, 1]} : vector<2x512xf32> to vector<1x512xf32>
        %jit3A_384 = arith.constant -1.000000e+09 : f32
        %broadcast_in_dim3A_385 = vector.broadcast %jit3A_384 : f32 to vector<1x512xf32>
        %select_n3A_386 = arith.select %lt3A_378, %slice3A_383, %broadcast_in_dim3A_385 : vector<1x512xi1>, vector<1x512xf32>
        %sub3A_387 = vector.broadcast %slice3A_260 : vector<768x1xf32> to vector<768x512xf32>
        %sub3A_388 = vector.broadcast %select_n3A_382 : vector<1x512xf32> to vector<768x512xf32>
        %sub3A_389 = arith.subf %sub3A_387, %sub3A_388 : vector<768x512xf32>
        %sub3A_390 = vector.broadcast %slice3A_261 : vector<768x1xf32> to vector<768x512xf32>
        %sub3A_391 = vector.broadcast %select_n3A_386 : vector<1x512xf32> to vector<768x512xf32>
        %sub3A_392 = arith.subf %sub3A_390, %sub3A_391 : vector<768x512xf32>
        %mul3A_393 = arith.mulf %sub3A_389, %sub3A_389 : vector<768x512xf32>
        %mul3A_394 = arith.mulf %sub3A_392, %sub3A_392 : vector<768x512xf32>
        %add3A_395 = arith.addf %mul3A_393, %mul3A_394 : vector<768x512xf32>
        %reduce_min3A_396 = arith.constant dense<0x7F800000> : vector<768xf32>
        %reduce_min3A_397 = vector.multi_reduction <minimumf>, %add3A_395, %reduce_min3A_396 [1] : vector<768x512xf32> to vector<768xf32>
        %broadcast_in_dim3A_398 = vector.shape_cast %reduce_min3A_397 : vector<768xf32> to vector<768x1xf32>
        %reduce_min3A_399 = arith.constant dense<0x7F800000> : vector<512xf32>
        %reduce_min3A_400 = vector.multi_reduction <minimumf>, %add3A_395, %reduce_min3A_399 [0] : vector<768x512xf32> to vector<512xf32>
        %broadcast_in_dim3A_401 = vector.shape_cast %reduce_min3A_400 : vector<512xf32> to vector<1x512xf32>
        %jit3A_402 = arith.constant 0.000000e+00 : f32
        %broadcast_in_dim3A_403 = vector.broadcast %jit3A_402 : f32 to vector<1x512xf32>
        %select_n3A_404 = arith.select %lt3A_378, %broadcast_in_dim3A_401, %broadcast_in_dim3A_403 : vector<1x512xi1>, vector<1x512xf32>
        %reduce_sum3A_405 = vector.shape_cast %select_n3A_404 : vector<1x512xf32> to vector<1x1x512xf32>
        %reduce_sum3A_406 = arith.constant dense<0.000000e+00> : vector<1xf32>
        %reduce_sum3A_407 = vector.multi_reduction <add>, %reduce_sum3A_405, %reduce_sum3A_406 [1, 2] : vector<1x1x512xf32> to vector<1xf32>
        %reduce_sum3A_408 = vector.shape_cast %reduce_sum3A_407 : vector<1xf32> to vector<1x1x1xf32>
        %reduce_sum3A_409 = vector.extract %reduce_sum3A_408[0, 0, 0] : f32 from vector<1x1x1xf32>
        %min3A_410 = arith.minimumf %broadcast_in_dim3A_348, %broadcast_in_dim3A_398 : vector<768x1xf32>
        %min3A_411 = arith.minimumf %while3A_312, %min3A_410 : vector<768x1xf32>
        %add3A_412 = arith.addf %reduce_sum3A_359, %reduce_sum3A_409 : f32
        %add3A_413 = arith.addf %while3A_313, %add3A_412 : f32
        scf.yield %min3A_411, %add3A_413 : vector<768x1xf32>, f32
      }
      %while3A_273 = arith.constant 1 : i32
      %while3A_274:2 = scf.for %while3A_311 = %while3A_270 to %while3A_266 step %while3A_273 iter_args(%while3A_312 = %while3A_272#0, %while3A_313 = %while3A_272#1) -> (vector<768x1xf32>, f32)  : i32 {
        %mul3A_314 = arith.constant 2 : i32
        %mul3A_315 = arith.muli %mul3A_314, %while3A_311 : i32
        %min3A = arith.constant 9 : i32
        %min3A_316 = arith.minsi %mul3A_315, %min3A : i32
        %get3A_317 = arith.constant 0 : index
        %get3A_318 = arith.index_cast %min3A_316 : i32 to index
        %get3A_319 = arith.constant 0 : index
        %get3A_320 = arith.constant 0 : index
        %get3A_321 = vector.load %arg6[%get3A_317, %get3A_318, %get3A_319, %get3A_320] : memref<1x10x2x512xf32, #tpu.memory_space<vmem>>, vector<1x1x2x512xf32>
        %get3A_322 = vector.shape_cast %get3A_321 : vector<1x1x2x512xf32> to vector<2x512xf32>
        %iota3A_323 = tpu.iota {dimensions = array<i32: 1>} : vector<1x512xi32>
        %mul3A_324 = arith.constant 512 : i32
        %mul3A_325 = arith.muli %mul3A_315, %mul3A_324 : i32
        %add3A_326 = vector.broadcast %mul3A_325 : i32 to vector<1x512xi32>
        %add3A_327 = arith.addi %iota3A_323, %add3A_326 : vector<1x512xi32>
        %lt3A_328 = vector.broadcast %get3A_4 : i32 to vector<1x512xi32>
        %lt3A_329 = arith.cmpi slt, %add3A_327, %lt3A_328 : vector<1x512xi32>
        %slice3A_330 = vector.extract_strided_slice %get3A_322 {offsets = [0, 0], sizes = [1, 512], strides = [1, 1]} : vector<2x512xf32> to vector<1x512xf32>
        %jit3A_331 = arith.constant -1.000000e+09 : f32
        %broadcast_in_dim3A_332 = vector.broadcast %jit3A_331 : f32 to vector<1x512xf32>
        %select_n3A_333 = arith.select %lt3A_329, %slice3A_330, %broadcast_in_dim3A_332 : vector<1x512xi1>, vector<1x512xf32>
        %slice3A_334 = vector.extract_strided_slice %get3A_322 {offsets = [1, 0], sizes = [1, 512], strides = [1, 1]} : vector<2x512xf32> to vector<1x512xf32>
        %jit3A_335 = arith.constant -1.000000e+09 : f32
        %broadcast_in_dim3A_336 = vector.broadcast %jit3A_335 : f32 to vector<1x512xf32>
        %select_n3A_337 = arith.select %lt3A_329, %slice3A_334, %broadcast_in_dim3A_336 : vector<1x512xi1>, vector<1x512xf32>
        %sub3A_338 = vector.broadcast %slice3A_260 : vector<768x1xf32> to vector<768x512xf32>
        %sub3A_339 = vector.broadcast %select_n3A_333 : vector<1x512xf32> to vector<768x512xf32>
        %sub3A_340 = arith.subf %sub3A_338, %sub3A_339 : vector<768x512xf32>
        %sub3A_341 = vector.broadcast %slice3A_261 : vector<768x1xf32> to vector<768x512xf32>
        %sub3A_342 = vector.broadcast %select_n3A_337 : vector<1x512xf32> to vector<768x512xf32>
        %sub3A_343 = arith.subf %sub3A_341, %sub3A_342 : vector<768x512xf32>
        %mul3A_344 = arith.mulf %sub3A_340, %sub3A_340 : vector<768x512xf32>
        %mul3A_345 = arith.mulf %sub3A_343, %sub3A_343 : vector<768x512xf32>
        %add3A_346 = arith.addf %mul3A_344, %mul3A_345 : vector<768x512xf32>
        %reduce_min3A = arith.constant dense<0x7F800000> : vector<768xf32>
        %reduce_min3A_347 = vector.multi_reduction <minimumf>, %add3A_346, %reduce_min3A [1] : vector<768x512xf32> to vector<768xf32>
        %broadcast_in_dim3A_348 = vector.shape_cast %reduce_min3A_347 : vector<768xf32> to vector<768x1xf32>
        %reduce_min3A_349 = arith.constant dense<0x7F800000> : vector<512xf32>
        %reduce_min3A_350 = vector.multi_reduction <minimumf>, %add3A_346, %reduce_min3A_349 [0] : vector<768x512xf32> to vector<512xf32>
        %broadcast_in_dim3A_351 = vector.shape_cast %reduce_min3A_350 : vector<512xf32> to vector<1x512xf32>
        %jit3A_352 = arith.constant 0.000000e+00 : f32
        %broadcast_in_dim3A_353 = vector.broadcast %jit3A_352 : f32 to vector<1x512xf32>
        %select_n3A_354 = arith.select %lt3A_329, %broadcast_in_dim3A_351, %broadcast_in_dim3A_353 : vector<1x512xi1>, vector<1x512xf32>
        %reduce_sum3A_355 = vector.shape_cast %select_n3A_354 : vector<1x512xf32> to vector<1x1x512xf32>
        %reduce_sum3A_356 = arith.constant dense<0.000000e+00> : vector<1xf32>
        %reduce_sum3A_357 = vector.multi_reduction <add>, %reduce_sum3A_355, %reduce_sum3A_356 [1, 2] : vector<1x1x512xf32> to vector<1xf32>
        %reduce_sum3A_358 = vector.shape_cast %reduce_sum3A_357 : vector<1xf32> to vector<1x1x1xf32>
        %reduce_sum3A_359 = vector.extract %reduce_sum3A_358[0, 0, 0] : f32 from vector<1x1x1xf32>
        %mul3A_360 = arith.constant 2 : i32
        %mul3A_361 = arith.muli %mul3A_360, %while3A_311 : i32
        %add3A_362 = arith.constant 1 : i32
        %add3A_363 = arith.addi %mul3A_361, %add3A_362 : i32
        %min3A_364 = arith.constant 9 : i32
        %min3A_365 = arith.minsi %add3A_363, %min3A_364 : i32
        %get3A_366 = arith.constant 0 : index
        %get3A_367 = arith.index_cast %min3A_365 : i32 to index
        %get3A_368 = arith.constant 0 : index
        %get3A_369 = arith.constant 0 : index
        %get3A_370 = vector.load %arg6[%get3A_366, %get3A_367, %get3A_368, %get3A_369] : memref<1x10x2x512xf32, #tpu.memory_space<vmem>>, vector<1x1x2x512xf32>
        %get3A_371 = vector.shape_cast %get3A_370 : vector<1x1x2x512xf32> to vector<2x512xf32>
        %iota3A_372 = tpu.iota {dimensions = array<i32: 1>} : vector<1x512xi32>
        %mul3A_373 = arith.constant 512 : i32
        %mul3A_374 = arith.muli %add3A_363, %mul3A_373 : i32
        %add3A_375 = vector.broadcast %mul3A_374 : i32 to vector<1x512xi32>
        %add3A_376 = arith.addi %iota3A_372, %add3A_375 : vector<1x512xi32>
        %lt3A_377 = vector.broadcast %get3A_4 : i32 to vector<1x512xi32>
        %lt3A_378 = arith.cmpi slt, %add3A_376, %lt3A_377 : vector<1x512xi32>
        %slice3A_379 = vector.extract_strided_slice %get3A_371 {offsets = [0, 0], sizes = [1, 512], strides = [1, 1]} : vector<2x512xf32> to vector<1x512xf32>
        %jit3A_380 = arith.constant -1.000000e+09 : f32
        %broadcast_in_dim3A_381 = vector.broadcast %jit3A_380 : f32 to vector<1x512xf32>
        %select_n3A_382 = arith.select %lt3A_378, %slice3A_379, %broadcast_in_dim3A_381 : vector<1x512xi1>, vector<1x512xf32>
        %slice3A_383 = vector.extract_strided_slice %get3A_371 {offsets = [1, 0], sizes = [1, 512], strides = [1, 1]} : vector<2x512xf32> to vector<1x512xf32>
        %jit3A_384 = arith.constant -1.000000e+09 : f32
        %broadcast_in_dim3A_385 = vector.broadcast %jit3A_384 : f32 to vector<1x512xf32>
        %select_n3A_386 = arith.select %lt3A_378, %slice3A_383, %broadcast_in_dim3A_385 : vector<1x512xi1>, vector<1x512xf32>
        %sub3A_387 = vector.broadcast %slice3A_260 : vector<768x1xf32> to vector<768x512xf32>
        %sub3A_388 = vector.broadcast %select_n3A_382 : vector<1x512xf32> to vector<768x512xf32>
        %sub3A_389 = arith.subf %sub3A_387, %sub3A_388 : vector<768x512xf32>
        %sub3A_390 = vector.broadcast %slice3A_261 : vector<768x1xf32> to vector<768x512xf32>
        %sub3A_391 = vector.broadcast %select_n3A_386 : vector<1x512xf32> to vector<768x512xf32>
        %sub3A_392 = arith.subf %sub3A_390, %sub3A_391 : vector<768x512xf32>
        %mul3A_393 = arith.mulf %sub3A_389, %sub3A_389 : vector<768x512xf32>
        %mul3A_394 = arith.mulf %sub3A_392, %sub3A_392 : vector<768x512xf32>
        %add3A_395 = arith.addf %mul3A_393, %mul3A_394 : vector<768x512xf32>
        %reduce_min3A_396 = arith.constant dense<0x7F800000> : vector<768xf32>
        %reduce_min3A_397 = vector.multi_reduction <minimumf>, %add3A_395, %reduce_min3A_396 [1] : vector<768x512xf32> to vector<768xf32>
        %broadcast_in_dim3A_398 = vector.shape_cast %reduce_min3A_397 : vector<768xf32> to vector<768x1xf32>
        %reduce_min3A_399 = arith.constant dense<0x7F800000> : vector<512xf32>
        %reduce_min3A_400 = vector.multi_reduction <minimumf>, %add3A_395, %reduce_min3A_399 [0] : vector<768x512xf32> to vector<512xf32>
        %broadcast_in_dim3A_401 = vector.shape_cast %reduce_min3A_400 : vector<512xf32> to vector<1x512xf32>
        %jit3A_402 = arith.constant 0.000000e+00 : f32
        %broadcast_in_dim3A_403 = vector.broadcast %jit3A_402 : f32 to vector<1x512xf32>
        %select_n3A_404 = arith.select %lt3A_378, %broadcast_in_dim3A_401, %broadcast_in_dim3A_403 : vector<1x512xi1>, vector<1x512xf32>
        %reduce_sum3A_405 = vector.shape_cast %select_n3A_404 : vector<1x512xf32> to vector<1x1x512xf32>
        %reduce_sum3A_406 = arith.constant dense<0.000000e+00> : vector<1xf32>
        %reduce_sum3A_407 = vector.multi_reduction <add>, %reduce_sum3A_405, %reduce_sum3A_406 [1, 2] : vector<1x1x512xf32> to vector<1xf32>
        %reduce_sum3A_408 = vector.shape_cast %reduce_sum3A_407 : vector<1xf32> to vector<1x1x1xf32>
        %reduce_sum3A_409 = vector.extract %reduce_sum3A_408[0, 0, 0] : f32 from vector<1x1x1xf32>
        %min3A_410 = arith.minimumf %broadcast_in_dim3A_348, %broadcast_in_dim3A_398 : vector<768x1xf32>
        %min3A_411 = arith.minimumf %while3A_312, %min3A_410 : vector<768x1xf32>
        %add3A_412 = arith.addf %reduce_sum3A_359, %reduce_sum3A_409 : f32
        %add3A_413 = arith.addf %while3A_313, %add3A_412 : f32
        scf.yield %min3A_411, %add3A_413 : vector<768x1xf32>, f32
      }
      %mul3A_275 = arith.constant 2 : i32
      %mul3A_276 = arith.muli %mul3A_275, %select_n3A_134 : i32
      %while3A_277 = arith.subi %select_n3A_110, %mul3A_276 : i32
      %while3A_278 = arith.addi %mul3A_276, %while3A_277 : i32
      %while3A_279 = arith.constant 1 : i32
      %while3A_280 = arith.divsi %while3A_277, %while3A_279 : i32
      %while3A_281 = arith.muli %while3A_280, %while3A_279 : i32
      %while3A_282 = arith.addi %mul3A_276, %while3A_281 : i32
      %while3A_283 = arith.constant 1 : i32
      %while3A_284:2 = scf.for %while3A_311 = %mul3A_276 to %while3A_282 step %while3A_283 iter_args(%while3A_312 = %while3A_274#0, %while3A_313 = %while3A_274#1) -> (vector<768x1xf32>, f32)  : i32 {
        %min3A = arith.constant 9 : i32
        %min3A_314 = arith.minsi %while3A_311, %min3A : i32
        %get3A_315 = arith.constant 0 : index
        %get3A_316 = arith.index_cast %min3A_314 : i32 to index
        %get3A_317 = arith.constant 0 : index
        %get3A_318 = arith.constant 0 : index
        %get3A_319 = vector.load %arg6[%get3A_315, %get3A_316, %get3A_317, %get3A_318] : memref<1x10x2x512xf32, #tpu.memory_space<vmem>>, vector<1x1x2x512xf32>
        %get3A_320 = vector.shape_cast %get3A_319 : vector<1x1x2x512xf32> to vector<2x512xf32>
        %iota3A_321 = tpu.iota {dimensions = array<i32: 1>} : vector<1x512xi32>
        %mul3A_322 = arith.constant 512 : i32
        %mul3A_323 = arith.muli %while3A_311, %mul3A_322 : i32
        %add3A_324 = vector.broadcast %mul3A_323 : i32 to vector<1x512xi32>
        %add3A_325 = arith.addi %iota3A_321, %add3A_324 : vector<1x512xi32>
        %lt3A_326 = vector.broadcast %get3A_4 : i32 to vector<1x512xi32>
        %lt3A_327 = arith.cmpi slt, %add3A_325, %lt3A_326 : vector<1x512xi32>
        %slice3A_328 = vector.extract_strided_slice %get3A_320 {offsets = [0, 0], sizes = [1, 512], strides = [1, 1]} : vector<2x512xf32> to vector<1x512xf32>
        %jit3A_329 = arith.constant -1.000000e+09 : f32
        %broadcast_in_dim3A_330 = vector.broadcast %jit3A_329 : f32 to vector<1x512xf32>
        %select_n3A_331 = arith.select %lt3A_327, %slice3A_328, %broadcast_in_dim3A_330 : vector<1x512xi1>, vector<1x512xf32>
        %slice3A_332 = vector.extract_strided_slice %get3A_320 {offsets = [1, 0], sizes = [1, 512], strides = [1, 1]} : vector<2x512xf32> to vector<1x512xf32>
        %jit3A_333 = arith.constant -1.000000e+09 : f32
        %broadcast_in_dim3A_334 = vector.broadcast %jit3A_333 : f32 to vector<1x512xf32>
        %select_n3A_335 = arith.select %lt3A_327, %slice3A_332, %broadcast_in_dim3A_334 : vector<1x512xi1>, vector<1x512xf32>
        %sub3A_336 = vector.broadcast %slice3A_260 : vector<768x1xf32> to vector<768x512xf32>
        %sub3A_337 = vector.broadcast %select_n3A_331 : vector<1x512xf32> to vector<768x512xf32>
        %sub3A_338 = arith.subf %sub3A_336, %sub3A_337 : vector<768x512xf32>
        %sub3A_339 = vector.broadcast %slice3A_261 : vector<768x1xf32> to vector<768x512xf32>
        %sub3A_340 = vector.broadcast %select_n3A_335 : vector<1x512xf32> to vector<768x512xf32>
        %sub3A_341 = arith.subf %sub3A_339, %sub3A_340 : vector<768x512xf32>
        %mul3A_342 = arith.mulf %sub3A_338, %sub3A_338 : vector<768x512xf32>
        %mul3A_343 = arith.mulf %sub3A_341, %sub3A_341 : vector<768x512xf32>
        %add3A_344 = arith.addf %mul3A_342, %mul3A_343 : vector<768x512xf32>
        %reduce_min3A = arith.constant dense<0x7F800000> : vector<768xf32>
        %reduce_min3A_345 = vector.multi_reduction <minimumf>, %add3A_344, %reduce_min3A [1] : vector<768x512xf32> to vector<768xf32>
        %broadcast_in_dim3A_346 = vector.shape_cast %reduce_min3A_345 : vector<768xf32> to vector<768x1xf32>
        %reduce_min3A_347 = arith.constant dense<0x7F800000> : vector<512xf32>
        %reduce_min3A_348 = vector.multi_reduction <minimumf>, %add3A_344, %reduce_min3A_347 [0] : vector<768x512xf32> to vector<512xf32>
        %broadcast_in_dim3A_349 = vector.shape_cast %reduce_min3A_348 : vector<512xf32> to vector<1x512xf32>
        %jit3A_350 = arith.constant 0.000000e+00 : f32
        %broadcast_in_dim3A_351 = vector.broadcast %jit3A_350 : f32 to vector<1x512xf32>
        %select_n3A_352 = arith.select %lt3A_327, %broadcast_in_dim3A_349, %broadcast_in_dim3A_351 : vector<1x512xi1>, vector<1x512xf32>
        %reduce_sum3A_353 = vector.shape_cast %select_n3A_352 : vector<1x512xf32> to vector<1x1x512xf32>
        %reduce_sum3A_354 = arith.constant dense<0.000000e+00> : vector<1xf32>
        %reduce_sum3A_355 = vector.multi_reduction <add>, %reduce_sum3A_353, %reduce_sum3A_354 [1, 2] : vector<1x1x512xf32> to vector<1xf32>
        %reduce_sum3A_356 = vector.shape_cast %reduce_sum3A_355 : vector<1xf32> to vector<1x1x1xf32>
        %reduce_sum3A_357 = vector.extract %reduce_sum3A_356[0, 0, 0] : f32 from vector<1x1x1xf32>
        %min3A_358 = arith.minimumf %while3A_312, %broadcast_in_dim3A_346 : vector<768x1xf32>
        %add3A_359 = arith.addf %while3A_313, %reduce_sum3A_357 : f32
        scf.yield %min3A_358, %add3A_359 : vector<768x1xf32>, f32
      }
      %while3A_285 = arith.constant 1 : i32
      %while3A_286:2 = scf.for %while3A_311 = %while3A_282 to %while3A_278 step %while3A_285 iter_args(%while3A_312 = %while3A_284#0, %while3A_313 = %while3A_284#1) -> (vector<768x1xf32>, f32)  : i32 {
        %min3A = arith.constant 9 : i32
        %min3A_314 = arith.minsi %while3A_311, %min3A : i32
        %get3A_315 = arith.constant 0 : index
        %get3A_316 = arith.index_cast %min3A_314 : i32 to index
        %get3A_317 = arith.constant 0 : index
        %get3A_318 = arith.constant 0 : index
        %get3A_319 = vector.load %arg6[%get3A_315, %get3A_316, %get3A_317, %get3A_318] : memref<1x10x2x512xf32, #tpu.memory_space<vmem>>, vector<1x1x2x512xf32>
        %get3A_320 = vector.shape_cast %get3A_319 : vector<1x1x2x512xf32> to vector<2x512xf32>
        %iota3A_321 = tpu.iota {dimensions = array<i32: 1>} : vector<1x512xi32>
        %mul3A_322 = arith.constant 512 : i32
        %mul3A_323 = arith.muli %while3A_311, %mul3A_322 : i32
        %add3A_324 = vector.broadcast %mul3A_323 : i32 to vector<1x512xi32>
        %add3A_325 = arith.addi %iota3A_321, %add3A_324 : vector<1x512xi32>
        %lt3A_326 = vector.broadcast %get3A_4 : i32 to vector<1x512xi32>
        %lt3A_327 = arith.cmpi slt, %add3A_325, %lt3A_326 : vector<1x512xi32>
        %slice3A_328 = vector.extract_strided_slice %get3A_320 {offsets = [0, 0], sizes = [1, 512], strides = [1, 1]} : vector<2x512xf32> to vector<1x512xf32>
        %jit3A_329 = arith.constant -1.000000e+09 : f32
        %broadcast_in_dim3A_330 = vector.broadcast %jit3A_329 : f32 to vector<1x512xf32>
        %select_n3A_331 = arith.select %lt3A_327, %slice3A_328, %broadcast_in_dim3A_330 : vector<1x512xi1>, vector<1x512xf32>
        %slice3A_332 = vector.extract_strided_slice %get3A_320 {offsets = [1, 0], sizes = [1, 512], strides = [1, 1]} : vector<2x512xf32> to vector<1x512xf32>
        %jit3A_333 = arith.constant -1.000000e+09 : f32
        %broadcast_in_dim3A_334 = vector.broadcast %jit3A_333 : f32 to vector<1x512xf32>
        %select_n3A_335 = arith.select %lt3A_327, %slice3A_332, %broadcast_in_dim3A_334 : vector<1x512xi1>, vector<1x512xf32>
        %sub3A_336 = vector.broadcast %slice3A_260 : vector<768x1xf32> to vector<768x512xf32>
        %sub3A_337 = vector.broadcast %select_n3A_331 : vector<1x512xf32> to vector<768x512xf32>
        %sub3A_338 = arith.subf %sub3A_336, %sub3A_337 : vector<768x512xf32>
        %sub3A_339 = vector.broadcast %slice3A_261 : vector<768x1xf32> to vector<768x512xf32>
        %sub3A_340 = vector.broadcast %select_n3A_335 : vector<1x512xf32> to vector<768x512xf32>
        %sub3A_341 = arith.subf %sub3A_339, %sub3A_340 : vector<768x512xf32>
        %mul3A_342 = arith.mulf %sub3A_338, %sub3A_338 : vector<768x512xf32>
        %mul3A_343 = arith.mulf %sub3A_341, %sub3A_341 : vector<768x512xf32>
        %add3A_344 = arith.addf %mul3A_342, %mul3A_343 : vector<768x512xf32>
        %reduce_min3A = arith.constant dense<0x7F800000> : vector<768xf32>
        %reduce_min3A_345 = vector.multi_reduction <minimumf>, %add3A_344, %reduce_min3A [1] : vector<768x512xf32> to vector<768xf32>
        %broadcast_in_dim3A_346 = vector.shape_cast %reduce_min3A_345 : vector<768xf32> to vector<768x1xf32>
        %reduce_min3A_347 = arith.constant dense<0x7F800000> : vector<512xf32>
        %reduce_min3A_348 = vector.multi_reduction <minimumf>, %add3A_344, %reduce_min3A_347 [0] : vector<768x512xf32> to vector<512xf32>
        %broadcast_in_dim3A_349 = vector.shape_cast %reduce_min3A_348 : vector<512xf32> to vector<1x512xf32>
        %jit3A_350 = arith.constant 0.000000e+00 : f32
        %broadcast_in_dim3A_351 = vector.broadcast %jit3A_350 : f32 to vector<1x512xf32>
        %select_n3A_352 = arith.select %lt3A_327, %broadcast_in_dim3A_349, %broadcast_in_dim3A_351 : vector<1x512xi1>, vector<1x512xf32>
        %reduce_sum3A_353 = vector.shape_cast %select_n3A_352 : vector<1x512xf32> to vector<1x1x512xf32>
        %reduce_sum3A_354 = arith.constant dense<0.000000e+00> : vector<1xf32>
        %reduce_sum3A_355 = vector.multi_reduction <add>, %reduce_sum3A_353, %reduce_sum3A_354 [1, 2] : vector<1x1x512xf32> to vector<1xf32>
        %reduce_sum3A_356 = vector.shape_cast %reduce_sum3A_355 : vector<1xf32> to vector<1x1x1xf32>
        %reduce_sum3A_357 = vector.extract %reduce_sum3A_356[0, 0, 0] : f32 from vector<1x1x1xf32>
        %min3A_358 = arith.minimumf %while3A_312, %broadcast_in_dim3A_346 : vector<768x1xf32>
        %add3A_359 = arith.addf %while3A_313, %reduce_sum3A_357 : f32
        scf.yield %min3A_358, %add3A_359 : vector<768x1xf32>, f32
      }
      %iota3A_287 = tpu.iota {dimensions = array<i32: 0>} : vector<768x1xi32>
      %lt3A_288 = vector.broadcast %get3A_1 : i32 to vector<768x1xi32>
      %lt3A_289 = arith.cmpi slt, %iota3A_287, %lt3A_288 : vector<768x1xi32>
      %jit3A_290 = arith.constant 0.000000e+00 : f32
      %broadcast_in_dim3A_291 = vector.broadcast %jit3A_290 : f32 to vector<768x1xf32>
      %select_n3A_292 = arith.select %lt3A_289, %while3A_286#0, %broadcast_in_dim3A_291 : vector<768x1xi1>, vector<768x1xf32>
      %reduce_sum3A = vector.shape_cast %select_n3A_292 : vector<768x1xf32> to vector<1x768x1xf32>
      %reduce_sum3A_293 = arith.constant dense<0.000000e+00> : vector<1xf32>
      %reduce_sum3A_294 = vector.multi_reduction <add>, %reduce_sum3A, %reduce_sum3A_293 [1, 2] : vector<1x768x1xf32> to vector<1xf32>
      %reduce_sum3A_295 = vector.shape_cast %reduce_sum3A_294 : vector<1xf32> to vector<1x1x1xf32>
      %reduce_sum3A_296 = vector.extract %reduce_sum3A_295[0, 0, 0] : f32 from vector<1x1x1xf32>
      %div3A_297 = arith.divf %reduce_sum3A_296, %convert_element_type3A : f32
      %div3A_298 = arith.divf %while3A_286#1, %convert_element_type3A_8 : f32
      %add3A_299 = arith.addf %div3A_297, %div3A_298 : f32
      %mul3A_300 = arith.constant 1.250000e-01 : f32
      %mul3A_301 = arith.mulf %add3A_299, %mul3A_300 : f32
      %eq3A = arith.constant 0 : i32
      %eq3A_302 = arith.cmpi eq, %arg1, %eq3A : i32
      %convert_element_type3A_303 = arith.extui %eq3A_302 : i1 to i32
      %cond3A_304 = arith.constant 0 : i32
      %cond3A_305 = arith.cmpi ne, %convert_element_type3A_303, %cond3A_304 : i32
      scf.if %cond3A_305 {
        %swap3A = arith.index_cast %arg0 : i32 to index
        %swap3A_311 = arith.constant 0 : index
        %swap3A_312 = memref.load %arg7[%swap3A, %swap3A_311] : memref<4x1xf32, #tpu.memory_space<smem>>
        memref.store %mul3A_301, %arg7[%swap3A, %swap3A_311] : memref<4x1xf32, #tpu.memory_space<smem>>
      } else {
      }
      %gt3A_306 = arith.constant 0 : i32
      %gt3A_307 = arith.cmpi sgt, %arg1, %gt3A_306 : i32
      %convert_element_type3A_308 = arith.extui %gt3A_307 : i1 to i32
      %cond3A_309 = arith.constant 0 : i32
      %cond3A_310 = arith.cmpi ne, %convert_element_type3A_308, %cond3A_309 : i32
      scf.if %cond3A_310 {
        %get3A_311 = arith.index_cast %arg0 : i32 to index
        %get3A_312 = arith.constant 0 : index
        %get3A_313 = memref.load %arg7[%get3A_311, %get3A_312] : memref<4x1xf32, #tpu.memory_space<smem>>
        %add3A_314 = arith.addf %get3A_313, %mul3A_301 : f32
        %swap3A = arith.index_cast %arg0 : i32 to index
        %swap3A_315 = arith.constant 0 : index
        %swap3A_316 = memref.load %arg7[%swap3A, %swap3A_315] : memref<4x1xf32, #tpu.memory_space<smem>>
        memref.store %add3A_314, %arg7[%swap3A, %swap3A_315] : memref<4x1xf32, #tpu.memory_space<smem>>
      } else {
      }
    } else {
    }
    %gt3A_228 = arith.constant 768 : i32
    %gt3A_229 = arith.cmpi sgt, %get3A_1, %gt3A_228 : i32
    %le3A_230 = arith.constant 832 : i32
    %le3A_231 = arith.cmpi sle, %get3A_1, %le3A_230 : i32
    %and3A_232 = arith.andi %gt3A_229, %le3A_231 : i1
    %convert_element_type3A_233 = arith.extui %and3A_232 : i1 to i32
    %cond3A_234 = arith.constant 0 : i32
    %cond3A_235 = arith.cmpi ne, %convert_element_type3A_233, %cond3A_234 : i32
    scf.if %cond3A_235 {
      %slice3A_260 = vector.extract_strided_slice %reshape3A {offsets = [0, 0], sizes = [832, 1], strides = [1, 1]} : vector<1024x1xf32> to vector<832x1xf32>
      %slice3A_261 = vector.extract_strided_slice %reshape3A_87 {offsets = [0, 0], sizes = [832, 1], strides = [1, 1]} : vector<1024x1xf32> to vector<832x1xf32>
      %broadcast_in_dim3A_262 = arith.constant 1.000000e+30 : f32
      %broadcast_in_dim3A_263 = vector.broadcast %broadcast_in_dim3A_262 : f32 to vector<832x1xf32>
      %while3A = arith.constant 0 : i32
      %while3A_264 = arith.constant 0.000000e+00 : f32
      %while3A_265 = arith.subi %select_n3A_134, %while3A : i32
      %while3A_266 = arith.addi %while3A, %while3A_265 : i32
      %while3A_267 = arith.constant 1 : i32
      %while3A_268 = arith.divsi %while3A_265, %while3A_267 : i32
      %while3A_269 = arith.muli %while3A_268, %while3A_267 : i32
      %while3A_270 = arith.addi %while3A, %while3A_269 : i32
      %while3A_271 = arith.constant 1 : i32
      %while3A_272:2 = scf.for %while3A_311 = %while3A to %while3A_270 step %while3A_271 iter_args(%while3A_312 = %broadcast_in_dim3A_263, %while3A_313 = %while3A_264) -> (vector<832x1xf32>, f32)  : i32 {
        %mul3A_314 = arith.constant 2 : i32
        %mul3A_315 = arith.muli %mul3A_314, %while3A_311 : i32
        %min3A = arith.constant 9 : i32
        %min3A_316 = arith.minsi %mul3A_315, %min3A : i32
        %get3A_317 = arith.constant 0 : index
        %get3A_318 = arith.index_cast %min3A_316 : i32 to index
        %get3A_319 = arith.constant 0 : index
        %get3A_320 = arith.constant 0 : index
        %get3A_321 = vector.load %arg6[%get3A_317, %get3A_318, %get3A_319, %get3A_320] : memref<1x10x2x512xf32, #tpu.memory_space<vmem>>, vector<1x1x2x512xf32>
        %get3A_322 = vector.shape_cast %get3A_321 : vector<1x1x2x512xf32> to vector<2x512xf32>
        %iota3A_323 = tpu.iota {dimensions = array<i32: 1>} : vector<1x512xi32>
        %mul3A_324 = arith.constant 512 : i32
        %mul3A_325 = arith.muli %mul3A_315, %mul3A_324 : i32
        %add3A_326 = vector.broadcast %mul3A_325 : i32 to vector<1x512xi32>
        %add3A_327 = arith.addi %iota3A_323, %add3A_326 : vector<1x512xi32>
        %lt3A_328 = vector.broadcast %get3A_4 : i32 to vector<1x512xi32>
        %lt3A_329 = arith.cmpi slt, %add3A_327, %lt3A_328 : vector<1x512xi32>
        %slice3A_330 = vector.extract_strided_slice %get3A_322 {offsets = [0, 0], sizes = [1, 512], strides = [1, 1]} : vector<2x512xf32> to vector<1x512xf32>
        %jit3A_331 = arith.constant -1.000000e+09 : f32
        %broadcast_in_dim3A_332 = vector.broadcast %jit3A_331 : f32 to vector<1x512xf32>
        %select_n3A_333 = arith.select %lt3A_329, %slice3A_330, %broadcast_in_dim3A_332 : vector<1x512xi1>, vector<1x512xf32>
        %slice3A_334 = vector.extract_strided_slice %get3A_322 {offsets = [1, 0], sizes = [1, 512], strides = [1, 1]} : vector<2x512xf32> to vector<1x512xf32>
        %jit3A_335 = arith.constant -1.000000e+09 : f32
        %broadcast_in_dim3A_336 = vector.broadcast %jit3A_335 : f32 to vector<1x512xf32>
        %select_n3A_337 = arith.select %lt3A_329, %slice3A_334, %broadcast_in_dim3A_336 : vector<1x512xi1>, vector<1x512xf32>
        %sub3A_338 = vector.broadcast %slice3A_260 : vector<832x1xf32> to vector<832x512xf32>
        %sub3A_339 = vector.broadcast %select_n3A_333 : vector<1x512xf32> to vector<832x512xf32>
        %sub3A_340 = arith.subf %sub3A_338, %sub3A_339 : vector<832x512xf32>
        %sub3A_341 = vector.broadcast %slice3A_261 : vector<832x1xf32> to vector<832x512xf32>
        %sub3A_342 = vector.broadcast %select_n3A_337 : vector<1x512xf32> to vector<832x512xf32>
        %sub3A_343 = arith.subf %sub3A_341, %sub3A_342 : vector<832x512xf32>
        %mul3A_344 = arith.mulf %sub3A_340, %sub3A_340 : vector<832x512xf32>
        %mul3A_345 = arith.mulf %sub3A_343, %sub3A_343 : vector<832x512xf32>
        %add3A_346 = arith.addf %mul3A_344, %mul3A_345 : vector<832x512xf32>
        %reduce_min3A = arith.constant dense<0x7F800000> : vector<832xf32>
        %reduce_min3A_347 = vector.multi_reduction <minimumf>, %add3A_346, %reduce_min3A [1] : vector<832x512xf32> to vector<832xf32>
        %broadcast_in_dim3A_348 = vector.shape_cast %reduce_min3A_347 : vector<832xf32> to vector<832x1xf32>
        %reduce_min3A_349 = arith.constant dense<0x7F800000> : vector<512xf32>
        %reduce_min3A_350 = vector.multi_reduction <minimumf>, %add3A_346, %reduce_min3A_349 [0] : vector<832x512xf32> to vector<512xf32>
        %broadcast_in_dim3A_351 = vector.shape_cast %reduce_min3A_350 : vector<512xf32> to vector<1x512xf32>
        %jit3A_352 = arith.constant 0.000000e+00 : f32
        %broadcast_in_dim3A_353 = vector.broadcast %jit3A_352 : f32 to vector<1x512xf32>
        %select_n3A_354 = arith.select %lt3A_329, %broadcast_in_dim3A_351, %broadcast_in_dim3A_353 : vector<1x512xi1>, vector<1x512xf32>
        %reduce_sum3A_355 = vector.shape_cast %select_n3A_354 : vector<1x512xf32> to vector<1x1x512xf32>
        %reduce_sum3A_356 = arith.constant dense<0.000000e+00> : vector<1xf32>
        %reduce_sum3A_357 = vector.multi_reduction <add>, %reduce_sum3A_355, %reduce_sum3A_356 [1, 2] : vector<1x1x512xf32> to vector<1xf32>
        %reduce_sum3A_358 = vector.shape_cast %reduce_sum3A_357 : vector<1xf32> to vector<1x1x1xf32>
        %reduce_sum3A_359 = vector.extract %reduce_sum3A_358[0, 0, 0] : f32 from vector<1x1x1xf32>
        %mul3A_360 = arith.constant 2 : i32
        %mul3A_361 = arith.muli %mul3A_360, %while3A_311 : i32
        %add3A_362 = arith.constant 1 : i32
        %add3A_363 = arith.addi %mul3A_361, %add3A_362 : i32
        %min3A_364 = arith.constant 9 : i32
        %min3A_365 = arith.minsi %add3A_363, %min3A_364 : i32
        %get3A_366 = arith.constant 0 : index
        %get3A_367 = arith.index_cast %min3A_365 : i32 to index
        %get3A_368 = arith.constant 0 : index
        %get3A_369 = arith.constant 0 : index
        %get3A_370 = vector.load %arg6[%get3A_366, %get3A_367, %get3A_368, %get3A_369] : memref<1x10x2x512xf32, #tpu.memory_space<vmem>>, vector<1x1x2x512xf32>
        %get3A_371 = vector.shape_cast %get3A_370 : vector<1x1x2x512xf32> to vector<2x512xf32>
        %iota3A_372 = tpu.iota {dimensions = array<i32: 1>} : vector<1x512xi32>
        %mul3A_373 = arith.constant 512 : i32
        %mul3A_374 = arith.muli %add3A_363, %mul3A_373 : i32
        %add3A_375 = vector.broadcast %mul3A_374 : i32 to vector<1x512xi32>
        %add3A_376 = arith.addi %iota3A_372, %add3A_375 : vector<1x512xi32>
        %lt3A_377 = vector.broadcast %get3A_4 : i32 to vector<1x512xi32>
        %lt3A_378 = arith.cmpi slt, %add3A_376, %lt3A_377 : vector<1x512xi32>
        %slice3A_379 = vector.extract_strided_slice %get3A_371 {offsets = [0, 0], sizes = [1, 512], strides = [1, 1]} : vector<2x512xf32> to vector<1x512xf32>
        %jit3A_380 = arith.constant -1.000000e+09 : f32
        %broadcast_in_dim3A_381 = vector.broadcast %jit3A_380 : f32 to vector<1x512xf32>
        %select_n3A_382 = arith.select %lt3A_378, %slice3A_379, %broadcast_in_dim3A_381 : vector<1x512xi1>, vector<1x512xf32>
        %slice3A_383 = vector.extract_strided_slice %get3A_371 {offsets = [1, 0], sizes = [1, 512], strides = [1, 1]} : vector<2x512xf32> to vector<1x512xf32>
        %jit3A_384 = arith.constant -1.000000e+09 : f32
        %broadcast_in_dim3A_385 = vector.broadcast %jit3A_384 : f32 to vector<1x512xf32>
        %select_n3A_386 = arith.select %lt3A_378, %slice3A_383, %broadcast_in_dim3A_385 : vector<1x512xi1>, vector<1x512xf32>
        %sub3A_387 = vector.broadcast %slice3A_260 : vector<832x1xf32> to vector<832x512xf32>
        %sub3A_388 = vector.broadcast %select_n3A_382 : vector<1x512xf32> to vector<832x512xf32>
        %sub3A_389 = arith.subf %sub3A_387, %sub3A_388 : vector<832x512xf32>
        %sub3A_390 = vector.broadcast %slice3A_261 : vector<832x1xf32> to vector<832x512xf32>
        %sub3A_391 = vector.broadcast %select_n3A_386 : vector<1x512xf32> to vector<832x512xf32>
        %sub3A_392 = arith.subf %sub3A_390, %sub3A_391 : vector<832x512xf32>
        %mul3A_393 = arith.mulf %sub3A_389, %sub3A_389 : vector<832x512xf32>
        %mul3A_394 = arith.mulf %sub3A_392, %sub3A_392 : vector<832x512xf32>
        %add3A_395 = arith.addf %mul3A_393, %mul3A_394 : vector<832x512xf32>
        %reduce_min3A_396 = arith.constant dense<0x7F800000> : vector<832xf32>
        %reduce_min3A_397 = vector.multi_reduction <minimumf>, %add3A_395, %reduce_min3A_396 [1] : vector<832x512xf32> to vector<832xf32>
        %broadcast_in_dim3A_398 = vector.shape_cast %reduce_min3A_397 : vector<832xf32> to vector<832x1xf32>
        %reduce_min3A_399 = arith.constant dense<0x7F800000> : vector<512xf32>
        %reduce_min3A_400 = vector.multi_reduction <minimumf>, %add3A_395, %reduce_min3A_399 [0] : vector<832x512xf32> to vector<512xf32>
        %broadcast_in_dim3A_401 = vector.shape_cast %reduce_min3A_400 : vector<512xf32> to vector<1x512xf32>
        %jit3A_402 = arith.constant 0.000000e+00 : f32
        %broadcast_in_dim3A_403 = vector.broadcast %jit3A_402 : f32 to vector<1x512xf32>
        %select_n3A_404 = arith.select %lt3A_378, %broadcast_in_dim3A_401, %broadcast_in_dim3A_403 : vector<1x512xi1>, vector<1x512xf32>
        %reduce_sum3A_405 = vector.shape_cast %select_n3A_404 : vector<1x512xf32> to vector<1x1x512xf32>
        %reduce_sum3A_406 = arith.constant dense<0.000000e+00> : vector<1xf32>
        %reduce_sum3A_407 = vector.multi_reduction <add>, %reduce_sum3A_405, %reduce_sum3A_406 [1, 2] : vector<1x1x512xf32> to vector<1xf32>
        %reduce_sum3A_408 = vector.shape_cast %reduce_sum3A_407 : vector<1xf32> to vector<1x1x1xf32>
        %reduce_sum3A_409 = vector.extract %reduce_sum3A_408[0, 0, 0] : f32 from vector<1x1x1xf32>
        %min3A_410 = arith.minimumf %broadcast_in_dim3A_348, %broadcast_in_dim3A_398 : vector<832x1xf32>
        %min3A_411 = arith.minimumf %while3A_312, %min3A_410 : vector<832x1xf32>
        %add3A_412 = arith.addf %reduce_sum3A_359, %reduce_sum3A_409 : f32
        %add3A_413 = arith.addf %while3A_313, %add3A_412 : f32
        scf.yield %min3A_411, %add3A_413 : vector<832x1xf32>, f32
      }
      %while3A_273 = arith.constant 1 : i32
      %while3A_274:2 = scf.for %while3A_311 = %while3A_270 to %while3A_266 step %while3A_273 iter_args(%while3A_312 = %while3A_272#0, %while3A_313 = %while3A_272#1) -> (vector<832x1xf32>, f32)  : i32 {
        %mul3A_314 = arith.constant 2 : i32
        %mul3A_315 = arith.muli %mul3A_314, %while3A_311 : i32
        %min3A = arith.constant 9 : i32
        %min3A_316 = arith.minsi %mul3A_315, %min3A : i32
        %get3A_317 = arith.constant 0 : index
        %get3A_318 = arith.index_cast %min3A_316 : i32 to index
        %get3A_319 = arith.constant 0 : index
        %get3A_320 = arith.constant 0 : index
        %get3A_321 = vector.load %arg6[%get3A_317, %get3A_318, %get3A_319, %get3A_320] : memref<1x10x2x512xf32, #tpu.memory_space<vmem>>, vector<1x1x2x512xf32>
        %get3A_322 = vector.shape_cast %get3A_321 : vector<1x1x2x512xf32> to vector<2x512xf32>
        %iota3A_323 = tpu.iota {dimensions = array<i32: 1>} : vector<1x512xi32>
        %mul3A_324 = arith.constant 512 : i32
        %mul3A_325 = arith.muli %mul3A_315, %mul3A_324 : i32
        %add3A_326 = vector.broadcast %mul3A_325 : i32 to vector<1x512xi32>
        %add3A_327 = arith.addi %iota3A_323, %add3A_326 : vector<1x512xi32>
        %lt3A_328 = vector.broadcast %get3A_4 : i32 to vector<1x512xi32>
        %lt3A_329 = arith.cmpi slt, %add3A_327, %lt3A_328 : vector<1x512xi32>
        %slice3A_330 = vector.extract_strided_slice %get3A_322 {offsets = [0, 0], sizes = [1, 512], strides = [1, 1]} : vector<2x512xf32> to vector<1x512xf32>
        %jit3A_331 = arith.constant -1.000000e+09 : f32
        %broadcast_in_dim3A_332 = vector.broadcast %jit3A_331 : f32 to vector<1x512xf32>
        %select_n3A_333 = arith.select %lt3A_329, %slice3A_330, %broadcast_in_dim3A_332 : vector<1x512xi1>, vector<1x512xf32>
        %slice3A_334 = vector.extract_strided_slice %get3A_322 {offsets = [1, 0], sizes = [1, 512], strides = [1, 1]} : vector<2x512xf32> to vector<1x512xf32>
        %jit3A_335 = arith.constant -1.000000e+09 : f32
        %broadcast_in_dim3A_336 = vector.broadcast %jit3A_335 : f32 to vector<1x512xf32>
        %select_n3A_337 = arith.select %lt3A_329, %slice3A_334, %broadcast_in_dim3A_336 : vector<1x512xi1>, vector<1x512xf32>
        %sub3A_338 = vector.broadcast %slice3A_260 : vector<832x1xf32> to vector<832x512xf32>
        %sub3A_339 = vector.broadcast %select_n3A_333 : vector<1x512xf32> to vector<832x512xf32>
        %sub3A_340 = arith.subf %sub3A_338, %sub3A_339 : vector<832x512xf32>
        %sub3A_341 = vector.broadcast %slice3A_261 : vector<832x1xf32> to vector<832x512xf32>
        %sub3A_342 = vector.broadcast %select_n3A_337 : vector<1x512xf32> to vector<832x512xf32>
        %sub3A_343 = arith.subf %sub3A_341, %sub3A_342 : vector<832x512xf32>
        %mul3A_344 = arith.mulf %sub3A_340, %sub3A_340 : vector<832x512xf32>
        %mul3A_345 = arith.mulf %sub3A_343, %sub3A_343 : vector<832x512xf32>
        %add3A_346 = arith.addf %mul3A_344, %mul3A_345 : vector<832x512xf32>
        %reduce_min3A = arith.constant dense<0x7F800000> : vector<832xf32>
        %reduce_min3A_347 = vector.multi_reduction <minimumf>, %add3A_346, %reduce_min3A [1] : vector<832x512xf32> to vector<832xf32>
        %broadcast_in_dim3A_348 = vector.shape_cast %reduce_min3A_347 : vector<832xf32> to vector<832x1xf32>
        %reduce_min3A_349 = arith.constant dense<0x7F800000> : vector<512xf32>
        %reduce_min3A_350 = vector.multi_reduction <minimumf>, %add3A_346, %reduce_min3A_349 [0] : vector<832x512xf32> to vector<512xf32>
        %broadcast_in_dim3A_351 = vector.shape_cast %reduce_min3A_350 : vector<512xf32> to vector<1x512xf32>
        %jit3A_352 = arith.constant 0.000000e+00 : f32
        %broadcast_in_dim3A_353 = vector.broadcast %jit3A_352 : f32 to vector<1x512xf32>
        %select_n3A_354 = arith.select %lt3A_329, %broadcast_in_dim3A_351, %broadcast_in_dim3A_353 : vector<1x512xi1>, vector<1x512xf32>
        %reduce_sum3A_355 = vector.shape_cast %select_n3A_354 : vector<1x512xf32> to vector<1x1x512xf32>
        %reduce_sum3A_356 = arith.constant dense<0.000000e+00> : vector<1xf32>
        %reduce_sum3A_357 = vector.multi_reduction <add>, %reduce_sum3A_355, %reduce_sum3A_356 [1, 2] : vector<1x1x512xf32> to vector<1xf32>
        %reduce_sum3A_358 = vector.shape_cast %reduce_sum3A_357 : vector<1xf32> to vector<1x1x1xf32>
        %reduce_sum3A_359 = vector.extract %reduce_sum3A_358[0, 0, 0] : f32 from vector<1x1x1xf32>
        %mul3A_360 = arith.constant 2 : i32
        %mul3A_361 = arith.muli %mul3A_360, %while3A_311 : i32
        %add3A_362 = arith.constant 1 : i32
        %add3A_363 = arith.addi %mul3A_361, %add3A_362 : i32
        %min3A_364 = arith.constant 9 : i32
        %min3A_365 = arith.minsi %add3A_363, %min3A_364 : i32
        %get3A_366 = arith.constant 0 : index
        %get3A_367 = arith.index_cast %min3A_365 : i32 to index
        %get3A_368 = arith.constant 0 : index
        %get3A_369 = arith.constant 0 : index
        %get3A_370 = vector.load %arg6[%get3A_366, %get3A_367, %get3A_368, %get3A_369] : memref<1x10x2x512xf32, #tpu.memory_space<vmem>>, vector<1x1x2x512xf32>
        %get3A_371 = vector.shape_cast %get3A_370 : vector<1x1x2x512xf32> to vector<2x512xf32>
        %iota3A_372 = tpu.iota {dimensions = array<i32: 1>} : vector<1x512xi32>
        %mul3A_373 = arith.constant 512 : i32
        %mul3A_374 = arith.muli %add3A_363, %mul3A_373 : i32
        %add3A_375 = vector.broadcast %mul3A_374 : i32 to vector<1x512xi32>
        %add3A_376 = arith.addi %iota3A_372, %add3A_375 : vector<1x512xi32>
        %lt3A_377 = vector.broadcast %get3A_4 : i32 to vector<1x512xi32>
        %lt3A_378 = arith.cmpi slt, %add3A_376, %lt3A_377 : vector<1x512xi32>
        %slice3A_379 = vector.extract_strided_slice %get3A_371 {offsets = [0, 0], sizes = [1, 512], strides = [1, 1]} : vector<2x512xf32> to vector<1x512xf32>
        %jit3A_380 = arith.constant -1.000000e+09 : f32
        %broadcast_in_dim3A_381 = vector.broadcast %jit3A_380 : f32 to vector<1x512xf32>
        %select_n3A_382 = arith.select %lt3A_378, %slice3A_379, %broadcast_in_dim3A_381 : vector<1x512xi1>, vector<1x512xf32>
        %slice3A_383 = vector.extract_strided_slice %get3A_371 {offsets = [1, 0], sizes = [1, 512], strides = [1, 1]} : vector<2x512xf32> to vector<1x512xf32>
        %jit3A_384 = arith.constant -1.000000e+09 : f32
        %broadcast_in_dim3A_385 = vector.broadcast %jit3A_384 : f32 to vector<1x512xf32>
        %select_n3A_386 = arith.select %lt3A_378, %slice3A_383, %broadcast_in_dim3A_385 : vector<1x512xi1>, vector<1x512xf32>
        %sub3A_387 = vector.broadcast %slice3A_260 : vector<832x1xf32> to vector<832x512xf32>
        %sub3A_388 = vector.broadcast %select_n3A_382 : vector<1x512xf32> to vector<832x512xf32>
        %sub3A_389 = arith.subf %sub3A_387, %sub3A_388 : vector<832x512xf32>
        %sub3A_390 = vector.broadcast %slice3A_261 : vector<832x1xf32> to vector<832x512xf32>
        %sub3A_391 = vector.broadcast %select_n3A_386 : vector<1x512xf32> to vector<832x512xf32>
        %sub3A_392 = arith.subf %sub3A_390, %sub3A_391 : vector<832x512xf32>
        %mul3A_393 = arith.mulf %sub3A_389, %sub3A_389 : vector<832x512xf32>
        %mul3A_394 = arith.mulf %sub3A_392, %sub3A_392 : vector<832x512xf32>
        %add3A_395 = arith.addf %mul3A_393, %mul3A_394 : vector<832x512xf32>
        %reduce_min3A_396 = arith.constant dense<0x7F800000> : vector<832xf32>
        %reduce_min3A_397 = vector.multi_reduction <minimumf>, %add3A_395, %reduce_min3A_396 [1] : vector<832x512xf32> to vector<832xf32>
        %broadcast_in_dim3A_398 = vector.shape_cast %reduce_min3A_397 : vector<832xf32> to vector<832x1xf32>
        %reduce_min3A_399 = arith.constant dense<0x7F800000> : vector<512xf32>
        %reduce_min3A_400 = vector.multi_reduction <minimumf>, %add3A_395, %reduce_min3A_399 [0] : vector<832x512xf32> to vector<512xf32>
        %broadcast_in_dim3A_401 = vector.shape_cast %reduce_min3A_400 : vector<512xf32> to vector<1x512xf32>
        %jit3A_402 = arith.constant 0.000000e+00 : f32
        %broadcast_in_dim3A_403 = vector.broadcast %jit3A_402 : f32 to vector<1x512xf32>
        %select_n3A_404 = arith.select %lt3A_378, %broadcast_in_dim3A_401, %broadcast_in_dim3A_403 : vector<1x512xi1>, vector<1x512xf32>
        %reduce_sum3A_405 = vector.shape_cast %select_n3A_404 : vector<1x512xf32> to vector<1x1x512xf32>
        %reduce_sum3A_406 = arith.constant dense<0.000000e+00> : vector<1xf32>
        %reduce_sum3A_407 = vector.multi_reduction <add>, %reduce_sum3A_405, %reduce_sum3A_406 [1, 2] : vector<1x1x512xf32> to vector<1xf32>
        %reduce_sum3A_408 = vector.shape_cast %reduce_sum3A_407 : vector<1xf32> to vector<1x1x1xf32>
        %reduce_sum3A_409 = vector.extract %reduce_sum3A_408[0, 0, 0] : f32 from vector<1x1x1xf32>
        %min3A_410 = arith.minimumf %broadcast_in_dim3A_348, %broadcast_in_dim3A_398 : vector<832x1xf32>
        %min3A_411 = arith.minimumf %while3A_312, %min3A_410 : vector<832x1xf32>
        %add3A_412 = arith.addf %reduce_sum3A_359, %reduce_sum3A_409 : f32
        %add3A_413 = arith.addf %while3A_313, %add3A_412 : f32
        scf.yield %min3A_411, %add3A_413 : vector<832x1xf32>, f32
      }
      %mul3A_275 = arith.constant 2 : i32
      %mul3A_276 = arith.muli %mul3A_275, %select_n3A_134 : i32
      %while3A_277 = arith.subi %select_n3A_110, %mul3A_276 : i32
      %while3A_278 = arith.addi %mul3A_276, %while3A_277 : i32
      %while3A_279 = arith.constant 1 : i32
      %while3A_280 = arith.divsi %while3A_277, %while3A_279 : i32
      %while3A_281 = arith.muli %while3A_280, %while3A_279 : i32
      %while3A_282 = arith.addi %mul3A_276, %while3A_281 : i32
      %while3A_283 = arith.constant 1 : i32
      %while3A_284:2 = scf.for %while3A_311 = %mul3A_276 to %while3A_282 step %while3A_283 iter_args(%while3A_312 = %while3A_274#0, %while3A_313 = %while3A_274#1) -> (vector<832x1xf32>, f32)  : i32 {
        %min3A = arith.constant 9 : i32
        %min3A_314 = arith.minsi %while3A_311, %min3A : i32
        %get3A_315 = arith.constant 0 : index
        %get3A_316 = arith.index_cast %min3A_314 : i32 to index
        %get3A_317 = arith.constant 0 : index
        %get3A_318 = arith.constant 0 : index
        %get3A_319 = vector.load %arg6[%get3A_315, %get3A_316, %get3A_317, %get3A_318] : memref<1x10x2x512xf32, #tpu.memory_space<vmem>>, vector<1x1x2x512xf32>
        %get3A_320 = vector.shape_cast %get3A_319 : vector<1x1x2x512xf32> to vector<2x512xf32>
        %iota3A_321 = tpu.iota {dimensions = array<i32: 1>} : vector<1x512xi32>
        %mul3A_322 = arith.constant 512 : i32
        %mul3A_323 = arith.muli %while3A_311, %mul3A_322 : i32
        %add3A_324 = vector.broadcast %mul3A_323 : i32 to vector<1x512xi32>
        %add3A_325 = arith.addi %iota3A_321, %add3A_324 : vector<1x512xi32>
        %lt3A_326 = vector.broadcast %get3A_4 : i32 to vector<1x512xi32>
        %lt3A_327 = arith.cmpi slt, %add3A_325, %lt3A_326 : vector<1x512xi32>
        %slice3A_328 = vector.extract_strided_slice %get3A_320 {offsets = [0, 0], sizes = [1, 512], strides = [1, 1]} : vector<2x512xf32> to vector<1x512xf32>
        %jit3A_329 = arith.constant -1.000000e+09 : f32
        %broadcast_in_dim3A_330 = vector.broadcast %jit3A_329 : f32 to vector<1x512xf32>
        %select_n3A_331 = arith.select %lt3A_327, %slice3A_328, %broadcast_in_dim3A_330 : vector<1x512xi1>, vector<1x512xf32>
        %slice3A_332 = vector.extract_strided_slice %get3A_320 {offsets = [1, 0], sizes = [1, 512], strides = [1, 1]} : vector<2x512xf32> to vector<1x512xf32>
        %jit3A_333 = arith.constant -1.000000e+09 : f32
        %broadcast_in_dim3A_334 = vector.broadcast %jit3A_333 : f32 to vector<1x512xf32>
        %select_n3A_335 = arith.select %lt3A_327, %slice3A_332, %broadcast_in_dim3A_334 : vector<1x512xi1>, vector<1x512xf32>
        %sub3A_336 = vector.broadcast %slice3A_260 : vector<832x1xf32> to vector<832x512xf32>
        %sub3A_337 = vector.broadcast %select_n3A_331 : vector<1x512xf32> to vector<832x512xf32>
        %sub3A_338 = arith.subf %sub3A_336, %sub3A_337 : vector<832x512xf32>
        %sub3A_339 = vector.broadcast %slice3A_261 : vector<832x1xf32> to vector<832x512xf32>
        %sub3A_340 = vector.broadcast %select_n3A_335 : vector<1x512xf32> to vector<832x512xf32>
        %sub3A_341 = arith.subf %sub3A_339, %sub3A_340 : vector<832x512xf32>
        %mul3A_342 = arith.mulf %sub3A_338, %sub3A_338 : vector<832x512xf32>
        %mul3A_343 = arith.mulf %sub3A_341, %sub3A_341 : vector<832x512xf32>
        %add3A_344 = arith.addf %mul3A_342, %mul3A_343 : vector<832x512xf32>
        %reduce_min3A = arith.constant dense<0x7F800000> : vector<832xf32>
        %reduce_min3A_345 = vector.multi_reduction <minimumf>, %add3A_344, %reduce_min3A [1] : vector<832x512xf32> to vector<832xf32>
        %broadcast_in_dim3A_346 = vector.shape_cast %reduce_min3A_345 : vector<832xf32> to vector<832x1xf32>
        %reduce_min3A_347 = arith.constant dense<0x7F800000> : vector<512xf32>
        %reduce_min3A_348 = vector.multi_reduction <minimumf>, %add3A_344, %reduce_min3A_347 [0] : vector<832x512xf32> to vector<512xf32>
        %broadcast_in_dim3A_349 = vector.shape_cast %reduce_min3A_348 : vector<512xf32> to vector<1x512xf32>
        %jit3A_350 = arith.constant 0.000000e+00 : f32
        %broadcast_in_dim3A_351 = vector.broadcast %jit3A_350 : f32 to vector<1x512xf32>
        %select_n3A_352 = arith.select %lt3A_327, %broadcast_in_dim3A_349, %broadcast_in_dim3A_351 : vector<1x512xi1>, vector<1x512xf32>
        %reduce_sum3A_353 = vector.shape_cast %select_n3A_352 : vector<1x512xf32> to vector<1x1x512xf32>
        %reduce_sum3A_354 = arith.constant dense<0.000000e+00> : vector<1xf32>
        %reduce_sum3A_355 = vector.multi_reduction <add>, %reduce_sum3A_353, %reduce_sum3A_354 [1, 2] : vector<1x1x512xf32> to vector<1xf32>
        %reduce_sum3A_356 = vector.shape_cast %reduce_sum3A_355 : vector<1xf32> to vector<1x1x1xf32>
        %reduce_sum3A_357 = vector.extract %reduce_sum3A_356[0, 0, 0] : f32 from vector<1x1x1xf32>
        %min3A_358 = arith.minimumf %while3A_312, %broadcast_in_dim3A_346 : vector<832x1xf32>
        %add3A_359 = arith.addf %while3A_313, %reduce_sum3A_357 : f32
        scf.yield %min3A_358, %add3A_359 : vector<832x1xf32>, f32
      }
      %while3A_285 = arith.constant 1 : i32
      %while3A_286:2 = scf.for %while3A_311 = %while3A_282 to %while3A_278 step %while3A_285 iter_args(%while3A_312 = %while3A_284#0, %while3A_313 = %while3A_284#1) -> (vector<832x1xf32>, f32)  : i32 {
        %min3A = arith.constant 9 : i32
        %min3A_314 = arith.minsi %while3A_311, %min3A : i32
        %get3A_315 = arith.constant 0 : index
        %get3A_316 = arith.index_cast %min3A_314 : i32 to index
        %get3A_317 = arith.constant 0 : index
        %get3A_318 = arith.constant 0 : index
        %get3A_319 = vector.load %arg6[%get3A_315, %get3A_316, %get3A_317, %get3A_318] : memref<1x10x2x512xf32, #tpu.memory_space<vmem>>, vector<1x1x2x512xf32>
        %get3A_320 = vector.shape_cast %get3A_319 : vector<1x1x2x512xf32> to vector<2x512xf32>
        %iota3A_321 = tpu.iota {dimensions = array<i32: 1>} : vector<1x512xi32>
        %mul3A_322 = arith.constant 512 : i32
        %mul3A_323 = arith.muli %while3A_311, %mul3A_322 : i32
        %add3A_324 = vector.broadcast %mul3A_323 : i32 to vector<1x512xi32>
        %add3A_325 = arith.addi %iota3A_321, %add3A_324 : vector<1x512xi32>
        %lt3A_326 = vector.broadcast %get3A_4 : i32 to vector<1x512xi32>
        %lt3A_327 = arith.cmpi slt, %add3A_325, %lt3A_326 : vector<1x512xi32>
        %slice3A_328 = vector.extract_strided_slice %get3A_320 {offsets = [0, 0], sizes = [1, 512], strides = [1, 1]} : vector<2x512xf32> to vector<1x512xf32>
        %jit3A_329 = arith.constant -1.000000e+09 : f32
        %broadcast_in_dim3A_330 = vector.broadcast %jit3A_329 : f32 to vector<1x512xf32>
        %select_n3A_331 = arith.select %lt3A_327, %slice3A_328, %broadcast_in_dim3A_330 : vector<1x512xi1>, vector<1x512xf32>
        %slice3A_332 = vector.extract_strided_slice %get3A_320 {offsets = [1, 0], sizes = [1, 512], strides = [1, 1]} : vector<2x512xf32> to vector<1x512xf32>
        %jit3A_333 = arith.constant -1.000000e+09 : f32
        %broadcast_in_dim3A_334 = vector.broadcast %jit3A_333 : f32 to vector<1x512xf32>
        %select_n3A_335 = arith.select %lt3A_327, %slice3A_332, %broadcast_in_dim3A_334 : vector<1x512xi1>, vector<1x512xf32>
        %sub3A_336 = vector.broadcast %slice3A_260 : vector<832x1xf32> to vector<832x512xf32>
        %sub3A_337 = vector.broadcast %select_n3A_331 : vector<1x512xf32> to vector<832x512xf32>
        %sub3A_338 = arith.subf %sub3A_336, %sub3A_337 : vector<832x512xf32>
        %sub3A_339 = vector.broadcast %slice3A_261 : vector<832x1xf32> to vector<832x512xf32>
        %sub3A_340 = vector.broadcast %select_n3A_335 : vector<1x512xf32> to vector<832x512xf32>
        %sub3A_341 = arith.subf %sub3A_339, %sub3A_340 : vector<832x512xf32>
        %mul3A_342 = arith.mulf %sub3A_338, %sub3A_338 : vector<832x512xf32>
        %mul3A_343 = arith.mulf %sub3A_341, %sub3A_341 : vector<832x512xf32>
        %add3A_344 = arith.addf %mul3A_342, %mul3A_343 : vector<832x512xf32>
        %reduce_min3A = arith.constant dense<0x7F800000> : vector<832xf32>
        %reduce_min3A_345 = vector.multi_reduction <minimumf>, %add3A_344, %reduce_min3A [1] : vector<832x512xf32> to vector<832xf32>
        %broadcast_in_dim3A_346 = vector.shape_cast %reduce_min3A_345 : vector<832xf32> to vector<832x1xf32>
        %reduce_min3A_347 = arith.constant dense<0x7F800000> : vector<512xf32>
        %reduce_min3A_348 = vector.multi_reduction <minimumf>, %add3A_344, %reduce_min3A_347 [0] : vector<832x512xf32> to vector<512xf32>
        %broadcast_in_dim3A_349 = vector.shape_cast %reduce_min3A_348 : vector<512xf32> to vector<1x512xf32>
        %jit3A_350 = arith.constant 0.000000e+00 : f32
        %broadcast_in_dim3A_351 = vector.broadcast %jit3A_350 : f32 to vector<1x512xf32>
        %select_n3A_352 = arith.select %lt3A_327, %broadcast_in_dim3A_349, %broadcast_in_dim3A_351 : vector<1x512xi1>, vector<1x512xf32>
        %reduce_sum3A_353 = vector.shape_cast %select_n3A_352 : vector<1x512xf32> to vector<1x1x512xf32>
        %reduce_sum3A_354 = arith.constant dense<0.000000e+00> : vector<1xf32>
        %reduce_sum3A_355 = vector.multi_reduction <add>, %reduce_sum3A_353, %reduce_sum3A_354 [1, 2] : vector<1x1x512xf32> to vector<1xf32>
        %reduce_sum3A_356 = vector.shape_cast %reduce_sum3A_355 : vector<1xf32> to vector<1x1x1xf32>
        %reduce_sum3A_357 = vector.extract %reduce_sum3A_356[0, 0, 0] : f32 from vector<1x1x1xf32>
        %min3A_358 = arith.minimumf %while3A_312, %broadcast_in_dim3A_346 : vector<832x1xf32>
        %add3A_359 = arith.addf %while3A_313, %reduce_sum3A_357 : f32
        scf.yield %min3A_358, %add3A_359 : vector<832x1xf32>, f32
      }
      %iota3A_287 = tpu.iota {dimensions = array<i32: 0>} : vector<832x1xi32>
      %lt3A_288 = vector.broadcast %get3A_1 : i32 to vector<832x1xi32>
      %lt3A_289 = arith.cmpi slt, %iota3A_287, %lt3A_288 : vector<832x1xi32>
      %jit3A_290 = arith.constant 0.000000e+00 : f32
      %broadcast_in_dim3A_291 = vector.broadcast %jit3A_290 : f32 to vector<832x1xf32>
      %select_n3A_292 = arith.select %lt3A_289, %while3A_286#0, %broadcast_in_dim3A_291 : vector<832x1xi1>, vector<832x1xf32>
      %reduce_sum3A = vector.shape_cast %select_n3A_292 : vector<832x1xf32> to vector<1x832x1xf32>
      %reduce_sum3A_293 = arith.constant dense<0.000000e+00> : vector<1xf32>
      %reduce_sum3A_294 = vector.multi_reduction <add>, %reduce_sum3A, %reduce_sum3A_293 [1, 2] : vector<1x832x1xf32> to vector<1xf32>
      %reduce_sum3A_295 = vector.shape_cast %reduce_sum3A_294 : vector<1xf32> to vector<1x1x1xf32>
      %reduce_sum3A_296 = vector.extract %reduce_sum3A_295[0, 0, 0] : f32 from vector<1x1x1xf32>
      %div3A_297 = arith.divf %reduce_sum3A_296, %convert_element_type3A : f32
      %div3A_298 = arith.divf %while3A_286#1, %convert_element_type3A_8 : f32
      %add3A_299 = arith.addf %div3A_297, %div3A_298 : f32
      %mul3A_300 = arith.constant 1.250000e-01 : f32
      %mul3A_301 = arith.mulf %add3A_299, %mul3A_300 : f32
      %eq3A = arith.constant 0 : i32
      %eq3A_302 = arith.cmpi eq, %arg1, %eq3A : i32
      %convert_element_type3A_303 = arith.extui %eq3A_302 : i1 to i32
      %cond3A_304 = arith.constant 0 : i32
      %cond3A_305 = arith.cmpi ne, %convert_element_type3A_303, %cond3A_304 : i32
      scf.if %cond3A_305 {
        %swap3A = arith.index_cast %arg0 : i32 to index
        %swap3A_311 = arith.constant 0 : index
        %swap3A_312 = memref.load %arg7[%swap3A, %swap3A_311] : memref<4x1xf32, #tpu.memory_space<smem>>
        memref.store %mul3A_301, %arg7[%swap3A, %swap3A_311] : memref<4x1xf32, #tpu.memory_space<smem>>
      } else {
      }
      %gt3A_306 = arith.constant 0 : i32
      %gt3A_307 = arith.cmpi sgt, %arg1, %gt3A_306 : i32
      %convert_element_type3A_308 = arith.extui %gt3A_307 : i1 to i32
      %cond3A_309 = arith.constant 0 : i32
      %cond3A_310 = arith.cmpi ne, %convert_element_type3A_308, %cond3A_309 : i32
      scf.if %cond3A_310 {
        %get3A_311 = arith.index_cast %arg0 : i32 to index
        %get3A_312 = arith.constant 0 : index
        %get3A_313 = memref.load %arg7[%get3A_311, %get3A_312] : memref<4x1xf32, #tpu.memory_space<smem>>
        %add3A_314 = arith.addf %get3A_313, %mul3A_301 : f32
        %swap3A = arith.index_cast %arg0 : i32 to index
        %swap3A_315 = arith.constant 0 : index
        %swap3A_316 = memref.load %arg7[%swap3A, %swap3A_315] : memref<4x1xf32, #tpu.memory_space<smem>>
        memref.store %add3A_314, %arg7[%swap3A, %swap3A_315] : memref<4x1xf32, #tpu.memory_space<smem>>
      } else {
      }
    } else {
    }
    %gt3A_236 = arith.constant 832 : i32
    %gt3A_237 = arith.cmpi sgt, %get3A_1, %gt3A_236 : i32
    %le3A_238 = arith.constant 896 : i32
    %le3A_239 = arith.cmpi sle, %get3A_1, %le3A_238 : i32
    %and3A_240 = arith.andi %gt3A_237, %le3A_239 : i1
    %convert_element_type3A_241 = arith.extui %and3A_240 : i1 to i32
    %cond3A_242 = arith.constant 0 : i32
    %cond3A_243 = arith.cmpi ne, %convert_element_type3A_241, %cond3A_242 : i32
    scf.if %cond3A_243 {
      %slice3A_260 = vector.extract_strided_slice %reshape3A {offsets = [0, 0], sizes = [896, 1], strides = [1, 1]} : vector<1024x1xf32> to vector<896x1xf32>
      %slice3A_261 = vector.extract_strided_slice %reshape3A_87 {offsets = [0, 0], sizes = [896, 1], strides = [1, 1]} : vector<1024x1xf32> to vector<896x1xf32>
      %broadcast_in_dim3A_262 = arith.constant 1.000000e+30 : f32
      %broadcast_in_dim3A_263 = vector.broadcast %broadcast_in_dim3A_262 : f32 to vector<896x1xf32>
      %while3A = arith.constant 0 : i32
      %while3A_264 = arith.constant 0.000000e+00 : f32
      %while3A_265 = arith.subi %select_n3A_134, %while3A : i32
      %while3A_266 = arith.addi %while3A, %while3A_265 : i32
      %while3A_267 = arith.constant 1 : i32
      %while3A_268 = arith.divsi %while3A_265, %while3A_267 : i32
      %while3A_269 = arith.muli %while3A_268, %while3A_267 : i32
      %while3A_270 = arith.addi %while3A, %while3A_269 : i32
      %while3A_271 = arith.constant 1 : i32
      %while3A_272:2 = scf.for %while3A_311 = %while3A to %while3A_270 step %while3A_271 iter_args(%while3A_312 = %broadcast_in_dim3A_263, %while3A_313 = %while3A_264) -> (vector<896x1xf32>, f32)  : i32 {
        %mul3A_314 = arith.constant 2 : i32
        %mul3A_315 = arith.muli %mul3A_314, %while3A_311 : i32
        %min3A = arith.constant 9 : i32
        %min3A_316 = arith.minsi %mul3A_315, %min3A : i32
        %get3A_317 = arith.constant 0 : index
        %get3A_318 = arith.index_cast %min3A_316 : i32 to index
        %get3A_319 = arith.constant 0 : index
        %get3A_320 = arith.constant 0 : index
        %get3A_321 = vector.load %arg6[%get3A_317, %get3A_318, %get3A_319, %get3A_320] : memref<1x10x2x512xf32, #tpu.memory_space<vmem>>, vector<1x1x2x512xf32>
        %get3A_322 = vector.shape_cast %get3A_321 : vector<1x1x2x512xf32> to vector<2x512xf32>
        %iota3A_323 = tpu.iota {dimensions = array<i32: 1>} : vector<1x512xi32>
        %mul3A_324 = arith.constant 512 : i32
        %mul3A_325 = arith.muli %mul3A_315, %mul3A_324 : i32
        %add3A_326 = vector.broadcast %mul3A_325 : i32 to vector<1x512xi32>
        %add3A_327 = arith.addi %iota3A_323, %add3A_326 : vector<1x512xi32>
        %lt3A_328 = vector.broadcast %get3A_4 : i32 to vector<1x512xi32>
        %lt3A_329 = arith.cmpi slt, %add3A_327, %lt3A_328 : vector<1x512xi32>
        %slice3A_330 = vector.extract_strided_slice %get3A_322 {offsets = [0, 0], sizes = [1, 512], strides = [1, 1]} : vector<2x512xf32> to vector<1x512xf32>
        %jit3A_331 = arith.constant -1.000000e+09 : f32
        %broadcast_in_dim3A_332 = vector.broadcast %jit3A_331 : f32 to vector<1x512xf32>
        %select_n3A_333 = arith.select %lt3A_329, %slice3A_330, %broadcast_in_dim3A_332 : vector<1x512xi1>, vector<1x512xf32>
        %slice3A_334 = vector.extract_strided_slice %get3A_322 {offsets = [1, 0], sizes = [1, 512], strides = [1, 1]} : vector<2x512xf32> to vector<1x512xf32>
        %jit3A_335 = arith.constant -1.000000e+09 : f32
        %broadcast_in_dim3A_336 = vector.broadcast %jit3A_335 : f32 to vector<1x512xf32>
        %select_n3A_337 = arith.select %lt3A_329, %slice3A_334, %broadcast_in_dim3A_336 : vector<1x512xi1>, vector<1x512xf32>
        %sub3A_338 = vector.broadcast %slice3A_260 : vector<896x1xf32> to vector<896x512xf32>
        %sub3A_339 = vector.broadcast %select_n3A_333 : vector<1x512xf32> to vector<896x512xf32>
        %sub3A_340 = arith.subf %sub3A_338, %sub3A_339 : vector<896x512xf32>
        %sub3A_341 = vector.broadcast %slice3A_261 : vector<896x1xf32> to vector<896x512xf32>
        %sub3A_342 = vector.broadcast %select_n3A_337 : vector<1x512xf32> to vector<896x512xf32>
        %sub3A_343 = arith.subf %sub3A_341, %sub3A_342 : vector<896x512xf32>
        %mul3A_344 = arith.mulf %sub3A_340, %sub3A_340 : vector<896x512xf32>
        %mul3A_345 = arith.mulf %sub3A_343, %sub3A_343 : vector<896x512xf32>
        %add3A_346 = arith.addf %mul3A_344, %mul3A_345 : vector<896x512xf32>
        %reduce_min3A = arith.constant dense<0x7F800000> : vector<896xf32>
        %reduce_min3A_347 = vector.multi_reduction <minimumf>, %add3A_346, %reduce_min3A [1] : vector<896x512xf32> to vector<896xf32>
        %broadcast_in_dim3A_348 = vector.shape_cast %reduce_min3A_347 : vector<896xf32> to vector<896x1xf32>
        %reduce_min3A_349 = arith.constant dense<0x7F800000> : vector<512xf32>
        %reduce_min3A_350 = vector.multi_reduction <minimumf>, %add3A_346, %reduce_min3A_349 [0] : vector<896x512xf32> to vector<512xf32>
        %broadcast_in_dim3A_351 = vector.shape_cast %reduce_min3A_350 : vector<512xf32> to vector<1x512xf32>
        %jit3A_352 = arith.constant 0.000000e+00 : f32
        %broadcast_in_dim3A_353 = vector.broadcast %jit3A_352 : f32 to vector<1x512xf32>
        %select_n3A_354 = arith.select %lt3A_329, %broadcast_in_dim3A_351, %broadcast_in_dim3A_353 : vector<1x512xi1>, vector<1x512xf32>
        %reduce_sum3A_355 = vector.shape_cast %select_n3A_354 : vector<1x512xf32> to vector<1x1x512xf32>
        %reduce_sum3A_356 = arith.constant dense<0.000000e+00> : vector<1xf32>
        %reduce_sum3A_357 = vector.multi_reduction <add>, %reduce_sum3A_355, %reduce_sum3A_356 [1, 2] : vector<1x1x512xf32> to vector<1xf32>
        %reduce_sum3A_358 = vector.shape_cast %reduce_sum3A_357 : vector<1xf32> to vector<1x1x1xf32>
        %reduce_sum3A_359 = vector.extract %reduce_sum3A_358[0, 0, 0] : f32 from vector<1x1x1xf32>
        %mul3A_360 = arith.constant 2 : i32
        %mul3A_361 = arith.muli %mul3A_360, %while3A_311 : i32
        %add3A_362 = arith.constant 1 : i32
        %add3A_363 = arith.addi %mul3A_361, %add3A_362 : i32
        %min3A_364 = arith.constant 9 : i32
        %min3A_365 = arith.minsi %add3A_363, %min3A_364 : i32
        %get3A_366 = arith.constant 0 : index
        %get3A_367 = arith.index_cast %min3A_365 : i32 to index
        %get3A_368 = arith.constant 0 : index
        %get3A_369 = arith.constant 0 : index
        %get3A_370 = vector.load %arg6[%get3A_366, %get3A_367, %get3A_368, %get3A_369] : memref<1x10x2x512xf32, #tpu.memory_space<vmem>>, vector<1x1x2x512xf32>
        %get3A_371 = vector.shape_cast %get3A_370 : vector<1x1x2x512xf32> to vector<2x512xf32>
        %iota3A_372 = tpu.iota {dimensions = array<i32: 1>} : vector<1x512xi32>
        %mul3A_373 = arith.constant 512 : i32
        %mul3A_374 = arith.muli %add3A_363, %mul3A_373 : i32
        %add3A_375 = vector.broadcast %mul3A_374 : i32 to vector<1x512xi32>
        %add3A_376 = arith.addi %iota3A_372, %add3A_375 : vector<1x512xi32>
        %lt3A_377 = vector.broadcast %get3A_4 : i32 to vector<1x512xi32>
        %lt3A_378 = arith.cmpi slt, %add3A_376, %lt3A_377 : vector<1x512xi32>
        %slice3A_379 = vector.extract_strided_slice %get3A_371 {offsets = [0, 0], sizes = [1, 512], strides = [1, 1]} : vector<2x512xf32> to vector<1x512xf32>
        %jit3A_380 = arith.constant -1.000000e+09 : f32
        %broadcast_in_dim3A_381 = vector.broadcast %jit3A_380 : f32 to vector<1x512xf32>
        %select_n3A_382 = arith.select %lt3A_378, %slice3A_379, %broadcast_in_dim3A_381 : vector<1x512xi1>, vector<1x512xf32>
        %slice3A_383 = vector.extract_strided_slice %get3A_371 {offsets = [1, 0], sizes = [1, 512], strides = [1, 1]} : vector<2x512xf32> to vector<1x512xf32>
        %jit3A_384 = arith.constant -1.000000e+09 : f32
        %broadcast_in_dim3A_385 = vector.broadcast %jit3A_384 : f32 to vector<1x512xf32>
        %select_n3A_386 = arith.select %lt3A_378, %slice3A_383, %broadcast_in_dim3A_385 : vector<1x512xi1>, vector<1x512xf32>
        %sub3A_387 = vector.broadcast %slice3A_260 : vector<896x1xf32> to vector<896x512xf32>
        %sub3A_388 = vector.broadcast %select_n3A_382 : vector<1x512xf32> to vector<896x512xf32>
        %sub3A_389 = arith.subf %sub3A_387, %sub3A_388 : vector<896x512xf32>
        %sub3A_390 = vector.broadcast %slice3A_261 : vector<896x1xf32> to vector<896x512xf32>
        %sub3A_391 = vector.broadcast %select_n3A_386 : vector<1x512xf32> to vector<896x512xf32>
        %sub3A_392 = arith.subf %sub3A_390, %sub3A_391 : vector<896x512xf32>
        %mul3A_393 = arith.mulf %sub3A_389, %sub3A_389 : vector<896x512xf32>
        %mul3A_394 = arith.mulf %sub3A_392, %sub3A_392 : vector<896x512xf32>
        %add3A_395 = arith.addf %mul3A_393, %mul3A_394 : vector<896x512xf32>
        %reduce_min3A_396 = arith.constant dense<0x7F800000> : vector<896xf32>
        %reduce_min3A_397 = vector.multi_reduction <minimumf>, %add3A_395, %reduce_min3A_396 [1] : vector<896x512xf32> to vector<896xf32>
        %broadcast_in_dim3A_398 = vector.shape_cast %reduce_min3A_397 : vector<896xf32> to vector<896x1xf32>
        %reduce_min3A_399 = arith.constant dense<0x7F800000> : vector<512xf32>
        %reduce_min3A_400 = vector.multi_reduction <minimumf>, %add3A_395, %reduce_min3A_399 [0] : vector<896x512xf32> to vector<512xf32>
        %broadcast_in_dim3A_401 = vector.shape_cast %reduce_min3A_400 : vector<512xf32> to vector<1x512xf32>
        %jit3A_402 = arith.constant 0.000000e+00 : f32
        %broadcast_in_dim3A_403 = vector.broadcast %jit3A_402 : f32 to vector<1x512xf32>
        %select_n3A_404 = arith.select %lt3A_378, %broadcast_in_dim3A_401, %broadcast_in_dim3A_403 : vector<1x512xi1>, vector<1x512xf32>
        %reduce_sum3A_405 = vector.shape_cast %select_n3A_404 : vector<1x512xf32> to vector<1x1x512xf32>
        %reduce_sum3A_406 = arith.constant dense<0.000000e+00> : vector<1xf32>
        %reduce_sum3A_407 = vector.multi_reduction <add>, %reduce_sum3A_405, %reduce_sum3A_406 [1, 2] : vector<1x1x512xf32> to vector<1xf32>
        %reduce_sum3A_408 = vector.shape_cast %reduce_sum3A_407 : vector<1xf32> to vector<1x1x1xf32>
        %reduce_sum3A_409 = vector.extract %reduce_sum3A_408[0, 0, 0] : f32 from vector<1x1x1xf32>
        %min3A_410 = arith.minimumf %broadcast_in_dim3A_348, %broadcast_in_dim3A_398 : vector<896x1xf32>
        %min3A_411 = arith.minimumf %while3A_312, %min3A_410 : vector<896x1xf32>
        %add3A_412 = arith.addf %reduce_sum3A_359, %reduce_sum3A_409 : f32
        %add3A_413 = arith.addf %while3A_313, %add3A_412 : f32
        scf.yield %min3A_411, %add3A_413 : vector<896x1xf32>, f32
      }
      %while3A_273 = arith.constant 1 : i32
      %while3A_274:2 = scf.for %while3A_311 = %while3A_270 to %while3A_266 step %while3A_273 iter_args(%while3A_312 = %while3A_272#0, %while3A_313 = %while3A_272#1) -> (vector<896x1xf32>, f32)  : i32 {
        %mul3A_314 = arith.constant 2 : i32
        %mul3A_315 = arith.muli %mul3A_314, %while3A_311 : i32
        %min3A = arith.constant 9 : i32
        %min3A_316 = arith.minsi %mul3A_315, %min3A : i32
        %get3A_317 = arith.constant 0 : index
        %get3A_318 = arith.index_cast %min3A_316 : i32 to index
        %get3A_319 = arith.constant 0 : index
        %get3A_320 = arith.constant 0 : index
        %get3A_321 = vector.load %arg6[%get3A_317, %get3A_318, %get3A_319, %get3A_320] : memref<1x10x2x512xf32, #tpu.memory_space<vmem>>, vector<1x1x2x512xf32>
        %get3A_322 = vector.shape_cast %get3A_321 : vector<1x1x2x512xf32> to vector<2x512xf32>
        %iota3A_323 = tpu.iota {dimensions = array<i32: 1>} : vector<1x512xi32>
        %mul3A_324 = arith.constant 512 : i32
        %mul3A_325 = arith.muli %mul3A_315, %mul3A_324 : i32
        %add3A_326 = vector.broadcast %mul3A_325 : i32 to vector<1x512xi32>
        %add3A_327 = arith.addi %iota3A_323, %add3A_326 : vector<1x512xi32>
        %lt3A_328 = vector.broadcast %get3A_4 : i32 to vector<1x512xi32>
        %lt3A_329 = arith.cmpi slt, %add3A_327, %lt3A_328 : vector<1x512xi32>
        %slice3A_330 = vector.extract_strided_slice %get3A_322 {offsets = [0, 0], sizes = [1, 512], strides = [1, 1]} : vector<2x512xf32> to vector<1x512xf32>
        %jit3A_331 = arith.constant -1.000000e+09 : f32
        %broadcast_in_dim3A_332 = vector.broadcast %jit3A_331 : f32 to vector<1x512xf32>
        %select_n3A_333 = arith.select %lt3A_329, %slice3A_330, %broadcast_in_dim3A_332 : vector<1x512xi1>, vector<1x512xf32>
        %slice3A_334 = vector.extract_strided_slice %get3A_322 {offsets = [1, 0], sizes = [1, 512], strides = [1, 1]} : vector<2x512xf32> to vector<1x512xf32>
        %jit3A_335 = arith.constant -1.000000e+09 : f32
        %broadcast_in_dim3A_336 = vector.broadcast %jit3A_335 : f32 to vector<1x512xf32>
        %select_n3A_337 = arith.select %lt3A_329, %slice3A_334, %broadcast_in_dim3A_336 : vector<1x512xi1>, vector<1x512xf32>
        %sub3A_338 = vector.broadcast %slice3A_260 : vector<896x1xf32> to vector<896x512xf32>
        %sub3A_339 = vector.broadcast %select_n3A_333 : vector<1x512xf32> to vector<896x512xf32>
        %sub3A_340 = arith.subf %sub3A_338, %sub3A_339 : vector<896x512xf32>
        %sub3A_341 = vector.broadcast %slice3A_261 : vector<896x1xf32> to vector<896x512xf32>
        %sub3A_342 = vector.broadcast %select_n3A_337 : vector<1x512xf32> to vector<896x512xf32>
        %sub3A_343 = arith.subf %sub3A_341, %sub3A_342 : vector<896x512xf32>
        %mul3A_344 = arith.mulf %sub3A_340, %sub3A_340 : vector<896x512xf32>
        %mul3A_345 = arith.mulf %sub3A_343, %sub3A_343 : vector<896x512xf32>
        %add3A_346 = arith.addf %mul3A_344, %mul3A_345 : vector<896x512xf32>
        %reduce_min3A = arith.constant dense<0x7F800000> : vector<896xf32>
        %reduce_min3A_347 = vector.multi_reduction <minimumf>, %add3A_346, %reduce_min3A [1] : vector<896x512xf32> to vector<896xf32>
        %broadcast_in_dim3A_348 = vector.shape_cast %reduce_min3A_347 : vector<896xf32> to vector<896x1xf32>
        %reduce_min3A_349 = arith.constant dense<0x7F800000> : vector<512xf32>
        %reduce_min3A_350 = vector.multi_reduction <minimumf>, %add3A_346, %reduce_min3A_349 [0] : vector<896x512xf32> to vector<512xf32>
        %broadcast_in_dim3A_351 = vector.shape_cast %reduce_min3A_350 : vector<512xf32> to vector<1x512xf32>
        %jit3A_352 = arith.constant 0.000000e+00 : f32
        %broadcast_in_dim3A_353 = vector.broadcast %jit3A_352 : f32 to vector<1x512xf32>
        %select_n3A_354 = arith.select %lt3A_329, %broadcast_in_dim3A_351, %broadcast_in_dim3A_353 : vector<1x512xi1>, vector<1x512xf32>
        %reduce_sum3A_355 = vector.shape_cast %select_n3A_354 : vector<1x512xf32> to vector<1x1x512xf32>
        %reduce_sum3A_356 = arith.constant dense<0.000000e+00> : vector<1xf32>
        %reduce_sum3A_357 = vector.multi_reduction <add>, %reduce_sum3A_355, %reduce_sum3A_356 [1, 2] : vector<1x1x512xf32> to vector<1xf32>
        %reduce_sum3A_358 = vector.shape_cast %reduce_sum3A_357 : vector<1xf32> to vector<1x1x1xf32>
        %reduce_sum3A_359 = vector.extract %reduce_sum3A_358[0, 0, 0] : f32 from vector<1x1x1xf32>
        %mul3A_360 = arith.constant 2 : i32
        %mul3A_361 = arith.muli %mul3A_360, %while3A_311 : i32
        %add3A_362 = arith.constant 1 : i32
        %add3A_363 = arith.addi %mul3A_361, %add3A_362 : i32
        %min3A_364 = arith.constant 9 : i32
        %min3A_365 = arith.minsi %add3A_363, %min3A_364 : i32
        %get3A_366 = arith.constant 0 : index
        %get3A_367 = arith.index_cast %min3A_365 : i32 to index
        %get3A_368 = arith.constant 0 : index
        %get3A_369 = arith.constant 0 : index
        %get3A_370 = vector.load %arg6[%get3A_366, %get3A_367, %get3A_368, %get3A_369] : memref<1x10x2x512xf32, #tpu.memory_space<vmem>>, vector<1x1x2x512xf32>
        %get3A_371 = vector.shape_cast %get3A_370 : vector<1x1x2x512xf32> to vector<2x512xf32>
        %iota3A_372 = tpu.iota {dimensions = array<i32: 1>} : vector<1x512xi32>
        %mul3A_373 = arith.constant 512 : i32
        %mul3A_374 = arith.muli %add3A_363, %mul3A_373 : i32
        %add3A_375 = vector.broadcast %mul3A_374 : i32 to vector<1x512xi32>
        %add3A_376 = arith.addi %iota3A_372, %add3A_375 : vector<1x512xi32>
        %lt3A_377 = vector.broadcast %get3A_4 : i32 to vector<1x512xi32>
        %lt3A_378 = arith.cmpi slt, %add3A_376, %lt3A_377 : vector<1x512xi32>
        %slice3A_379 = vector.extract_strided_slice %get3A_371 {offsets = [0, 0], sizes = [1, 512], strides = [1, 1]} : vector<2x512xf32> to vector<1x512xf32>
        %jit3A_380 = arith.constant -1.000000e+09 : f32
        %broadcast_in_dim3A_381 = vector.broadcast %jit3A_380 : f32 to vector<1x512xf32>
        %select_n3A_382 = arith.select %lt3A_378, %slice3A_379, %broadcast_in_dim3A_381 : vector<1x512xi1>, vector<1x512xf32>
        %slice3A_383 = vector.extract_strided_slice %get3A_371 {offsets = [1, 0], sizes = [1, 512], strides = [1, 1]} : vector<2x512xf32> to vector<1x512xf32>
        %jit3A_384 = arith.constant -1.000000e+09 : f32
        %broadcast_in_dim3A_385 = vector.broadcast %jit3A_384 : f32 to vector<1x512xf32>
        %select_n3A_386 = arith.select %lt3A_378, %slice3A_383, %broadcast_in_dim3A_385 : vector<1x512xi1>, vector<1x512xf32>
        %sub3A_387 = vector.broadcast %slice3A_260 : vector<896x1xf32> to vector<896x512xf32>
        %sub3A_388 = vector.broadcast %select_n3A_382 : vector<1x512xf32> to vector<896x512xf32>
        %sub3A_389 = arith.subf %sub3A_387, %sub3A_388 : vector<896x512xf32>
        %sub3A_390 = vector.broadcast %slice3A_261 : vector<896x1xf32> to vector<896x512xf32>
        %sub3A_391 = vector.broadcast %select_n3A_386 : vector<1x512xf32> to vector<896x512xf32>
        %sub3A_392 = arith.subf %sub3A_390, %sub3A_391 : vector<896x512xf32>
        %mul3A_393 = arith.mulf %sub3A_389, %sub3A_389 : vector<896x512xf32>
        %mul3A_394 = arith.mulf %sub3A_392, %sub3A_392 : vector<896x512xf32>
        %add3A_395 = arith.addf %mul3A_393, %mul3A_394 : vector<896x512xf32>
        %reduce_min3A_396 = arith.constant dense<0x7F800000> : vector<896xf32>
        %reduce_min3A_397 = vector.multi_reduction <minimumf>, %add3A_395, %reduce_min3A_396 [1] : vector<896x512xf32> to vector<896xf32>
        %broadcast_in_dim3A_398 = vector.shape_cast %reduce_min3A_397 : vector<896xf32> to vector<896x1xf32>
        %reduce_min3A_399 = arith.constant dense<0x7F800000> : vector<512xf32>
        %reduce_min3A_400 = vector.multi_reduction <minimumf>, %add3A_395, %reduce_min3A_399 [0] : vector<896x512xf32> to vector<512xf32>
        %broadcast_in_dim3A_401 = vector.shape_cast %reduce_min3A_400 : vector<512xf32> to vector<1x512xf32>
        %jit3A_402 = arith.constant 0.000000e+00 : f32
        %broadcast_in_dim3A_403 = vector.broadcast %jit3A_402 : f32 to vector<1x512xf32>
        %select_n3A_404 = arith.select %lt3A_378, %broadcast_in_dim3A_401, %broadcast_in_dim3A_403 : vector<1x512xi1>, vector<1x512xf32>
        %reduce_sum3A_405 = vector.shape_cast %select_n3A_404 : vector<1x512xf32> to vector<1x1x512xf32>
        %reduce_sum3A_406 = arith.constant dense<0.000000e+00> : vector<1xf32>
        %reduce_sum3A_407 = vector.multi_reduction <add>, %reduce_sum3A_405, %reduce_sum3A_406 [1, 2] : vector<1x1x512xf32> to vector<1xf32>
        %reduce_sum3A_408 = vector.shape_cast %reduce_sum3A_407 : vector<1xf32> to vector<1x1x1xf32>
        %reduce_sum3A_409 = vector.extract %reduce_sum3A_408[0, 0, 0] : f32 from vector<1x1x1xf32>
        %min3A_410 = arith.minimumf %broadcast_in_dim3A_348, %broadcast_in_dim3A_398 : vector<896x1xf32>
        %min3A_411 = arith.minimumf %while3A_312, %min3A_410 : vector<896x1xf32>
        %add3A_412 = arith.addf %reduce_sum3A_359, %reduce_sum3A_409 : f32
        %add3A_413 = arith.addf %while3A_313, %add3A_412 : f32
        scf.yield %min3A_411, %add3A_413 : vector<896x1xf32>, f32
      }
      %mul3A_275 = arith.constant 2 : i32
      %mul3A_276 = arith.muli %mul3A_275, %select_n3A_134 : i32
      %while3A_277 = arith.subi %select_n3A_110, %mul3A_276 : i32
      %while3A_278 = arith.addi %mul3A_276, %while3A_277 : i32
      %while3A_279 = arith.constant 1 : i32
      %while3A_280 = arith.divsi %while3A_277, %while3A_279 : i32
      %while3A_281 = arith.muli %while3A_280, %while3A_279 : i32
      %while3A_282 = arith.addi %mul3A_276, %while3A_281 : i32
      %while3A_283 = arith.constant 1 : i32
      %while3A_284:2 = scf.for %while3A_311 = %mul3A_276 to %while3A_282 step %while3A_283 iter_args(%while3A_312 = %while3A_274#0, %while3A_313 = %while3A_274#1) -> (vector<896x1xf32>, f32)  : i32 {
        %min3A = arith.constant 9 : i32
        %min3A_314 = arith.minsi %while3A_311, %min3A : i32
        %get3A_315 = arith.constant 0 : index
        %get3A_316 = arith.index_cast %min3A_314 : i32 to index
        %get3A_317 = arith.constant 0 : index
        %get3A_318 = arith.constant 0 : index
        %get3A_319 = vector.load %arg6[%get3A_315, %get3A_316, %get3A_317, %get3A_318] : memref<1x10x2x512xf32, #tpu.memory_space<vmem>>, vector<1x1x2x512xf32>
        %get3A_320 = vector.shape_cast %get3A_319 : vector<1x1x2x512xf32> to vector<2x512xf32>
        %iota3A_321 = tpu.iota {dimensions = array<i32: 1>} : vector<1x512xi32>
        %mul3A_322 = arith.constant 512 : i32
        %mul3A_323 = arith.muli %while3A_311, %mul3A_322 : i32
        %add3A_324 = vector.broadcast %mul3A_323 : i32 to vector<1x512xi32>
        %add3A_325 = arith.addi %iota3A_321, %add3A_324 : vector<1x512xi32>
        %lt3A_326 = vector.broadcast %get3A_4 : i32 to vector<1x512xi32>
        %lt3A_327 = arith.cmpi slt, %add3A_325, %lt3A_326 : vector<1x512xi32>
        %slice3A_328 = vector.extract_strided_slice %get3A_320 {offsets = [0, 0], sizes = [1, 512], strides = [1, 1]} : vector<2x512xf32> to vector<1x512xf32>
        %jit3A_329 = arith.constant -1.000000e+09 : f32
        %broadcast_in_dim3A_330 = vector.broadcast %jit3A_329 : f32 to vector<1x512xf32>
        %select_n3A_331 = arith.select %lt3A_327, %slice3A_328, %broadcast_in_dim3A_330 : vector<1x512xi1>, vector<1x512xf32>
        %slice3A_332 = vector.extract_strided_slice %get3A_320 {offsets = [1, 0], sizes = [1, 512], strides = [1, 1]} : vector<2x512xf32> to vector<1x512xf32>
        %jit3A_333 = arith.constant -1.000000e+09 : f32
        %broadcast_in_dim3A_334 = vector.broadcast %jit3A_333 : f32 to vector<1x512xf32>
        %select_n3A_335 = arith.select %lt3A_327, %slice3A_332, %broadcast_in_dim3A_334 : vector<1x512xi1>, vector<1x512xf32>
        %sub3A_336 = vector.broadcast %slice3A_260 : vector<896x1xf32> to vector<896x512xf32>
        %sub3A_337 = vector.broadcast %select_n3A_331 : vector<1x512xf32> to vector<896x512xf32>
        %sub3A_338 = arith.subf %sub3A_336, %sub3A_337 : vector<896x512xf32>
        %sub3A_339 = vector.broadcast %slice3A_261 : vector<896x1xf32> to vector<896x512xf32>
        %sub3A_340 = vector.broadcast %select_n3A_335 : vector<1x512xf32> to vector<896x512xf32>
        %sub3A_341 = arith.subf %sub3A_339, %sub3A_340 : vector<896x512xf32>
        %mul3A_342 = arith.mulf %sub3A_338, %sub3A_338 : vector<896x512xf32>
        %mul3A_343 = arith.mulf %sub3A_341, %sub3A_341 : vector<896x512xf32>
        %add3A_344 = arith.addf %mul3A_342, %mul3A_343 : vector<896x512xf32>
        %reduce_min3A = arith.constant dense<0x7F800000> : vector<896xf32>
        %reduce_min3A_345 = vector.multi_reduction <minimumf>, %add3A_344, %reduce_min3A [1] : vector<896x512xf32> to vector<896xf32>
        %broadcast_in_dim3A_346 = vector.shape_cast %reduce_min3A_345 : vector<896xf32> to vector<896x1xf32>
        %reduce_min3A_347 = arith.constant dense<0x7F800000> : vector<512xf32>
        %reduce_min3A_348 = vector.multi_reduction <minimumf>, %add3A_344, %reduce_min3A_347 [0] : vector<896x512xf32> to vector<512xf32>
        %broadcast_in_dim3A_349 = vector.shape_cast %reduce_min3A_348 : vector<512xf32> to vector<1x512xf32>
        %jit3A_350 = arith.constant 0.000000e+00 : f32
        %broadcast_in_dim3A_351 = vector.broadcast %jit3A_350 : f32 to vector<1x512xf32>
        %select_n3A_352 = arith.select %lt3A_327, %broadcast_in_dim3A_349, %broadcast_in_dim3A_351 : vector<1x512xi1>, vector<1x512xf32>
        %reduce_sum3A_353 = vector.shape_cast %select_n3A_352 : vector<1x512xf32> to vector<1x1x512xf32>
        %reduce_sum3A_354 = arith.constant dense<0.000000e+00> : vector<1xf32>
        %reduce_sum3A_355 = vector.multi_reduction <add>, %reduce_sum3A_353, %reduce_sum3A_354 [1, 2] : vector<1x1x512xf32> to vector<1xf32>
        %reduce_sum3A_356 = vector.shape_cast %reduce_sum3A_355 : vector<1xf32> to vector<1x1x1xf32>
        %reduce_sum3A_357 = vector.extract %reduce_sum3A_356[0, 0, 0] : f32 from vector<1x1x1xf32>
        %min3A_358 = arith.minimumf %while3A_312, %broadcast_in_dim3A_346 : vector<896x1xf32>
        %add3A_359 = arith.addf %while3A_313, %reduce_sum3A_357 : f32
        scf.yield %min3A_358, %add3A_359 : vector<896x1xf32>, f32
      }
      %while3A_285 = arith.constant 1 : i32
      %while3A_286:2 = scf.for %while3A_311 = %while3A_282 to %while3A_278 step %while3A_285 iter_args(%while3A_312 = %while3A_284#0, %while3A_313 = %while3A_284#1) -> (vector<896x1xf32>, f32)  : i32 {
        %min3A = arith.constant 9 : i32
        %min3A_314 = arith.minsi %while3A_311, %min3A : i32
        %get3A_315 = arith.constant 0 : index
        %get3A_316 = arith.index_cast %min3A_314 : i32 to index
        %get3A_317 = arith.constant 0 : index
        %get3A_318 = arith.constant 0 : index
        %get3A_319 = vector.load %arg6[%get3A_315, %get3A_316, %get3A_317, %get3A_318] : memref<1x10x2x512xf32, #tpu.memory_space<vmem>>, vector<1x1x2x512xf32>
        %get3A_320 = vector.shape_cast %get3A_319 : vector<1x1x2x512xf32> to vector<2x512xf32>
        %iota3A_321 = tpu.iota {dimensions = array<i32: 1>} : vector<1x512xi32>
        %mul3A_322 = arith.constant 512 : i32
        %mul3A_323 = arith.muli %while3A_311, %mul3A_322 : i32
        %add3A_324 = vector.broadcast %mul3A_323 : i32 to vector<1x512xi32>
        %add3A_325 = arith.addi %iota3A_321, %add3A_324 : vector<1x512xi32>
        %lt3A_326 = vector.broadcast %get3A_4 : i32 to vector<1x512xi32>
        %lt3A_327 = arith.cmpi slt, %add3A_325, %lt3A_326 : vector<1x512xi32>
        %slice3A_328 = vector.extract_strided_slice %get3A_320 {offsets = [0, 0], sizes = [1, 512], strides = [1, 1]} : vector<2x512xf32> to vector<1x512xf32>
        %jit3A_329 = arith.constant -1.000000e+09 : f32
        %broadcast_in_dim3A_330 = vector.broadcast %jit3A_329 : f32 to vector<1x512xf32>
        %select_n3A_331 = arith.select %lt3A_327, %slice3A_328, %broadcast_in_dim3A_330 : vector<1x512xi1>, vector<1x512xf32>
        %slice3A_332 = vector.extract_strided_slice %get3A_320 {offsets = [1, 0], sizes = [1, 512], strides = [1, 1]} : vector<2x512xf32> to vector<1x512xf32>
        %jit3A_333 = arith.constant -1.000000e+09 : f32
        %broadcast_in_dim3A_334 = vector.broadcast %jit3A_333 : f32 to vector<1x512xf32>
        %select_n3A_335 = arith.select %lt3A_327, %slice3A_332, %broadcast_in_dim3A_334 : vector<1x512xi1>, vector<1x512xf32>
        %sub3A_336 = vector.broadcast %slice3A_260 : vector<896x1xf32> to vector<896x512xf32>
        %sub3A_337 = vector.broadcast %select_n3A_331 : vector<1x512xf32> to vector<896x512xf32>
        %sub3A_338 = arith.subf %sub3A_336, %sub3A_337 : vector<896x512xf32>
        %sub3A_339 = vector.broadcast %slice3A_261 : vector<896x1xf32> to vector<896x512xf32>
        %sub3A_340 = vector.broadcast %select_n3A_335 : vector<1x512xf32> to vector<896x512xf32>
        %sub3A_341 = arith.subf %sub3A_339, %sub3A_340 : vector<896x512xf32>
        %mul3A_342 = arith.mulf %sub3A_338, %sub3A_338 : vector<896x512xf32>
        %mul3A_343 = arith.mulf %sub3A_341, %sub3A_341 : vector<896x512xf32>
        %add3A_344 = arith.addf %mul3A_342, %mul3A_343 : vector<896x512xf32>
        %reduce_min3A = arith.constant dense<0x7F800000> : vector<896xf32>
        %reduce_min3A_345 = vector.multi_reduction <minimumf>, %add3A_344, %reduce_min3A [1] : vector<896x512xf32> to vector<896xf32>
        %broadcast_in_dim3A_346 = vector.shape_cast %reduce_min3A_345 : vector<896xf32> to vector<896x1xf32>
        %reduce_min3A_347 = arith.constant dense<0x7F800000> : vector<512xf32>
        %reduce_min3A_348 = vector.multi_reduction <minimumf>, %add3A_344, %reduce_min3A_347 [0] : vector<896x512xf32> to vector<512xf32>
        %broadcast_in_dim3A_349 = vector.shape_cast %reduce_min3A_348 : vector<512xf32> to vector<1x512xf32>
        %jit3A_350 = arith.constant 0.000000e+00 : f32
        %broadcast_in_dim3A_351 = vector.broadcast %jit3A_350 : f32 to vector<1x512xf32>
        %select_n3A_352 = arith.select %lt3A_327, %broadcast_in_dim3A_349, %broadcast_in_dim3A_351 : vector<1x512xi1>, vector<1x512xf32>
        %reduce_sum3A_353 = vector.shape_cast %select_n3A_352 : vector<1x512xf32> to vector<1x1x512xf32>
        %reduce_sum3A_354 = arith.constant dense<0.000000e+00> : vector<1xf32>
        %reduce_sum3A_355 = vector.multi_reduction <add>, %reduce_sum3A_353, %reduce_sum3A_354 [1, 2] : vector<1x1x512xf32> to vector<1xf32>
        %reduce_sum3A_356 = vector.shape_cast %reduce_sum3A_355 : vector<1xf32> to vector<1x1x1xf32>
        %reduce_sum3A_357 = vector.extract %reduce_sum3A_356[0, 0, 0] : f32 from vector<1x1x1xf32>
        %min3A_358 = arith.minimumf %while3A_312, %broadcast_in_dim3A_346 : vector<896x1xf32>
        %add3A_359 = arith.addf %while3A_313, %reduce_sum3A_357 : f32
        scf.yield %min3A_358, %add3A_359 : vector<896x1xf32>, f32
      }
      %iota3A_287 = tpu.iota {dimensions = array<i32: 0>} : vector<896x1xi32>
      %lt3A_288 = vector.broadcast %get3A_1 : i32 to vector<896x1xi32>
      %lt3A_289 = arith.cmpi slt, %iota3A_287, %lt3A_288 : vector<896x1xi32>
      %jit3A_290 = arith.constant 0.000000e+00 : f32
      %broadcast_in_dim3A_291 = vector.broadcast %jit3A_290 : f32 to vector<896x1xf32>
      %select_n3A_292 = arith.select %lt3A_289, %while3A_286#0, %broadcast_in_dim3A_291 : vector<896x1xi1>, vector<896x1xf32>
      %reduce_sum3A = vector.shape_cast %select_n3A_292 : vector<896x1xf32> to vector<1x896x1xf32>
      %reduce_sum3A_293 = arith.constant dense<0.000000e+00> : vector<1xf32>
      %reduce_sum3A_294 = vector.multi_reduction <add>, %reduce_sum3A, %reduce_sum3A_293 [1, 2] : vector<1x896x1xf32> to vector<1xf32>
      %reduce_sum3A_295 = vector.shape_cast %reduce_sum3A_294 : vector<1xf32> to vector<1x1x1xf32>
      %reduce_sum3A_296 = vector.extract %reduce_sum3A_295[0, 0, 0] : f32 from vector<1x1x1xf32>
      %div3A_297 = arith.divf %reduce_sum3A_296, %convert_element_type3A : f32
      %div3A_298 = arith.divf %while3A_286#1, %convert_element_type3A_8 : f32
      %add3A_299 = arith.addf %div3A_297, %div3A_298 : f32
      %mul3A_300 = arith.constant 1.250000e-01 : f32
      %mul3A_301 = arith.mulf %add3A_299, %mul3A_300 : f32
      %eq3A = arith.constant 0 : i32
      %eq3A_302 = arith.cmpi eq, %arg1, %eq3A : i32
      %convert_element_type3A_303 = arith.extui %eq3A_302 : i1 to i32
      %cond3A_304 = arith.constant 0 : i32
      %cond3A_305 = arith.cmpi ne, %convert_element_type3A_303, %cond3A_304 : i32
      scf.if %cond3A_305 {
        %swap3A = arith.index_cast %arg0 : i32 to index
        %swap3A_311 = arith.constant 0 : index
        %swap3A_312 = memref.load %arg7[%swap3A, %swap3A_311] : memref<4x1xf32, #tpu.memory_space<smem>>
        memref.store %mul3A_301, %arg7[%swap3A, %swap3A_311] : memref<4x1xf32, #tpu.memory_space<smem>>
      } else {
      }
      %gt3A_306 = arith.constant 0 : i32
      %gt3A_307 = arith.cmpi sgt, %arg1, %gt3A_306 : i32
      %convert_element_type3A_308 = arith.extui %gt3A_307 : i1 to i32
      %cond3A_309 = arith.constant 0 : i32
      %cond3A_310 = arith.cmpi ne, %convert_element_type3A_308, %cond3A_309 : i32
      scf.if %cond3A_310 {
        %get3A_311 = arith.index_cast %arg0 : i32 to index
        %get3A_312 = arith.constant 0 : index
        %get3A_313 = memref.load %arg7[%get3A_311, %get3A_312] : memref<4x1xf32, #tpu.memory_space<smem>>
        %add3A_314 = arith.addf %get3A_313, %mul3A_301 : f32
        %swap3A = arith.index_cast %arg0 : i32 to index
        %swap3A_315 = arith.constant 0 : index
        %swap3A_316 = memref.load %arg7[%swap3A, %swap3A_315] : memref<4x1xf32, #tpu.memory_space<smem>>
        memref.store %add3A_314, %arg7[%swap3A, %swap3A_315] : memref<4x1xf32, #tpu.memory_space<smem>>
      } else {
      }
    } else {
    }
    %gt3A_244 = arith.constant 896 : i32
    %gt3A_245 = arith.cmpi sgt, %get3A_1, %gt3A_244 : i32
    %le3A_246 = arith.constant 960 : i32
    %le3A_247 = arith.cmpi sle, %get3A_1, %le3A_246 : i32
    %and3A_248 = arith.andi %gt3A_245, %le3A_247 : i1
    %convert_element_type3A_249 = arith.extui %and3A_248 : i1 to i32
    %cond3A_250 = arith.constant 0 : i32
    %cond3A_251 = arith.cmpi ne, %convert_element_type3A_249, %cond3A_250 : i32
    scf.if %cond3A_251 {
      %slice3A_260 = vector.extract_strided_slice %reshape3A {offsets = [0, 0], sizes = [960, 1], strides = [1, 1]} : vector<1024x1xf32> to vector<960x1xf32>
      %slice3A_261 = vector.extract_strided_slice %reshape3A_87 {offsets = [0, 0], sizes = [960, 1], strides = [1, 1]} : vector<1024x1xf32> to vector<960x1xf32>
      %broadcast_in_dim3A_262 = arith.constant 1.000000e+30 : f32
      %broadcast_in_dim3A_263 = vector.broadcast %broadcast_in_dim3A_262 : f32 to vector<960x1xf32>
      %while3A = arith.constant 0 : i32
      %while3A_264 = arith.constant 0.000000e+00 : f32
      %while3A_265 = arith.subi %select_n3A_134, %while3A : i32
      %while3A_266 = arith.addi %while3A, %while3A_265 : i32
      %while3A_267 = arith.constant 1 : i32
      %while3A_268 = arith.divsi %while3A_265, %while3A_267 : i32
      %while3A_269 = arith.muli %while3A_268, %while3A_267 : i32
      %while3A_270 = arith.addi %while3A, %while3A_269 : i32
      %while3A_271 = arith.constant 1 : i32
      %while3A_272:2 = scf.for %while3A_311 = %while3A to %while3A_270 step %while3A_271 iter_args(%while3A_312 = %broadcast_in_dim3A_263, %while3A_313 = %while3A_264) -> (vector<960x1xf32>, f32)  : i32 {
        %mul3A_314 = arith.constant 2 : i32
        %mul3A_315 = arith.muli %mul3A_314, %while3A_311 : i32
        %min3A = arith.constant 9 : i32
        %min3A_316 = arith.minsi %mul3A_315, %min3A : i32
        %get3A_317 = arith.constant 0 : index
        %get3A_318 = arith.index_cast %min3A_316 : i32 to index
        %get3A_319 = arith.constant 0 : index
        %get3A_320 = arith.constant 0 : index
        %get3A_321 = vector.load %arg6[%get3A_317, %get3A_318, %get3A_319, %get3A_320] : memref<1x10x2x512xf32, #tpu.memory_space<vmem>>, vector<1x1x2x512xf32>
        %get3A_322 = vector.shape_cast %get3A_321 : vector<1x1x2x512xf32> to vector<2x512xf32>
        %iota3A_323 = tpu.iota {dimensions = array<i32: 1>} : vector<1x512xi32>
        %mul3A_324 = arith.constant 512 : i32
        %mul3A_325 = arith.muli %mul3A_315, %mul3A_324 : i32
        %add3A_326 = vector.broadcast %mul3A_325 : i32 to vector<1x512xi32>
        %add3A_327 = arith.addi %iota3A_323, %add3A_326 : vector<1x512xi32>
        %lt3A_328 = vector.broadcast %get3A_4 : i32 to vector<1x512xi32>
        %lt3A_329 = arith.cmpi slt, %add3A_327, %lt3A_328 : vector<1x512xi32>
        %slice3A_330 = vector.extract_strided_slice %get3A_322 {offsets = [0, 0], sizes = [1, 512], strides = [1, 1]} : vector<2x512xf32> to vector<1x512xf32>
        %jit3A_331 = arith.constant -1.000000e+09 : f32
        %broadcast_in_dim3A_332 = vector.broadcast %jit3A_331 : f32 to vector<1x512xf32>
        %select_n3A_333 = arith.select %lt3A_329, %slice3A_330, %broadcast_in_dim3A_332 : vector<1x512xi1>, vector<1x512xf32>
        %slice3A_334 = vector.extract_strided_slice %get3A_322 {offsets = [1, 0], sizes = [1, 512], strides = [1, 1]} : vector<2x512xf32> to vector<1x512xf32>
        %jit3A_335 = arith.constant -1.000000e+09 : f32
        %broadcast_in_dim3A_336 = vector.broadcast %jit3A_335 : f32 to vector<1x512xf32>
        %select_n3A_337 = arith.select %lt3A_329, %slice3A_334, %broadcast_in_dim3A_336 : vector<1x512xi1>, vector<1x512xf32>
        %sub3A_338 = vector.broadcast %slice3A_260 : vector<960x1xf32> to vector<960x512xf32>
        %sub3A_339 = vector.broadcast %select_n3A_333 : vector<1x512xf32> to vector<960x512xf32>
        %sub3A_340 = arith.subf %sub3A_338, %sub3A_339 : vector<960x512xf32>
        %sub3A_341 = vector.broadcast %slice3A_261 : vector<960x1xf32> to vector<960x512xf32>
        %sub3A_342 = vector.broadcast %select_n3A_337 : vector<1x512xf32> to vector<960x512xf32>
        %sub3A_343 = arith.subf %sub3A_341, %sub3A_342 : vector<960x512xf32>
        %mul3A_344 = arith.mulf %sub3A_340, %sub3A_340 : vector<960x512xf32>
        %mul3A_345 = arith.mulf %sub3A_343, %sub3A_343 : vector<960x512xf32>
        %add3A_346 = arith.addf %mul3A_344, %mul3A_345 : vector<960x512xf32>
        %reduce_min3A = arith.constant dense<0x7F800000> : vector<960xf32>
        %reduce_min3A_347 = vector.multi_reduction <minimumf>, %add3A_346, %reduce_min3A [1] : vector<960x512xf32> to vector<960xf32>
        %broadcast_in_dim3A_348 = vector.shape_cast %reduce_min3A_347 : vector<960xf32> to vector<960x1xf32>
        %reduce_min3A_349 = arith.constant dense<0x7F800000> : vector<512xf32>
        %reduce_min3A_350 = vector.multi_reduction <minimumf>, %add3A_346, %reduce_min3A_349 [0] : vector<960x512xf32> to vector<512xf32>
        %broadcast_in_dim3A_351 = vector.shape_cast %reduce_min3A_350 : vector<512xf32> to vector<1x512xf32>
        %jit3A_352 = arith.constant 0.000000e+00 : f32
        %broadcast_in_dim3A_353 = vector.broadcast %jit3A_352 : f32 to vector<1x512xf32>
        %select_n3A_354 = arith.select %lt3A_329, %broadcast_in_dim3A_351, %broadcast_in_dim3A_353 : vector<1x512xi1>, vector<1x512xf32>
        %reduce_sum3A_355 = vector.shape_cast %select_n3A_354 : vector<1x512xf32> to vector<1x1x512xf32>
        %reduce_sum3A_356 = arith.constant dense<0.000000e+00> : vector<1xf32>
        %reduce_sum3A_357 = vector.multi_reduction <add>, %reduce_sum3A_355, %reduce_sum3A_356 [1, 2] : vector<1x1x512xf32> to vector<1xf32>
        %reduce_sum3A_358 = vector.shape_cast %reduce_sum3A_357 : vector<1xf32> to vector<1x1x1xf32>
        %reduce_sum3A_359 = vector.extract %reduce_sum3A_358[0, 0, 0] : f32 from vector<1x1x1xf32>
        %mul3A_360 = arith.constant 2 : i32
        %mul3A_361 = arith.muli %mul3A_360, %while3A_311 : i32
        %add3A_362 = arith.constant 1 : i32
        %add3A_363 = arith.addi %mul3A_361, %add3A_362 : i32
        %min3A_364 = arith.constant 9 : i32
        %min3A_365 = arith.minsi %add3A_363, %min3A_364 : i32
        %get3A_366 = arith.constant 0 : index
        %get3A_367 = arith.index_cast %min3A_365 : i32 to index
        %get3A_368 = arith.constant 0 : index
        %get3A_369 = arith.constant 0 : index
        %get3A_370 = vector.load %arg6[%get3A_366, %get3A_367, %get3A_368, %get3A_369] : memref<1x10x2x512xf32, #tpu.memory_space<vmem>>, vector<1x1x2x512xf32>
        %get3A_371 = vector.shape_cast %get3A_370 : vector<1x1x2x512xf32> to vector<2x512xf32>
        %iota3A_372 = tpu.iota {dimensions = array<i32: 1>} : vector<1x512xi32>
        %mul3A_373 = arith.constant 512 : i32
        %mul3A_374 = arith.muli %add3A_363, %mul3A_373 : i32
        %add3A_375 = vector.broadcast %mul3A_374 : i32 to vector<1x512xi32>
        %add3A_376 = arith.addi %iota3A_372, %add3A_375 : vector<1x512xi32>
        %lt3A_377 = vector.broadcast %get3A_4 : i32 to vector<1x512xi32>
        %lt3A_378 = arith.cmpi slt, %add3A_376, %lt3A_377 : vector<1x512xi32>
        %slice3A_379 = vector.extract_strided_slice %get3A_371 {offsets = [0, 0], sizes = [1, 512], strides = [1, 1]} : vector<2x512xf32> to vector<1x512xf32>
        %jit3A_380 = arith.constant -1.000000e+09 : f32
        %broadcast_in_dim3A_381 = vector.broadcast %jit3A_380 : f32 to vector<1x512xf32>
        %select_n3A_382 = arith.select %lt3A_378, %slice3A_379, %broadcast_in_dim3A_381 : vector<1x512xi1>, vector<1x512xf32>
        %slice3A_383 = vector.extract_strided_slice %get3A_371 {offsets = [1, 0], sizes = [1, 512], strides = [1, 1]} : vector<2x512xf32> to vector<1x512xf32>
        %jit3A_384 = arith.constant -1.000000e+09 : f32
        %broadcast_in_dim3A_385 = vector.broadcast %jit3A_384 : f32 to vector<1x512xf32>
        %select_n3A_386 = arith.select %lt3A_378, %slice3A_383, %broadcast_in_dim3A_385 : vector<1x512xi1>, vector<1x512xf32>
        %sub3A_387 = vector.broadcast %slice3A_260 : vector<960x1xf32> to vector<960x512xf32>
        %sub3A_388 = vector.broadcast %select_n3A_382 : vector<1x512xf32> to vector<960x512xf32>
        %sub3A_389 = arith.subf %sub3A_387, %sub3A_388 : vector<960x512xf32>
        %sub3A_390 = vector.broadcast %slice3A_261 : vector<960x1xf32> to vector<960x512xf32>
        %sub3A_391 = vector.broadcast %select_n3A_386 : vector<1x512xf32> to vector<960x512xf32>
        %sub3A_392 = arith.subf %sub3A_390, %sub3A_391 : vector<960x512xf32>
        %mul3A_393 = arith.mulf %sub3A_389, %sub3A_389 : vector<960x512xf32>
        %mul3A_394 = arith.mulf %sub3A_392, %sub3A_392 : vector<960x512xf32>
        %add3A_395 = arith.addf %mul3A_393, %mul3A_394 : vector<960x512xf32>
        %reduce_min3A_396 = arith.constant dense<0x7F800000> : vector<960xf32>
        %reduce_min3A_397 = vector.multi_reduction <minimumf>, %add3A_395, %reduce_min3A_396 [1] : vector<960x512xf32> to vector<960xf32>
        %broadcast_in_dim3A_398 = vector.shape_cast %reduce_min3A_397 : vector<960xf32> to vector<960x1xf32>
        %reduce_min3A_399 = arith.constant dense<0x7F800000> : vector<512xf32>
        %reduce_min3A_400 = vector.multi_reduction <minimumf>, %add3A_395, %reduce_min3A_399 [0] : vector<960x512xf32> to vector<512xf32>
        %broadcast_in_dim3A_401 = vector.shape_cast %reduce_min3A_400 : vector<512xf32> to vector<1x512xf32>
        %jit3A_402 = arith.constant 0.000000e+00 : f32
        %broadcast_in_dim3A_403 = vector.broadcast %jit3A_402 : f32 to vector<1x512xf32>
        %select_n3A_404 = arith.select %lt3A_378, %broadcast_in_dim3A_401, %broadcast_in_dim3A_403 : vector<1x512xi1>, vector<1x512xf32>
        %reduce_sum3A_405 = vector.shape_cast %select_n3A_404 : vector<1x512xf32> to vector<1x1x512xf32>
        %reduce_sum3A_406 = arith.constant dense<0.000000e+00> : vector<1xf32>
        %reduce_sum3A_407 = vector.multi_reduction <add>, %reduce_sum3A_405, %reduce_sum3A_406 [1, 2] : vector<1x1x512xf32> to vector<1xf32>
        %reduce_sum3A_408 = vector.shape_cast %reduce_sum3A_407 : vector<1xf32> to vector<1x1x1xf32>
        %reduce_sum3A_409 = vector.extract %reduce_sum3A_408[0, 0, 0] : f32 from vector<1x1x1xf32>
        %min3A_410 = arith.minimumf %broadcast_in_dim3A_348, %broadcast_in_dim3A_398 : vector<960x1xf32>
        %min3A_411 = arith.minimumf %while3A_312, %min3A_410 : vector<960x1xf32>
        %add3A_412 = arith.addf %reduce_sum3A_359, %reduce_sum3A_409 : f32
        %add3A_413 = arith.addf %while3A_313, %add3A_412 : f32
        scf.yield %min3A_411, %add3A_413 : vector<960x1xf32>, f32
      }
      %while3A_273 = arith.constant 1 : i32
      %while3A_274:2 = scf.for %while3A_311 = %while3A_270 to %while3A_266 step %while3A_273 iter_args(%while3A_312 = %while3A_272#0, %while3A_313 = %while3A_272#1) -> (vector<960x1xf32>, f32)  : i32 {
        %mul3A_314 = arith.constant 2 : i32
        %mul3A_315 = arith.muli %mul3A_314, %while3A_311 : i32
        %min3A = arith.constant 9 : i32
        %min3A_316 = arith.minsi %mul3A_315, %min3A : i32
        %get3A_317 = arith.constant 0 : index
        %get3A_318 = arith.index_cast %min3A_316 : i32 to index
        %get3A_319 = arith.constant 0 : index
        %get3A_320 = arith.constant 0 : index
        %get3A_321 = vector.load %arg6[%get3A_317, %get3A_318, %get3A_319, %get3A_320] : memref<1x10x2x512xf32, #tpu.memory_space<vmem>>, vector<1x1x2x512xf32>
        %get3A_322 = vector.shape_cast %get3A_321 : vector<1x1x2x512xf32> to vector<2x512xf32>
        %iota3A_323 = tpu.iota {dimensions = array<i32: 1>} : vector<1x512xi32>
        %mul3A_324 = arith.constant 512 : i32
        %mul3A_325 = arith.muli %mul3A_315, %mul3A_324 : i32
        %add3A_326 = vector.broadcast %mul3A_325 : i32 to vector<1x512xi32>
        %add3A_327 = arith.addi %iota3A_323, %add3A_326 : vector<1x512xi32>
        %lt3A_328 = vector.broadcast %get3A_4 : i32 to vector<1x512xi32>
        %lt3A_329 = arith.cmpi slt, %add3A_327, %lt3A_328 : vector<1x512xi32>
        %slice3A_330 = vector.extract_strided_slice %get3A_322 {offsets = [0, 0], sizes = [1, 512], strides = [1, 1]} : vector<2x512xf32> to vector<1x512xf32>
        %jit3A_331 = arith.constant -1.000000e+09 : f32
        %broadcast_in_dim3A_332 = vector.broadcast %jit3A_331 : f32 to vector<1x512xf32>
        %select_n3A_333 = arith.select %lt3A_329, %slice3A_330, %broadcast_in_dim3A_332 : vector<1x512xi1>, vector<1x512xf32>
        %slice3A_334 = vector.extract_strided_slice %get3A_322 {offsets = [1, 0], sizes = [1, 512], strides = [1, 1]} : vector<2x512xf32> to vector<1x512xf32>
        %jit3A_335 = arith.constant -1.000000e+09 : f32
        %broadcast_in_dim3A_336 = vector.broadcast %jit3A_335 : f32 to vector<1x512xf32>
        %select_n3A_337 = arith.select %lt3A_329, %slice3A_334, %broadcast_in_dim3A_336 : vector<1x512xi1>, vector<1x512xf32>
        %sub3A_338 = vector.broadcast %slice3A_260 : vector<960x1xf32> to vector<960x512xf32>
        %sub3A_339 = vector.broadcast %select_n3A_333 : vector<1x512xf32> to vector<960x512xf32>
        %sub3A_340 = arith.subf %sub3A_338, %sub3A_339 : vector<960x512xf32>
        %sub3A_341 = vector.broadcast %slice3A_261 : vector<960x1xf32> to vector<960x512xf32>
        %sub3A_342 = vector.broadcast %select_n3A_337 : vector<1x512xf32> to vector<960x512xf32>
        %sub3A_343 = arith.subf %sub3A_341, %sub3A_342 : vector<960x512xf32>
        %mul3A_344 = arith.mulf %sub3A_340, %sub3A_340 : vector<960x512xf32>
        %mul3A_345 = arith.mulf %sub3A_343, %sub3A_343 : vector<960x512xf32>
        %add3A_346 = arith.addf %mul3A_344, %mul3A_345 : vector<960x512xf32>
        %reduce_min3A = arith.constant dense<0x7F800000> : vector<960xf32>
        %reduce_min3A_347 = vector.multi_reduction <minimumf>, %add3A_346, %reduce_min3A [1] : vector<960x512xf32> to vector<960xf32>
        %broadcast_in_dim3A_348 = vector.shape_cast %reduce_min3A_347 : vector<960xf32> to vector<960x1xf32>
        %reduce_min3A_349 = arith.constant dense<0x7F800000> : vector<512xf32>
        %reduce_min3A_350 = vector.multi_reduction <minimumf>, %add3A_346, %reduce_min3A_349 [0] : vector<960x512xf32> to vector<512xf32>
        %broadcast_in_dim3A_351 = vector.shape_cast %reduce_min3A_350 : vector<512xf32> to vector<1x512xf32>
        %jit3A_352 = arith.constant 0.000000e+00 : f32
        %broadcast_in_dim3A_353 = vector.broadcast %jit3A_352 : f32 to vector<1x512xf32>
        %select_n3A_354 = arith.select %lt3A_329, %broadcast_in_dim3A_351, %broadcast_in_dim3A_353 : vector<1x512xi1>, vector<1x512xf32>
        %reduce_sum3A_355 = vector.shape_cast %select_n3A_354 : vector<1x512xf32> to vector<1x1x512xf32>
        %reduce_sum3A_356 = arith.constant dense<0.000000e+00> : vector<1xf32>
        %reduce_sum3A_357 = vector.multi_reduction <add>, %reduce_sum3A_355, %reduce_sum3A_356 [1, 2] : vector<1x1x512xf32> to vector<1xf32>
        %reduce_sum3A_358 = vector.shape_cast %reduce_sum3A_357 : vector<1xf32> to vector<1x1x1xf32>
        %reduce_sum3A_359 = vector.extract %reduce_sum3A_358[0, 0, 0] : f32 from vector<1x1x1xf32>
        %mul3A_360 = arith.constant 2 : i32
        %mul3A_361 = arith.muli %mul3A_360, %while3A_311 : i32
        %add3A_362 = arith.constant 1 : i32
        %add3A_363 = arith.addi %mul3A_361, %add3A_362 : i32
        %min3A_364 = arith.constant 9 : i32
        %min3A_365 = arith.minsi %add3A_363, %min3A_364 : i32
        %get3A_366 = arith.constant 0 : index
        %get3A_367 = arith.index_cast %min3A_365 : i32 to index
        %get3A_368 = arith.constant 0 : index
        %get3A_369 = arith.constant 0 : index
        %get3A_370 = vector.load %arg6[%get3A_366, %get3A_367, %get3A_368, %get3A_369] : memref<1x10x2x512xf32, #tpu.memory_space<vmem>>, vector<1x1x2x512xf32>
        %get3A_371 = vector.shape_cast %get3A_370 : vector<1x1x2x512xf32> to vector<2x512xf32>
        %iota3A_372 = tpu.iota {dimensions = array<i32: 1>} : vector<1x512xi32>
        %mul3A_373 = arith.constant 512 : i32
        %mul3A_374 = arith.muli %add3A_363, %mul3A_373 : i32
        %add3A_375 = vector.broadcast %mul3A_374 : i32 to vector<1x512xi32>
        %add3A_376 = arith.addi %iota3A_372, %add3A_375 : vector<1x512xi32>
        %lt3A_377 = vector.broadcast %get3A_4 : i32 to vector<1x512xi32>
        %lt3A_378 = arith.cmpi slt, %add3A_376, %lt3A_377 : vector<1x512xi32>
        %slice3A_379 = vector.extract_strided_slice %get3A_371 {offsets = [0, 0], sizes = [1, 512], strides = [1, 1]} : vector<2x512xf32> to vector<1x512xf32>
        %jit3A_380 = arith.constant -1.000000e+09 : f32
        %broadcast_in_dim3A_381 = vector.broadcast %jit3A_380 : f32 to vector<1x512xf32>
        %select_n3A_382 = arith.select %lt3A_378, %slice3A_379, %broadcast_in_dim3A_381 : vector<1x512xi1>, vector<1x512xf32>
        %slice3A_383 = vector.extract_strided_slice %get3A_371 {offsets = [1, 0], sizes = [1, 512], strides = [1, 1]} : vector<2x512xf32> to vector<1x512xf32>
        %jit3A_384 = arith.constant -1.000000e+09 : f32
        %broadcast_in_dim3A_385 = vector.broadcast %jit3A_384 : f32 to vector<1x512xf32>
        %select_n3A_386 = arith.select %lt3A_378, %slice3A_383, %broadcast_in_dim3A_385 : vector<1x512xi1>, vector<1x512xf32>
        %sub3A_387 = vector.broadcast %slice3A_260 : vector<960x1xf32> to vector<960x512xf32>
        %sub3A_388 = vector.broadcast %select_n3A_382 : vector<1x512xf32> to vector<960x512xf32>
        %sub3A_389 = arith.subf %sub3A_387, %sub3A_388 : vector<960x512xf32>
        %sub3A_390 = vector.broadcast %slice3A_261 : vector<960x1xf32> to vector<960x512xf32>
        %sub3A_391 = vector.broadcast %select_n3A_386 : vector<1x512xf32> to vector<960x512xf32>
        %sub3A_392 = arith.subf %sub3A_390, %sub3A_391 : vector<960x512xf32>
        %mul3A_393 = arith.mulf %sub3A_389, %sub3A_389 : vector<960x512xf32>
        %mul3A_394 = arith.mulf %sub3A_392, %sub3A_392 : vector<960x512xf32>
        %add3A_395 = arith.addf %mul3A_393, %mul3A_394 : vector<960x512xf32>
        %reduce_min3A_396 = arith.constant dense<0x7F800000> : vector<960xf32>
        %reduce_min3A_397 = vector.multi_reduction <minimumf>, %add3A_395, %reduce_min3A_396 [1] : vector<960x512xf32> to vector<960xf32>
        %broadcast_in_dim3A_398 = vector.shape_cast %reduce_min3A_397 : vector<960xf32> to vector<960x1xf32>
        %reduce_min3A_399 = arith.constant dense<0x7F800000> : vector<512xf32>
        %reduce_min3A_400 = vector.multi_reduction <minimumf>, %add3A_395, %reduce_min3A_399 [0] : vector<960x512xf32> to vector<512xf32>
        %broadcast_in_dim3A_401 = vector.shape_cast %reduce_min3A_400 : vector<512xf32> to vector<1x512xf32>
        %jit3A_402 = arith.constant 0.000000e+00 : f32
        %broadcast_in_dim3A_403 = vector.broadcast %jit3A_402 : f32 to vector<1x512xf32>
        %select_n3A_404 = arith.select %lt3A_378, %broadcast_in_dim3A_401, %broadcast_in_dim3A_403 : vector<1x512xi1>, vector<1x512xf32>
        %reduce_sum3A_405 = vector.shape_cast %select_n3A_404 : vector<1x512xf32> to vector<1x1x512xf32>
        %reduce_sum3A_406 = arith.constant dense<0.000000e+00> : vector<1xf32>
        %reduce_sum3A_407 = vector.multi_reduction <add>, %reduce_sum3A_405, %reduce_sum3A_406 [1, 2] : vector<1x1x512xf32> to vector<1xf32>
        %reduce_sum3A_408 = vector.shape_cast %reduce_sum3A_407 : vector<1xf32> to vector<1x1x1xf32>
        %reduce_sum3A_409 = vector.extract %reduce_sum3A_408[0, 0, 0] : f32 from vector<1x1x1xf32>
        %min3A_410 = arith.minimumf %broadcast_in_dim3A_348, %broadcast_in_dim3A_398 : vector<960x1xf32>
        %min3A_411 = arith.minimumf %while3A_312, %min3A_410 : vector<960x1xf32>
        %add3A_412 = arith.addf %reduce_sum3A_359, %reduce_sum3A_409 : f32
        %add3A_413 = arith.addf %while3A_313, %add3A_412 : f32
        scf.yield %min3A_411, %add3A_413 : vector<960x1xf32>, f32
      }
      %mul3A_275 = arith.constant 2 : i32
      %mul3A_276 = arith.muli %mul3A_275, %select_n3A_134 : i32
      %while3A_277 = arith.subi %select_n3A_110, %mul3A_276 : i32
      %while3A_278 = arith.addi %mul3A_276, %while3A_277 : i32
      %while3A_279 = arith.constant 1 : i32
      %while3A_280 = arith.divsi %while3A_277, %while3A_279 : i32
      %while3A_281 = arith.muli %while3A_280, %while3A_279 : i32
      %while3A_282 = arith.addi %mul3A_276, %while3A_281 : i32
      %while3A_283 = arith.constant 1 : i32
      %while3A_284:2 = scf.for %while3A_311 = %mul3A_276 to %while3A_282 step %while3A_283 iter_args(%while3A_312 = %while3A_274#0, %while3A_313 = %while3A_274#1) -> (vector<960x1xf32>, f32)  : i32 {
        %min3A = arith.constant 9 : i32
        %min3A_314 = arith.minsi %while3A_311, %min3A : i32
        %get3A_315 = arith.constant 0 : index
        %get3A_316 = arith.index_cast %min3A_314 : i32 to index
        %get3A_317 = arith.constant 0 : index
        %get3A_318 = arith.constant 0 : index
        %get3A_319 = vector.load %arg6[%get3A_315, %get3A_316, %get3A_317, %get3A_318] : memref<1x10x2x512xf32, #tpu.memory_space<vmem>>, vector<1x1x2x512xf32>
        %get3A_320 = vector.shape_cast %get3A_319 : vector<1x1x2x512xf32> to vector<2x512xf32>
        %iota3A_321 = tpu.iota {dimensions = array<i32: 1>} : vector<1x512xi32>
        %mul3A_322 = arith.constant 512 : i32
        %mul3A_323 = arith.muli %while3A_311, %mul3A_322 : i32
        %add3A_324 = vector.broadcast %mul3A_323 : i32 to vector<1x512xi32>
        %add3A_325 = arith.addi %iota3A_321, %add3A_324 : vector<1x512xi32>
        %lt3A_326 = vector.broadcast %get3A_4 : i32 to vector<1x512xi32>
        %lt3A_327 = arith.cmpi slt, %add3A_325, %lt3A_326 : vector<1x512xi32>
        %slice3A_328 = vector.extract_strided_slice %get3A_320 {offsets = [0, 0], sizes = [1, 512], strides = [1, 1]} : vector<2x512xf32> to vector<1x512xf32>
        %jit3A_329 = arith.constant -1.000000e+09 : f32
        %broadcast_in_dim3A_330 = vector.broadcast %jit3A_329 : f32 to vector<1x512xf32>
        %select_n3A_331 = arith.select %lt3A_327, %slice3A_328, %broadcast_in_dim3A_330 : vector<1x512xi1>, vector<1x512xf32>
        %slice3A_332 = vector.extract_strided_slice %get3A_320 {offsets = [1, 0], sizes = [1, 512], strides = [1, 1]} : vector<2x512xf32> to vector<1x512xf32>
        %jit3A_333 = arith.constant -1.000000e+09 : f32
        %broadcast_in_dim3A_334 = vector.broadcast %jit3A_333 : f32 to vector<1x512xf32>
        %select_n3A_335 = arith.select %lt3A_327, %slice3A_332, %broadcast_in_dim3A_334 : vector<1x512xi1>, vector<1x512xf32>
        %sub3A_336 = vector.broadcast %slice3A_260 : vector<960x1xf32> to vector<960x512xf32>
        %sub3A_337 = vector.broadcast %select_n3A_331 : vector<1x512xf32> to vector<960x512xf32>
        %sub3A_338 = arith.subf %sub3A_336, %sub3A_337 : vector<960x512xf32>
        %sub3A_339 = vector.broadcast %slice3A_261 : vector<960x1xf32> to vector<960x512xf32>
        %sub3A_340 = vector.broadcast %select_n3A_335 : vector<1x512xf32> to vector<960x512xf32>
        %sub3A_341 = arith.subf %sub3A_339, %sub3A_340 : vector<960x512xf32>
        %mul3A_342 = arith.mulf %sub3A_338, %sub3A_338 : vector<960x512xf32>
        %mul3A_343 = arith.mulf %sub3A_341, %sub3A_341 : vector<960x512xf32>
        %add3A_344 = arith.addf %mul3A_342, %mul3A_343 : vector<960x512xf32>
        %reduce_min3A = arith.constant dense<0x7F800000> : vector<960xf32>
        %reduce_min3A_345 = vector.multi_reduction <minimumf>, %add3A_344, %reduce_min3A [1] : vector<960x512xf32> to vector<960xf32>
        %broadcast_in_dim3A_346 = vector.shape_cast %reduce_min3A_345 : vector<960xf32> to vector<960x1xf32>
        %reduce_min3A_347 = arith.constant dense<0x7F800000> : vector<512xf32>
        %reduce_min3A_348 = vector.multi_reduction <minimumf>, %add3A_344, %reduce_min3A_347 [0] : vector<960x512xf32> to vector<512xf32>
        %broadcast_in_dim3A_349 = vector.shape_cast %reduce_min3A_348 : vector<512xf32> to vector<1x512xf32>
        %jit3A_350 = arith.constant 0.000000e+00 : f32
        %broadcast_in_dim3A_351 = vector.broadcast %jit3A_350 : f32 to vector<1x512xf32>
        %select_n3A_352 = arith.select %lt3A_327, %broadcast_in_dim3A_349, %broadcast_in_dim3A_351 : vector<1x512xi1>, vector<1x512xf32>
        %reduce_sum3A_353 = vector.shape_cast %select_n3A_352 : vector<1x512xf32> to vector<1x1x512xf32>
        %reduce_sum3A_354 = arith.constant dense<0.000000e+00> : vector<1xf32>
        %reduce_sum3A_355 = vector.multi_reduction <add>, %reduce_sum3A_353, %reduce_sum3A_354 [1, 2] : vector<1x1x512xf32> to vector<1xf32>
        %reduce_sum3A_356 = vector.shape_cast %reduce_sum3A_355 : vector<1xf32> to vector<1x1x1xf32>
        %reduce_sum3A_357 = vector.extract %reduce_sum3A_356[0, 0, 0] : f32 from vector<1x1x1xf32>
        %min3A_358 = arith.minimumf %while3A_312, %broadcast_in_dim3A_346 : vector<960x1xf32>
        %add3A_359 = arith.addf %while3A_313, %reduce_sum3A_357 : f32
        scf.yield %min3A_358, %add3A_359 : vector<960x1xf32>, f32
      }
      %while3A_285 = arith.constant 1 : i32
      %while3A_286:2 = scf.for %while3A_311 = %while3A_282 to %while3A_278 step %while3A_285 iter_args(%while3A_312 = %while3A_284#0, %while3A_313 = %while3A_284#1) -> (vector<960x1xf32>, f32)  : i32 {
        %min3A = arith.constant 9 : i32
        %min3A_314 = arith.minsi %while3A_311, %min3A : i32
        %get3A_315 = arith.constant 0 : index
        %get3A_316 = arith.index_cast %min3A_314 : i32 to index
        %get3A_317 = arith.constant 0 : index
        %get3A_318 = arith.constant 0 : index
        %get3A_319 = vector.load %arg6[%get3A_315, %get3A_316, %get3A_317, %get3A_318] : memref<1x10x2x512xf32, #tpu.memory_space<vmem>>, vector<1x1x2x512xf32>
        %get3A_320 = vector.shape_cast %get3A_319 : vector<1x1x2x512xf32> to vector<2x512xf32>
        %iota3A_321 = tpu.iota {dimensions = array<i32: 1>} : vector<1x512xi32>
        %mul3A_322 = arith.constant 512 : i32
        %mul3A_323 = arith.muli %while3A_311, %mul3A_322 : i32
        %add3A_324 = vector.broadcast %mul3A_323 : i32 to vector<1x512xi32>
        %add3A_325 = arith.addi %iota3A_321, %add3A_324 : vector<1x512xi32>
        %lt3A_326 = vector.broadcast %get3A_4 : i32 to vector<1x512xi32>
        %lt3A_327 = arith.cmpi slt, %add3A_325, %lt3A_326 : vector<1x512xi32>
        %slice3A_328 = vector.extract_strided_slice %get3A_320 {offsets = [0, 0], sizes = [1, 512], strides = [1, 1]} : vector<2x512xf32> to vector<1x512xf32>
        %jit3A_329 = arith.constant -1.000000e+09 : f32
        %broadcast_in_dim3A_330 = vector.broadcast %jit3A_329 : f32 to vector<1x512xf32>
        %select_n3A_331 = arith.select %lt3A_327, %slice3A_328, %broadcast_in_dim3A_330 : vector<1x512xi1>, vector<1x512xf32>
        %slice3A_332 = vector.extract_strided_slice %get3A_320 {offsets = [1, 0], sizes = [1, 512], strides = [1, 1]} : vector<2x512xf32> to vector<1x512xf32>
        %jit3A_333 = arith.constant -1.000000e+09 : f32
        %broadcast_in_dim3A_334 = vector.broadcast %jit3A_333 : f32 to vector<1x512xf32>
        %select_n3A_335 = arith.select %lt3A_327, %slice3A_332, %broadcast_in_dim3A_334 : vector<1x512xi1>, vector<1x512xf32>
        %sub3A_336 = vector.broadcast %slice3A_260 : vector<960x1xf32> to vector<960x512xf32>
        %sub3A_337 = vector.broadcast %select_n3A_331 : vector<1x512xf32> to vector<960x512xf32>
        %sub3A_338 = arith.subf %sub3A_336, %sub3A_337 : vector<960x512xf32>
        %sub3A_339 = vector.broadcast %slice3A_261 : vector<960x1xf32> to vector<960x512xf32>
        %sub3A_340 = vector.broadcast %select_n3A_335 : vector<1x512xf32> to vector<960x512xf32>
        %sub3A_341 = arith.subf %sub3A_339, %sub3A_340 : vector<960x512xf32>
        %mul3A_342 = arith.mulf %sub3A_338, %sub3A_338 : vector<960x512xf32>
        %mul3A_343 = arith.mulf %sub3A_341, %sub3A_341 : vector<960x512xf32>
        %add3A_344 = arith.addf %mul3A_342, %mul3A_343 : vector<960x512xf32>
        %reduce_min3A = arith.constant dense<0x7F800000> : vector<960xf32>
        %reduce_min3A_345 = vector.multi_reduction <minimumf>, %add3A_344, %reduce_min3A [1] : vector<960x512xf32> to vector<960xf32>
        %broadcast_in_dim3A_346 = vector.shape_cast %reduce_min3A_345 : vector<960xf32> to vector<960x1xf32>
        %reduce_min3A_347 = arith.constant dense<0x7F800000> : vector<512xf32>
        %reduce_min3A_348 = vector.multi_reduction <minimumf>, %add3A_344, %reduce_min3A_347 [0] : vector<960x512xf32> to vector<512xf32>
        %broadcast_in_dim3A_349 = vector.shape_cast %reduce_min3A_348 : vector<512xf32> to vector<1x512xf32>
        %jit3A_350 = arith.constant 0.000000e+00 : f32
        %broadcast_in_dim3A_351 = vector.broadcast %jit3A_350 : f32 to vector<1x512xf32>
        %select_n3A_352 = arith.select %lt3A_327, %broadcast_in_dim3A_349, %broadcast_in_dim3A_351 : vector<1x512xi1>, vector<1x512xf32>
        %reduce_sum3A_353 = vector.shape_cast %select_n3A_352 : vector<1x512xf32> to vector<1x1x512xf32>
        %reduce_sum3A_354 = arith.constant dense<0.000000e+00> : vector<1xf32>
        %reduce_sum3A_355 = vector.multi_reduction <add>, %reduce_sum3A_353, %reduce_sum3A_354 [1, 2] : vector<1x1x512xf32> to vector<1xf32>
        %reduce_sum3A_356 = vector.shape_cast %reduce_sum3A_355 : vector<1xf32> to vector<1x1x1xf32>
        %reduce_sum3A_357 = vector.extract %reduce_sum3A_356[0, 0, 0] : f32 from vector<1x1x1xf32>
        %min3A_358 = arith.minimumf %while3A_312, %broadcast_in_dim3A_346 : vector<960x1xf32>
        %add3A_359 = arith.addf %while3A_313, %reduce_sum3A_357 : f32
        scf.yield %min3A_358, %add3A_359 : vector<960x1xf32>, f32
      }
      %iota3A_287 = tpu.iota {dimensions = array<i32: 0>} : vector<960x1xi32>
      %lt3A_288 = vector.broadcast %get3A_1 : i32 to vector<960x1xi32>
      %lt3A_289 = arith.cmpi slt, %iota3A_287, %lt3A_288 : vector<960x1xi32>
      %jit3A_290 = arith.constant 0.000000e+00 : f32
      %broadcast_in_dim3A_291 = vector.broadcast %jit3A_290 : f32 to vector<960x1xf32>
      %select_n3A_292 = arith.select %lt3A_289, %while3A_286#0, %broadcast_in_dim3A_291 : vector<960x1xi1>, vector<960x1xf32>
      %reduce_sum3A = vector.shape_cast %select_n3A_292 : vector<960x1xf32> to vector<1x960x1xf32>
      %reduce_sum3A_293 = arith.constant dense<0.000000e+00> : vector<1xf32>
      %reduce_sum3A_294 = vector.multi_reduction <add>, %reduce_sum3A, %reduce_sum3A_293 [1, 2] : vector<1x960x1xf32> to vector<1xf32>
      %reduce_sum3A_295 = vector.shape_cast %reduce_sum3A_294 : vector<1xf32> to vector<1x1x1xf32>
      %reduce_sum3A_296 = vector.extract %reduce_sum3A_295[0, 0, 0] : f32 from vector<1x1x1xf32>
      %div3A_297 = arith.divf %reduce_sum3A_296, %convert_element_type3A : f32
      %div3A_298 = arith.divf %while3A_286#1, %convert_element_type3A_8 : f32
      %add3A_299 = arith.addf %div3A_297, %div3A_298 : f32
      %mul3A_300 = arith.constant 1.250000e-01 : f32
      %mul3A_301 = arith.mulf %add3A_299, %mul3A_300 : f32
      %eq3A = arith.constant 0 : i32
      %eq3A_302 = arith.cmpi eq, %arg1, %eq3A : i32
      %convert_element_type3A_303 = arith.extui %eq3A_302 : i1 to i32
      %cond3A_304 = arith.constant 0 : i32
      %cond3A_305 = arith.cmpi ne, %convert_element_type3A_303, %cond3A_304 : i32
      scf.if %cond3A_305 {
        %swap3A = arith.index_cast %arg0 : i32 to index
        %swap3A_311 = arith.constant 0 : index
        %swap3A_312 = memref.load %arg7[%swap3A, %swap3A_311] : memref<4x1xf32, #tpu.memory_space<smem>>
        memref.store %mul3A_301, %arg7[%swap3A, %swap3A_311] : memref<4x1xf32, #tpu.memory_space<smem>>
      } else {
      }
      %gt3A_306 = arith.constant 0 : i32
      %gt3A_307 = arith.cmpi sgt, %arg1, %gt3A_306 : i32
      %convert_element_type3A_308 = arith.extui %gt3A_307 : i1 to i32
      %cond3A_309 = arith.constant 0 : i32
      %cond3A_310 = arith.cmpi ne, %convert_element_type3A_308, %cond3A_309 : i32
      scf.if %cond3A_310 {
        %get3A_311 = arith.index_cast %arg0 : i32 to index
        %get3A_312 = arith.constant 0 : index
        %get3A_313 = memref.load %arg7[%get3A_311, %get3A_312] : memref<4x1xf32, #tpu.memory_space<smem>>
        %add3A_314 = arith.addf %get3A_313, %mul3A_301 : f32
        %swap3A = arith.index_cast %arg0 : i32 to index
        %swap3A_315 = arith.constant 0 : index
        %swap3A_316 = memref.load %arg7[%swap3A, %swap3A_315] : memref<4x1xf32, #tpu.memory_space<smem>>
        memref.store %add3A_314, %arg7[%swap3A, %swap3A_315] : memref<4x1xf32, #tpu.memory_space<smem>>
      } else {
      }
    } else {
    }
    %gt3A_252 = arith.constant 960 : i32
    %gt3A_253 = arith.cmpi sgt, %get3A_1, %gt3A_252 : i32
    %le3A_254 = arith.constant 1024 : i32
    %le3A_255 = arith.cmpi sle, %get3A_1, %le3A_254 : i32
    %and3A_256 = arith.andi %gt3A_253, %le3A_255 : i1
    %convert_element_type3A_257 = arith.extui %and3A_256 : i1 to i32
    %cond3A_258 = arith.constant 0 : i32
    %cond3A_259 = arith.cmpi ne, %convert_element_type3A_257, %cond3A_258 : i32
    scf.if %cond3A_259 {
      %broadcast_in_dim3A_260 = arith.constant 1.000000e+30 : f32
      %broadcast_in_dim3A_261 = vector.broadcast %broadcast_in_dim3A_260 : f32 to vector<1024x1xf32>
      %while3A = arith.constant 0 : i32
      %while3A_262 = arith.constant 0.000000e+00 : f32
      %while3A_263 = arith.subi %select_n3A_134, %while3A : i32
      %while3A_264 = arith.addi %while3A, %while3A_263 : i32
      %while3A_265 = arith.constant 1 : i32
      %while3A_266 = arith.divsi %while3A_263, %while3A_265 : i32
      %while3A_267 = arith.muli %while3A_266, %while3A_265 : i32
      %while3A_268 = arith.addi %while3A, %while3A_267 : i32
      %while3A_269 = arith.constant 1 : i32
      %while3A_270:2 = scf.for %while3A_309 = %while3A to %while3A_268 step %while3A_269 iter_args(%while3A_310 = %broadcast_in_dim3A_261, %while3A_311 = %while3A_262) -> (vector<1024x1xf32>, f32)  : i32 {
        %mul3A_312 = arith.constant 2 : i32
        %mul3A_313 = arith.muli %mul3A_312, %while3A_309 : i32
        %min3A = arith.constant 9 : i32
        %min3A_314 = arith.minsi %mul3A_313, %min3A : i32
        %get3A_315 = arith.constant 0 : index
        %get3A_316 = arith.index_cast %min3A_314 : i32 to index
        %get3A_317 = arith.constant 0 : index
        %get3A_318 = arith.constant 0 : index
        %get3A_319 = vector.load %arg6[%get3A_315, %get3A_316, %get3A_317, %get3A_318] : memref<1x10x2x512xf32, #tpu.memory_space<vmem>>, vector<1x1x2x512xf32>
        %get3A_320 = vector.shape_cast %get3A_319 : vector<1x1x2x512xf32> to vector<2x512xf32>
        %iota3A_321 = tpu.iota {dimensions = array<i32: 1>} : vector<1x512xi32>
        %mul3A_322 = arith.constant 512 : i32
        %mul3A_323 = arith.muli %mul3A_313, %mul3A_322 : i32
        %add3A_324 = vector.broadcast %mul3A_323 : i32 to vector<1x512xi32>
        %add3A_325 = arith.addi %iota3A_321, %add3A_324 : vector<1x512xi32>
        %lt3A_326 = vector.broadcast %get3A_4 : i32 to vector<1x512xi32>
        %lt3A_327 = arith.cmpi slt, %add3A_325, %lt3A_326 : vector<1x512xi32>
        %slice3A_328 = vector.extract_strided_slice %get3A_320 {offsets = [0, 0], sizes = [1, 512], strides = [1, 1]} : vector<2x512xf32> to vector<1x512xf32>
        %jit3A_329 = arith.constant -1.000000e+09 : f32
        %broadcast_in_dim3A_330 = vector.broadcast %jit3A_329 : f32 to vector<1x512xf32>
        %select_n3A_331 = arith.select %lt3A_327, %slice3A_328, %broadcast_in_dim3A_330 : vector<1x512xi1>, vector<1x512xf32>
        %slice3A_332 = vector.extract_strided_slice %get3A_320 {offsets = [1, 0], sizes = [1, 512], strides = [1, 1]} : vector<2x512xf32> to vector<1x512xf32>
        %jit3A_333 = arith.constant -1.000000e+09 : f32
        %broadcast_in_dim3A_334 = vector.broadcast %jit3A_333 : f32 to vector<1x512xf32>
        %select_n3A_335 = arith.select %lt3A_327, %slice3A_332, %broadcast_in_dim3A_334 : vector<1x512xi1>, vector<1x512xf32>
        %sub3A_336 = vector.broadcast %reshape3A : vector<1024x1xf32> to vector<1024x512xf32>
        %sub3A_337 = vector.broadcast %select_n3A_331 : vector<1x512xf32> to vector<1024x512xf32>
        %sub3A_338 = arith.subf %sub3A_336, %sub3A_337 : vector<1024x512xf32>
        %sub3A_339 = vector.broadcast %reshape3A_87 : vector<1024x1xf32> to vector<1024x512xf32>
        %sub3A_340 = vector.broadcast %select_n3A_335 : vector<1x512xf32> to vector<1024x512xf32>
        %sub3A_341 = arith.subf %sub3A_339, %sub3A_340 : vector<1024x512xf32>
        %mul3A_342 = arith.mulf %sub3A_338, %sub3A_338 : vector<1024x512xf32>
        %mul3A_343 = arith.mulf %sub3A_341, %sub3A_341 : vector<1024x512xf32>
        %add3A_344 = arith.addf %mul3A_342, %mul3A_343 : vector<1024x512xf32>
        %reduce_min3A = arith.constant dense<0x7F800000> : vector<1024xf32>
        %reduce_min3A_345 = vector.multi_reduction <minimumf>, %add3A_344, %reduce_min3A [1] : vector<1024x512xf32> to vector<1024xf32>
        %broadcast_in_dim3A_346 = vector.shape_cast %reduce_min3A_345 : vector<1024xf32> to vector<1024x1xf32>
        %reduce_min3A_347 = arith.constant dense<0x7F800000> : vector<512xf32>
        %reduce_min3A_348 = vector.multi_reduction <minimumf>, %add3A_344, %reduce_min3A_347 [0] : vector<1024x512xf32> to vector<512xf32>
        %broadcast_in_dim3A_349 = vector.shape_cast %reduce_min3A_348 : vector<512xf32> to vector<1x512xf32>
        %jit3A_350 = arith.constant 0.000000e+00 : f32
        %broadcast_in_dim3A_351 = vector.broadcast %jit3A_350 : f32 to vector<1x512xf32>
        %select_n3A_352 = arith.select %lt3A_327, %broadcast_in_dim3A_349, %broadcast_in_dim3A_351 : vector<1x512xi1>, vector<1x512xf32>
        %reduce_sum3A_353 = vector.shape_cast %select_n3A_352 : vector<1x512xf32> to vector<1x1x512xf32>
        %reduce_sum3A_354 = arith.constant dense<0.000000e+00> : vector<1xf32>
        %reduce_sum3A_355 = vector.multi_reduction <add>, %reduce_sum3A_353, %reduce_sum3A_354 [1, 2] : vector<1x1x512xf32> to vector<1xf32>
        %reduce_sum3A_356 = vector.shape_cast %reduce_sum3A_355 : vector<1xf32> to vector<1x1x1xf32>
        %reduce_sum3A_357 = vector.extract %reduce_sum3A_356[0, 0, 0] : f32 from vector<1x1x1xf32>
        %mul3A_358 = arith.constant 2 : i32
        %mul3A_359 = arith.muli %mul3A_358, %while3A_309 : i32
        %add3A_360 = arith.constant 1 : i32
        %add3A_361 = arith.addi %mul3A_359, %add3A_360 : i32
        %min3A_362 = arith.constant 9 : i32
        %min3A_363 = arith.minsi %add3A_361, %min3A_362 : i32
        %get3A_364 = arith.constant 0 : index
        %get3A_365 = arith.index_cast %min3A_363 : i32 to index
        %get3A_366 = arith.constant 0 : index
        %get3A_367 = arith.constant 0 : index
        %get3A_368 = vector.load %arg6[%get3A_364, %get3A_365, %get3A_366, %get3A_367] : memref<1x10x2x512xf32, #tpu.memory_space<vmem>>, vector<1x1x2x512xf32>
        %get3A_369 = vector.shape_cast %get3A_368 : vector<1x1x2x512xf32> to vector<2x512xf32>
        %iota3A_370 = tpu.iota {dimensions = array<i32: 1>} : vector<1x512xi32>
        %mul3A_371 = arith.constant 512 : i32
        %mul3A_372 = arith.muli %add3A_361, %mul3A_371 : i32
        %add3A_373 = vector.broadcast %mul3A_372 : i32 to vector<1x512xi32>
        %add3A_374 = arith.addi %iota3A_370, %add3A_373 : vector<1x512xi32>
        %lt3A_375 = vector.broadcast %get3A_4 : i32 to vector<1x512xi32>
        %lt3A_376 = arith.cmpi slt, %add3A_374, %lt3A_375 : vector<1x512xi32>
        %slice3A_377 = vector.extract_strided_slice %get3A_369 {offsets = [0, 0], sizes = [1, 512], strides = [1, 1]} : vector<2x512xf32> to vector<1x512xf32>
        %jit3A_378 = arith.constant -1.000000e+09 : f32
        %broadcast_in_dim3A_379 = vector.broadcast %jit3A_378 : f32 to vector<1x512xf32>
        %select_n3A_380 = arith.select %lt3A_376, %slice3A_377, %broadcast_in_dim3A_379 : vector<1x512xi1>, vector<1x512xf32>
        %slice3A_381 = vector.extract_strided_slice %get3A_369 {offsets = [1, 0], sizes = [1, 512], strides = [1, 1]} : vector<2x512xf32> to vector<1x512xf32>
        %jit3A_382 = arith.constant -1.000000e+09 : f32
        %broadcast_in_dim3A_383 = vector.broadcast %jit3A_382 : f32 to vector<1x512xf32>
        %select_n3A_384 = arith.select %lt3A_376, %slice3A_381, %broadcast_in_dim3A_383 : vector<1x512xi1>, vector<1x512xf32>
        %sub3A_385 = vector.broadcast %reshape3A : vector<1024x1xf32> to vector<1024x512xf32>
        %sub3A_386 = vector.broadcast %select_n3A_380 : vector<1x512xf32> to vector<1024x512xf32>
        %sub3A_387 = arith.subf %sub3A_385, %sub3A_386 : vector<1024x512xf32>
        %sub3A_388 = vector.broadcast %reshape3A_87 : vector<1024x1xf32> to vector<1024x512xf32>
        %sub3A_389 = vector.broadcast %select_n3A_384 : vector<1x512xf32> to vector<1024x512xf32>
        %sub3A_390 = arith.subf %sub3A_388, %sub3A_389 : vector<1024x512xf32>
        %mul3A_391 = arith.mulf %sub3A_387, %sub3A_387 : vector<1024x512xf32>
        %mul3A_392 = arith.mulf %sub3A_390, %sub3A_390 : vector<1024x512xf32>
        %add3A_393 = arith.addf %mul3A_391, %mul3A_392 : vector<1024x512xf32>
        %reduce_min3A_394 = arith.constant dense<0x7F800000> : vector<1024xf32>
        %reduce_min3A_395 = vector.multi_reduction <minimumf>, %add3A_393, %reduce_min3A_394 [1] : vector<1024x512xf32> to vector<1024xf32>
        %broadcast_in_dim3A_396 = vector.shape_cast %reduce_min3A_395 : vector<1024xf32> to vector<1024x1xf32>
        %reduce_min3A_397 = arith.constant dense<0x7F800000> : vector<512xf32>
        %reduce_min3A_398 = vector.multi_reduction <minimumf>, %add3A_393, %reduce_min3A_397 [0] : vector<1024x512xf32> to vector<512xf32>
        %broadcast_in_dim3A_399 = vector.shape_cast %reduce_min3A_398 : vector<512xf32> to vector<1x512xf32>
        %jit3A_400 = arith.constant 0.000000e+00 : f32
        %broadcast_in_dim3A_401 = vector.broadcast %jit3A_400 : f32 to vector<1x512xf32>
        %select_n3A_402 = arith.select %lt3A_376, %broadcast_in_dim3A_399, %broadcast_in_dim3A_401 : vector<1x512xi1>, vector<1x512xf32>
        %reduce_sum3A_403 = vector.shape_cast %select_n3A_402 : vector<1x512xf32> to vector<1x1x512xf32>
        %reduce_sum3A_404 = arith.constant dense<0.000000e+00> : vector<1xf32>
        %reduce_sum3A_405 = vector.multi_reduction <add>, %reduce_sum3A_403, %reduce_sum3A_404 [1, 2] : vector<1x1x512xf32> to vector<1xf32>
        %reduce_sum3A_406 = vector.shape_cast %reduce_sum3A_405 : vector<1xf32> to vector<1x1x1xf32>
        %reduce_sum3A_407 = vector.extract %reduce_sum3A_406[0, 0, 0] : f32 from vector<1x1x1xf32>
        %min3A_408 = arith.minimumf %broadcast_in_dim3A_346, %broadcast_in_dim3A_396 : vector<1024x1xf32>
        %min3A_409 = arith.minimumf %while3A_310, %min3A_408 : vector<1024x1xf32>
        %add3A_410 = arith.addf %reduce_sum3A_357, %reduce_sum3A_407 : f32
        %add3A_411 = arith.addf %while3A_311, %add3A_410 : f32
        scf.yield %min3A_409, %add3A_411 : vector<1024x1xf32>, f32
      }
      %while3A_271 = arith.constant 1 : i32
      %while3A_272:2 = scf.for %while3A_309 = %while3A_268 to %while3A_264 step %while3A_271 iter_args(%while3A_310 = %while3A_270#0, %while3A_311 = %while3A_270#1) -> (vector<1024x1xf32>, f32)  : i32 {
        %mul3A_312 = arith.constant 2 : i32
        %mul3A_313 = arith.muli %mul3A_312, %while3A_309 : i32
        %min3A = arith.constant 9 : i32
        %min3A_314 = arith.minsi %mul3A_313, %min3A : i32
        %get3A_315 = arith.constant 0 : index
        %get3A_316 = arith.index_cast %min3A_314 : i32 to index
        %get3A_317 = arith.constant 0 : index
        %get3A_318 = arith.constant 0 : index
        %get3A_319 = vector.load %arg6[%get3A_315, %get3A_316, %get3A_317, %get3A_318] : memref<1x10x2x512xf32, #tpu.memory_space<vmem>>, vector<1x1x2x512xf32>
        %get3A_320 = vector.shape_cast %get3A_319 : vector<1x1x2x512xf32> to vector<2x512xf32>
        %iota3A_321 = tpu.iota {dimensions = array<i32: 1>} : vector<1x512xi32>
        %mul3A_322 = arith.constant 512 : i32
        %mul3A_323 = arith.muli %mul3A_313, %mul3A_322 : i32
        %add3A_324 = vector.broadcast %mul3A_323 : i32 to vector<1x512xi32>
        %add3A_325 = arith.addi %iota3A_321, %add3A_324 : vector<1x512xi32>
        %lt3A_326 = vector.broadcast %get3A_4 : i32 to vector<1x512xi32>
        %lt3A_327 = arith.cmpi slt, %add3A_325, %lt3A_326 : vector<1x512xi32>
        %slice3A_328 = vector.extract_strided_slice %get3A_320 {offsets = [0, 0], sizes = [1, 512], strides = [1, 1]} : vector<2x512xf32> to vector<1x512xf32>
        %jit3A_329 = arith.constant -1.000000e+09 : f32
        %broadcast_in_dim3A_330 = vector.broadcast %jit3A_329 : f32 to vector<1x512xf32>
        %select_n3A_331 = arith.select %lt3A_327, %slice3A_328, %broadcast_in_dim3A_330 : vector<1x512xi1>, vector<1x512xf32>
        %slice3A_332 = vector.extract_strided_slice %get3A_320 {offsets = [1, 0], sizes = [1, 512], strides = [1, 1]} : vector<2x512xf32> to vector<1x512xf32>
        %jit3A_333 = arith.constant -1.000000e+09 : f32
        %broadcast_in_dim3A_334 = vector.broadcast %jit3A_333 : f32 to vector<1x512xf32>
        %select_n3A_335 = arith.select %lt3A_327, %slice3A_332, %broadcast_in_dim3A_334 : vector<1x512xi1>, vector<1x512xf32>
        %sub3A_336 = vector.broadcast %reshape3A : vector<1024x1xf32> to vector<1024x512xf32>
        %sub3A_337 = vector.broadcast %select_n3A_331 : vector<1x512xf32> to vector<1024x512xf32>
        %sub3A_338 = arith.subf %sub3A_336, %sub3A_337 : vector<1024x512xf32>
        %sub3A_339 = vector.broadcast %reshape3A_87 : vector<1024x1xf32> to vector<1024x512xf32>
        %sub3A_340 = vector.broadcast %select_n3A_335 : vector<1x512xf32> to vector<1024x512xf32>
        %sub3A_341 = arith.subf %sub3A_339, %sub3A_340 : vector<1024x512xf32>
        %mul3A_342 = arith.mulf %sub3A_338, %sub3A_338 : vector<1024x512xf32>
        %mul3A_343 = arith.mulf %sub3A_341, %sub3A_341 : vector<1024x512xf32>
        %add3A_344 = arith.addf %mul3A_342, %mul3A_343 : vector<1024x512xf32>
        %reduce_min3A = arith.constant dense<0x7F800000> : vector<1024xf32>
        %reduce_min3A_345 = vector.multi_reduction <minimumf>, %add3A_344, %reduce_min3A [1] : vector<1024x512xf32> to vector<1024xf32>
        %broadcast_in_dim3A_346 = vector.shape_cast %reduce_min3A_345 : vector<1024xf32> to vector<1024x1xf32>
        %reduce_min3A_347 = arith.constant dense<0x7F800000> : vector<512xf32>
        %reduce_min3A_348 = vector.multi_reduction <minimumf>, %add3A_344, %reduce_min3A_347 [0] : vector<1024x512xf32> to vector<512xf32>
        %broadcast_in_dim3A_349 = vector.shape_cast %reduce_min3A_348 : vector<512xf32> to vector<1x512xf32>
        %jit3A_350 = arith.constant 0.000000e+00 : f32
        %broadcast_in_dim3A_351 = vector.broadcast %jit3A_350 : f32 to vector<1x512xf32>
        %select_n3A_352 = arith.select %lt3A_327, %broadcast_in_dim3A_349, %broadcast_in_dim3A_351 : vector<1x512xi1>, vector<1x512xf32>
        %reduce_sum3A_353 = vector.shape_cast %select_n3A_352 : vector<1x512xf32> to vector<1x1x512xf32>
        %reduce_sum3A_354 = arith.constant dense<0.000000e+00> : vector<1xf32>
        %reduce_sum3A_355 = vector.multi_reduction <add>, %reduce_sum3A_353, %reduce_sum3A_354 [1, 2] : vector<1x1x512xf32> to vector<1xf32>
        %reduce_sum3A_356 = vector.shape_cast %reduce_sum3A_355 : vector<1xf32> to vector<1x1x1xf32>
        %reduce_sum3A_357 = vector.extract %reduce_sum3A_356[0, 0, 0] : f32 from vector<1x1x1xf32>
        %mul3A_358 = arith.constant 2 : i32
        %mul3A_359 = arith.muli %mul3A_358, %while3A_309 : i32
        %add3A_360 = arith.constant 1 : i32
        %add3A_361 = arith.addi %mul3A_359, %add3A_360 : i32
        %min3A_362 = arith.constant 9 : i32
        %min3A_363 = arith.minsi %add3A_361, %min3A_362 : i32
        %get3A_364 = arith.constant 0 : index
        %get3A_365 = arith.index_cast %min3A_363 : i32 to index
        %get3A_366 = arith.constant 0 : index
        %get3A_367 = arith.constant 0 : index
        %get3A_368 = vector.load %arg6[%get3A_364, %get3A_365, %get3A_366, %get3A_367] : memref<1x10x2x512xf32, #tpu.memory_space<vmem>>, vector<1x1x2x512xf32>
        %get3A_369 = vector.shape_cast %get3A_368 : vector<1x1x2x512xf32> to vector<2x512xf32>
        %iota3A_370 = tpu.iota {dimensions = array<i32: 1>} : vector<1x512xi32>
        %mul3A_371 = arith.constant 512 : i32
        %mul3A_372 = arith.muli %add3A_361, %mul3A_371 : i32
        %add3A_373 = vector.broadcast %mul3A_372 : i32 to vector<1x512xi32>
        %add3A_374 = arith.addi %iota3A_370, %add3A_373 : vector<1x512xi32>
        %lt3A_375 = vector.broadcast %get3A_4 : i32 to vector<1x512xi32>
        %lt3A_376 = arith.cmpi slt, %add3A_374, %lt3A_375 : vector<1x512xi32>
        %slice3A_377 = vector.extract_strided_slice %get3A_369 {offsets = [0, 0], sizes = [1, 512], strides = [1, 1]} : vector<2x512xf32> to vector<1x512xf32>
        %jit3A_378 = arith.constant -1.000000e+09 : f32
        %broadcast_in_dim3A_379 = vector.broadcast %jit3A_378 : f32 to vector<1x512xf32>
        %select_n3A_380 = arith.select %lt3A_376, %slice3A_377, %broadcast_in_dim3A_379 : vector<1x512xi1>, vector<1x512xf32>
        %slice3A_381 = vector.extract_strided_slice %get3A_369 {offsets = [1, 0], sizes = [1, 512], strides = [1, 1]} : vector<2x512xf32> to vector<1x512xf32>
        %jit3A_382 = arith.constant -1.000000e+09 : f32
        %broadcast_in_dim3A_383 = vector.broadcast %jit3A_382 : f32 to vector<1x512xf32>
        %select_n3A_384 = arith.select %lt3A_376, %slice3A_381, %broadcast_in_dim3A_383 : vector<1x512xi1>, vector<1x512xf32>
        %sub3A_385 = vector.broadcast %reshape3A : vector<1024x1xf32> to vector<1024x512xf32>
        %sub3A_386 = vector.broadcast %select_n3A_380 : vector<1x512xf32> to vector<1024x512xf32>
        %sub3A_387 = arith.subf %sub3A_385, %sub3A_386 : vector<1024x512xf32>
        %sub3A_388 = vector.broadcast %reshape3A_87 : vector<1024x1xf32> to vector<1024x512xf32>
        %sub3A_389 = vector.broadcast %select_n3A_384 : vector<1x512xf32> to vector<1024x512xf32>
        %sub3A_390 = arith.subf %sub3A_388, %sub3A_389 : vector<1024x512xf32>
        %mul3A_391 = arith.mulf %sub3A_387, %sub3A_387 : vector<1024x512xf32>
        %mul3A_392 = arith.mulf %sub3A_390, %sub3A_390 : vector<1024x512xf32>
        %add3A_393 = arith.addf %mul3A_391, %mul3A_392 : vector<1024x512xf32>
        %reduce_min3A_394 = arith.constant dense<0x7F800000> : vector<1024xf32>
        %reduce_min3A_395 = vector.multi_reduction <minimumf>, %add3A_393, %reduce_min3A_394 [1] : vector<1024x512xf32> to vector<1024xf32>
        %broadcast_in_dim3A_396 = vector.shape_cast %reduce_min3A_395 : vector<1024xf32> to vector<1024x1xf32>
        %reduce_min3A_397 = arith.constant dense<0x7F800000> : vector<512xf32>
        %reduce_min3A_398 = vector.multi_reduction <minimumf>, %add3A_393, %reduce_min3A_397 [0] : vector<1024x512xf32> to vector<512xf32>
        %broadcast_in_dim3A_399 = vector.shape_cast %reduce_min3A_398 : vector<512xf32> to vector<1x512xf32>
        %jit3A_400 = arith.constant 0.000000e+00 : f32
        %broadcast_in_dim3A_401 = vector.broadcast %jit3A_400 : f32 to vector<1x512xf32>
        %select_n3A_402 = arith.select %lt3A_376, %broadcast_in_dim3A_399, %broadcast_in_dim3A_401 : vector<1x512xi1>, vector<1x512xf32>
        %reduce_sum3A_403 = vector.shape_cast %select_n3A_402 : vector<1x512xf32> to vector<1x1x512xf32>
        %reduce_sum3A_404 = arith.constant dense<0.000000e+00> : vector<1xf32>
        %reduce_sum3A_405 = vector.multi_reduction <add>, %reduce_sum3A_403, %reduce_sum3A_404 [1, 2] : vector<1x1x512xf32> to vector<1xf32>
        %reduce_sum3A_406 = vector.shape_cast %reduce_sum3A_405 : vector<1xf32> to vector<1x1x1xf32>
        %reduce_sum3A_407 = vector.extract %reduce_sum3A_406[0, 0, 0] : f32 from vector<1x1x1xf32>
        %min3A_408 = arith.minimumf %broadcast_in_dim3A_346, %broadcast_in_dim3A_396 : vector<1024x1xf32>
        %min3A_409 = arith.minimumf %while3A_310, %min3A_408 : vector<1024x1xf32>
        %add3A_410 = arith.addf %reduce_sum3A_357, %reduce_sum3A_407 : f32
        %add3A_411 = arith.addf %while3A_311, %add3A_410 : f32
        scf.yield %min3A_409, %add3A_411 : vector<1024x1xf32>, f32
      }
      %mul3A_273 = arith.constant 2 : i32
      %mul3A_274 = arith.muli %mul3A_273, %select_n3A_134 : i32
      %while3A_275 = arith.subi %select_n3A_110, %mul3A_274 : i32
      %while3A_276 = arith.addi %mul3A_274, %while3A_275 : i32
      %while3A_277 = arith.constant 1 : i32
      %while3A_278 = arith.divsi %while3A_275, %while3A_277 : i32
      %while3A_279 = arith.muli %while3A_278, %while3A_277 : i32
      %while3A_280 = arith.addi %mul3A_274, %while3A_279 : i32
      %while3A_281 = arith.constant 1 : i32
      %while3A_282:2 = scf.for %while3A_309 = %mul3A_274 to %while3A_280 step %while3A_281 iter_args(%while3A_310 = %while3A_272#0, %while3A_311 = %while3A_272#1) -> (vector<1024x1xf32>, f32)  : i32 {
        %min3A = arith.constant 9 : i32
        %min3A_312 = arith.minsi %while3A_309, %min3A : i32
        %get3A_313 = arith.constant 0 : index
        %get3A_314 = arith.index_cast %min3A_312 : i32 to index
        %get3A_315 = arith.constant 0 : index
        %get3A_316 = arith.constant 0 : index
        %get3A_317 = vector.load %arg6[%get3A_313, %get3A_314, %get3A_315, %get3A_316] : memref<1x10x2x512xf32, #tpu.memory_space<vmem>>, vector<1x1x2x512xf32>
        %get3A_318 = vector.shape_cast %get3A_317 : vector<1x1x2x512xf32> to vector<2x512xf32>
        %iota3A_319 = tpu.iota {dimensions = array<i32: 1>} : vector<1x512xi32>
        %mul3A_320 = arith.constant 512 : i32
        %mul3A_321 = arith.muli %while3A_309, %mul3A_320 : i32
        %add3A_322 = vector.broadcast %mul3A_321 : i32 to vector<1x512xi32>
        %add3A_323 = arith.addi %iota3A_319, %add3A_322 : vector<1x512xi32>
        %lt3A_324 = vector.broadcast %get3A_4 : i32 to vector<1x512xi32>
        %lt3A_325 = arith.cmpi slt, %add3A_323, %lt3A_324 : vector<1x512xi32>
        %slice3A_326 = vector.extract_strided_slice %get3A_318 {offsets = [0, 0], sizes = [1, 512], strides = [1, 1]} : vector<2x512xf32> to vector<1x512xf32>
        %jit3A_327 = arith.constant -1.000000e+09 : f32
        %broadcast_in_dim3A_328 = vector.broadcast %jit3A_327 : f32 to vector<1x512xf32>
        %select_n3A_329 = arith.select %lt3A_325, %slice3A_326, %broadcast_in_dim3A_328 : vector<1x512xi1>, vector<1x512xf32>
        %slice3A_330 = vector.extract_strided_slice %get3A_318 {offsets = [1, 0], sizes = [1, 512], strides = [1, 1]} : vector<2x512xf32> to vector<1x512xf32>
        %jit3A_331 = arith.constant -1.000000e+09 : f32
        %broadcast_in_dim3A_332 = vector.broadcast %jit3A_331 : f32 to vector<1x512xf32>
        %select_n3A_333 = arith.select %lt3A_325, %slice3A_330, %broadcast_in_dim3A_332 : vector<1x512xi1>, vector<1x512xf32>
        %sub3A_334 = vector.broadcast %reshape3A : vector<1024x1xf32> to vector<1024x512xf32>
        %sub3A_335 = vector.broadcast %select_n3A_329 : vector<1x512xf32> to vector<1024x512xf32>
        %sub3A_336 = arith.subf %sub3A_334, %sub3A_335 : vector<1024x512xf32>
        %sub3A_337 = vector.broadcast %reshape3A_87 : vector<1024x1xf32> to vector<1024x512xf32>
        %sub3A_338 = vector.broadcast %select_n3A_333 : vector<1x512xf32> to vector<1024x512xf32>
        %sub3A_339 = arith.subf %sub3A_337, %sub3A_338 : vector<1024x512xf32>
        %mul3A_340 = arith.mulf %sub3A_336, %sub3A_336 : vector<1024x512xf32>
        %mul3A_341 = arith.mulf %sub3A_339, %sub3A_339 : vector<1024x512xf32>
        %add3A_342 = arith.addf %mul3A_340, %mul3A_341 : vector<1024x512xf32>
        %reduce_min3A = arith.constant dense<0x7F800000> : vector<1024xf32>
        %reduce_min3A_343 = vector.multi_reduction <minimumf>, %add3A_342, %reduce_min3A [1] : vector<1024x512xf32> to vector<1024xf32>
        %broadcast_in_dim3A_344 = vector.shape_cast %reduce_min3A_343 : vector<1024xf32> to vector<1024x1xf32>
        %reduce_min3A_345 = arith.constant dense<0x7F800000> : vector<512xf32>
        %reduce_min3A_346 = vector.multi_reduction <minimumf>, %add3A_342, %reduce_min3A_345 [0] : vector<1024x512xf32> to vector<512xf32>
        %broadcast_in_dim3A_347 = vector.shape_cast %reduce_min3A_346 : vector<512xf32> to vector<1x512xf32>
        %jit3A_348 = arith.constant 0.000000e+00 : f32
        %broadcast_in_dim3A_349 = vector.broadcast %jit3A_348 : f32 to vector<1x512xf32>
        %select_n3A_350 = arith.select %lt3A_325, %broadcast_in_dim3A_347, %broadcast_in_dim3A_349 : vector<1x512xi1>, vector<1x512xf32>
        %reduce_sum3A_351 = vector.shape_cast %select_n3A_350 : vector<1x512xf32> to vector<1x1x512xf32>
        %reduce_sum3A_352 = arith.constant dense<0.000000e+00> : vector<1xf32>
        %reduce_sum3A_353 = vector.multi_reduction <add>, %reduce_sum3A_351, %reduce_sum3A_352 [1, 2] : vector<1x1x512xf32> to vector<1xf32>
        %reduce_sum3A_354 = vector.shape_cast %reduce_sum3A_353 : vector<1xf32> to vector<1x1x1xf32>
        %reduce_sum3A_355 = vector.extract %reduce_sum3A_354[0, 0, 0] : f32 from vector<1x1x1xf32>
        %min3A_356 = arith.minimumf %while3A_310, %broadcast_in_dim3A_344 : vector<1024x1xf32>
        %add3A_357 = arith.addf %while3A_311, %reduce_sum3A_355 : f32
        scf.yield %min3A_356, %add3A_357 : vector<1024x1xf32>, f32
      }
      %while3A_283 = arith.constant 1 : i32
      %while3A_284:2 = scf.for %while3A_309 = %while3A_280 to %while3A_276 step %while3A_283 iter_args(%while3A_310 = %while3A_282#0, %while3A_311 = %while3A_282#1) -> (vector<1024x1xf32>, f32)  : i32 {
        %min3A = arith.constant 9 : i32
        %min3A_312 = arith.minsi %while3A_309, %min3A : i32
        %get3A_313 = arith.constant 0 : index
        %get3A_314 = arith.index_cast %min3A_312 : i32 to index
        %get3A_315 = arith.constant 0 : index
        %get3A_316 = arith.constant 0 : index
        %get3A_317 = vector.load %arg6[%get3A_313, %get3A_314, %get3A_315, %get3A_316] : memref<1x10x2x512xf32, #tpu.memory_space<vmem>>, vector<1x1x2x512xf32>
        %get3A_318 = vector.shape_cast %get3A_317 : vector<1x1x2x512xf32> to vector<2x512xf32>
        %iota3A_319 = tpu.iota {dimensions = array<i32: 1>} : vector<1x512xi32>
        %mul3A_320 = arith.constant 512 : i32
        %mul3A_321 = arith.muli %while3A_309, %mul3A_320 : i32
        %add3A_322 = vector.broadcast %mul3A_321 : i32 to vector<1x512xi32>
        %add3A_323 = arith.addi %iota3A_319, %add3A_322 : vector<1x512xi32>
        %lt3A_324 = vector.broadcast %get3A_4 : i32 to vector<1x512xi32>
        %lt3A_325 = arith.cmpi slt, %add3A_323, %lt3A_324 : vector<1x512xi32>
        %slice3A_326 = vector.extract_strided_slice %get3A_318 {offsets = [0, 0], sizes = [1, 512], strides = [1, 1]} : vector<2x512xf32> to vector<1x512xf32>
        %jit3A_327 = arith.constant -1.000000e+09 : f32
        %broadcast_in_dim3A_328 = vector.broadcast %jit3A_327 : f32 to vector<1x512xf32>
        %select_n3A_329 = arith.select %lt3A_325, %slice3A_326, %broadcast_in_dim3A_328 : vector<1x512xi1>, vector<1x512xf32>
        %slice3A_330 = vector.extract_strided_slice %get3A_318 {offsets = [1, 0], sizes = [1, 512], strides = [1, 1]} : vector<2x512xf32> to vector<1x512xf32>
        %jit3A_331 = arith.constant -1.000000e+09 : f32
        %broadcast_in_dim3A_332 = vector.broadcast %jit3A_331 : f32 to vector<1x512xf32>
        %select_n3A_333 = arith.select %lt3A_325, %slice3A_330, %broadcast_in_dim3A_332 : vector<1x512xi1>, vector<1x512xf32>
        %sub3A_334 = vector.broadcast %reshape3A : vector<1024x1xf32> to vector<1024x512xf32>
        %sub3A_335 = vector.broadcast %select_n3A_329 : vector<1x512xf32> to vector<1024x512xf32>
        %sub3A_336 = arith.subf %sub3A_334, %sub3A_335 : vector<1024x512xf32>
        %sub3A_337 = vector.broadcast %reshape3A_87 : vector<1024x1xf32> to vector<1024x512xf32>
        %sub3A_338 = vector.broadcast %select_n3A_333 : vector<1x512xf32> to vector<1024x512xf32>
        %sub3A_339 = arith.subf %sub3A_337, %sub3A_338 : vector<1024x512xf32>
        %mul3A_340 = arith.mulf %sub3A_336, %sub3A_336 : vector<1024x512xf32>
        %mul3A_341 = arith.mulf %sub3A_339, %sub3A_339 : vector<1024x512xf32>
        %add3A_342 = arith.addf %mul3A_340, %mul3A_341 : vector<1024x512xf32>
        %reduce_min3A = arith.constant dense<0x7F800000> : vector<1024xf32>
        %reduce_min3A_343 = vector.multi_reduction <minimumf>, %add3A_342, %reduce_min3A [1] : vector<1024x512xf32> to vector<1024xf32>
        %broadcast_in_dim3A_344 = vector.shape_cast %reduce_min3A_343 : vector<1024xf32> to vector<1024x1xf32>
        %reduce_min3A_345 = arith.constant dense<0x7F800000> : vector<512xf32>
        %reduce_min3A_346 = vector.multi_reduction <minimumf>, %add3A_342, %reduce_min3A_345 [0] : vector<1024x512xf32> to vector<512xf32>
        %broadcast_in_dim3A_347 = vector.shape_cast %reduce_min3A_346 : vector<512xf32> to vector<1x512xf32>
        %jit3A_348 = arith.constant 0.000000e+00 : f32
        %broadcast_in_dim3A_349 = vector.broadcast %jit3A_348 : f32 to vector<1x512xf32>
        %select_n3A_350 = arith.select %lt3A_325, %broadcast_in_dim3A_347, %broadcast_in_dim3A_349 : vector<1x512xi1>, vector<1x512xf32>
        %reduce_sum3A_351 = vector.shape_cast %select_n3A_350 : vector<1x512xf32> to vector<1x1x512xf32>
        %reduce_sum3A_352 = arith.constant dense<0.000000e+00> : vector<1xf32>
        %reduce_sum3A_353 = vector.multi_reduction <add>, %reduce_sum3A_351, %reduce_sum3A_352 [1, 2] : vector<1x1x512xf32> to vector<1xf32>
        %reduce_sum3A_354 = vector.shape_cast %reduce_sum3A_353 : vector<1xf32> to vector<1x1x1xf32>
        %reduce_sum3A_355 = vector.extract %reduce_sum3A_354[0, 0, 0] : f32 from vector<1x1x1xf32>
        %min3A_356 = arith.minimumf %while3A_310, %broadcast_in_dim3A_344 : vector<1024x1xf32>
        %add3A_357 = arith.addf %while3A_311, %reduce_sum3A_355 : f32
        scf.yield %min3A_356, %add3A_357 : vector<1024x1xf32>, f32
      }
      %iota3A_285 = tpu.iota {dimensions = array<i32: 0>} : vector<1024x1xi32>
      %lt3A_286 = vector.broadcast %get3A_1 : i32 to vector<1024x1xi32>
      %lt3A_287 = arith.cmpi slt, %iota3A_285, %lt3A_286 : vector<1024x1xi32>
      %jit3A_288 = arith.constant 0.000000e+00 : f32
      %broadcast_in_dim3A_289 = vector.broadcast %jit3A_288 : f32 to vector<1024x1xf32>
      %select_n3A_290 = arith.select %lt3A_287, %while3A_284#0, %broadcast_in_dim3A_289 : vector<1024x1xi1>, vector<1024x1xf32>
      %reduce_sum3A = vector.shape_cast %select_n3A_290 : vector<1024x1xf32> to vector<1x1024x1xf32>
      %reduce_sum3A_291 = arith.constant dense<0.000000e+00> : vector<1xf32>
      %reduce_sum3A_292 = vector.multi_reduction <add>, %reduce_sum3A, %reduce_sum3A_291 [1, 2] : vector<1x1024x1xf32> to vector<1xf32>
      %reduce_sum3A_293 = vector.shape_cast %reduce_sum3A_292 : vector<1xf32> to vector<1x1x1xf32>
      %reduce_sum3A_294 = vector.extract %reduce_sum3A_293[0, 0, 0] : f32 from vector<1x1x1xf32>
      %div3A_295 = arith.divf %reduce_sum3A_294, %convert_element_type3A : f32
      %div3A_296 = arith.divf %while3A_284#1, %convert_element_type3A_8 : f32
      %add3A_297 = arith.addf %div3A_295, %div3A_296 : f32
      %mul3A_298 = arith.constant 1.250000e-01 : f32
      %mul3A_299 = arith.mulf %add3A_297, %mul3A_298 : f32
      %eq3A = arith.constant 0 : i32
      %eq3A_300 = arith.cmpi eq, %arg1, %eq3A : i32
      %convert_element_type3A_301 = arith.extui %eq3A_300 : i1 to i32
      %cond3A_302 = arith.constant 0 : i32
      %cond3A_303 = arith.cmpi ne, %convert_element_type3A_301, %cond3A_302 : i32
      scf.if %cond3A_303 {
        %swap3A = arith.index_cast %arg0 : i32 to index
        %swap3A_309 = arith.constant 0 : index
        %swap3A_310 = memref.load %arg7[%swap3A, %swap3A_309] : memref<4x1xf32, #tpu.memory_space<smem>>
        memref.store %mul3A_299, %arg7[%swap3A, %swap3A_309] : memref<4x1xf32, #tpu.memory_space<smem>>
      } else {
      }
      %gt3A_304 = arith.constant 0 : i32
      %gt3A_305 = arith.cmpi sgt, %arg1, %gt3A_304 : i32
      %convert_element_type3A_306 = arith.extui %gt3A_305 : i1 to i32
      %cond3A_307 = arith.constant 0 : i32
      %cond3A_308 = arith.cmpi ne, %convert_element_type3A_306, %cond3A_307 : i32
      scf.if %cond3A_308 {
        %get3A_309 = arith.index_cast %arg0 : i32 to index
        %get3A_310 = arith.constant 0 : index
        %get3A_311 = memref.load %arg7[%get3A_309, %get3A_310] : memref<4x1xf32, #tpu.memory_space<smem>>
        %add3A_312 = arith.addf %get3A_311, %mul3A_299 : f32
        %swap3A = arith.index_cast %arg0 : i32 to index
        %swap3A_313 = arith.constant 0 : index
        %swap3A_314 = memref.load %arg7[%swap3A, %swap3A_313] : memref<4x1xf32, #tpu.memory_space<smem>>
        memref.store %add3A_312, %arg7[%swap3A, %swap3A_313] : memref<4x1xf32, #tpu.memory_space<smem>>
      } else {
      }
    } else {
    }
    return
  }
  func.func @transform_0(%arg0: i32, %arg1: i32) -> (i32, i32) {
    %c0_i32 = arith.constant 0 : i32
    %c0_i32_0 = arith.constant 0 : i32
    %c0_i32_1 = arith.constant 0 : i32
    return %c0_i32, %c0_i32_0 : i32, i32
  }
  func.func @transform_1(%arg0: i32, %arg1: i32) -> (i32, i32) {
    %c0_i32 = arith.constant 0 : i32
    %c0_i32_0 = arith.constant 0 : i32
    %c0_i32_1 = arith.constant 0 : i32
    return %c0_i32, %c0_i32_0 : i32, i32
  }
  func.func @transform_2(%arg0: i32, %arg1: i32) -> (i32, i32) {
    %c0_i32 = arith.constant 0 : i32
    %c0_i32_0 = arith.constant 0 : i32
    %c0_i32_1 = arith.constant 0 : i32
    return %c0_i32, %c0_i32_0 : i32, i32
  }
  func.func @transform_3(%arg0: i32, %arg1: i32) -> (i32, i32, i32) {
    %mul3A = arith.constant 8 : i32
    %mul3A_0 = arith.muli %arg0, %mul3A : i32
    %add3A = arith.addi %mul3A_0, %arg1 : i32
    %c0_i32 = arith.constant 0 : i32
    %c0_i32_1 = arith.constant 0 : i32
    %c0_i32_2 = arith.constant 0 : i32
    return %add3A, %c0_i32, %c0_i32_1 : i32, i32, i32
  }
  func.func @transform_4(%arg0: i32, %arg1: i32) -> (i32, i32, i32, i32) {
    %mul3A = arith.constant 8 : i32
    %mul3A_0 = arith.muli %arg0, %mul3A : i32
    %add3A = arith.addi %mul3A_0, %arg1 : i32
    %c0_i32 = arith.constant 0 : i32
    %c0_i32_1 = arith.constant 0 : i32
    %c0_i32_2 = arith.constant 0 : i32
    %c0_i32_3 = arith.constant 0 : i32
    return %add3A, %c0_i32, %c0_i32_1, %c0_i32_2 : i32, i32, i32, i32
  }
  func.func @transform_5(%arg0: i32, %arg1: i32) -> (i32, i32) {
    %c0_i32 = arith.constant 0 : i32
    %c0_i32_0 = arith.constant 0 : i32
    %c0_i32_1 = arith.constant 0 : i32
    return %c0_i32, %c0_i32_0 : i32, i32
  }
}

</mosaic_0001>

<sc_bundles>
// kernel: kernel.4.cloned.1.call-start
scs
__scs_entry_jumppad:
0x0: {  	(pc) =	sbr.rel $0x88, $3  }
0x1: {  	(tag) =	ssettag $0x0;
	lr =	simm.s32 $0x1  }
0x2: {  	[smem:$0x3F9B] =	sst lr;
	_ =	strace $0xD0000000  }
0x3: {  	_ = 	snop  }
0x4: {  	_ = 	snop  }
0x5: {  	_ = 	snop  }
0x6: {  	_ = 	snop  }
0x7: {  	_ = 	snop  }
__scs_overlays_trampoline_lowered:
0x8: {  	[smem:$0x3FAA] =	sst s0  }
0x9: {  	[smem:$0x3FAB] =	sst s1  }
0xa: {  	[smem:$0x3FAC] =	sst s2  }
0xb: {  	[smem:$0x3FAD] =	sst s3  }
0xc: {  	[smem:$0x3FAE] =	sst s4  }
0xd: {  	[smem:$0x3FAF] =	sst s5  }
0xe: {  	[smem:$0x3FB0] =	sst s6  }
0xf: {  	[smem:$0x3FB1] =	sst s7  }
0x10: {  	[smem:$0x3FB2] =	sst s8  }
0x11: {  	[smem:$0x3FB3] =	sst s9;
	s0 =	simm.s32 @!p0 $0x0  }
0x12: {  	s1 =	sld [smem:$0x3F99];
	s0 =	simm.s32 @p0 $0x1  }
0x13: {  	[smem:$0x3FB4] =	sst s0;
	s0 =	simm.s32 @!p1 $0x0  }
0x14: {  	s2 =	sld [smem:$0x3F98];
	s0 =	simm.s32 @p1 $0x1  }
0x15: {  	[smem:$0x3FB5] =	sst s0;
	s0 =	simm.s32 @!p2 $0x0  }
0x16: {  	s3 =	sld [smem:$0x3FDB];
	s0 =	simm.s32 @p2 $0x1  }
0x17: {  	s4 =	simm.s32 $0x1BF5;
	[smem:$0x3FB7] =	sst s0  }
0x18: {  	s0 =	sld [smem:$0x3F9A];
	_ =	swait.ge [sflag:s4], $0x0  }
0x19: {  	s7 =	sld [smem:$0x3F9B]  }
0x1a: {  	s8 =	sadd.s32 $0xFFFFE003, lr  }
0x1b: {  	s9 =	sadd.s32 $0xFFFFFEF7, lr;
	s5 =	simm.s32 $0xFFFFFFFF;
	p2 =	slt.u32 s8, $0xFFFFF086  }
0x1c: {  	p1 =	slt.u32 s9, $0xF7A;
	s5 =	simm.s32 @!p2 $0x0  }
0x1d: {  	s5 =	simm.s32 @p1 $0x1;
	p0 =	seq.s32 s7, s2  }
0x1e: {  	s7 =	smul.u32 @!p0 $0xF7A, s2;
	p2 =	seq.s32 @!p0 s5, $0x0  }
0x1f: {  	s9 =	smul.u32 $0xF7A, s1;
	s8 =	simm.s32 @!p0 $0x1BF5;
	p2 =	por !p2, p0  }
0x20: {  	[sflag:s8] =	ssyncset.s32 @!p0 $0xFFFFF086;
	s6 =	sadd.s32 @!p0 s3, s7;
	s7 =	simm.s32 @!p0 $0x108  }
0x21: {  	s3 =	sadd.s32 s3, s9;
	s6 =	sadd.s32 @!p0 $0x88, s6;
	s7 =	simm.s32 @p2 $0x1082  }
0x22: {  	[simem:s7], [sflag:s8] =	dma.local @!p0 [hbm:s6], $0xF7A  }
0x23: {  	s9 =	sor.u32 $0xD0000000, s2;
	s6 =	simm.s32 $0x108;
	_ =	swait.ge @!p0 [sflag:s8], $0x0  }
0x24: {  	s3 =	sadd.s32 $0x88, s3;
	s6 =	simm.s32 @!p1 $0x1082;
	[sflag:s4] =	ssyncset.s32 $0xFFFFF086  }
0x25: {  	[simem:s6], [sflag:s4] =	dma.local [hbm:s3], $0xF7A  }
0x26: {  	[smem:$0x3F9B] =	sst s1;
	(tag) =	ssettag s2;
	_ =	strace s9  }
0x27: {  	s1 =	sld [smem:$0x3FAB]  }
0x28: {  	s2 =	sld [smem:$0x3FAC]  }
0x29: {  	s4 =	sld [smem:$0x3FAE]  }
0x2a: {  	p0 =	seq.s32 s5, $0x0;
	s5 =	sld [smem:$0x3FAF]  }
0x2b: {  	s6 =	sld [smem:$0x3FB0]  }
0x2c: {  	s7 =	sld [smem:$0x3FB1]  }
0x2d: {  	s3 =	simm.s32 $0x108;
	s8 =	sld [smem:$0x3FB2]  }
0x2e: {  	s3 =	simm.s32 @!p0 $0x1082;
	s9 =	sld [smem:$0x3FB3]  }
0x2f: {  	lr =	sadd.s32 s0, s3;
	s0 =	sld [smem:$0x3FAA]  }
0x30: {  	s3 =	sld [smem:$0x3FAD]  }
0x31: {  	[smem:$0x3FB6] =	sst s10  }
0x32: {  	s10 =	sld [smem:$0x3FB4];
	_ =	sdelay $0x3  }
0x33: {  	p0 =	seq.s32 s10, $0x1;
	s10 =	sld [smem:$0x3FB6];
	_ =	sdelay $0x3  }
0x34: {  	[smem:$0x3FB6] =	sst s10  }
0x35: {  	s10 =	sld [smem:$0x3FB5];
	_ =	sdelay $0x3  }
0x36: {  	p1 =	seq.s32 s10, $0x1;
	s10 =	sld [smem:$0x3FB6];
	_ =	sdelay $0x3  }
0x37: {  	[smem:$0x3FB6] =	sst s10  }
0x38: {  	s10 =	sld [smem:$0x3FB7]  }
0x39: {  	_ = 	snop;
	(pc) =	sbr.ind lr, $3  }
0x3a: {  	_ = 	snop  }
0x3b: {  	_ = 	snop  }
0x3c: {  	p2 =	seq.s32 s10, $0x1;
	s10 =	sld [smem:$0x3FB6]  }
0x3d: {  	_ =	shalt  }
0x3e: {  	_ =	shalt  }
0x3f: {  	_ =	shalt  }
0x40: {  	_ =	shalt  }
0x41: {  	_ =	shalt  }
0x42: {  	_ =	shalt  }
0x43: {  	_ =	shalt  }
0x44: {  	_ =	shalt  }
0x45: {  	_ =	shalt  }
0x46: {  	_ =	shalt  }
0x47: {  	_ =	shalt  }
0x48: {  	_ =	shalt  }
0x49: {  	_ =	shalt  }
0x4a: {  	_ =	shalt  }
0x4b: {  	_ =	shalt  }
0x4c: {  	_ =	shalt  }
0x4d: {  	_ =	shalt  }
0x4e: {  	_ =	shalt  }
0x4f: {  	_ =	shalt  }
0x50: {  	_ =	shalt  }
0x51: {  	_ =	shalt  }
0x52: {  	_ =	shalt  }
0x53: {  	_ =	shalt  }
0x54: {  	_ =	shalt  }
0x55: {  	_ =	shalt  }
0x56: {  	_ =	shalt  }
0x57: {  	_ =	shalt  }
0x58: {  	_ =	shalt  }
0x59: {  	_ =	shalt  }
0x5a: {  	_ =	shalt  }
0x5b: {  	_ =	shalt  }
0x5c: {  	_ =	shalt  }
0x5d: {  	_ =	shalt  }
0x5e: {  	_ =	shalt  }
0x5f: {  	_ =	shalt  }
0x60: {  	_ =	shalt  }
0x61: {  	_ =	shalt  }
0x62: {  	_ =	shalt  }
0x63: {  	_ =	shalt  }
0x64: {  	_ =	shalt  }
0x65: {  	_ =	shalt  }
0x66: {  	_ =	shalt  }
0x67: {  	_ =	shalt  }
0x68: {  	_ =	shalt  }
0x69: {  	_ =	shalt  }
0x6a: {  	_ =	shalt  }
0x6b: {  	_ =	shalt  }
0x6c: {  	_ =	shalt  }
0x6d: {  	_ =	shalt  }
0x6e: {  	_ =	shalt  }
0x6f: {  	_ =	shalt  }
0x70: {  	_ =	shalt  }
0x71: {  	_ =	shalt  }
0x72: {  	_ =	shalt  }
0x73: {  	_ =	shalt  }
0x74: {  	_ =	shalt  }
0x75: {  	_ =	shalt  }
0x76: {  	_ =	shalt  }
0x77: {  	_ =	shalt  }
0x78: {  	_ =	shalt  }
0x79: {  	_ =	shalt  }
0x7a: {  	_ =	shalt  }
0x7b: {  	_ =	shalt  }
0x7c: {  	_ =	shalt  }
0x7d: {  	_ =	shalt  }
0x7e: {  	_ =	shalt  }
0x7f: {  	_ =	shalt  }
0x80: {  	_ =	shalt  }
0x81: {  	_ =	shalt  }
0x82: {  	_ =	shalt  }
0x83: {  	_ =	shalt  }
0x84: {  	_ =	shalt  }
0x85: {  	_ =	shalt  }
0x86: {  	_ =	shalt  }
0x87: {  	_ =	shalt  }
.Lfunc_end0:
.L_simem_size_0:
called_computation_lowered:
.L_overlay_start_0:
0x88: {  	s2 =	sld [smem:$0x3FD9]  }
0x89: {  	s3 =	sld [smem:$0x3FFE];
	_ =	sdelay $0x1  }
0x8a: {  	s1 =	srdreg.scid  }
0x8b: {  	s0 =	sand.u32 $0x1, s1  }
0x8c: {  	s16 =	sshll.u32 s0, $0xA;
	s2 =	sadd.s32 s3, s2  }
0x8d: {  	s2 =	sadd.s32 s2, s16  }
0x8e: {  	[smem:$0x3FC2] =	sst s2  }
0x8f: {  	_ = 	snop  }
0x90: {  	(tm) =	ssettm $0x1  }
0x91: {  	s17 =	sld [smem:$0x3FFB];
	_ =	sdelay $0x3  }
0x92: {  	_ =	strace s17  }
0x93: {  	s2 =	sld [smem:$0x3FFC];
	_ =	sdelay $0x3  }
0x94: {  	_ =	strace s2  }
0x95: {  	s2 =	sld [smem:$0x3FFD];
	_ =	sdelay $0x3  }
0x96: {  	_ =	strace s2  }
0x97: {  	_ =	strace $0x8FFFFFFF  }
0x98: {  	s18 =	sld [smem:$0x3FDB];
	_ =	sdelay $0x1  }
0x99: {  	s19 =	simm.s32 $_scs_section_size  }
0x9a: {  	s4 =	simm.s32 $_size__tile_overlayer_lowered;
	s5 =	simm.s32 $_tile_overlayer_lowered  }
0x9b: {  	s22 =	simm.s32 $0x1BFF;
	s21 =	sshll.u32 s5, $0x1;
	s2 =	sadd.s32 s19, s18  }
0x9c: {  	s6 =	simm.s32 $0x0;
	s20 =	sshll.u32 s4, $0x1;
	s4 =	sadd.s32 s21, s2  }
0x9d: {  	[timem:s6], [sflag:s22] =	dma.local [hbm:s4], s20  }
0x9e: {  	_ =	swait.ge [sflag:s22], s20  }
0x9f: {  	s3 =	ssub.s32 $0x0, s20;
	[sflag:s22] =	ssyncset.done $0x0  }
0xa0: {  	[sflag:s22] =	ssyncadd.s32 s3;
	_ =	sdelay $0x1  }
0xa1: {  	s23 =	simm.s32 $0x1B8B  }
0xa2: {  	_ =	swait.ge [sflag:s23], $0x1  }
0xa3: {  	[sflag:s23] =	ssyncset.done $0x0  }
0xa4: {  	s25 =	simm.s32 $0x1B8E;
	s24 =	sld [smem:$0x3FFE];
	[sflag:s23] =	ssyncadd.s32 $0xFFFFFFFF  }
0xa5: {  	s26 =	simm.s32 $execute0_lowered;
	[smem:$0x3FD2] =	sst s25  }
0xa6: {  	s4 =	sshll.u32 s26, $0x1;
	_ =	strace $0x80000046;
	[dreg:$0x1] =	wrdreg $0xFFFFFFFF  }
0xa7: {  	s28 =	simm.s32 $_size_execute0_lowered;
	s2 =	sadd.s32 s2, s4;
	[dreg:$0x0] =	wrdreg $0x0  }
0xa8: {  	s4 =	sshll.u32 s28, $0x1;
	[dreg:$0x2] =	wrdreg s2  }
0xa9: {  	[dreg:$0x3] =	wrdreg s4  }
0xaa: {  	[dreg:$0x4] =	wrdreg $0xC0  }
0xab: {  	_ =	task [dreg:s6], $0x5FFFF  }
0xac: {  	[dreg:$0x1] =	wrdreg $0xFFFFFFFF  }
0xad: {  	[dreg:$0x0] =	wrdreg $0x60  }
0xae: {  	[dreg:$0x2] =	wrdreg s24  }
0xaf: {  	[dreg:$0x3] =	wrdreg $0x9  }
0xb0: {  	_ =	task.clear_ibuf [dreg:s6], $0x4FFFF;
	_ =	strace $0x90000046  }
0xb1: {  	s29 =	simm.s32 $0x9;
	_ =	strace $0x80000048  }
0xb2: {  	_ =	swait.ge [sflag:s29], $0x1  }
0xb3: {  	[sflag:s29] =	ssyncadd.s32 $0xFFFFFFFF  }
0xb4: {  	_ =	strace $0x90000048  }
0xb5: {  	_ =	sfence  }
0xb6: {  	s30 =	sld [smem:$0x0];
	_ =	sdelay $0x2  }
0xb7: {  	s31 =	sshll.u32 s1, $0xD;
	s1 =	sshrl.u32 s1, $0x2  }
0xb8: {  	s3 =	sand.u32 $0x4000, s31;
	s1 =	sadd.s32 s1, s30  }
0xb9: {  	s0 =	sor.u32 s3, s0;
	s1 =	sshll.u32 s1, $0x11  }
0xba: {  	s0 =	sor.u32 s1, s0  }
0xbb: {  	s0 =	sadd.s32 $0x8F2B, s0  }
0xbc: {  	[sflag:s0] =	ssyncadd.remote.s32 $0x1  }
0xbd: {  	_ =	sfence.sel $0xFFFF  }
0xbe: {  	[dreg:$0x0] =	wrdreg $0xFFFFFFFF;
	(pc) =	sbr.abs _section_cstart, $3  }
0xbf: {  	[dreg:$0x1] =	wrdreg $0xFFFFFFFF  }
0xc0: {  	_ =	task.clear_ibuf [dreg:s6], $0x2FFFF;
	_ =	strace $0x9FFFFFFF  }
0xc1: {  	(tm) =	ssettm $0x7FFFFFFF  }
tec
execute0_lowered:
.L_overlay_start_1:
0x0: {  	(tag) =	ssettag $0x1  }
0x1: {  	s1 =	srdreg.scid  }
0x2: {  	s0 =	stileid.u32;
	s6 =	sand.u32 $0x1, s1  }
0x3: {  	s8 =	rddreg [dreg:$0x0];
	s30 =	sshll.u32 s0, $0xB;
	s2 =	sshll.u32 s6, $0xA  }
0x4: {  	s7 =	simm.s32 $0x1;
	s1 =	rddreg [dreg:$0x1];
	s9 =	sor.u32 s2, s30  }
0x5: {  	s5 =	sadd.s32 $0xA00, s8;
	s2 =	simm.s32 $0x0;
	s3 =	sshrl.u32 s9, $0x3  }
0x6: {  	s10 =	ssub.s32 $0x2, s6;
	[smem:$0x7FF] =	sst s2;
	s3 =	sadd.s32 s3, s8  }
0x7: {  	_ =	strace $0x80000047;
	s4 =	sadd.s32 $0x14400, s3;
	s3 =	simm.s32 $0x2  }
0x8: {  	[tilespmem:s2], [sflag:$0x2] =	stream.linear.gather [hbm4b:s4+s2], $0x400, $0x38;
	[tilespmem:$0x4400] =	vst v63  }
0x9: {  	s6 =	simm.s32 $0x400;
	s11 =	sshrl.u32 s10, $0x1;
	_ =	swait.ge [sflag:s3], $0x400  }
0xa: {  	s9 =	sshll.u32 s9, $0x1;
	s31 =	ssub.s32 s10, s11;
	[sflag:s3] =	ssyncset.done $0x0  }
0xb: {  	s8 =	sadd.s32 s9, s8;
	s9 =	smax.u32 s31, $0x1;
	[sflag:s3] =	ssyncadd.s32 $0xFFFFFC00  }
0xc: {  	[tilespmem:s6], [sflag:$0x1] =	stream.indirect.gather [hbm4b:s5+s6], $0x10, s2, s6, $0xb8;
	[tilespmem:$0x4400] =	vst v63  }
0xd: {  	p0 =	sne.s32 s9, $0x1;
	_ =	swait.ge [sflag:s7], $0x4000  }
.Ltmp0:
0xe: {  	[sflag:s7] =	ssyncset.done $0x0;
	(pc) =	sbr.rel @!p0 .LBB2_2-.Ltmp0, $4  }
0xf: {  	s8 =	sadd.s32 $0x15400, s8;
	[sflag:s7] =	ssyncadd.s32 $0xFFFFC000  }
0x10: {  	[hbm4b:s8+s2] =	stream.linear.scatter [tilespmem:s6], [sflag:$0x2], $0x4000, $0x38;
	[tilespmem:$0x4400] =	vst v63  }
0x11: {  	_ =	swait.ge [sflag:s3], $0x4000  }
0x12: {  	s9 =	sadd.s32 $0xFFFFFFFF, s9;
	[sflag:s3] =	ssyncset.done $0x0  }
.LBB2_1:
0x13: {  	p0 =	sne.s32 s9, $0x1;
	s9 =	sadd.s32 $0xFFFFFFFF, s9;
	[sflag:s3] =	ssyncadd.s32 $0xFFFFC000  }
0x14: {  	[tilespmem:s2], [sflag:$0x2] =	stream.linear.gather [hbm4b:s4+s2], $0x400, $0x38;
	[tilespmem:$0x4400] =	vst v63  }
0x15: {  	_ =	swait.ge [sflag:s3], $0x400  }
0x16: {  	[sflag:s3] =	ssyncset.done $0x0  }
0x17: {  	[sflag:s3] =	ssyncadd.s32 $0xFFFFFC00  }
0x18: {  	[tilespmem:s6], [sflag:$0x1] =	stream.indirect.gather [hbm4b:s5+s6], $0x10, s2, s6, $0xb8;
	[tilespmem:$0x4400] =	vst v63  }
0x19: {  	_ =	swait.ge [sflag:s7], $0x4000  }
.Ltmp1:
0x1a: {  	[sflag:s7] =	ssyncset.done $0x0;
	(pc) =	sbr.rel @p0 .LBB2_1-.Ltmp1, $4  }
0x1b: {  	[sflag:s7] =	ssyncadd.s32 $0xFFFFC000  }
0x1c: {  	[hbm4b:s8+s2] =	stream.linear.scatter [tilespmem:s6], [sflag:$0x2], $0x4000, $0x38;
	[tilespmem:$0x4400] =	vst v63  }
0x1d: {  	_ =	swait.ge [sflag:s3], $0x4000  }
0x1e: {  	[sflag:s3] =	ssyncset.done $0x0  }
.LBB2_2:
0x1f: {  	[sflag:s3] =	ssyncadd.s32 $0xFFFFC000  }
0x20: {  	_ =	sfence.sel $0x180000  }
0x21: {  	[bflag:$0x0] =	sbarrier.arrive $0xFFFF  }
0x22: {  	p0 =	sne.s32 s0, $0x0;
	_ =	strace $0x90000047  }
0x23: {  	s0 =	sadd.s32 @!p0 $0x100000, s1;
	[bflag:$0x2] =	sbarrier.arrive $0xFFFF  }
0x24: {  	[sflag:s0] =	ssyncadd.tile.s32 @!p0 $0x1;
	_ =	shalt  }
.Lfunc_end2:
_tile_overlayer_lowered:
.L_overlay_start_2:
0x25: {  	(tag) =	ssettag $0x2  }
0x26: {  	s0 =	rddreg [dreg:$0x0];
	s2 =	stileid.u32  }
0x27: {  	s1 =	rddreg [dreg:$0x1];
	p0 =	sne.s32 s2, $0x0  }
0x28: {  	s3 =	rddreg [dreg:$0x2];
	[bflag:$0x3] =	sbarrier.arrive $0xFFFF;
	s2 =	simm.s32 @!p0 $0x1C02  }
0x29: {  	[timem:s3], [sflag:s2] =	dma.local @!p0 [hbm:s0], s1  }
0x2a: {  	s0 =	simm.s32 @!p0 $0x2  }
0x2b: {  	_ =	swait.ge @!p0 [sflag:s0], s1  }
0x2c: {  	s1 =	ssub.s32 @!p0 $0x0, s1;
	[sflag:s0] =	ssyncset.done @!p0 $0x0  }
0x2d: {  	[sflag:s0] =	ssyncadd.s32 @!p0 s1  }
0x2e: {  	[bflag:$0x3] =	sbarrier.arrive $0xFFFF  }
0x2f: {  	_ =	shalt  }

</sc_bundles>
